<compile_context>
chip_gen: v7x
topology: tpu7x:2x2x1
jax: 0.10.2.dev20260603
libtpu: 0.0.44.dev20260713+nightly
codegen_flags: <defaults>
</compile_context>

<pallas_src>
import jax
import jax.numpy as jnp
from jax import lax
from jax.experimental import pallas as pl
from jax.experimental.pallas import tpu as pltpu
from jax.experimental.pallas import tpu_sc as plsc

HIDDEN = 64
MAX_LEN = 200
BATCH = 4096
LANES = 16
NUM_CORES = 2
NUM_SUBCORES = 16
NUM_WORKERS = NUM_CORES * NUM_SUBCORES
BLK = BATCH // NUM_WORKERS
NBUF = 5
DEPTH = 3
TPITCH = BLK + 1


def _body(xt_hbm, tok_hbm, pos_hbm, out_hbm, idx_v, pos_v, *rest):
    gbuf = rest[0:NBUF]
    tbuf = rest[NBUF:2 * NBUF]
    gsem = rest[2 * NBUF:3 * NBUF]
    wsem = rest[3 * NBUF:4 * NBUF]

    wid = lax.axis_index("s") * NUM_CORES + lax.axis_index("c")
    col0 = wid * BLK

    pltpu.sync_copy(xt_hbm.at[:, pl.ds(col0, BLK)], idx_v)
    pltpu.sync_copy(pos_hbm, pos_v)

    iota = lax.iota(jnp.int32, LANES)
    h8_ids = jnp.bitwise_and(iota, 7)

    def issue_gather(l, k):
        pltpu.async_copy(tok_hbm.at[idx_v.at[l]], gbuf[k], gsem[k])

    for l in range(DEPTH):
        issue_gather(l, l % NBUF)

    @pl.loop(0, MAX_LEN, step=NBUF)
    def _slots(o):
        for k in range(NBUF):
            l = o + k

            @pl.when(l >= NBUF)
            def _w(_k=k):
                pltpu.make_async_copy(
                    tbuf[_k].at[:, :, pl.ds(0, BLK)],
                    out_hbm.at[0, :, 0], wsem[_k]).wait()

            pltpu.make_async_copy(
                tok_hbm.at[pl.ds(0, BLK)], gbuf[k], gsem[k]).wait()

            @pl.when(l + DEPTH < MAX_LEN)
            def _g(_l=l, _kj=(k + DEPTH) % NBUF):
                issue_gather(_l + DEPTH, _kj)

            prow = [pos_v[l, pl.ds(LANES * j, LANES)]
                    for j in range(HIDDEN // LANES)]
            hh_ids = [jnp.right_shift(iota + LANES * j, 3)
                      for j in range(HIDDEN // LANES)]

            @plsc.parallel_loop(0, BLK, unroll=16)
            def _row(i, _k=k, _prow=prow, _hh=hh_ids):
                col = jnp.full((LANES,), i, jnp.int32)
                for j in range(HIDDEN // LANES):
                    vals = gbuf[_k][i, pl.ds(LANES * j, LANES)] + _prow[j]
                    plsc.store_scatter(
                        tbuf[_k], [_hh[j], h8_ids, col], vals)

            pltpu.async_copy(tbuf[k].at[:, :, pl.ds(0, BLK)],
                             out_hbm.at[l, :, wid], wsem[k])

    for k in range(NBUF):
        pltpu.make_async_copy(tbuf[k].at[:, :, pl.ds(0, BLK)],
                              out_hbm.at[0, :, 0], wsem[k]).wait()


def kernel(x, token_table, pos_table):
    mesh = plsc.VectorSubcoreMesh(
        core_axis_name="c", subcore_axis_name="s",
        num_cores=NUM_CORES, num_subcores=NUM_SUBCORES)
    scratch = (
        [pltpu.VMEM((MAX_LEN, BLK), jnp.int32)]
        + [pltpu.VMEM((MAX_LEN, HIDDEN), jnp.float32)]
        + [pltpu.VMEM((BLK, HIDDEN), jnp.float32)] * NBUF
        + [pltpu.VMEM((8, 8, TPITCH), jnp.float32)] * NBUF
        + [pltpu.SemaphoreType.DMA] * (2 * NBUF)
    )
    f = pl.kernel(
        _body,
        out_type=jax.ShapeDtypeStruct(
            (MAX_LEN, HIDDEN // 8, NUM_WORKERS, 8, BLK), jnp.float32),
        mesh=mesh,
        compiler_params=pltpu.CompilerParams(
            use_tc_tiling_on_sc=False, needs_layout_passes=False),
        scratch_types=scratch,
    )
    xt = x.astype(jnp.int32).T
    o5 = f(xt, token_table, pos_table)
    return o5.transpose(2, 4, 0, 1, 3).reshape(BATCH, MAX_LEN, HIDDEN)

# --- scband reference (transcript-rebuilt; emitter-appended) ---
"""Pipeline reference for scband-token-position-embedd-49074296324834 (READ-ONLY COPY).

The authoritative reference and input builder live on the scoring server;
editing this copy changes nothing except your own understanding.
"""

import jax, jax.numpy as jnp
import numpy as np

HIDDEN_SIZE = 64
TOKEN_SIZE = 100000
MAX_LEN = 200
BATCH = 4096


def setup_inputs(seed: int = 0) -> dict:
    key = jax.random.key(seed)
    k1, k2, k3 = jax.random.split(key, 3)
    x = jax.random.randint(k1, (BATCH, MAX_LEN), 0, TOKEN_SIZE, dtype=jnp.int64 if jax.config.jax_enable_x64 else jnp.int32)
    token_table = jax.random.normal(k2, (TOKEN_SIZE, HIDDEN_SIZE), dtype=jnp.float32) * 0.02
    pos_table = jax.random.normal(k3, (MAX_LEN, HIDDEN_SIZE), dtype=jnp.float32) * 0.02
    return {"x": x, "token_table": token_table, "pos_table": pos_table}


def reference(x, token_table, pos_table):
    # token embedding lookup: [B, L, H]
    x_embedd = jnp.take(token_table, x, axis=0)
    # position embedding: positions are 0..max_len-1 for every row in the batch
    positions = jnp.arange(MAX_LEN)
    positions_embedd = jnp.take(pos_table, positions, axis=0)  # [L, H]
    positions_embedd = jnp.broadcast_to(positions_embedd[None, :, :], x_embedd.shape)
    return x_embedd + positions_embedd

if __name__ == "__main__":
    import jax
    _d = setup_inputs()
    print(jax.jit(kernel)(*tuple(_d.values())))

</pallas_src>

<mosaic_0001>
#map = affine_map<(d0, d1) -> (0, 0)>
#map1 = affine_map<(d0, d1) -> (0, 0, 0, 0, 0)>
module attributes {stable_mosaic.version = 14 : i64} {
  func.func @_body(%arg0: i32, %arg1: i32, %arg2: memref<200x4096xi32, #tpu.memory_space<hbm>>, %arg3: memref<100000x64xf32, #tpu.memory_space<hbm>>, %arg4: memref<200x64xf32, #tpu.memory_space<hbm>>, %arg5: memref<200x8x32x8x128xf32, #tpu.memory_space<hbm>>, %arg6: memref<200x128xi32, #tpu.memory_space<vmem>>, %arg7: memref<200x64xf32, #tpu.memory_space<vmem>>, %arg8: memref<128x64xf32, #tpu.memory_space<vmem>>, %arg9: memref<128x64xf32, #tpu.memory_space<vmem>>, %arg10: memref<128x64xf32, #tpu.memory_space<vmem>>, %arg11: memref<128x64xf32, #tpu.memory_space<vmem>>, %arg12: memref<128x64xf32, #tpu.memory_space<vmem>>, %arg13: memref<8x8x129xf32, #tpu.memory_space<vmem>>, %arg14: memref<8x8x129xf32, #tpu.memory_space<vmem>>, %arg15: memref<8x8x129xf32, #tpu.memory_space<vmem>>, %arg16: memref<8x8x129xf32, #tpu.memory_space<vmem>>, %arg17: memref<8x8x129xf32, #tpu.memory_space<vmem>>, %arg18: memref<!tpu.dma_semaphore, #tpu.memory_space<semaphore_mem>>, %arg19: memref<!tpu.dma_semaphore, #tpu.memory_space<semaphore_mem>>, %arg20: memref<!tpu.dma_semaphore, #tpu.memory_space<semaphore_mem>>, %arg21: memref<!tpu.dma_semaphore, #tpu.memory_space<semaphore_mem>>, %arg22: memref<!tpu.dma_semaphore, #tpu.memory_space<semaphore_mem>>, %arg23: memref<!tpu.dma_semaphore, #tpu.memory_space<semaphore_mem>>, %arg24: memref<!tpu.dma_semaphore, #tpu.memory_space<semaphore_mem>>, %arg25: memref<!tpu.dma_semaphore, #tpu.memory_space<semaphore_mem>>, %arg26: memref<!tpu.dma_semaphore, #tpu.memory_space<semaphore_mem>>, %arg27: memref<!tpu.dma_semaphore, #tpu.memory_space<semaphore_mem>>) attributes {dimension_semantics = [#tpu.dimension_semantics<core_parallel>, #tpu.dimension_semantics<subcore_parallel>], iteration_bounds = array<i64: 2, 16>, scalar_prefetch = 0 : i64, scratch_operands = 22 : i64, tpu.core_type = #tpu.core_type<sc_vector_subcore>, window_params = [{transform_indices = #map}, {transform_indices = #map}, {transform_indices = #map}, {transform_indices = #map1}]} {
    %mul3A = arith.constant 2 : i32
    %mul3A_0 = arith.muli %arg1, %mul3A : i32
    %add3A = arith.addi %mul3A_0, %arg0 : i32
    %mul3A_1 = arith.constant 128 : i32
    %mul3A_2 = arith.muli %add3A, %mul3A_1 : i32
    "tpu.region"() ({
      %run_scoped3A = tpu.sem_alloc : memref<!tpu.dma_semaphore, #tpu.memory_space<semaphore_mem>>
      %dma_start3A_128 = arith.constant 0 : i32
      %dma_start3A_129 = tpu.memref_slice %arg2[%dma_start3A_128, %mul3A_2] : memref<200x4096xi32, #tpu.memory_space<hbm>> -> memref<200x128xi32, #tpu.memory_space<hbm>>
      %dma_start3A_130 = arith.constant 0 : i32
      %dma_start3A_131 = tpu.memref_slice %arg2[%dma_start3A_130, %mul3A_2] : memref<200x4096xi32, #tpu.memory_space<hbm>> -> memref<200x128xi32, #tpu.memory_space<hbm>>
      tpu.enqueue_dma source(%dma_start3A_131 : memref<200x128xi32, #tpu.memory_space<hbm>>) target(%arg6 : memref<200x128xi32, #tpu.memory_space<vmem>>) target_semaphore(%run_scoped3A : memref<!tpu.dma_semaphore, #tpu.memory_space<semaphore_mem>>)
      %dma_wait3A_132 = arith.constant 0 : i32
      %dma_wait3A_133 = tpu.memref_slice %arg2[%dma_wait3A_132, %mul3A_2] : memref<200x4096xi32, #tpu.memory_space<hbm>> -> memref<200x128xi32, #tpu.memory_space<hbm>>
      %dma_wait3A_134 = arith.constant 0 : i32
      %dma_wait3A_135 = tpu.memref_slice %arg2[%dma_wait3A_134, %mul3A_2] : memref<200x4096xi32, #tpu.memory_space<hbm>> -> memref<200x128xi32, #tpu.memory_space<hbm>>
      tpu.wait_dma2 semaphore(%run_scoped3A : memref<!tpu.dma_semaphore, #tpu.memory_space<semaphore_mem>>) src(%dma_wait3A_135 : memref<200x128xi32, #tpu.memory_space<hbm>>) dst(%arg6 : memref<200x128xi32, #tpu.memory_space<vmem>>)
      tpu.yield
    }) : () -> ()
    "tpu.region"() ({
      %run_scoped3A = tpu.sem_alloc : memref<!tpu.dma_semaphore, #tpu.memory_space<semaphore_mem>>
      tpu.enqueue_dma source(%arg4 : memref<200x64xf32, #tpu.memory_space<hbm>>) target(%arg7 : memref<200x64xf32, #tpu.memory_space<vmem>>) target_semaphore(%run_scoped3A : memref<!tpu.dma_semaphore, #tpu.memory_space<semaphore_mem>>)
      tpu.wait_dma2 semaphore(%run_scoped3A : memref<!tpu.dma_semaphore, #tpu.memory_space<semaphore_mem>>) src(%arg4 : memref<200x64xf32, #tpu.memory_space<hbm>>) dst(%arg7 : memref<200x64xf32, #tpu.memory_space<vmem>>)
      tpu.yield
    }) : () -> ()
    %iota3A = tpu.iota {dimensions = array<i32: 0>} : vector<16xi32>
    %and3A = arith.constant 7 : i32
    %and3A_3 = vector.broadcast %and3A : i32 to vector<16xi32>
    %and3A_4 = arith.andi %iota3A, %and3A_3 : vector<16xi32>
    %dma_start3A = arith.constant 0 : i32
    %dma_start3A_5 = arith.constant 0 : i32
    %dma_start3A_6 = tpu.memref_slice %arg6[%dma_start3A, %dma_start3A_5] : memref<200x128xi32, #tpu.memory_space<vmem>> -> memref<1x128xi32, #tpu.memory_space<vmem>>
    %dma_start3A_7 = tpu.memref_squeeze %dma_start3A_6 : memref<1x128xi32, #tpu.memory_space<vmem>> -> memref<128xi32, #tpu.memory_space<vmem>>
    %dma_start3A_8 = arith.constant 0 : i32
    %dma_start3A_9 = arith.constant 0 : i32
    %dma_start3A_10 = tpu.memref_slice %arg3[%dma_start3A_8, %dma_start3A_9] : memref<100000x64xf32, #tpu.memory_space<hbm>> -> memref<100000x64xf32, #tpu.memory_space<hbm>>
    tpu.enqueue_indirect_dma source(%dma_start3A_10 : memref<100000x64xf32, #tpu.memory_space<hbm>>) target(%arg8 : memref<128x64xf32, #tpu.memory_space<vmem>>) offsets(%dma_start3A_7 : memref<128xi32, #tpu.memory_space<vmem>>) semaphore(%arg18 : memref<!tpu.dma_semaphore, #tpu.memory_space<semaphore_mem>>)
    %dma_start3A_11 = arith.constant 1 : i32
    %dma_start3A_12 = arith.constant 0 : i32
    %dma_start3A_13 = tpu.memref_slice %arg6[%dma_start3A_11, %dma_start3A_12] : memref<200x128xi32, #tpu.memory_space<vmem>> -> memref<1x128xi32, #tpu.memory_space<vmem>>
    %dma_start3A_14 = tpu.memref_squeeze %dma_start3A_13 : memref<1x128xi32, #tpu.memory_space<vmem>> -> memref<128xi32, #tpu.memory_space<vmem>>
    %dma_start3A_15 = arith.constant 0 : i32
    %dma_start3A_16 = arith.constant 0 : i32
    %dma_start3A_17 = tpu.memref_slice %arg3[%dma_start3A_15, %dma_start3A_16] : memref<100000x64xf32, #tpu.memory_space<hbm>> -> memref<100000x64xf32, #tpu.memory_space<hbm>>
    tpu.enqueue_indirect_dma source(%dma_start3A_17 : memref<100000x64xf32, #tpu.memory_space<hbm>>) target(%arg9 : memref<128x64xf32, #tpu.memory_space<vmem>>) offsets(%dma_start3A_14 : memref<128xi32, #tpu.memory_space<vmem>>) semaphore(%arg19 : memref<!tpu.dma_semaphore, #tpu.memory_space<semaphore_mem>>)
    %dma_start3A_18 = arith.constant 2 : i32
    %dma_start3A_19 = arith.constant 0 : i32
    %dma_start3A_20 = tpu.memref_slice %arg6[%dma_start3A_18, %dma_start3A_19] : memref<200x128xi32, #tpu.memory_space<vmem>> -> memref<1x128xi32, #tpu.memory_space<vmem>>
    %dma_start3A_21 = tpu.memref_squeeze %dma_start3A_20 : memref<1x128xi32, #tpu.memory_space<vmem>> -> memref<128xi32, #tpu.memory_space<vmem>>
    %dma_start3A_22 = arith.constant 0 : i32
    %dma_start3A_23 = arith.constant 0 : i32
    %dma_start3A_24 = tpu.memref_slice %arg3[%dma_start3A_22, %dma_start3A_23] : memref<100000x64xf32, #tpu.memory_space<hbm>> -> memref<100000x64xf32, #tpu.memory_space<hbm>>
    tpu.enqueue_indirect_dma source(%dma_start3A_24 : memref<100000x64xf32, #tpu.memory_space<hbm>>) target(%arg10 : memref<128x64xf32, #tpu.memory_space<vmem>>) offsets(%dma_start3A_21 : memref<128xi32, #tpu.memory_space<vmem>>) semaphore(%arg20 : memref<!tpu.dma_semaphore, #tpu.memory_space<semaphore_mem>>)
    %scan3A = arith.constant 0 : i32
    %scan3A_25 = arith.constant 40 : i32
    %scan3A_26 = arith.addi %scan3A, %scan3A_25 : i32
    %scan3A_27 = arith.constant 1 : i32
    scf.for %scan3A_128 = %scan3A to %scan3A_26 step %scan3A_27  : i32 {
      %mul3A_129 = arith.constant 5 : i32
      %mul3A_130 = arith.muli %scan3A_128, %mul3A_129 : i32
      %add3A_131 = arith.constant 0 : i32
      %add3A_132 = arith.addi %add3A_131, %mul3A_130 : i32
      %add3A_133 = arith.constant 0 : i32
      %add3A_134 = arith.addi %add3A_132, %add3A_133 : i32
      %ge3A = arith.constant 5 : i32
      %ge3A_135 = arith.cmpi sge, %add3A_134, %ge3A : i32
      %convert_element_type3A = arith.extui %ge3A_135 : i1 to i32
      %cond3A = arith.constant 0 : i32
      %cond3A_136 = arith.cmpi ne, %convert_element_type3A, %cond3A : i32
      scf.if %cond3A_136 {
        %dma_wait3A_511 = arith.constant 0 : i32
        %dma_wait3A_512 = arith.constant 0 : i32
        %dma_wait3A_513 = arith.constant 0 : i32
        %dma_wait3A_514 = arith.constant 0 : i32
        %dma_wait3A_515 = arith.constant 0 : i32
        %dma_wait3A_516 = tpu.memref_slice %arg13[%dma_wait3A_513, %dma_wait3A_514, %dma_wait3A_515] : memref<8x8x129xf32, #tpu.memory_space<vmem>> -> memref<8x8x128xf32, #tpu.memory_space<vmem>>
        %dma_wait3A_517 = arith.constant 0 : i32
        %dma_wait3A_518 = arith.constant 0 : i32
        %dma_wait3A_519 = arith.constant 0 : i32
        %dma_wait3A_520 = tpu.memref_slice %arg5[%dma_wait3A_511, %dma_wait3A_517, %dma_wait3A_512, %dma_wait3A_518, %dma_wait3A_519] : memref<200x8x32x8x128xf32, #tpu.memory_space<hbm>> -> memref<1x8x1x8x128xf32, #tpu.memory_space<hbm>>
        %dma_wait3A_521 = tpu.memref_squeeze %dma_wait3A_520 : memref<1x8x1x8x128xf32, #tpu.memory_space<hbm>> -> memref<8x8x128xf32, #tpu.memory_space<hbm>>
        %dma_wait3A_522 = arith.constant 0 : i32
        %dma_wait3A_523 = arith.constant 0 : i32
        %dma_wait3A_524 = arith.constant 0 : i32
        %dma_wait3A_525 = tpu.memref_slice %arg5[%dma_wait3A_511, %dma_wait3A_522, %dma_wait3A_512, %dma_wait3A_523, %dma_wait3A_524] : memref<200x8x32x8x128xf32, #tpu.memory_space<hbm>> -> memref<1x8x1x8x128xf32, #tpu.memory_space<hbm>>
        %dma_wait3A_526 = tpu.memref_squeeze %dma_wait3A_525 : memref<1x8x1x8x128xf32, #tpu.memory_space<hbm>> -> memref<8x8x128xf32, #tpu.memory_space<hbm>>
        %dma_wait3A_527 = arith.constant 0 : i32
        %dma_wait3A_528 = arith.constant 0 : i32
        %dma_wait3A_529 = arith.constant 0 : i32
        %dma_wait3A_530 = tpu.memref_slice %arg13[%dma_wait3A_527, %dma_wait3A_528, %dma_wait3A_529] : memref<8x8x129xf32, #tpu.memory_space<vmem>> -> memref<8x8x128xf32, #tpu.memory_space<vmem>>
        tpu.wait_dma2 semaphore(%arg23 : memref<!tpu.dma_semaphore, #tpu.memory_space<semaphore_mem>>) src(%dma_wait3A_530 : memref<8x8x128xf32, #tpu.memory_space<vmem>>) dst(%dma_wait3A_526 : memref<8x8x128xf32, #tpu.memory_space<hbm>>)
      } else {
      }
      %dma_wait3A_137 = arith.constant 0 : i32
      %dma_wait3A_138 = arith.constant 0 : i32
      %dma_wait3A_139 = tpu.memref_slice %arg3[%dma_wait3A_137, %dma_wait3A_138] : memref<100000x64xf32, #tpu.memory_space<hbm>> -> memref<128x64xf32, #tpu.memory_space<hbm>>
      %dma_wait3A_140 = arith.constant 0 : i32
      %dma_wait3A_141 = arith.constant 0 : i32
      %dma_wait3A_142 = tpu.memref_slice %arg3[%dma_wait3A_140, %dma_wait3A_141] : memref<100000x64xf32, #tpu.memory_space<hbm>> -> memref<128x64xf32, #tpu.memory_space<hbm>>
      tpu.wait_dma2 semaphore(%arg18 : memref<!tpu.dma_semaphore, #tpu.memory_space<semaphore_mem>>) src(%dma_wait3A_142 : memref<128x64xf32, #tpu.memory_space<hbm>>) dst(%arg8 : memref<128x64xf32, #tpu.memory_space<vmem>>)
      %add3A_143 = arith.constant 3 : i32
      %add3A_144 = arith.addi %add3A_134, %add3A_143 : i32
      %lt3A = arith.constant 200 : i32
      %lt3A_145 = arith.cmpi slt, %add3A_144, %lt3A : i32
      %convert_element_type3A_146 = arith.extui %lt3A_145 : i1 to i32
      %cond3A_147 = arith.constant 0 : i32
      %cond3A_148 = arith.cmpi ne, %convert_element_type3A_146, %cond3A_147 : i32
      scf.if %cond3A_148 {
        %add3A_511 = arith.constant 3 : i32
        %add3A_512 = arith.addi %add3A_134, %add3A_511 : i32
        %dma_start3A_513 = arith.constant 0 : i32
        %dma_start3A_514 = tpu.memref_slice %arg6[%add3A_512, %dma_start3A_513] : memref<200x128xi32, #tpu.memory_space<vmem>> -> memref<1x128xi32, #tpu.memory_space<vmem>>
        %dma_start3A_515 = tpu.memref_squeeze %dma_start3A_514 : memref<1x128xi32, #tpu.memory_space<vmem>> -> memref<128xi32, #tpu.memory_space<vmem>>
        %dma_start3A_516 = arith.constant 0 : i32
        %dma_start3A_517 = arith.constant 0 : i32
        %dma_start3A_518 = tpu.memref_slice %arg3[%dma_start3A_516, %dma_start3A_517] : memref<100000x64xf32, #tpu.memory_space<hbm>> -> memref<100000x64xf32, #tpu.memory_space<hbm>>
        tpu.enqueue_indirect_dma source(%dma_start3A_518 : memref<100000x64xf32, #tpu.memory_space<hbm>>) target(%arg11 : memref<128x64xf32, #tpu.memory_space<vmem>>) offsets(%dma_start3A_515 : memref<128xi32, #tpu.memory_space<vmem>>) semaphore(%arg21 : memref<!tpu.dma_semaphore, #tpu.memory_space<semaphore_mem>>)
      } else {
      }
      %get3A = arith.index_cast %add3A_134 : i32 to index
      %get3A_149 = arith.constant 0 : index
      %get3A_150 = tpu.vector_load %arg7[%get3A, %get3A_149] {strides = array<i32>} : memref<200x64xf32, #tpu.memory_space<vmem>>, vector<16xf32>,
      %get3A_151 = arith.index_cast %add3A_134 : i32 to index
      %get3A_152 = arith.constant 16 : index
      %get3A_153 = tpu.vector_load %arg7[%get3A_151, %get3A_152] {strides = array<i32>} : memref<200x64xf32, #tpu.memory_space<vmem>>, vector<16xf32>,
      %get3A_154 = arith.index_cast %add3A_134 : i32 to index
      %get3A_155 = arith.constant 32 : index
      %get3A_156 = tpu.vector_load %arg7[%get3A_154, %get3A_155] {strides = array<i32>} : memref<200x64xf32, #tpu.memory_space<vmem>>, vector<16xf32>,
      %get3A_157 = arith.index_cast %add3A_134 : i32 to index
      %get3A_158 = arith.constant 48 : index
      %get3A_159 = tpu.vector_load %arg7[%get3A_157, %get3A_158] {strides = array<i32>} : memref<200x64xf32, #tpu.memory_space<vmem>>, vector<16xf32>,
      %add3A_160 = arith.constant 0 : i32
      %add3A_161 = vector.broadcast %add3A_160 : i32 to vector<16xi32>
      %add3A_162 = arith.addi %iota3A, %add3A_161 : vector<16xi32>
      %shift_right_arithmetic3A = arith.constant 3 : i32
      %shift_right_arithmetic3A_163 = vector.broadcast %shift_right_arithmetic3A : i32 to vector<16xi32>
      %shift_right_arithmetic3A_164 = arith.shrsi %add3A_162, %shift_right_arithmetic3A_163 : vector<16xi32>
      %add3A_165 = arith.constant 16 : i32
      %add3A_166 = vector.broadcast %add3A_165 : i32 to vector<16xi32>
      %add3A_167 = arith.addi %iota3A, %add3A_166 : vector<16xi32>
      %shift_right_arithmetic3A_168 = arith.constant 3 : i32
      %shift_right_arithmetic3A_169 = vector.broadcast %shift_right_arithmetic3A_168 : i32 to vector<16xi32>
      %shift_right_arithmetic3A_170 = arith.shrsi %add3A_167, %shift_right_arithmetic3A_169 : vector<16xi32>
      %add3A_171 = arith.constant 32 : i32
      %add3A_172 = vector.broadcast %add3A_171 : i32 to vector<16xi32>
      %add3A_173 = arith.addi %iota3A, %add3A_172 : vector<16xi32>
      %shift_right_arithmetic3A_174 = arith.constant 3 : i32
      %shift_right_arithmetic3A_175 = vector.broadcast %shift_right_arithmetic3A_174 : i32 to vector<16xi32>
      %shift_right_arithmetic3A_176 = arith.shrsi %add3A_173, %shift_right_arithmetic3A_175 : vector<16xi32>
      %add3A_177 = arith.constant 48 : i32
      %add3A_178 = vector.broadcast %add3A_177 : i32 to vector<16xi32>
      %add3A_179 = arith.addi %iota3A, %add3A_178 : vector<16xi32>
      %shift_right_arithmetic3A_180 = arith.constant 3 : i32
      %shift_right_arithmetic3A_181 = vector.broadcast %shift_right_arithmetic3A_180 : i32 to vector<16xi32>
      %shift_right_arithmetic3A_182 = arith.shrsi %add3A_179, %shift_right_arithmetic3A_181 : vector<16xi32>
      %parallel_loop3A = arith.constant 0 : i32
      %parallel_loop3A_183 = arith.constant 128 : i32
      %parallel_loop3A_184 = arith.constant 1 : i32
      scf.for %parallel_loop3A_511 = %parallel_loop3A to %parallel_loop3A_183 step %parallel_loop3A_184  : i32 {
        %parallel_loop3A_512 = vector.broadcast %parallel_loop3A_511 : i32 to vector<16xi32>
        %parallel_loop3A_513 = arith.index_cast %parallel_loop3A_511 : i32 to index
        %parallel_loop3A_514 = arith.constant 0 : index
        %parallel_loop3A_515 = tpu.vector_load %arg8[%parallel_loop3A_513, %parallel_loop3A_514] {strides = array<i32>} : memref<128x64xf32, #tpu.memory_space<vmem>>, vector<16xf32>,
        %parallel_loop3A_516 = arith.addf %parallel_loop3A_515, %get3A_150 : vector<16xf32>
        tpu.vector_store_idx %arg13[%shift_right_arithmetic3A_164, %and3A_4, %parallel_loop3A_512], %parallel_loop3A_516 : memref<8x8x129xf32, #tpu.memory_space<vmem>>[vector<16xi32>, vector<16xi32>, vector<16xi32>], vector<16xf32>,
        %parallel_loop3A_517 = arith.index_cast %parallel_loop3A_511 : i32 to index
        %parallel_loop3A_518 = arith.constant 16 : index
        %parallel_loop3A_519 = tpu.vector_load %arg8[%parallel_loop3A_517, %parallel_loop3A_518] {strides = array<i32>} : memref<128x64xf32, #tpu.memory_space<vmem>>, vector<16xf32>,
        %parallel_loop3A_520 = arith.addf %parallel_loop3A_519, %get3A_153 : vector<16xf32>
        tpu.vector_store_idx %arg13[%shift_right_arithmetic3A_170, %and3A_4, %parallel_loop3A_512], %parallel_loop3A_520 : memref<8x8x129xf32, #tpu.memory_space<vmem>>[vector<16xi32>, vector<16xi32>, vector<16xi32>], vector<16xf32>,
        %parallel_loop3A_521 = arith.index_cast %parallel_loop3A_511 : i32 to index
        %parallel_loop3A_522 = arith.constant 32 : index
        %parallel_loop3A_523 = tpu.vector_load %arg8[%parallel_loop3A_521, %parallel_loop3A_522] {strides = array<i32>} : memref<128x64xf32, #tpu.memory_space<vmem>>, vector<16xf32>,
        %parallel_loop3A_524 = arith.addf %parallel_loop3A_523, %get3A_156 : vector<16xf32>
        tpu.vector_store_idx %arg13[%shift_right_arithmetic3A_176, %and3A_4, %parallel_loop3A_512], %parallel_loop3A_524 : memref<8x8x129xf32, #tpu.memory_space<vmem>>[vector<16xi32>, vector<16xi32>, vector<16xi32>], vector<16xf32>,
        %parallel_loop3A_525 = arith.index_cast %parallel_loop3A_511 : i32 to index
        %parallel_loop3A_526 = arith.constant 48 : index
        %parallel_loop3A_527 = tpu.vector_load %arg8[%parallel_loop3A_525, %parallel_loop3A_526] {strides = array<i32>} : memref<128x64xf32, #tpu.memory_space<vmem>>, vector<16xf32>,
        %parallel_loop3A_528 = arith.addf %parallel_loop3A_527, %get3A_159 : vector<16xf32>
        tpu.vector_store_idx %arg13[%shift_right_arithmetic3A_182, %and3A_4, %parallel_loop3A_512], %parallel_loop3A_528 : memref<8x8x129xf32, #tpu.memory_space<vmem>>[vector<16xi32>, vector<16xi32>, vector<16xi32>], vector<16xf32>,
      } {sc.loop_unroll_factor = 16 : i64, sc.parallel_access}
      %dma_start3A_185 = arith.constant 0 : i32
      %dma_start3A_186 = arith.constant 0 : i32
      %dma_start3A_187 = arith.constant 0 : i32
      %dma_start3A_188 = tpu.memref_slice %arg13[%dma_start3A_185, %dma_start3A_186, %dma_start3A_187] : memref<8x8x129xf32, #tpu.memory_space<vmem>> -> memref<8x8x128xf32, #tpu.memory_space<vmem>>
      %dma_start3A_189 = arith.constant 0 : i32
      %dma_start3A_190 = arith.constant 0 : i32
      %dma_start3A_191 = arith.constant 0 : i32
      %dma_start3A_192 = tpu.memref_slice %arg5[%add3A_134, %dma_start3A_189, %add3A, %dma_start3A_190, %dma_start3A_191] : memref<200x8x32x8x128xf32, #tpu.memory_space<hbm>> -> memref<1x8x1x8x128xf32, #tpu.memory_space<hbm>>
      %dma_start3A_193 = tpu.memref_squeeze %dma_start3A_192 : memref<1x8x1x8x128xf32, #tpu.memory_space<hbm>> -> memref<8x8x128xf32, #tpu.memory_space<hbm>>
      %dma_start3A_194 = arith.constant 0 : i32
      %dma_start3A_195 = arith.constant 0 : i32
      %dma_start3A_196 = arith.constant 0 : i32
      %dma_start3A_197 = tpu.memref_slice %arg5[%add3A_134, %dma_start3A_194, %add3A, %dma_start3A_195, %dma_start3A_196] : memref<200x8x32x8x128xf32, #tpu.memory_space<hbm>> -> memref<1x8x1x8x128xf32, #tpu.memory_space<hbm>>
      %dma_start3A_198 = tpu.memref_squeeze %dma_start3A_197 : memref<1x8x1x8x128xf32, #tpu.memory_space<hbm>> -> memref<8x8x128xf32, #tpu.memory_space<hbm>>
      %dma_start3A_199 = arith.constant 0 : i32
      %dma_start3A_200 = arith.constant 0 : i32
      %dma_start3A_201 = arith.constant 0 : i32
      %dma_start3A_202 = tpu.memref_slice %arg13[%dma_start3A_199, %dma_start3A_200, %dma_start3A_201] : memref<8x8x129xf32, #tpu.memory_space<vmem>> -> memref<8x8x128xf32, #tpu.memory_space<vmem>>
      tpu.enqueue_dma source(%dma_start3A_202 : memref<8x8x128xf32, #tpu.memory_space<vmem>>) target(%dma_start3A_198 : memref<8x8x128xf32, #tpu.memory_space<hbm>>) target_semaphore(%arg23 : memref<!tpu.dma_semaphore, #tpu.memory_space<semaphore_mem>>)
      %add3A_203 = arith.constant 1 : i32
      %add3A_204 = arith.addi %add3A_132, %add3A_203 : i32
      %ge3A_205 = arith.constant 5 : i32
      %ge3A_206 = arith.cmpi sge, %add3A_204, %ge3A_205 : i32
      %convert_element_type3A_207 = arith.extui %ge3A_206 : i1 to i32
      %cond3A_208 = arith.constant 0 : i32
      %cond3A_209 = arith.cmpi ne, %convert_element_type3A_207, %cond3A_208 : i32
      scf.if %cond3A_209 {
        %dma_wait3A_511 = arith.constant 0 : i32
        %dma_wait3A_512 = arith.constant 0 : i32
        %dma_wait3A_513 = arith.constant 0 : i32
        %dma_wait3A_514 = arith.constant 0 : i32
        %dma_wait3A_515 = arith.constant 0 : i32
        %dma_wait3A_516 = tpu.memref_slice %arg14[%dma_wait3A_513, %dma_wait3A_514, %dma_wait3A_515] : memref<8x8x129xf32, #tpu.memory_space<vmem>> -> memref<8x8x128xf32, #tpu.memory_space<vmem>>
        %dma_wait3A_517 = arith.constant 0 : i32
        %dma_wait3A_518 = arith.constant 0 : i32
        %dma_wait3A_519 = arith.constant 0 : i32
        %dma_wait3A_520 = tpu.memref_slice %arg5[%dma_wait3A_511, %dma_wait3A_517, %dma_wait3A_512, %dma_wait3A_518, %dma_wait3A_519] : memref<200x8x32x8x128xf32, #tpu.memory_space<hbm>> -> memref<1x8x1x8x128xf32, #tpu.memory_space<hbm>>
        %dma_wait3A_521 = tpu.memref_squeeze %dma_wait3A_520 : memref<1x8x1x8x128xf32, #tpu.memory_space<hbm>> -> memref<8x8x128xf32, #tpu.memory_space<hbm>>
        %dma_wait3A_522 = arith.constant 0 : i32
        %dma_wait3A_523 = arith.constant 0 : i32
        %dma_wait3A_524 = arith.constant 0 : i32
        %dma_wait3A_525 = tpu.memref_slice %arg5[%dma_wait3A_511, %dma_wait3A_522, %dma_wait3A_512, %dma_wait3A_523, %dma_wait3A_524] : memref<200x8x32x8x128xf32, #tpu.memory_space<hbm>> -> memref<1x8x1x8x128xf32, #tpu.memory_space<hbm>>
        %dma_wait3A_526 = tpu.memref_squeeze %dma_wait3A_525 : memref<1x8x1x8x128xf32, #tpu.memory_space<hbm>> -> memref<8x8x128xf32, #tpu.memory_space<hbm>>
        %dma_wait3A_527 = arith.constant 0 : i32
        %dma_wait3A_528 = arith.constant 0 : i32
        %dma_wait3A_529 = arith.constant 0 : i32
        %dma_wait3A_530 = tpu.memref_slice %arg14[%dma_wait3A_527, %dma_wait3A_528, %dma_wait3A_529] : memref<8x8x129xf32, #tpu.memory_space<vmem>> -> memref<8x8x128xf32, #tpu.memory_space<vmem>>
        tpu.wait_dma2 semaphore(%arg24 : memref<!tpu.dma_semaphore, #tpu.memory_space<semaphore_mem>>) src(%dma_wait3A_530 : memref<8x8x128xf32, #tpu.memory_space<vmem>>) dst(%dma_wait3A_526 : memref<8x8x128xf32, #tpu.memory_space<hbm>>)
      } else {
      }
      %dma_wait3A_210 = arith.constant 0 : i32
      %dma_wait3A_211 = arith.constant 0 : i32
      %dma_wait3A_212 = tpu.memref_slice %arg3[%dma_wait3A_210, %dma_wait3A_211] : memref<100000x64xf32, #tpu.memory_space<hbm>> -> memref<128x64xf32, #tpu.memory_space<hbm>>
      %dma_wait3A_213 = arith.constant 0 : i32
      %dma_wait3A_214 = arith.constant 0 : i32
      %dma_wait3A_215 = tpu.memref_slice %arg3[%dma_wait3A_213, %dma_wait3A_214] : memref<100000x64xf32, #tpu.memory_space<hbm>> -> memref<128x64xf32, #tpu.memory_space<hbm>>
      tpu.wait_dma2 semaphore(%arg19 : memref<!tpu.dma_semaphore, #tpu.memory_space<semaphore_mem>>) src(%dma_wait3A_215 : memref<128x64xf32, #tpu.memory_space<hbm>>) dst(%arg9 : memref<128x64xf32, #tpu.memory_space<vmem>>)
      %add3A_216 = arith.constant 3 : i32
      %add3A_217 = arith.addi %add3A_204, %add3A_216 : i32
      %lt3A_218 = arith.constant 200 : i32
      %lt3A_219 = arith.cmpi slt, %add3A_217, %lt3A_218 : i32
      %convert_element_type3A_220 = arith.extui %lt3A_219 : i1 to i32
      %cond3A_221 = arith.constant 0 : i32
      %cond3A_222 = arith.cmpi ne, %convert_element_type3A_220, %cond3A_221 : i32
      scf.if %cond3A_222 {
        %add3A_511 = arith.constant 3 : i32
        %add3A_512 = arith.addi %add3A_204, %add3A_511 : i32
        %dma_start3A_513 = arith.constant 0 : i32
        %dma_start3A_514 = tpu.memref_slice %arg6[%add3A_512, %dma_start3A_513] : memref<200x128xi32, #tpu.memory_space<vmem>> -> memref<1x128xi32, #tpu.memory_space<vmem>>
        %dma_start3A_515 = tpu.memref_squeeze %dma_start3A_514 : memref<1x128xi32, #tpu.memory_space<vmem>> -> memref<128xi32, #tpu.memory_space<vmem>>
        %dma_start3A_516 = arith.constant 0 : i32
        %dma_start3A_517 = arith.constant 0 : i32
        %dma_start3A_518 = tpu.memref_slice %arg3[%dma_start3A_516, %dma_start3A_517] : memref<100000x64xf32, #tpu.memory_space<hbm>> -> memref<100000x64xf32, #tpu.memory_space<hbm>>
        tpu.enqueue_indirect_dma source(%dma_start3A_518 : memref<100000x64xf32, #tpu.memory_space<hbm>>) target(%arg12 : memref<128x64xf32, #tpu.memory_space<vmem>>) offsets(%dma_start3A_515 : memref<128xi32, #tpu.memory_space<vmem>>) semaphore(%arg22 : memref<!tpu.dma_semaphore, #tpu.memory_space<semaphore_mem>>)
      } else {
      }
      %get3A_223 = arith.index_cast %add3A_204 : i32 to index
      %get3A_224 = arith.constant 0 : index
      %get3A_225 = tpu.vector_load %arg7[%get3A_223, %get3A_224] {strides = array<i32>} : memref<200x64xf32, #tpu.memory_space<vmem>>, vector<16xf32>,
      %get3A_226 = arith.index_cast %add3A_204 : i32 to index
      %get3A_227 = arith.constant 16 : index
      %get3A_228 = tpu.vector_load %arg7[%get3A_226, %get3A_227] {strides = array<i32>} : memref<200x64xf32, #tpu.memory_space<vmem>>, vector<16xf32>,
      %get3A_229 = arith.index_cast %add3A_204 : i32 to index
      %get3A_230 = arith.constant 32 : index
      %get3A_231 = tpu.vector_load %arg7[%get3A_229, %get3A_230] {strides = array<i32>} : memref<200x64xf32, #tpu.memory_space<vmem>>, vector<16xf32>,
      %get3A_232 = arith.index_cast %add3A_204 : i32 to index
      %get3A_233 = arith.constant 48 : index
      %get3A_234 = tpu.vector_load %arg7[%get3A_232, %get3A_233] {strides = array<i32>} : memref<200x64xf32, #tpu.memory_space<vmem>>, vector<16xf32>,
      %add3A_235 = arith.constant 0 : i32
      %add3A_236 = vector.broadcast %add3A_235 : i32 to vector<16xi32>
      %add3A_237 = arith.addi %iota3A, %add3A_236 : vector<16xi32>
      %shift_right_arithmetic3A_238 = arith.constant 3 : i32
      %shift_right_arithmetic3A_239 = vector.broadcast %shift_right_arithmetic3A_238 : i32 to vector<16xi32>
      %shift_right_arithmetic3A_240 = arith.shrsi %add3A_237, %shift_right_arithmetic3A_239 : vector<16xi32>
      %add3A_241 = arith.constant 16 : i32
      %add3A_242 = vector.broadcast %add3A_241 : i32 to vector<16xi32>
      %add3A_243 = arith.addi %iota3A, %add3A_242 : vector<16xi32>
      %shift_right_arithmetic3A_244 = arith.constant 3 : i32
      %shift_right_arithmetic3A_245 = vector.broadcast %shift_right_arithmetic3A_244 : i32 to vector<16xi32>
      %shift_right_arithmetic3A_246 = arith.shrsi %add3A_243, %shift_right_arithmetic3A_245 : vector<16xi32>
      %add3A_247 = arith.constant 32 : i32
      %add3A_248 = vector.broadcast %add3A_247 : i32 to vector<16xi32>
      %add3A_249 = arith.addi %iota3A, %add3A_248 : vector<16xi32>
      %shift_right_arithmetic3A_250 = arith.constant 3 : i32
      %shift_right_arithmetic3A_251 = vector.broadcast %shift_right_arithmetic3A_250 : i32 to vector<16xi32>
      %shift_right_arithmetic3A_252 = arith.shrsi %add3A_249, %shift_right_arithmetic3A_251 : vector<16xi32>
      %add3A_253 = arith.constant 48 : i32
      %add3A_254 = vector.broadcast %add3A_253 : i32 to vector<16xi32>
      %add3A_255 = arith.addi %iota3A, %add3A_254 : vector<16xi32>
      %shift_right_arithmetic3A_256 = arith.constant 3 : i32
      %shift_right_arithmetic3A_257 = vector.broadcast %shift_right_arithmetic3A_256 : i32 to vector<16xi32>
      %shift_right_arithmetic3A_258 = arith.shrsi %add3A_255, %shift_right_arithmetic3A_257 : vector<16xi32>
      %parallel_loop3A_259 = arith.constant 0 : i32
      %parallel_loop3A_260 = arith.constant 128 : i32
      %parallel_loop3A_261 = arith.constant 1 : i32
      scf.for %parallel_loop3A_511 = %parallel_loop3A_259 to %parallel_loop3A_260 step %parallel_loop3A_261  : i32 {
        %parallel_loop3A_512 = vector.broadcast %parallel_loop3A_511 : i32 to vector<16xi32>
        %parallel_loop3A_513 = arith.index_cast %parallel_loop3A_511 : i32 to index
        %parallel_loop3A_514 = arith.constant 0 : index
        %parallel_loop3A_515 = tpu.vector_load %arg9[%parallel_loop3A_513, %parallel_loop3A_514] {strides = array<i32>} : memref<128x64xf32, #tpu.memory_space<vmem>>, vector<16xf32>,
        %parallel_loop3A_516 = arith.addf %parallel_loop3A_515, %get3A_225 : vector<16xf32>
        tpu.vector_store_idx %arg14[%shift_right_arithmetic3A_240, %and3A_4, %parallel_loop3A_512], %parallel_loop3A_516 : memref<8x8x129xf32, #tpu.memory_space<vmem>>[vector<16xi32>, vector<16xi32>, vector<16xi32>], vector<16xf32>,
        %parallel_loop3A_517 = arith.index_cast %parallel_loop3A_511 : i32 to index
        %parallel_loop3A_518 = arith.constant 16 : index
        %parallel_loop3A_519 = tpu.vector_load %arg9[%parallel_loop3A_517, %parallel_loop3A_518] {strides = array<i32>} : memref<128x64xf32, #tpu.memory_space<vmem>>, vector<16xf32>,
        %parallel_loop3A_520 = arith.addf %parallel_loop3A_519, %get3A_228 : vector<16xf32>
        tpu.vector_store_idx %arg14[%shift_right_arithmetic3A_246, %and3A_4, %parallel_loop3A_512], %parallel_loop3A_520 : memref<8x8x129xf32, #tpu.memory_space<vmem>>[vector<16xi32>, vector<16xi32>, vector<16xi32>], vector<16xf32>,
        %parallel_loop3A_521 = arith.index_cast %parallel_loop3A_511 : i32 to index
        %parallel_loop3A_522 = arith.constant 32 : index
        %parallel_loop3A_523 = tpu.vector_load %arg9[%parallel_loop3A_521, %parallel_loop3A_522] {strides = array<i32>} : memref<128x64xf32, #tpu.memory_space<vmem>>, vector<16xf32>,
        %parallel_loop3A_524 = arith.addf %parallel_loop3A_523, %get3A_231 : vector<16xf32>
        tpu.vector_store_idx %arg14[%shift_right_arithmetic3A_252, %and3A_4, %parallel_loop3A_512], %parallel_loop3A_524 : memref<8x8x129xf32, #tpu.memory_space<vmem>>[vector<16xi32>, vector<16xi32>, vector<16xi32>], vector<16xf32>,
        %parallel_loop3A_525 = arith.index_cast %parallel_loop3A_511 : i32 to index
        %parallel_loop3A_526 = arith.constant 48 : index
        %parallel_loop3A_527 = tpu.vector_load %arg9[%parallel_loop3A_525, %parallel_loop3A_526] {strides = array<i32>} : memref<128x64xf32, #tpu.memory_space<vmem>>, vector<16xf32>,
        %parallel_loop3A_528 = arith.addf %parallel_loop3A_527, %get3A_234 : vector<16xf32>
        tpu.vector_store_idx %arg14[%shift_right_arithmetic3A_258, %and3A_4, %parallel_loop3A_512], %parallel_loop3A_528 : memref<8x8x129xf32, #tpu.memory_space<vmem>>[vector<16xi32>, vector<16xi32>, vector<16xi32>], vector<16xf32>,
      } {sc.loop_unroll_factor = 16 : i64, sc.parallel_access}
      %dma_start3A_262 = arith.constant 0 : i32
      %dma_start3A_263 = arith.constant 0 : i32
      %dma_start3A_264 = arith.constant 0 : i32
      %dma_start3A_265 = tpu.memref_slice %arg14[%dma_start3A_262, %dma_start3A_263, %dma_start3A_264] : memref<8x8x129xf32, #tpu.memory_space<vmem>> -> memref<8x8x128xf32, #tpu.memory_space<vmem>>
      %dma_start3A_266 = arith.constant 0 : i32
      %dma_start3A_267 = arith.constant 0 : i32
      %dma_start3A_268 = arith.constant 0 : i32
      %dma_start3A_269 = tpu.memref_slice %arg5[%add3A_204, %dma_start3A_266, %add3A, %dma_start3A_267, %dma_start3A_268] : memref<200x8x32x8x128xf32, #tpu.memory_space<hbm>> -> memref<1x8x1x8x128xf32, #tpu.memory_space<hbm>>
      %dma_start3A_270 = tpu.memref_squeeze %dma_start3A_269 : memref<1x8x1x8x128xf32, #tpu.memory_space<hbm>> -> memref<8x8x128xf32, #tpu.memory_space<hbm>>
      %dma_start3A_271 = arith.constant 0 : i32
      %dma_start3A_272 = arith.constant 0 : i32
      %dma_start3A_273 = arith.constant 0 : i32
      %dma_start3A_274 = tpu.memref_slice %arg5[%add3A_204, %dma_start3A_271, %add3A, %dma_start3A_272, %dma_start3A_273] : memref<200x8x32x8x128xf32, #tpu.memory_space<hbm>> -> memref<1x8x1x8x128xf32, #tpu.memory_space<hbm>>
      %dma_start3A_275 = tpu.memref_squeeze %dma_start3A_274 : memref<1x8x1x8x128xf32, #tpu.memory_space<hbm>> -> memref<8x8x128xf32, #tpu.memory_space<hbm>>
      %dma_start3A_276 = arith.constant 0 : i32
      %dma_start3A_277 = arith.constant 0 : i32
      %dma_start3A_278 = arith.constant 0 : i32
      %dma_start3A_279 = tpu.memref_slice %arg14[%dma_start3A_276, %dma_start3A_277, %dma_start3A_278] : memref<8x8x129xf32, #tpu.memory_space<vmem>> -> memref<8x8x128xf32, #tpu.memory_space<vmem>>
      tpu.enqueue_dma source(%dma_start3A_279 : memref<8x8x128xf32, #tpu.memory_space<vmem>>) target(%dma_start3A_275 : memref<8x8x128xf32, #tpu.memory_space<hbm>>) target_semaphore(%arg24 : memref<!tpu.dma_semaphore, #tpu.memory_space<semaphore_mem>>)
      %add3A_280 = arith.constant 2 : i32
      %add3A_281 = arith.addi %add3A_132, %add3A_280 : i32
      %ge3A_282 = arith.constant 5 : i32
      %ge3A_283 = arith.cmpi sge, %add3A_281, %ge3A_282 : i32
      %convert_element_type3A_284 = arith.extui %ge3A_283 : i1 to i32
      %cond3A_285 = arith.constant 0 : i32
      %cond3A_286 = arith.cmpi ne, %convert_element_type3A_284, %cond3A_285 : i32
      scf.if %cond3A_286 {
        %dma_wait3A_511 = arith.constant 0 : i32
        %dma_wait3A_512 = arith.constant 0 : i32
        %dma_wait3A_513 = arith.constant 0 : i32
        %dma_wait3A_514 = arith.constant 0 : i32
        %dma_wait3A_515 = arith.constant 0 : i32
        %dma_wait3A_516 = tpu.memref_slice %arg15[%dma_wait3A_513, %dma_wait3A_514, %dma_wait3A_515] : memref<8x8x129xf32, #tpu.memory_space<vmem>> -> memref<8x8x128xf32, #tpu.memory_space<vmem>>
        %dma_wait3A_517 = arith.constant 0 : i32
        %dma_wait3A_518 = arith.constant 0 : i32
        %dma_wait3A_519 = arith.constant 0 : i32
        %dma_wait3A_520 = tpu.memref_slice %arg5[%dma_wait3A_511, %dma_wait3A_517, %dma_wait3A_512, %dma_wait3A_518, %dma_wait3A_519] : memref<200x8x32x8x128xf32, #tpu.memory_space<hbm>> -> memref<1x8x1x8x128xf32, #tpu.memory_space<hbm>>
        %dma_wait3A_521 = tpu.memref_squeeze %dma_wait3A_520 : memref<1x8x1x8x128xf32, #tpu.memory_space<hbm>> -> memref<8x8x128xf32, #tpu.memory_space<hbm>>
        %dma_wait3A_522 = arith.constant 0 : i32
        %dma_wait3A_523 = arith.constant 0 : i32
        %dma_wait3A_524 = arith.constant 0 : i32
        %dma_wait3A_525 = tpu.memref_slice %arg5[%dma_wait3A_511, %dma_wait3A_522, %dma_wait3A_512, %dma_wait3A_523, %dma_wait3A_524] : memref<200x8x32x8x128xf32, #tpu.memory_space<hbm>> -> memref<1x8x1x8x128xf32, #tpu.memory_space<hbm>>
        %dma_wait3A_526 = tpu.memref_squeeze %dma_wait3A_525 : memref<1x8x1x8x128xf32, #tpu.memory_space<hbm>> -> memref<8x8x128xf32, #tpu.memory_space<hbm>>
        %dma_wait3A_527 = arith.constant 0 : i32
        %dma_wait3A_528 = arith.constant 0 : i32
        %dma_wait3A_529 = arith.constant 0 : i32
        %dma_wait3A_530 = tpu.memref_slice %arg15[%dma_wait3A_527, %dma_wait3A_528, %dma_wait3A_529] : memref<8x8x129xf32, #tpu.memory_space<vmem>> -> memref<8x8x128xf32, #tpu.memory_space<vmem>>
        tpu.wait_dma2 semaphore(%arg25 : memref<!tpu.dma_semaphore, #tpu.memory_space<semaphore_mem>>) src(%dma_wait3A_530 : memref<8x8x128xf32, #tpu.memory_space<vmem>>) dst(%dma_wait3A_526 : memref<8x8x128xf32, #tpu.memory_space<hbm>>)
      } else {
      }
      %dma_wait3A_287 = arith.constant 0 : i32
      %dma_wait3A_288 = arith.constant 0 : i32
      %dma_wait3A_289 = tpu.memref_slice %arg3[%dma_wait3A_287, %dma_wait3A_288] : memref<100000x64xf32, #tpu.memory_space<hbm>> -> memref<128x64xf32, #tpu.memory_space<hbm>>
      %dma_wait3A_290 = arith.constant 0 : i32
      %dma_wait3A_291 = arith.constant 0 : i32
      %dma_wait3A_292 = tpu.memref_slice %arg3[%dma_wait3A_290, %dma_wait3A_291] : memref<100000x64xf32, #tpu.memory_space<hbm>> -> memref<128x64xf32, #tpu.memory_space<hbm>>
      tpu.wait_dma2 semaphore(%arg20 : memref<!tpu.dma_semaphore, #tpu.memory_space<semaphore_mem>>) src(%dma_wait3A_292 : memref<128x64xf32, #tpu.memory_space<hbm>>) dst(%arg10 : memref<128x64xf32, #tpu.memory_space<vmem>>)
      %add3A_293 = arith.constant 3 : i32
      %add3A_294 = arith.addi %add3A_281, %add3A_293 : i32
      %lt3A_295 = arith.constant 200 : i32
      %lt3A_296 = arith.cmpi slt, %add3A_294, %lt3A_295 : i32
      %convert_element_type3A_297 = arith.extui %lt3A_296 : i1 to i32
      %cond3A_298 = arith.constant 0 : i32
      %cond3A_299 = arith.cmpi ne, %convert_element_type3A_297, %cond3A_298 : i32
      scf.if %cond3A_299 {
        %add3A_511 = arith.constant 3 : i32
        %add3A_512 = arith.addi %add3A_281, %add3A_511 : i32
        %dma_start3A_513 = arith.constant 0 : i32
        %dma_start3A_514 = tpu.memref_slice %arg6[%add3A_512, %dma_start3A_513] : memref<200x128xi32, #tpu.memory_space<vmem>> -> memref<1x128xi32, #tpu.memory_space<vmem>>
        %dma_start3A_515 = tpu.memref_squeeze %dma_start3A_514 : memref<1x128xi32, #tpu.memory_space<vmem>> -> memref<128xi32, #tpu.memory_space<vmem>>
        %dma_start3A_516 = arith.constant 0 : i32
        %dma_start3A_517 = arith.constant 0 : i32
        %dma_start3A_518 = tpu.memref_slice %arg3[%dma_start3A_516, %dma_start3A_517] : memref<100000x64xf32, #tpu.memory_space<hbm>> -> memref<100000x64xf32, #tpu.memory_space<hbm>>
        tpu.enqueue_indirect_dma source(%dma_start3A_518 : memref<100000x64xf32, #tpu.memory_space<hbm>>) target(%arg8 : memref<128x64xf32, #tpu.memory_space<vmem>>) offsets(%dma_start3A_515 : memref<128xi32, #tpu.memory_space<vmem>>) semaphore(%arg18 : memref<!tpu.dma_semaphore, #tpu.memory_space<semaphore_mem>>)
      } else {
      }
      %get3A_300 = arith.index_cast %add3A_281 : i32 to index
      %get3A_301 = arith.constant 0 : index
      %get3A_302 = tpu.vector_load %arg7[%get3A_300, %get3A_301] {strides = array<i32>} : memref<200x64xf32, #tpu.memory_space<vmem>>, vector<16xf32>,
      %get3A_303 = arith.index_cast %add3A_281 : i32 to index
      %get3A_304 = arith.constant 16 : index
      %get3A_305 = tpu.vector_load %arg7[%get3A_303, %get3A_304] {strides = array<i32>} : memref<200x64xf32, #tpu.memory_space<vmem>>, vector<16xf32>,
      %get3A_306 = arith.index_cast %add3A_281 : i32 to index
      %get3A_307 = arith.constant 32 : index
      %get3A_308 = tpu.vector_load %arg7[%get3A_306, %get3A_307] {strides = array<i32>} : memref<200x64xf32, #tpu.memory_space<vmem>>, vector<16xf32>,
      %get3A_309 = arith.index_cast %add3A_281 : i32 to index
      %get3A_310 = arith.constant 48 : index
      %get3A_311 = tpu.vector_load %arg7[%get3A_309, %get3A_310] {strides = array<i32>} : memref<200x64xf32, #tpu.memory_space<vmem>>, vector<16xf32>,
      %add3A_312 = arith.constant 0 : i32
      %add3A_313 = vector.broadcast %add3A_312 : i32 to vector<16xi32>
      %add3A_314 = arith.addi %iota3A, %add3A_313 : vector<16xi32>
      %shift_right_arithmetic3A_315 = arith.constant 3 : i32
      %shift_right_arithmetic3A_316 = vector.broadcast %shift_right_arithmetic3A_315 : i32 to vector<16xi32>
      %shift_right_arithmetic3A_317 = arith.shrsi %add3A_314, %shift_right_arithmetic3A_316 : vector<16xi32>
      %add3A_318 = arith.constant 16 : i32
      %add3A_319 = vector.broadcast %add3A_318 : i32 to vector<16xi32>
      %add3A_320 = arith.addi %iota3A, %add3A_319 : vector<16xi32>
      %shift_right_arithmetic3A_321 = arith.constant 3 : i32
      %shift_right_arithmetic3A_322 = vector.broadcast %shift_right_arithmetic3A_321 : i32 to vector<16xi32>
      %shift_right_arithmetic3A_323 = arith.shrsi %add3A_320, %shift_right_arithmetic3A_322 : vector<16xi32>
      %add3A_324 = arith.constant 32 : i32
      %add3A_325 = vector.broadcast %add3A_324 : i32 to vector<16xi32>
      %add3A_326 = arith.addi %iota3A, %add3A_325 : vector<16xi32>
      %shift_right_arithmetic3A_327 = arith.constant 3 : i32
      %shift_right_arithmetic3A_328 = vector.broadcast %shift_right_arithmetic3A_327 : i32 to vector<16xi32>
      %shift_right_arithmetic3A_329 = arith.shrsi %add3A_326, %shift_right_arithmetic3A_328 : vector<16xi32>
      %add3A_330 = arith.constant 48 : i32
      %add3A_331 = vector.broadcast %add3A_330 : i32 to vector<16xi32>
      %add3A_332 = arith.addi %iota3A, %add3A_331 : vector<16xi32>
      %shift_right_arithmetic3A_333 = arith.constant 3 : i32
      %shift_right_arithmetic3A_334 = vector.broadcast %shift_right_arithmetic3A_333 : i32 to vector<16xi32>
      %shift_right_arithmetic3A_335 = arith.shrsi %add3A_332, %shift_right_arithmetic3A_334 : vector<16xi32>
      %parallel_loop3A_336 = arith.constant 0 : i32
      %parallel_loop3A_337 = arith.constant 128 : i32
      %parallel_loop3A_338 = arith.constant 1 : i32
      scf.for %parallel_loop3A_511 = %parallel_loop3A_336 to %parallel_loop3A_337 step %parallel_loop3A_338  : i32 {
        %parallel_loop3A_512 = vector.broadcast %parallel_loop3A_511 : i32 to vector<16xi32>
        %parallel_loop3A_513 = arith.index_cast %parallel_loop3A_511 : i32 to index
        %parallel_loop3A_514 = arith.constant 0 : index
        %parallel_loop3A_515 = tpu.vector_load %arg10[%parallel_loop3A_513, %parallel_loop3A_514] {strides = array<i32>} : memref<128x64xf32, #tpu.memory_space<vmem>>, vector<16xf32>,
        %parallel_loop3A_516 = arith.addf %parallel_loop3A_515, %get3A_302 : vector<16xf32>
        tpu.vector_store_idx %arg15[%shift_right_arithmetic3A_317, %and3A_4, %parallel_loop3A_512], %parallel_loop3A_516 : memref<8x8x129xf32, #tpu.memory_space<vmem>>[vector<16xi32>, vector<16xi32>, vector<16xi32>], vector<16xf32>,
        %parallel_loop3A_517 = arith.index_cast %parallel_loop3A_511 : i32 to index
        %parallel_loop3A_518 = arith.constant 16 : index
        %parallel_loop3A_519 = tpu.vector_load %arg10[%parallel_loop3A_517, %parallel_loop3A_518] {strides = array<i32>} : memref<128x64xf32, #tpu.memory_space<vmem>>, vector<16xf32>,
        %parallel_loop3A_520 = arith.addf %parallel_loop3A_519, %get3A_305 : vector<16xf32>
        tpu.vector_store_idx %arg15[%shift_right_arithmetic3A_323, %and3A_4, %parallel_loop3A_512], %parallel_loop3A_520 : memref<8x8x129xf32, #tpu.memory_space<vmem>>[vector<16xi32>, vector<16xi32>, vector<16xi32>], vector<16xf32>,
        %parallel_loop3A_521 = arith.index_cast %parallel_loop3A_511 : i32 to index
        %parallel_loop3A_522 = arith.constant 32 : index
        %parallel_loop3A_523 = tpu.vector_load %arg10[%parallel_loop3A_521, %parallel_loop3A_522] {strides = array<i32>} : memref<128x64xf32, #tpu.memory_space<vmem>>, vector<16xf32>,
        %parallel_loop3A_524 = arith.addf %parallel_loop3A_523, %get3A_308 : vector<16xf32>
        tpu.vector_store_idx %arg15[%shift_right_arithmetic3A_329, %and3A_4, %parallel_loop3A_512], %parallel_loop3A_524 : memref<8x8x129xf32, #tpu.memory_space<vmem>>[vector<16xi32>, vector<16xi32>, vector<16xi32>], vector<16xf32>,
        %parallel_loop3A_525 = arith.index_cast %parallel_loop3A_511 : i32 to index
        %parallel_loop3A_526 = arith.constant 48 : index
        %parallel_loop3A_527 = tpu.vector_load %arg10[%parallel_loop3A_525, %parallel_loop3A_526] {strides = array<i32>} : memref<128x64xf32, #tpu.memory_space<vmem>>, vector<16xf32>,
        %parallel_loop3A_528 = arith.addf %parallel_loop3A_527, %get3A_311 : vector<16xf32>
        tpu.vector_store_idx %arg15[%shift_right_arithmetic3A_335, %and3A_4, %parallel_loop3A_512], %parallel_loop3A_528 : memref<8x8x129xf32, #tpu.memory_space<vmem>>[vector<16xi32>, vector<16xi32>, vector<16xi32>], vector<16xf32>,
      } {sc.loop_unroll_factor = 16 : i64, sc.parallel_access}
      %dma_start3A_339 = arith.constant 0 : i32
      %dma_start3A_340 = arith.constant 0 : i32
      %dma_start3A_341 = arith.constant 0 : i32
      %dma_start3A_342 = tpu.memref_slice %arg15[%dma_start3A_339, %dma_start3A_340, %dma_start3A_341] : memref<8x8x129xf32, #tpu.memory_space<vmem>> -> memref<8x8x128xf32, #tpu.memory_space<vmem>>
      %dma_start3A_343 = arith.constant 0 : i32
      %dma_start3A_344 = arith.constant 0 : i32
      %dma_start3A_345 = arith.constant 0 : i32
      %dma_start3A_346 = tpu.memref_slice %arg5[%add3A_281, %dma_start3A_343, %add3A, %dma_start3A_344, %dma_start3A_345] : memref<200x8x32x8x128xf32, #tpu.memory_space<hbm>> -> memref<1x8x1x8x128xf32, #tpu.memory_space<hbm>>
      %dma_start3A_347 = tpu.memref_squeeze %dma_start3A_346 : memref<1x8x1x8x128xf32, #tpu.memory_space<hbm>> -> memref<8x8x128xf32, #tpu.memory_space<hbm>>
      %dma_start3A_348 = arith.constant 0 : i32
      %dma_start3A_349 = arith.constant 0 : i32
      %dma_start3A_350 = arith.constant 0 : i32
      %dma_start3A_351 = tpu.memref_slice %arg5[%add3A_281, %dma_start3A_348, %add3A, %dma_start3A_349, %dma_start3A_350] : memref<200x8x32x8x128xf32, #tpu.memory_space<hbm>> -> memref<1x8x1x8x128xf32, #tpu.memory_space<hbm>>
      %dma_start3A_352 = tpu.memref_squeeze %dma_start3A_351 : memref<1x8x1x8x128xf32, #tpu.memory_space<hbm>> -> memref<8x8x128xf32, #tpu.memory_space<hbm>>
      %dma_start3A_353 = arith.constant 0 : i32
      %dma_start3A_354 = arith.constant 0 : i32
      %dma_start3A_355 = arith.constant 0 : i32
      %dma_start3A_356 = tpu.memref_slice %arg15[%dma_start3A_353, %dma_start3A_354, %dma_start3A_355] : memref<8x8x129xf32, #tpu.memory_space<vmem>> -> memref<8x8x128xf32, #tpu.memory_space<vmem>>
      tpu.enqueue_dma source(%dma_start3A_356 : memref<8x8x128xf32, #tpu.memory_space<vmem>>) target(%dma_start3A_352 : memref<8x8x128xf32, #tpu.memory_space<hbm>>) target_semaphore(%arg25 : memref<!tpu.dma_semaphore, #tpu.memory_space<semaphore_mem>>)
      %add3A_357 = arith.constant 3 : i32
      %add3A_358 = arith.addi %add3A_132, %add3A_357 : i32
      %ge3A_359 = arith.constant 5 : i32
      %ge3A_360 = arith.cmpi sge, %add3A_358, %ge3A_359 : i32
      %convert_element_type3A_361 = arith.extui %ge3A_360 : i1 to i32
      %cond3A_362 = arith.constant 0 : i32
      %cond3A_363 = arith.cmpi ne, %convert_element_type3A_361, %cond3A_362 : i32
      scf.if %cond3A_363 {
        %dma_wait3A_511 = arith.constant 0 : i32
        %dma_wait3A_512 = arith.constant 0 : i32
        %dma_wait3A_513 = arith.constant 0 : i32
        %dma_wait3A_514 = arith.constant 0 : i32
        %dma_wait3A_515 = arith.constant 0 : i32
        %dma_wait3A_516 = tpu.memref_slice %arg16[%dma_wait3A_513, %dma_wait3A_514, %dma_wait3A_515] : memref<8x8x129xf32, #tpu.memory_space<vmem>> -> memref<8x8x128xf32, #tpu.memory_space<vmem>>
        %dma_wait3A_517 = arith.constant 0 : i32
        %dma_wait3A_518 = arith.constant 0 : i32
        %dma_wait3A_519 = arith.constant 0 : i32
        %dma_wait3A_520 = tpu.memref_slice %arg5[%dma_wait3A_511, %dma_wait3A_517, %dma_wait3A_512, %dma_wait3A_518, %dma_wait3A_519] : memref<200x8x32x8x128xf32, #tpu.memory_space<hbm>> -> memref<1x8x1x8x128xf32, #tpu.memory_space<hbm>>
        %dma_wait3A_521 = tpu.memref_squeeze %dma_wait3A_520 : memref<1x8x1x8x128xf32, #tpu.memory_space<hbm>> -> memref<8x8x128xf32, #tpu.memory_space<hbm>>
        %dma_wait3A_522 = arith.constant 0 : i32
        %dma_wait3A_523 = arith.constant 0 : i32
        %dma_wait3A_524 = arith.constant 0 : i32
        %dma_wait3A_525 = tpu.memref_slice %arg5[%dma_wait3A_511, %dma_wait3A_522, %dma_wait3A_512, %dma_wait3A_523, %dma_wait3A_524] : memref<200x8x32x8x128xf32, #tpu.memory_space<hbm>> -> memref<1x8x1x8x128xf32, #tpu.memory_space<hbm>>
        %dma_wait3A_526 = tpu.memref_squeeze %dma_wait3A_525 : memref<1x8x1x8x128xf32, #tpu.memory_space<hbm>> -> memref<8x8x128xf32, #tpu.memory_space<hbm>>
        %dma_wait3A_527 = arith.constant 0 : i32
        %dma_wait3A_528 = arith.constant 0 : i32
        %dma_wait3A_529 = arith.constant 0 : i32
        %dma_wait3A_530 = tpu.memref_slice %arg16[%dma_wait3A_527, %dma_wait3A_528, %dma_wait3A_529] : memref<8x8x129xf32, #tpu.memory_space<vmem>> -> memref<8x8x128xf32, #tpu.memory_space<vmem>>
        tpu.wait_dma2 semaphore(%arg26 : memref<!tpu.dma_semaphore, #tpu.memory_space<semaphore_mem>>) src(%dma_wait3A_530 : memref<8x8x128xf32, #tpu.memory_space<vmem>>) dst(%dma_wait3A_526 : memref<8x8x128xf32, #tpu.memory_space<hbm>>)
      } else {
      }
      %dma_wait3A_364 = arith.constant 0 : i32
      %dma_wait3A_365 = arith.constant 0 : i32
      %dma_wait3A_366 = tpu.memref_slice %arg3[%dma_wait3A_364, %dma_wait3A_365] : memref<100000x64xf32, #tpu.memory_space<hbm>> -> memref<128x64xf32, #tpu.memory_space<hbm>>
      %dma_wait3A_367 = arith.constant 0 : i32
      %dma_wait3A_368 = arith.constant 0 : i32
      %dma_wait3A_369 = tpu.memref_slice %arg3[%dma_wait3A_367, %dma_wait3A_368] : memref<100000x64xf32, #tpu.memory_space<hbm>> -> memref<128x64xf32, #tpu.memory_space<hbm>>
      tpu.wait_dma2 semaphore(%arg21 : memref<!tpu.dma_semaphore, #tpu.memory_space<semaphore_mem>>) src(%dma_wait3A_369 : memref<128x64xf32, #tpu.memory_space<hbm>>) dst(%arg11 : memref<128x64xf32, #tpu.memory_space<vmem>>)
      %add3A_370 = arith.constant 3 : i32
      %add3A_371 = arith.addi %add3A_358, %add3A_370 : i32
      %lt3A_372 = arith.constant 200 : i32
      %lt3A_373 = arith.cmpi slt, %add3A_371, %lt3A_372 : i32
      %convert_element_type3A_374 = arith.extui %lt3A_373 : i1 to i32
      %cond3A_375 = arith.constant 0 : i32
      %cond3A_376 = arith.cmpi ne, %convert_element_type3A_374, %cond3A_375 : i32
      scf.if %cond3A_376 {
        %add3A_511 = arith.constant 3 : i32
        %add3A_512 = arith.addi %add3A_358, %add3A_511 : i32
        %dma_start3A_513 = arith.constant 0 : i32
        %dma_start3A_514 = tpu.memref_slice %arg6[%add3A_512, %dma_start3A_513] : memref<200x128xi32, #tpu.memory_space<vmem>> -> memref<1x128xi32, #tpu.memory_space<vmem>>
        %dma_start3A_515 = tpu.memref_squeeze %dma_start3A_514 : memref<1x128xi32, #tpu.memory_space<vmem>> -> memref<128xi32, #tpu.memory_space<vmem>>
        %dma_start3A_516 = arith.constant 0 : i32
        %dma_start3A_517 = arith.constant 0 : i32
        %dma_start3A_518 = tpu.memref_slice %arg3[%dma_start3A_516, %dma_start3A_517] : memref<100000x64xf32, #tpu.memory_space<hbm>> -> memref<100000x64xf32, #tpu.memory_space<hbm>>
        tpu.enqueue_indirect_dma source(%dma_start3A_518 : memref<100000x64xf32, #tpu.memory_space<hbm>>) target(%arg9 : memref<128x64xf32, #tpu.memory_space<vmem>>) offsets(%dma_start3A_515 : memref<128xi32, #tpu.memory_space<vmem>>) semaphore(%arg19 : memref<!tpu.dma_semaphore, #tpu.memory_space<semaphore_mem>>)
      } else {
      }
      %get3A_377 = arith.index_cast %add3A_358 : i32 to index
      %get3A_378 = arith.constant 0 : index
      %get3A_379 = tpu.vector_load %arg7[%get3A_377, %get3A_378] {strides = array<i32>} : memref<200x64xf32, #tpu.memory_space<vmem>>, vector<16xf32>,
      %get3A_380 = arith.index_cast %add3A_358 : i32 to index
      %get3A_381 = arith.constant 16 : index
      %get3A_382 = tpu.vector_load %arg7[%get3A_380, %get3A_381] {strides = array<i32>} : memref<200x64xf32, #tpu.memory_space<vmem>>, vector<16xf32>,
      %get3A_383 = arith.index_cast %add3A_358 : i32 to index
      %get3A_384 = arith.constant 32 : index
      %get3A_385 = tpu.vector_load %arg7[%get3A_383, %get3A_384] {strides = array<i32>} : memref<200x64xf32, #tpu.memory_space<vmem>>, vector<16xf32>,
      %get3A_386 = arith.index_cast %add3A_358 : i32 to index
      %get3A_387 = arith.constant 48 : index
      %get3A_388 = tpu.vector_load %arg7[%get3A_386, %get3A_387] {strides = array<i32>} : memref<200x64xf32, #tpu.memory_space<vmem>>, vector<16xf32>,
      %add3A_389 = arith.constant 0 : i32
      %add3A_390 = vector.broadcast %add3A_389 : i32 to vector<16xi32>
      %add3A_391 = arith.addi %iota3A, %add3A_390 : vector<16xi32>
      %shift_right_arithmetic3A_392 = arith.constant 3 : i32
      %shift_right_arithmetic3A_393 = vector.broadcast %shift_right_arithmetic3A_392 : i32 to vector<16xi32>
      %shift_right_arithmetic3A_394 = arith.shrsi %add3A_391, %shift_right_arithmetic3A_393 : vector<16xi32>
      %add3A_395 = arith.constant 16 : i32
      %add3A_396 = vector.broadcast %add3A_395 : i32 to vector<16xi32>
      %add3A_397 = arith.addi %iota3A, %add3A_396 : vector<16xi32>
      %shift_right_arithmetic3A_398 = arith.constant 3 : i32
      %shift_right_arithmetic3A_399 = vector.broadcast %shift_right_arithmetic3A_398 : i32 to vector<16xi32>
      %shift_right_arithmetic3A_400 = arith.shrsi %add3A_397, %shift_right_arithmetic3A_399 : vector<16xi32>
      %add3A_401 = arith.constant 32 : i32
      %add3A_402 = vector.broadcast %add3A_401 : i32 to vector<16xi32>
      %add3A_403 = arith.addi %iota3A, %add3A_402 : vector<16xi32>
      %shift_right_arithmetic3A_404 = arith.constant 3 : i32
      %shift_right_arithmetic3A_405 = vector.broadcast %shift_right_arithmetic3A_404 : i32 to vector<16xi32>
      %shift_right_arithmetic3A_406 = arith.shrsi %add3A_403, %shift_right_arithmetic3A_405 : vector<16xi32>
      %add3A_407 = arith.constant 48 : i32
      %add3A_408 = vector.broadcast %add3A_407 : i32 to vector<16xi32>
      %add3A_409 = arith.addi %iota3A, %add3A_408 : vector<16xi32>
      %shift_right_arithmetic3A_410 = arith.constant 3 : i32
      %shift_right_arithmetic3A_411 = vector.broadcast %shift_right_arithmetic3A_410 : i32 to vector<16xi32>
      %shift_right_arithmetic3A_412 = arith.shrsi %add3A_409, %shift_right_arithmetic3A_411 : vector<16xi32>
      %parallel_loop3A_413 = arith.constant 0 : i32
      %parallel_loop3A_414 = arith.constant 128 : i32
      %parallel_loop3A_415 = arith.constant 1 : i32
      scf.for %parallel_loop3A_511 = %parallel_loop3A_413 to %parallel_loop3A_414 step %parallel_loop3A_415  : i32 {
        %parallel_loop3A_512 = vector.broadcast %parallel_loop3A_511 : i32 to vector<16xi32>
        %parallel_loop3A_513 = arith.index_cast %parallel_loop3A_511 : i32 to index
        %parallel_loop3A_514 = arith.constant 0 : index
        %parallel_loop3A_515 = tpu.vector_load %arg11[%parallel_loop3A_513, %parallel_loop3A_514] {strides = array<i32>} : memref<128x64xf32, #tpu.memory_space<vmem>>, vector<16xf32>,
        %parallel_loop3A_516 = arith.addf %parallel_loop3A_515, %get3A_379 : vector<16xf32>
        tpu.vector_store_idx %arg16[%shift_right_arithmetic3A_394, %and3A_4, %parallel_loop3A_512], %parallel_loop3A_516 : memref<8x8x129xf32, #tpu.memory_space<vmem>>[vector<16xi32>, vector<16xi32>, vector<16xi32>], vector<16xf32>,
        %parallel_loop3A_517 = arith.index_cast %parallel_loop3A_511 : i32 to index
        %parallel_loop3A_518 = arith.constant 16 : index
        %parallel_loop3A_519 = tpu.vector_load %arg11[%parallel_loop3A_517, %parallel_loop3A_518] {strides = array<i32>} : memref<128x64xf32, #tpu.memory_space<vmem>>, vector<16xf32>,
        %parallel_loop3A_520 = arith.addf %parallel_loop3A_519, %get3A_382 : vector<16xf32>
        tpu.vector_store_idx %arg16[%shift_right_arithmetic3A_400, %and3A_4, %parallel_loop3A_512], %parallel_loop3A_520 : memref<8x8x129xf32, #tpu.memory_space<vmem>>[vector<16xi32>, vector<16xi32>, vector<16xi32>], vector<16xf32>,
        %parallel_loop3A_521 = arith.index_cast %parallel_loop3A_511 : i32 to index
        %parallel_loop3A_522 = arith.constant 32 : index
        %parallel_loop3A_523 = tpu.vector_load %arg11[%parallel_loop3A_521, %parallel_loop3A_522] {strides = array<i32>} : memref<128x64xf32, #tpu.memory_space<vmem>>, vector<16xf32>,
        %parallel_loop3A_524 = arith.addf %parallel_loop3A_523, %get3A_385 : vector<16xf32>
        tpu.vector_store_idx %arg16[%shift_right_arithmetic3A_406, %and3A_4, %parallel_loop3A_512], %parallel_loop3A_524 : memref<8x8x129xf32, #tpu.memory_space<vmem>>[vector<16xi32>, vector<16xi32>, vector<16xi32>], vector<16xf32>,
        %parallel_loop3A_525 = arith.index_cast %parallel_loop3A_511 : i32 to index
        %parallel_loop3A_526 = arith.constant 48 : index
        %parallel_loop3A_527 = tpu.vector_load %arg11[%parallel_loop3A_525, %parallel_loop3A_526] {strides = array<i32>} : memref<128x64xf32, #tpu.memory_space<vmem>>, vector<16xf32>,
        %parallel_loop3A_528 = arith.addf %parallel_loop3A_527, %get3A_388 : vector<16xf32>
        tpu.vector_store_idx %arg16[%shift_right_arithmetic3A_412, %and3A_4, %parallel_loop3A_512], %parallel_loop3A_528 : memref<8x8x129xf32, #tpu.memory_space<vmem>>[vector<16xi32>, vector<16xi32>, vector<16xi32>], vector<16xf32>,
      } {sc.loop_unroll_factor = 16 : i64, sc.parallel_access}
      %dma_start3A_416 = arith.constant 0 : i32
      %dma_start3A_417 = arith.constant 0 : i32
      %dma_start3A_418 = arith.constant 0 : i32
      %dma_start3A_419 = tpu.memref_slice %arg16[%dma_start3A_416, %dma_start3A_417, %dma_start3A_418] : memref<8x8x129xf32, #tpu.memory_space<vmem>> -> memref<8x8x128xf32, #tpu.memory_space<vmem>>
      %dma_start3A_420 = arith.constant 0 : i32
      %dma_start3A_421 = arith.constant 0 : i32
      %dma_start3A_422 = arith.constant 0 : i32
      %dma_start3A_423 = tpu.memref_slice %arg5[%add3A_358, %dma_start3A_420, %add3A, %dma_start3A_421, %dma_start3A_422] : memref<200x8x32x8x128xf32, #tpu.memory_space<hbm>> -> memref<1x8x1x8x128xf32, #tpu.memory_space<hbm>>
      %dma_start3A_424 = tpu.memref_squeeze %dma_start3A_423 : memref<1x8x1x8x128xf32, #tpu.memory_space<hbm>> -> memref<8x8x128xf32, #tpu.memory_space<hbm>>
      %dma_start3A_425 = arith.constant 0 : i32
      %dma_start3A_426 = arith.constant 0 : i32
      %dma_start3A_427 = arith.constant 0 : i32
      %dma_start3A_428 = tpu.memref_slice %arg5[%add3A_358, %dma_start3A_425, %add3A, %dma_start3A_426, %dma_start3A_427] : memref<200x8x32x8x128xf32, #tpu.memory_space<hbm>> -> memref<1x8x1x8x128xf32, #tpu.memory_space<hbm>>
      %dma_start3A_429 = tpu.memref_squeeze %dma_start3A_428 : memref<1x8x1x8x128xf32, #tpu.memory_space<hbm>> -> memref<8x8x128xf32, #tpu.memory_space<hbm>>
      %dma_start3A_430 = arith.constant 0 : i32
      %dma_start3A_431 = arith.constant 0 : i32
      %dma_start3A_432 = arith.constant 0 : i32
      %dma_start3A_433 = tpu.memref_slice %arg16[%dma_start3A_430, %dma_start3A_431, %dma_start3A_432] : memref<8x8x129xf32, #tpu.memory_space<vmem>> -> memref<8x8x128xf32, #tpu.memory_space<vmem>>
      tpu.enqueue_dma source(%dma_start3A_433 : memref<8x8x128xf32, #tpu.memory_space<vmem>>) target(%dma_start3A_429 : memref<8x8x128xf32, #tpu.memory_space<hbm>>) target_semaphore(%arg26 : memref<!tpu.dma_semaphore, #tpu.memory_space<semaphore_mem>>)
      %add3A_434 = arith.constant 4 : i32
      %add3A_435 = arith.addi %add3A_132, %add3A_434 : i32
      %ge3A_436 = arith.constant 5 : i32
      %ge3A_437 = arith.cmpi sge, %add3A_435, %ge3A_436 : i32
      %convert_element_type3A_438 = arith.extui %ge3A_437 : i1 to i32
      %cond3A_439 = arith.constant 0 : i32
      %cond3A_440 = arith.cmpi ne, %convert_element_type3A_438, %cond3A_439 : i32
      scf.if %cond3A_440 {
        %dma_wait3A_511 = arith.constant 0 : i32
        %dma_wait3A_512 = arith.constant 0 : i32
        %dma_wait3A_513 = arith.constant 0 : i32
        %dma_wait3A_514 = arith.constant 0 : i32
        %dma_wait3A_515 = arith.constant 0 : i32
        %dma_wait3A_516 = tpu.memref_slice %arg17[%dma_wait3A_513, %dma_wait3A_514, %dma_wait3A_515] : memref<8x8x129xf32, #tpu.memory_space<vmem>> -> memref<8x8x128xf32, #tpu.memory_space<vmem>>
        %dma_wait3A_517 = arith.constant 0 : i32
        %dma_wait3A_518 = arith.constant 0 : i32
        %dma_wait3A_519 = arith.constant 0 : i32
        %dma_wait3A_520 = tpu.memref_slice %arg5[%dma_wait3A_511, %dma_wait3A_517, %dma_wait3A_512, %dma_wait3A_518, %dma_wait3A_519] : memref<200x8x32x8x128xf32, #tpu.memory_space<hbm>> -> memref<1x8x1x8x128xf32, #tpu.memory_space<hbm>>
        %dma_wait3A_521 = tpu.memref_squeeze %dma_wait3A_520 : memref<1x8x1x8x128xf32, #tpu.memory_space<hbm>> -> memref<8x8x128xf32, #tpu.memory_space<hbm>>
        %dma_wait3A_522 = arith.constant 0 : i32
        %dma_wait3A_523 = arith.constant 0 : i32
        %dma_wait3A_524 = arith.constant 0 : i32
        %dma_wait3A_525 = tpu.memref_slice %arg5[%dma_wait3A_511, %dma_wait3A_522, %dma_wait3A_512, %dma_wait3A_523, %dma_wait3A_524] : memref<200x8x32x8x128xf32, #tpu.memory_space<hbm>> -> memref<1x8x1x8x128xf32, #tpu.memory_space<hbm>>
        %dma_wait3A_526 = tpu.memref_squeeze %dma_wait3A_525 : memref<1x8x1x8x128xf32, #tpu.memory_space<hbm>> -> memref<8x8x128xf32, #tpu.memory_space<hbm>>
        %dma_wait3A_527 = arith.constant 0 : i32
        %dma_wait3A_528 = arith.constant 0 : i32
        %dma_wait3A_529 = arith.constant 0 : i32
        %dma_wait3A_530 = tpu.memref_slice %arg17[%dma_wait3A_527, %dma_wait3A_528, %dma_wait3A_529] : memref<8x8x129xf32, #tpu.memory_space<vmem>> -> memref<8x8x128xf32, #tpu.memory_space<vmem>>
        tpu.wait_dma2 semaphore(%arg27 : memref<!tpu.dma_semaphore, #tpu.memory_space<semaphore_mem>>) src(%dma_wait3A_530 : memref<8x8x128xf32, #tpu.memory_space<vmem>>) dst(%dma_wait3A_526 : memref<8x8x128xf32, #tpu.memory_space<hbm>>)
      } else {
      }
      %dma_wait3A_441 = arith.constant 0 : i32
      %dma_wait3A_442 = arith.constant 0 : i32
      %dma_wait3A_443 = tpu.memref_slice %arg3[%dma_wait3A_441, %dma_wait3A_442] : memref<100000x64xf32, #tpu.memory_space<hbm>> -> memref<128x64xf32, #tpu.memory_space<hbm>>
      %dma_wait3A_444 = arith.constant 0 : i32
      %dma_wait3A_445 = arith.constant 0 : i32
      %dma_wait3A_446 = tpu.memref_slice %arg3[%dma_wait3A_444, %dma_wait3A_445] : memref<100000x64xf32, #tpu.memory_space<hbm>> -> memref<128x64xf32, #tpu.memory_space<hbm>>
      tpu.wait_dma2 semaphore(%arg22 : memref<!tpu.dma_semaphore, #tpu.memory_space<semaphore_mem>>) src(%dma_wait3A_446 : memref<128x64xf32, #tpu.memory_space<hbm>>) dst(%arg12 : memref<128x64xf32, #tpu.memory_space<vmem>>)
      %add3A_447 = arith.constant 3 : i32
      %add3A_448 = arith.addi %add3A_435, %add3A_447 : i32
      %lt3A_449 = arith.constant 200 : i32
      %lt3A_450 = arith.cmpi slt, %add3A_448, %lt3A_449 : i32
      %convert_element_type3A_451 = arith.extui %lt3A_450 : i1 to i32
      %cond3A_452 = arith.constant 0 : i32
      %cond3A_453 = arith.cmpi ne, %convert_element_type3A_451, %cond3A_452 : i32
      scf.if %cond3A_453 {
        %add3A_511 = arith.constant 3 : i32
        %add3A_512 = arith.addi %add3A_435, %add3A_511 : i32
        %dma_start3A_513 = arith.constant 0 : i32
        %dma_start3A_514 = tpu.memref_slice %arg6[%add3A_512, %dma_start3A_513] : memref<200x128xi32, #tpu.memory_space<vmem>> -> memref<1x128xi32, #tpu.memory_space<vmem>>
        %dma_start3A_515 = tpu.memref_squeeze %dma_start3A_514 : memref<1x128xi32, #tpu.memory_space<vmem>> -> memref<128xi32, #tpu.memory_space<vmem>>
        %dma_start3A_516 = arith.constant 0 : i32
        %dma_start3A_517 = arith.constant 0 : i32
        %dma_start3A_518 = tpu.memref_slice %arg3[%dma_start3A_516, %dma_start3A_517] : memref<100000x64xf32, #tpu.memory_space<hbm>> -> memref<100000x64xf32, #tpu.memory_space<hbm>>
        tpu.enqueue_indirect_dma source(%dma_start3A_518 : memref<100000x64xf32, #tpu.memory_space<hbm>>) target(%arg10 : memref<128x64xf32, #tpu.memory_space<vmem>>) offsets(%dma_start3A_515 : memref<128xi32, #tpu.memory_space<vmem>>) semaphore(%arg20 : memref<!tpu.dma_semaphore, #tpu.memory_space<semaphore_mem>>)
      } else {
      }
      %get3A_454 = arith.index_cast %add3A_435 : i32 to index
      %get3A_455 = arith.constant 0 : index
      %get3A_456 = tpu.vector_load %arg7[%get3A_454, %get3A_455] {strides = array<i32>} : memref<200x64xf32, #tpu.memory_space<vmem>>, vector<16xf32>,
      %get3A_457 = arith.index_cast %add3A_435 : i32 to index
      %get3A_458 = arith.constant 16 : index
      %get3A_459 = tpu.vector_load %arg7[%get3A_457, %get3A_458] {strides = array<i32>} : memref<200x64xf32, #tpu.memory_space<vmem>>, vector<16xf32>,
      %get3A_460 = arith.index_cast %add3A_435 : i32 to index
      %get3A_461 = arith.constant 32 : index
      %get3A_462 = tpu.vector_load %arg7[%get3A_460, %get3A_461] {strides = array<i32>} : memref<200x64xf32, #tpu.memory_space<vmem>>, vector<16xf32>,
      %get3A_463 = arith.index_cast %add3A_435 : i32 to index
      %get3A_464 = arith.constant 48 : index
      %get3A_465 = tpu.vector_load %arg7[%get3A_463, %get3A_464] {strides = array<i32>} : memref<200x64xf32, #tpu.memory_space<vmem>>, vector<16xf32>,
      %add3A_466 = arith.constant 0 : i32
      %add3A_467 = vector.broadcast %add3A_466 : i32 to vector<16xi32>
      %add3A_468 = arith.addi %iota3A, %add3A_467 : vector<16xi32>
      %shift_right_arithmetic3A_469 = arith.constant 3 : i32
      %shift_right_arithmetic3A_470 = vector.broadcast %shift_right_arithmetic3A_469 : i32 to vector<16xi32>
      %shift_right_arithmetic3A_471 = arith.shrsi %add3A_468, %shift_right_arithmetic3A_470 : vector<16xi32>
      %add3A_472 = arith.constant 16 : i32
      %add3A_473 = vector.broadcast %add3A_472 : i32 to vector<16xi32>
      %add3A_474 = arith.addi %iota3A, %add3A_473 : vector<16xi32>
      %shift_right_arithmetic3A_475 = arith.constant 3 : i32
      %shift_right_arithmetic3A_476 = vector.broadcast %shift_right_arithmetic3A_475 : i32 to vector<16xi32>
      %shift_right_arithmetic3A_477 = arith.shrsi %add3A_474, %shift_right_arithmetic3A_476 : vector<16xi32>
      %add3A_478 = arith.constant 32 : i32
      %add3A_479 = vector.broadcast %add3A_478 : i32 to vector<16xi32>
      %add3A_480 = arith.addi %iota3A, %add3A_479 : vector<16xi32>
      %shift_right_arithmetic3A_481 = arith.constant 3 : i32
      %shift_right_arithmetic3A_482 = vector.broadcast %shift_right_arithmetic3A_481 : i32 to vector<16xi32>
      %shift_right_arithmetic3A_483 = arith.shrsi %add3A_480, %shift_right_arithmetic3A_482 : vector<16xi32>
      %add3A_484 = arith.constant 48 : i32
      %add3A_485 = vector.broadcast %add3A_484 : i32 to vector<16xi32>
      %add3A_486 = arith.addi %iota3A, %add3A_485 : vector<16xi32>
      %shift_right_arithmetic3A_487 = arith.constant 3 : i32
      %shift_right_arithmetic3A_488 = vector.broadcast %shift_right_arithmetic3A_487 : i32 to vector<16xi32>
      %shift_right_arithmetic3A_489 = arith.shrsi %add3A_486, %shift_right_arithmetic3A_488 : vector<16xi32>
      %parallel_loop3A_490 = arith.constant 0 : i32
      %parallel_loop3A_491 = arith.constant 128 : i32
      %parallel_loop3A_492 = arith.constant 1 : i32
      scf.for %parallel_loop3A_511 = %parallel_loop3A_490 to %parallel_loop3A_491 step %parallel_loop3A_492  : i32 {
        %parallel_loop3A_512 = vector.broadcast %parallel_loop3A_511 : i32 to vector<16xi32>
        %parallel_loop3A_513 = arith.index_cast %parallel_loop3A_511 : i32 to index
        %parallel_loop3A_514 = arith.constant 0 : index
        %parallel_loop3A_515 = tpu.vector_load %arg12[%parallel_loop3A_513, %parallel_loop3A_514] {strides = array<i32>} : memref<128x64xf32, #tpu.memory_space<vmem>>, vector<16xf32>,
        %parallel_loop3A_516 = arith.addf %parallel_loop3A_515, %get3A_456 : vector<16xf32>
        tpu.vector_store_idx %arg17[%shift_right_arithmetic3A_471, %and3A_4, %parallel_loop3A_512], %parallel_loop3A_516 : memref<8x8x129xf32, #tpu.memory_space<vmem>>[vector<16xi32>, vector<16xi32>, vector<16xi32>], vector<16xf32>,
        %parallel_loop3A_517 = arith.index_cast %parallel_loop3A_511 : i32 to index
        %parallel_loop3A_518 = arith.constant 16 : index
        %parallel_loop3A_519 = tpu.vector_load %arg12[%parallel_loop3A_517, %parallel_loop3A_518] {strides = array<i32>} : memref<128x64xf32, #tpu.memory_space<vmem>>, vector<16xf32>,
        %parallel_loop3A_520 = arith.addf %parallel_loop3A_519, %get3A_459 : vector<16xf32>
        tpu.vector_store_idx %arg17[%shift_right_arithmetic3A_477, %and3A_4, %parallel_loop3A_512], %parallel_loop3A_520 : memref<8x8x129xf32, #tpu.memory_space<vmem>>[vector<16xi32>, vector<16xi32>, vector<16xi32>], vector<16xf32>,
        %parallel_loop3A_521 = arith.index_cast %parallel_loop3A_511 : i32 to index
        %parallel_loop3A_522 = arith.constant 32 : index
        %parallel_loop3A_523 = tpu.vector_load %arg12[%parallel_loop3A_521, %parallel_loop3A_522] {strides = array<i32>} : memref<128x64xf32, #tpu.memory_space<vmem>>, vector<16xf32>,
        %parallel_loop3A_524 = arith.addf %parallel_loop3A_523, %get3A_462 : vector<16xf32>
        tpu.vector_store_idx %arg17[%shift_right_arithmetic3A_483, %and3A_4, %parallel_loop3A_512], %parallel_loop3A_524 : memref<8x8x129xf32, #tpu.memory_space<vmem>>[vector<16xi32>, vector<16xi32>, vector<16xi32>], vector<16xf32>,
        %parallel_loop3A_525 = arith.index_cast %parallel_loop3A_511 : i32 to index
        %parallel_loop3A_526 = arith.constant 48 : index
        %parallel_loop3A_527 = tpu.vector_load %arg12[%parallel_loop3A_525, %parallel_loop3A_526] {strides = array<i32>} : memref<128x64xf32, #tpu.memory_space<vmem>>, vector<16xf32>,
        %parallel_loop3A_528 = arith.addf %parallel_loop3A_527, %get3A_465 : vector<16xf32>
        tpu.vector_store_idx %arg17[%shift_right_arithmetic3A_489, %and3A_4, %parallel_loop3A_512], %parallel_loop3A_528 : memref<8x8x129xf32, #tpu.memory_space<vmem>>[vector<16xi32>, vector<16xi32>, vector<16xi32>], vector<16xf32>,
      } {sc.loop_unroll_factor = 16 : i64, sc.parallel_access}
      %dma_start3A_493 = arith.constant 0 : i32
      %dma_start3A_494 = arith.constant 0 : i32
      %dma_start3A_495 = arith.constant 0 : i32
      %dma_start3A_496 = tpu.memref_slice %arg17[%dma_start3A_493, %dma_start3A_494, %dma_start3A_495] : memref<8x8x129xf32, #tpu.memory_space<vmem>> -> memref<8x8x128xf32, #tpu.memory_space<vmem>>
      %dma_start3A_497 = arith.constant 0 : i32
      %dma_start3A_498 = arith.constant 0 : i32
      %dma_start3A_499 = arith.constant 0 : i32
      %dma_start3A_500 = tpu.memref_slice %arg5[%add3A_435, %dma_start3A_497, %add3A, %dma_start3A_498, %dma_start3A_499] : memref<200x8x32x8x128xf32, #tpu.memory_space<hbm>> -> memref<1x8x1x8x128xf32, #tpu.memory_space<hbm>>
      %dma_start3A_501 = tpu.memref_squeeze %dma_start3A_500 : memref<1x8x1x8x128xf32, #tpu.memory_space<hbm>> -> memref<8x8x128xf32, #tpu.memory_space<hbm>>
      %dma_start3A_502 = arith.constant 0 : i32
      %dma_start3A_503 = arith.constant 0 : i32
      %dma_start3A_504 = arith.constant 0 : i32
      %dma_start3A_505 = tpu.memref_slice %arg5[%add3A_435, %dma_start3A_502, %add3A, %dma_start3A_503, %dma_start3A_504] : memref<200x8x32x8x128xf32, #tpu.memory_space<hbm>> -> memref<1x8x1x8x128xf32, #tpu.memory_space<hbm>>
      %dma_start3A_506 = tpu.memref_squeeze %dma_start3A_505 : memref<1x8x1x8x128xf32, #tpu.memory_space<hbm>> -> memref<8x8x128xf32, #tpu.memory_space<hbm>>
      %dma_start3A_507 = arith.constant 0 : i32
      %dma_start3A_508 = arith.constant 0 : i32
      %dma_start3A_509 = arith.constant 0 : i32
      %dma_start3A_510 = tpu.memref_slice %arg17[%dma_start3A_507, %dma_start3A_508, %dma_start3A_509] : memref<8x8x129xf32, #tpu.memory_space<vmem>> -> memref<8x8x128xf32, #tpu.memory_space<vmem>>
      tpu.enqueue_dma source(%dma_start3A_510 : memref<8x8x128xf32, #tpu.memory_space<vmem>>) target(%dma_start3A_506 : memref<8x8x128xf32, #tpu.memory_space<hbm>>) target_semaphore(%arg27 : memref<!tpu.dma_semaphore, #tpu.memory_space<semaphore_mem>>)
    }
    %scan3A_28 = arith.constant 40 : i32
    %dma_wait3A = arith.constant 0 : i32
    %dma_wait3A_29 = arith.constant 0 : i32
    %dma_wait3A_30 = arith.constant 0 : i32
    %dma_wait3A_31 = arith.constant 0 : i32
    %dma_wait3A_32 = arith.constant 0 : i32
    %dma_wait3A_33 = tpu.memref_slice %arg13[%dma_wait3A_30, %dma_wait3A_31, %dma_wait3A_32] : memref<8x8x129xf32, #tpu.memory_space<vmem>> -> memref<8x8x128xf32, #tpu.memory_space<vmem>>
    %dma_wait3A_34 = arith.constant 0 : i32
    %dma_wait3A_35 = arith.constant 0 : i32
    %dma_wait3A_36 = arith.constant 0 : i32
    %dma_wait3A_37 = tpu.memref_slice %arg5[%dma_wait3A, %dma_wait3A_34, %dma_wait3A_29, %dma_wait3A_35, %dma_wait3A_36] : memref<200x8x32x8x128xf32, #tpu.memory_space<hbm>> -> memref<1x8x1x8x128xf32, #tpu.memory_space<hbm>>
    %dma_wait3A_38 = tpu.memref_squeeze %dma_wait3A_37 : memref<1x8x1x8x128xf32, #tpu.memory_space<hbm>> -> memref<8x8x128xf32, #tpu.memory_space<hbm>>
    %dma_wait3A_39 = arith.constant 0 : i32
    %dma_wait3A_40 = arith.constant 0 : i32
    %dma_wait3A_41 = arith.constant 0 : i32
    %dma_wait3A_42 = tpu.memref_slice %arg5[%dma_wait3A, %dma_wait3A_39, %dma_wait3A_29, %dma_wait3A_40, %dma_wait3A_41] : memref<200x8x32x8x128xf32, #tpu.memory_space<hbm>> -> memref<1x8x1x8x128xf32, #tpu.memory_space<hbm>>
    %dma_wait3A_43 = tpu.memref_squeeze %dma_wait3A_42 : memref<1x8x1x8x128xf32, #tpu.memory_space<hbm>> -> memref<8x8x128xf32, #tpu.memory_space<hbm>>
    %dma_wait3A_44 = arith.constant 0 : i32
    %dma_wait3A_45 = arith.constant 0 : i32
    %dma_wait3A_46 = arith.constant 0 : i32
    %dma_wait3A_47 = tpu.memref_slice %arg13[%dma_wait3A_44, %dma_wait3A_45, %dma_wait3A_46] : memref<8x8x129xf32, #tpu.memory_space<vmem>> -> memref<8x8x128xf32, #tpu.memory_space<vmem>>
    tpu.wait_dma2 semaphore(%arg23 : memref<!tpu.dma_semaphore, #tpu.memory_space<semaphore_mem>>) src(%dma_wait3A_47 : memref<8x8x128xf32, #tpu.memory_space<vmem>>) dst(%dma_wait3A_43 : memref<8x8x128xf32, #tpu.memory_space<hbm>>)
    %dma_wait3A_48 = arith.constant 0 : i32
    %dma_wait3A_49 = arith.constant 0 : i32
    %dma_wait3A_50 = arith.constant 0 : i32
    %dma_wait3A_51 = arith.constant 0 : i32
    %dma_wait3A_52 = arith.constant 0 : i32
    %dma_wait3A_53 = tpu.memref_slice %arg14[%dma_wait3A_50, %dma_wait3A_51, %dma_wait3A_52] : memref<8x8x129xf32, #tpu.memory_space<vmem>> -> memref<8x8x128xf32, #tpu.memory_space<vmem>>
    %dma_wait3A_54 = arith.constant 0 : i32
    %dma_wait3A_55 = arith.constant 0 : i32
    %dma_wait3A_56 = arith.constant 0 : i32
    %dma_wait3A_57 = tpu.memref_slice %arg5[%dma_wait3A_48, %dma_wait3A_54, %dma_wait3A_49, %dma_wait3A_55, %dma_wait3A_56] : memref<200x8x32x8x128xf32, #tpu.memory_space<hbm>> -> memref<1x8x1x8x128xf32, #tpu.memory_space<hbm>>
    %dma_wait3A_58 = tpu.memref_squeeze %dma_wait3A_57 : memref<1x8x1x8x128xf32, #tpu.memory_space<hbm>> -> memref<8x8x128xf32, #tpu.memory_space<hbm>>
    %dma_wait3A_59 = arith.constant 0 : i32
    %dma_wait3A_60 = arith.constant 0 : i32
    %dma_wait3A_61 = arith.constant 0 : i32
    %dma_wait3A_62 = tpu.memref_slice %arg5[%dma_wait3A_48, %dma_wait3A_59, %dma_wait3A_49, %dma_wait3A_60, %dma_wait3A_61] : memref<200x8x32x8x128xf32, #tpu.memory_space<hbm>> -> memref<1x8x1x8x128xf32, #tpu.memory_space<hbm>>
    %dma_wait3A_63 = tpu.memref_squeeze %dma_wait3A_62 : memref<1x8x1x8x128xf32, #tpu.memory_space<hbm>> -> memref<8x8x128xf32, #tpu.memory_space<hbm>>
    %dma_wait3A_64 = arith.constant 0 : i32
    %dma_wait3A_65 = arith.constant 0 : i32
    %dma_wait3A_66 = arith.constant 0 : i32
    %dma_wait3A_67 = tpu.memref_slice %arg14[%dma_wait3A_64, %dma_wait3A_65, %dma_wait3A_66] : memref<8x8x129xf32, #tpu.memory_space<vmem>> -> memref<8x8x128xf32, #tpu.memory_space<vmem>>
    tpu.wait_dma2 semaphore(%arg24 : memref<!tpu.dma_semaphore, #tpu.memory_space<semaphore_mem>>) src(%dma_wait3A_67 : memref<8x8x128xf32, #tpu.memory_space<vmem>>) dst(%dma_wait3A_63 : memref<8x8x128xf32, #tpu.memory_space<hbm>>)
    %dma_wait3A_68 = arith.constant 0 : i32
    %dma_wait3A_69 = arith.constant 0 : i32
    %dma_wait3A_70 = arith.constant 0 : i32
    %dma_wait3A_71 = arith.constant 0 : i32
    %dma_wait3A_72 = arith.constant 0 : i32
    %dma_wait3A_73 = tpu.memref_slice %arg15[%dma_wait3A_70, %dma_wait3A_71, %dma_wait3A_72] : memref<8x8x129xf32, #tpu.memory_space<vmem>> -> memref<8x8x128xf32, #tpu.memory_space<vmem>>
    %dma_wait3A_74 = arith.constant 0 : i32
    %dma_wait3A_75 = arith.constant 0 : i32
    %dma_wait3A_76 = arith.constant 0 : i32
    %dma_wait3A_77 = tpu.memref_slice %arg5[%dma_wait3A_68, %dma_wait3A_74, %dma_wait3A_69, %dma_wait3A_75, %dma_wait3A_76] : memref<200x8x32x8x128xf32, #tpu.memory_space<hbm>> -> memref<1x8x1x8x128xf32, #tpu.memory_space<hbm>>
    %dma_wait3A_78 = tpu.memref_squeeze %dma_wait3A_77 : memref<1x8x1x8x128xf32, #tpu.memory_space<hbm>> -> memref<8x8x128xf32, #tpu.memory_space<hbm>>
    %dma_wait3A_79 = arith.constant 0 : i32
    %dma_wait3A_80 = arith.constant 0 : i32
    %dma_wait3A_81 = arith.constant 0 : i32
    %dma_wait3A_82 = tpu.memref_slice %arg5[%dma_wait3A_68, %dma_wait3A_79, %dma_wait3A_69, %dma_wait3A_80, %dma_wait3A_81] : memref<200x8x32x8x128xf32, #tpu.memory_space<hbm>> -> memref<1x8x1x8x128xf32, #tpu.memory_space<hbm>>
    %dma_wait3A_83 = tpu.memref_squeeze %dma_wait3A_82 : memref<1x8x1x8x128xf32, #tpu.memory_space<hbm>> -> memref<8x8x128xf32, #tpu.memory_space<hbm>>
    %dma_wait3A_84 = arith.constant 0 : i32
    %dma_wait3A_85 = arith.constant 0 : i32
    %dma_wait3A_86 = arith.constant 0 : i32
    %dma_wait3A_87 = tpu.memref_slice %arg15[%dma_wait3A_84, %dma_wait3A_85, %dma_wait3A_86] : memref<8x8x129xf32, #tpu.memory_space<vmem>> -> memref<8x8x128xf32, #tpu.memory_space<vmem>>
    tpu.wait_dma2 semaphore(%arg25 : memref<!tpu.dma_semaphore, #tpu.memory_space<semaphore_mem>>) src(%dma_wait3A_87 : memref<8x8x128xf32, #tpu.memory_space<vmem>>) dst(%dma_wait3A_83 : memref<8x8x128xf32, #tpu.memory_space<hbm>>)
    %dma_wait3A_88 = arith.constant 0 : i32
    %dma_wait3A_89 = arith.constant 0 : i32
    %dma_wait3A_90 = arith.constant 0 : i32
    %dma_wait3A_91 = arith.constant 0 : i32
    %dma_wait3A_92 = arith.constant 0 : i32
    %dma_wait3A_93 = tpu.memref_slice %arg16[%dma_wait3A_90, %dma_wait3A_91, %dma_wait3A_92] : memref<8x8x129xf32, #tpu.memory_space<vmem>> -> memref<8x8x128xf32, #tpu.memory_space<vmem>>
    %dma_wait3A_94 = arith.constant 0 : i32
    %dma_wait3A_95 = arith.constant 0 : i32
    %dma_wait3A_96 = arith.constant 0 : i32
    %dma_wait3A_97 = tpu.memref_slice %arg5[%dma_wait3A_88, %dma_wait3A_94, %dma_wait3A_89, %dma_wait3A_95, %dma_wait3A_96] : memref<200x8x32x8x128xf32, #tpu.memory_space<hbm>> -> memref<1x8x1x8x128xf32, #tpu.memory_space<hbm>>
    %dma_wait3A_98 = tpu.memref_squeeze %dma_wait3A_97 : memref<1x8x1x8x128xf32, #tpu.memory_space<hbm>> -> memref<8x8x128xf32, #tpu.memory_space<hbm>>
    %dma_wait3A_99 = arith.constant 0 : i32
    %dma_wait3A_100 = arith.constant 0 : i32
    %dma_wait3A_101 = arith.constant 0 : i32
    %dma_wait3A_102 = tpu.memref_slice %arg5[%dma_wait3A_88, %dma_wait3A_99, %dma_wait3A_89, %dma_wait3A_100, %dma_wait3A_101] : memref<200x8x32x8x128xf32, #tpu.memory_space<hbm>> -> memref<1x8x1x8x128xf32, #tpu.memory_space<hbm>>
    %dma_wait3A_103 = tpu.memref_squeeze %dma_wait3A_102 : memref<1x8x1x8x128xf32, #tpu.memory_space<hbm>> -> memref<8x8x128xf32, #tpu.memory_space<hbm>>
    %dma_wait3A_104 = arith.constant 0 : i32
    %dma_wait3A_105 = arith.constant 0 : i32
    %dma_wait3A_106 = arith.constant 0 : i32
    %dma_wait3A_107 = tpu.memref_slice %arg16[%dma_wait3A_104, %dma_wait3A_105, %dma_wait3A_106] : memref<8x8x129xf32, #tpu.memory_space<vmem>> -> memref<8x8x128xf32, #tpu.memory_space<vmem>>
    tpu.wait_dma2 semaphore(%arg26 : memref<!tpu.dma_semaphore, #tpu.memory_space<semaphore_mem>>) src(%dma_wait3A_107 : memref<8x8x128xf32, #tpu.memory_space<vmem>>) dst(%dma_wait3A_103 : memref<8x8x128xf32, #tpu.memory_space<hbm>>)
    %dma_wait3A_108 = arith.constant 0 : i32
    %dma_wait3A_109 = arith.constant 0 : i32
    %dma_wait3A_110 = arith.constant 0 : i32
    %dma_wait3A_111 = arith.constant 0 : i32
    %dma_wait3A_112 = arith.constant 0 : i32
    %dma_wait3A_113 = tpu.memref_slice %arg17[%dma_wait3A_110, %dma_wait3A_111, %dma_wait3A_112] : memref<8x8x129xf32, #tpu.memory_space<vmem>> -> memref<8x8x128xf32, #tpu.memory_space<vmem>>
    %dma_wait3A_114 = arith.constant 0 : i32
    %dma_wait3A_115 = arith.constant 0 : i32
    %dma_wait3A_116 = arith.constant 0 : i32
    %dma_wait3A_117 = tpu.memref_slice %arg5[%dma_wait3A_108, %dma_wait3A_114, %dma_wait3A_109, %dma_wait3A_115, %dma_wait3A_116] : memref<200x8x32x8x128xf32, #tpu.memory_space<hbm>> -> memref<1x8x1x8x128xf32, #tpu.memory_space<hbm>>
    %dma_wait3A_118 = tpu.memref_squeeze %dma_wait3A_117 : memref<1x8x1x8x128xf32, #tpu.memory_space<hbm>> -> memref<8x8x128xf32, #tpu.memory_space<hbm>>
    %dma_wait3A_119 = arith.constant 0 : i32
    %dma_wait3A_120 = arith.constant 0 : i32
    %dma_wait3A_121 = arith.constant 0 : i32
    %dma_wait3A_122 = tpu.memref_slice %arg5[%dma_wait3A_108, %dma_wait3A_119, %dma_wait3A_109, %dma_wait3A_120, %dma_wait3A_121] : memref<200x8x32x8x128xf32, #tpu.memory_space<hbm>> -> memref<1x8x1x8x128xf32, #tpu.memory_space<hbm>>
    %dma_wait3A_123 = tpu.memref_squeeze %dma_wait3A_122 : memref<1x8x1x8x128xf32, #tpu.memory_space<hbm>> -> memref<8x8x128xf32, #tpu.memory_space<hbm>>
    %dma_wait3A_124 = arith.constant 0 : i32
    %dma_wait3A_125 = arith.constant 0 : i32
    %dma_wait3A_126 = arith.constant 0 : i32
    %dma_wait3A_127 = tpu.memref_slice %arg17[%dma_wait3A_124, %dma_wait3A_125, %dma_wait3A_126] : memref<8x8x129xf32, #tpu.memory_space<vmem>> -> memref<8x8x128xf32, #tpu.memory_space<vmem>>
    tpu.wait_dma2 semaphore(%arg27 : memref<!tpu.dma_semaphore, #tpu.memory_space<semaphore_mem>>) src(%dma_wait3A_127 : memref<8x8x128xf32, #tpu.memory_space<vmem>>) dst(%dma_wait3A_123 : memref<8x8x128xf32, #tpu.memory_space<hbm>>)
    return
  }
}

</mosaic_0001>

<sc_bundles>
// kernel: kernel.3.cloned.1.call-start
scs
__scs_entry_jumppad:
0x0: {  	(pc) =	sbr.rel $0x88, $3  }
0x1: {  	(tag) =	ssettag $0x0;
	lr =	simm.s32 $0x1  }
0x2: {  	[smem:$0x3F9E] =	sst lr;
	_ =	strace $0xD0000000  }
0x3: {  	_ = 	snop  }
0x4: {  	_ = 	snop  }
0x5: {  	_ = 	snop  }
0x6: {  	_ = 	snop  }
0x7: {  	_ = 	snop  }
__scs_overlays_trampoline_lowered:
0x8: {  	[smem:$0x3FAD] =	sst s0  }
0x9: {  	[smem:$0x3FAE] =	sst s1  }
0xa: {  	[smem:$0x3FAF] =	sst s2  }
0xb: {  	[smem:$0x3FB0] =	sst s3  }
0xc: {  	[smem:$0x3FB1] =	sst s4  }
0xd: {  	[smem:$0x3FB2] =	sst s5  }
0xe: {  	[smem:$0x3FB3] =	sst s6  }
0xf: {  	[smem:$0x3FB4] =	sst s7  }
0x10: {  	[smem:$0x3FB5] =	sst s8  }
0x11: {  	[smem:$0x3FB6] =	sst s9;
	s0 =	simm.s32 @!p0 $0x0  }
0x12: {  	s1 =	sld [smem:$0x3F9C];
	s0 =	simm.s32 @p0 $0x1  }
0x13: {  	[smem:$0x3FB7] =	sst s0;
	s0 =	simm.s32 @!p1 $0x0  }
0x14: {  	s2 =	sld [smem:$0x3F9B];
	s0 =	simm.s32 @p1 $0x1  }
0x15: {  	[smem:$0x3FB8] =	sst s0;
	s0 =	simm.s32 @!p2 $0x0  }
0x16: {  	s3 =	sld [smem:$0x3FDB];
	s0 =	simm.s32 @p2 $0x1  }
0x17: {  	s4 =	simm.s32 $0x1BF5;
	[smem:$0x3FBA] =	sst s0  }
0x18: {  	s0 =	sld [smem:$0x3F9D];
	_ =	swait.ge [sflag:s4], $0x0  }
0x19: {  	s7 =	sld [smem:$0x3F9E]  }
0x1a: {  	s8 =	sadd.s32 $0xFFFFE003, lr  }
0x1b: {  	s9 =	sadd.s32 $0xFFFFFEF7, lr;
	s5 =	simm.s32 $0xFFFFFFFF;
	p2 =	slt.u32 s8, $0xFFFFF086  }
0x1c: {  	p1 =	slt.u32 s9, $0xF7A;
	s5 =	simm.s32 @!p2 $0x0  }
0x1d: {  	s5 =	simm.s32 @p1 $0x1;
	p0 =	seq.s32 s7, s2  }
0x1e: {  	s7 =	smul.u32 @!p0 $0xF7A, s2;
	p2 =	seq.s32 @!p0 s5, $0x0  }
0x1f: {  	s9 =	smul.u32 $0xF7A, s1;
	s8 =	simm.s32 @!p0 $0x1BF5;
	p2 =	por !p2, p0  }
0x20: {  	[sflag:s8] =	ssyncset.s32 @!p0 $0xFFFFF086;
	s6 =	sadd.s32 @!p0 s3, s7;
	s7 =	simm.s32 @!p0 $0x108  }
0x21: {  	s3 =	sadd.s32 s3, s9;
	s6 =	sadd.s32 @!p0 $0x88, s6;
	s7 =	simm.s32 @p2 $0x1082  }
0x22: {  	[simem:s7], [sflag:s8] =	dma.local @!p0 [hbm:s6], $0xF7A  }
0x23: {  	s9 =	sor.u32 $0xD0000000, s2;
	s6 =	simm.s32 $0x108;
	_ =	swait.ge @!p0 [sflag:s8], $0x0  }
0x24: {  	s3 =	sadd.s32 $0x88, s3;
	s6 =	simm.s32 @!p1 $0x1082;
	[sflag:s4] =	ssyncset.s32 $0xFFFFF086  }
0x25: {  	[simem:s6], [sflag:s4] =	dma.local [hbm:s3], $0xF7A  }
0x26: {  	[smem:$0x3F9E] =	sst s1;
	(tag) =	ssettag s2;
	_ =	strace s9  }
0x27: {  	s1 =	sld [smem:$0x3FAE]  }
0x28: {  	s2 =	sld [smem:$0x3FAF]  }
0x29: {  	s4 =	sld [smem:$0x3FB1]  }
0x2a: {  	p0 =	seq.s32 s5, $0x0;
	s5 =	sld [smem:$0x3FB2]  }
0x2b: {  	s6 =	sld [smem:$0x3FB3]  }
0x2c: {  	s7 =	sld [smem:$0x3FB4]  }
0x2d: {  	s3 =	simm.s32 $0x108;
	s8 =	sld [smem:$0x3FB5]  }
0x2e: {  	s3 =	simm.s32 @!p0 $0x1082;
	s9 =	sld [smem:$0x3FB6]  }
0x2f: {  	lr =	sadd.s32 s0, s3;
	s0 =	sld [smem:$0x3FAD]  }
0x30: {  	s3 =	sld [smem:$0x3FB0]  }
0x31: {  	[smem:$0x3FB9] =	sst s10  }
0x32: {  	s10 =	sld [smem:$0x3FB7];
	_ =	sdelay $0x3  }
0x33: {  	p0 =	seq.s32 s10, $0x1;
	s10 =	sld [smem:$0x3FB9];
	_ =	sdelay $0x3  }
0x34: {  	[smem:$0x3FB9] =	sst s10  }
0x35: {  	s10 =	sld [smem:$0x3FB8];
	_ =	sdelay $0x3  }
0x36: {  	p1 =	seq.s32 s10, $0x1;
	s10 =	sld [smem:$0x3FB9];
	_ =	sdelay $0x3  }
0x37: {  	[smem:$0x3FB9] =	sst s10  }
0x38: {  	s10 =	sld [smem:$0x3FBA]  }
0x39: {  	_ = 	snop;
	(pc) =	sbr.ind lr, $3  }
0x3a: {  	_ = 	snop  }
0x3b: {  	_ = 	snop  }
0x3c: {  	p2 =	seq.s32 s10, $0x1;
	s10 =	sld [smem:$0x3FB9]  }
0x3d: {  	_ =	shalt  }
0x3e: {  	_ =	shalt  }
0x3f: {  	_ =	shalt  }
0x40: {  	_ =	shalt  }
0x41: {  	_ =	shalt  }
0x42: {  	_ =	shalt  }
0x43: {  	_ =	shalt  }
0x44: {  	_ =	shalt  }
0x45: {  	_ =	shalt  }
0x46: {  	_ =	shalt  }
0x47: {  	_ =	shalt  }
0x48: {  	_ =	shalt  }
0x49: {  	_ =	shalt  }
0x4a: {  	_ =	shalt  }
0x4b: {  	_ =	shalt  }
0x4c: {  	_ =	shalt  }
0x4d: {  	_ =	shalt  }
0x4e: {  	_ =	shalt  }
0x4f: {  	_ =	shalt  }
0x50: {  	_ =	shalt  }
0x51: {  	_ =	shalt  }
0x52: {  	_ =	shalt  }
0x53: {  	_ =	shalt  }
0x54: {  	_ =	shalt  }
0x55: {  	_ =	shalt  }
0x56: {  	_ =	shalt  }
0x57: {  	_ =	shalt  }
0x58: {  	_ =	shalt  }
0x59: {  	_ =	shalt  }
0x5a: {  	_ =	shalt  }
0x5b: {  	_ =	shalt  }
0x5c: {  	_ =	shalt  }
0x5d: {  	_ =	shalt  }
0x5e: {  	_ =	shalt  }
0x5f: {  	_ =	shalt  }
0x60: {  	_ =	shalt  }
0x61: {  	_ =	shalt  }
0x62: {  	_ =	shalt  }
0x63: {  	_ =	shalt  }
0x64: {  	_ =	shalt  }
0x65: {  	_ =	shalt  }
0x66: {  	_ =	shalt  }
0x67: {  	_ =	shalt  }
0x68: {  	_ =	shalt  }
0x69: {  	_ =	shalt  }
0x6a: {  	_ =	shalt  }
0x6b: {  	_ =	shalt  }
0x6c: {  	_ =	shalt  }
0x6d: {  	_ =	shalt  }
0x6e: {  	_ =	shalt  }
0x6f: {  	_ =	shalt  }
0x70: {  	_ =	shalt  }
0x71: {  	_ =	shalt  }
0x72: {  	_ =	shalt  }
0x73: {  	_ =	shalt  }
0x74: {  	_ =	shalt  }
0x75: {  	_ =	shalt  }
0x76: {  	_ =	shalt  }
0x77: {  	_ =	shalt  }
0x78: {  	_ =	shalt  }
0x79: {  	_ =	shalt  }
0x7a: {  	_ =	shalt  }
0x7b: {  	_ =	shalt  }
0x7c: {  	_ =	shalt  }
0x7d: {  	_ =	shalt  }
0x7e: {  	_ =	shalt  }
0x7f: {  	_ =	shalt  }
0x80: {  	_ =	shalt  }
0x81: {  	_ =	shalt  }
0x82: {  	_ =	shalt  }
0x83: {  	_ =	shalt  }
0x84: {  	_ =	shalt  }
0x85: {  	_ =	shalt  }
0x86: {  	_ =	shalt  }
0x87: {  	_ =	shalt  }
.Lfunc_end0:
.L_simem_size_0:
called_computation_lowered:
.L_overlay_start_0:
0x88: {  	s2 =	sld [smem:$0x3FD9]  }
0x89: {  	s3 =	sld [smem:$0x3FFE];
	_ =	sdelay $0x1  }
0x8a: {  	s1 =	srdreg.scid  }
0x8b: {  	s0 =	sand.u32 $0x1, s1  }
0x8c: {  	s17 =	sshll.u32 s0, $0xA;
	s2 =	sadd.s32 s3, s2  }
0x8d: {  	s2 =	sadd.s32 s2, s17  }
0x8e: {  	[smem:$0x3FC5] =	sst s2  }
0x8f: {  	_ = 	snop  }
0x90: {  	s2 =	sld [smem:$0x3FD0];
	(tm) =	ssettm $0x1  }
0x91: {  	s18 =	sld [smem:$0x3FFB];
	_ =	sdelay $0x3  }
0x92: {  	_ =	strace s18  }
0x93: {  	s3 =	sld [smem:$0x3FFC];
	_ =	sdelay $0x3  }
0x94: {  	_ =	strace s3  }
0x95: {  	s3 =	sld [smem:$0x3FFD];
	_ =	sdelay $0x3  }
0x96: {  	_ =	strace s3  }
0x97: {  	_ =	strace $0x8FFFFFFF  }
0x98: {  	s19 =	sld [smem:$0x3FDB];
	_ =	sdelay $0x1  }
0x99: {  	s4 =	simm.s32 $_scs_section_size  }
0x9a: {  	s5 =	simm.s32 $_size__tile_overlayer_lowered;
	s6 =	simm.s32 $_tile_overlayer_lowered  }
0x9b: {  	s22 =	simm.s32 $0x1BFF;
	s21 =	sshll.u32 s6, $0x1;
	s3 =	sadd.s32 s4, s19  }
0x9c: {  	s7 =	simm.s32 $0x0;
	s20 =	sshll.u32 s5, $0x1;
	s5 =	sadd.s32 s21, s3  }
0x9d: {  	[timem:s7], [sflag:s22] =	dma.local [hbm:s5], s20  }
0x9e: {  	_ =	swait.ge [sflag:s22], s20  }
0x9f: {  	s4 =	ssub.s32 $0x0, s20;
	[sflag:s22] =	ssyncset.done $0x0  }
0xa0: {  	[sflag:s22] =	ssyncadd.s32 s4;
	_ =	sdelay $0x1  }
0xa1: {  	s23 =	simm.s32 $0x1B8B  }
0xa2: {  	_ =	swait.ge [sflag:s23], $0x1  }
0xa3: {  	[sflag:s23] =	ssyncset.done $0x0  }
0xa4: {  	s25 =	simm.s32 $0x1B8E;
	s24 =	sld [smem:$0x3FFE];
	[sflag:s23] =	ssyncadd.s32 $0xFFFFFFFF  }
0xa5: {  	s26 =	simm.s32 $execute0_lowered;
	[smem:$0x3FD2] =	sst s25  }
0xa6: {  	s5 =	sshll.u32 s26, $0x1;
	_ =	strace $0x80000046;
	[dreg:$0x1] =	wrdreg $0xFFFFFFFF  }
0xa7: {  	s28 =	simm.s32 $_size_execute0_lowered;
	s3 =	sadd.s32 s3, s5;
	[dreg:$0x0] =	wrdreg $0x0  }
0xa8: {  	s5 =	sshll.u32 s28, $0x1;
	[dreg:$0x2] =	wrdreg s3  }
0xa9: {  	[dreg:$0x3] =	wrdreg s5  }
0xaa: {  	[dreg:$0x4] =	wrdreg $0xC0  }
0xab: {  	_ =	task [dreg:s7], $0x5FFFF  }
0xac: {  	[dreg:$0x1] =	wrdreg $0xFFFFFFFF  }
0xad: {  	[dreg:$0x0] =	wrdreg $0x60  }
0xae: {  	[dreg:$0x2] =	wrdreg s24  }
0xaf: {  	[dreg:$0x3] =	wrdreg s2  }
0xb0: {  	[dreg:$0x4] =	wrdreg $0x9  }
0xb1: {  	_ =	task.clear_ibuf [dreg:s7], $0x5FFFF;
	_ =	strace $0x90000046  }
0xb2: {  	s29 =	simm.s32 $0x9;
	_ =	strace $0x80000048  }
0xb3: {  	_ =	swait.ge [sflag:s29], $0x1  }
0xb4: {  	[sflag:s29] =	ssyncadd.s32 $0xFFFFFFFF  }
0xb5: {  	_ =	strace $0x90000048  }
0xb6: {  	_ =	sfence  }
0xb7: {  	s30 =	sld [smem:$0x0];
	_ =	sdelay $0x2  }
0xb8: {  	s31 =	sshll.u32 s1, $0xD;
	s1 =	sshrl.u32 s1, $0x2  }
0xb9: {  	s3 =	sand.u32 $0x4000, s31;
	s1 =	sadd.s32 s1, s30  }
0xba: {  	s0 =	sor.u32 s3, s0;
	s1 =	sshll.u32 s1, $0x11  }
0xbb: {  	s0 =	sor.u32 s1, s0  }
0xbc: {  	s0 =	sadd.s32 $0x8F2B, s0  }
0xbd: {  	[sflag:s0] =	ssyncadd.remote.s32 $0x1  }
0xbe: {  	_ =	sfence.sel $0xFFFF  }
0xbf: {  	[dreg:$0x0] =	wrdreg $0xFFFFFFFF;
	(pc) =	sbr.abs _section_cstart, $3  }
0xc0: {  	[dreg:$0x1] =	wrdreg $0xFFFFFFFF  }
0xc1: {  	_ =	task.clear_ibuf [dreg:s7], $0x2FFFF;
	_ =	strace $0x9FFFFFFF  }
0xc2: {  	(tm) =	ssettm $0x7FFFFFFF  }
0xc3: {  	_ =	shalt  }
tec
execute0_lowered:
.L_overlay_start_1:
0x0: {  	(tag) =	ssettag $0x1  }
0x1: {  	s3 =	stileid.u32;
	v0 =	vlaneseq.u32  }
0x2: {  	s0 =	rddreg [dreg:$0x0];
	s4 =	sshll.u32 s3, $0x1;
	s3 =	simm.s32 $0x0;
	v2 =	vmul.u32 $0x88, v0  }
0x3: {  	[smem:$0x7FF] =	sst s3  }
0x4: {  	s2 =	rddreg [dreg:$0x1];
	_ =	strace $0x80000047;
	v0 =	vor.u32 $0x1, v2;
	[tilespmem:$0x1FE30] =	vst v2  }
0x5: {  	v8 =	vadd.s32 $0x880, v2;
	[tilespmem:$0x1FE00] =	vst v0  }
0x6: {  	v3 =	vadd.s32 $0x1100, v2;
	[tilespmem:$0x1FE50] =	vst v8  }
0x7: {  	v4 =	vadd.s32 $0x1980, v2;
	[tilespmem:$0x1FE60] =	vst v3  }
0x8: {  	v11 =	vadd.s32 $0x881, v2;
	[tilespmem:$0x1FE70] =	vst v4  }
0x9: {  	v12 =	vadd.s32 $0x1101, v2;
	[tilespmem:$0x1FE80] =	vst v11  }
0xa: {  	v13 =	vadd.s32 $0x1981, v2;
	[tilespmem:$0x1FE90] =	vst v12  }
0xb: {  	v14 =	vor.u32 $0x2, v2;
	[tilespmem:$0x1FEA0] =	vst v13  }
0xc: {  	v15 =	vadd.s32 $0x882, v2;
	[tilespmem:$0x1FEB0] =	vst v14  }
0xd: {  	v16 =	vadd.s32 $0x1102, v2;
	[tilespmem:$0x1FEC0] =	vst v15  }
0xe: {  	v17 =	vadd.s32 $0x1982, v2;
	[tilespmem:$0x1FED0] =	vst v16  }
0xf: {  	v18 =	vor.u32 $0x3, v2;
	[tilespmem:$0x1FEE0] =	vst v17  }
0x10: {  	v19 =	vadd.s32 $0x883, v2;
	[tilespmem:$0x1FEF0] =	vst v18  }
0x11: {  	v20 =	vadd.s32 $0x1103, v2;
	[tilespmem:$0x1FF00] =	vst v19  }
0x12: {  	v21 =	vadd.s32 $0x1983, v2;
	[tilespmem:$0x1FF10] =	vst v20  }
0x13: {  	v22 =	vor.u32 $0x4, v2;
	[tilespmem:$0x1FF20] =	vst v21  }
0x14: {  	v23 =	vadd.s32 $0x884, v2;
	[tilespmem:$0x1FF30] =	vst v22  }
0x15: {  	v24 =	vadd.s32 $0x1104, v2;
	[tilespmem:$0x1FF40] =	vst v23  }
0x16: {  	v25 =	vadd.s32 $0x1984, v2;
	[tilespmem:$0x1FF50] =	vst v24  }
0x17: {  	v26 =	vor.u32 $0x5, v2;
	[tilespmem:$0x1FF60] =	vst v25  }
0x18: {  	s1 =	srdreg.scid;
	v27 =	vadd.s32 $0x885, v2;
	[tilespmem:$0x1FF70] =	vst v26  }
0x19: {  	s9 =	simm.s32 $0x80;
	s14 =	simm.s32 $0xB600;
	s16 =	simm.s32 $0xD600;
	v28 =	vadd.s32 $0x1105, v2;
	[tilespmem:$0x1FF80] =	vst v27  }
0x1a: {  	s17 =	simm.s32 $0x1;
	s18 =	simm.s32 $0xF600;
	s19 =	simm.s32 $0x13600;
	v9 =	vadd.s32 $0x1985, v2;
	[tilespmem:$0x1FF90] =	vst v28  }
0x1b: {  	s20 =	simm.s32 $0x2;
	s21 =	simm.s32 $0x11600;
	s22 =	simm.s32 $0x15800;
	v30 =	vor.u32 $0x6, v2;
	[tilespmem:$0x1FFA0] =	vst v9  }
0x1c: {  	s23 =	simm.s32 $0x3;
	s24 =	simm.s32 $0x17A00;
	s25 =	simm.s32 $0x4;
	v31 =	vadd.s32 $0x886, v2;
	[tilespmem:$0x1FFB0] =	vst v30  }
0x1d: {  	s26 =	simm.s32 $0x19C00;
	s28 =	simm.s32 $0x5;
	s1 =	sand.u32 $0x1, s1;
	v32 =	vadd.s32 $0x1106, v2;
	[tilespmem:$0x1FFC0] =	vst v31  }
0x1e: {  	s29 =	simm.s32 $0x1BE00;
	s5 =	sor.u32 s1, s4;
	s1 =	ssub.s32 $0x2, s1;
	v5 =	vadd.s32 $0x1986, v2;
	[tilespmem:$0x1FFD0] =	vst v32  }
0x1f: {  	s10 =	simm.s32 $0xA;
	s4 =	sshll.u32 s5, $0x4;
	s30 =	sshrl.u32 s1, $0x1;
	v6 =	vadd.s32 $0x887, v2;
	[tilespmem:$0x1FFE0] =	vst v5  }
0x20: {  	s6 =	sadd.s32 s4, s0;
	s4 =	sadd.s32 $0x19C00, s0;
	s0 =	sadd.s32 $0x400, s0;
	v0 =	vor.u32 $0x7, v2;
	[tilespmem:$0x1FFF0] =	vst v6  }
0x21: {  	[dreg:$0x3] =	wrdreg s0;
	s0 =	ssub.s32 s1, s30;
	s31 =	sadd.s32 $0xC00, s6;
	[tilespmem:$0x1FE10] =	vst v0;
	v0 =	vadd.s32 $0x1107, v2  }
0x22: {  	v1 =	vimm.s32 $0x0;
	vm0 =	vcmask $0x300;
	s7 =	sshll.u32 s5, $0xA;
	[dreg:$0x4] =	wrdreg s31;
	s0 =	smax.u32 s0, $0x1;
	[tilespmem:$0x1FE20] =	vst v0;
	v0 =	vadd.s32 $0x1987, v2  }
0x23: {  	v1 =	vsel vm0, $0x3, v1;
	s5 =	simm.s32 $0x0;
	[dreg:$0x5] =	wrdreg s0;
	[tilespmem:$0x1FE40] =	vst v0;
	s0 =	simm.s32 $0x9  }
.LBB2_1:
0x24: {  	[dreg:$0x6] =	wrdreg s5  }
0x25: {  	s1 =	rddreg [dreg:$0x4];
	s12 =	simm.s32 $0x1000;
	s13 =	simm.s32 $0xB  }
0x26: {  	[tilespmem:s3], [sflag:$0xB] =	stream.strided.gather [hbm4b:s1+s9], $0x6400, s12, s9, $0x38;
	[tilespmem:$0x1E000] =	vst v63  }
0x27: {  	_ =	swait.ge [sflag:s13], $0x6400  }
0x28: {  	[sflag:s13] =	ssyncset.done $0x0  }
0x29: {  	s6 =	simm.s32 $0x6400;
	s15 =	rddreg [dreg:$0x3];
	[sflag:s13] =	ssyncadd.s32 $0xFFFF9C00  }
0x2a: {  	[tilespmem:s6], [sflag:$0xB] =	stream.linear.gather [hbm4b:s15+s3], $0x3200, $0x38;
	[tilespmem:$0x1E000] =	vst v63  }
0x2b: {  	_ =	swait.ge [sflag:s13], $0x3200  }
0x2c: {  	[sflag:s13] =	ssyncset.done $0x0  }
0x2d: {  	s30 =	simm.s32 $0x9600;
	[sflag:s13] =	ssyncadd.s32 $0xFFFFCE00  }
0x2e: {  	[tilespmem:s30], [sflag:$0x1] =	stream.indirect.gather [hbm4b:s4+s9], $0x40, s3, s9, $0xb8;
	[tilespmem:$0x1E000] =	vst v63  }
0x2f: {  	_ = 	snop  }
0x30: {  	[tilespmem:s14], [sflag:$0x2] =	stream.indirect.gather [hbm4b:s4+s9], $0x40, s9, s9, $0xb8;
	[tilespmem:$0x1E000] =	vst v63  }
0x31: {  	s31 =	simm.s32 $0x100;
	s13 =	simm.s32 $0x0  }
0x32: {  	[tilespmem:s16], [sflag:$0x3] =	stream.indirect.gather [hbm4b:s4+s9], $0x40, s31, s9, $0xb8;
	[tilespmem:$0x1E000] =	vst v63  }
.LBB2_2:
0x33: {  	p0 =	seq.s32 s13, $0x0;
	s5 =	simm.s32 $0x0;
	s6 =	smul.u32 $0x5, s13  }
0x34: {  	s31 =	simm.s32 $0x1;
	s8 =	simm.s32 $0x2;
	s11 =	simm.s32 $0x3  }
0x35: {  	s12 =	simm.s32 $0x4;
	s15 =	simm.s32 $0x5;
	s1 =	simm.s32 @!p0 $0x6;
	v33 =	vmov s5;
	v34 =	vmov s31;
	v35 =	vmov s8  }
0x36: {  	v36 =	vmov s11;
	s31 =	simm.s32 $0x6;
	v37 =	vmov s12;
	v38 =	vmov s15;
	s12 =	simm.s32 $0x7;
	s15 =	simm.s32 $0x8  }
0x37: {  	s8 =	simm.s32 $0xD;
	s11 =	simm.s32 $0xE;
	_ =	swait.ge @!p0 [sflag:s1], $0x2000;
	v33 =	vshrl.u32 v33, $0x3;
	v39 =	vmov s31;
	v40 =	vmov s12  }
0x38: {  	s31 =	simm.s32 $0x9;
	v41 =	vmov s15;
	s12 =	simm.s32 $0xA;
	v46 =	vmov s8;
	v47 =	vmov s11;
	[sflag:s1] =	ssyncset.done @!p0 $0x0  }
0x39: {  	s15 =	simm.s32 $0xB;
	s5 =	sadd.s32 $0x3, s6;
	v34 =	vshrl.u32 v34, $0x3;
	v48 =	vshrl.u32 v35, $0x3;
	v49 =	vshrl.u32 v36, $0x3;
	[sflag:s1] =	ssyncadd.s32 @!p0 $0xFFFFE000  }
0x3a: {  	v50 =	vshrl.u32 v37, $0x3;
	v38 =	vshrl.u32 v38, $0x3;
	s11 =	simm.s32 $0xF;
	v44 =	vmov s15;
	s15 =	smul.u32 $0x500, s13;
	_ =	swait.ge [sflag:s17], $0x2000  }
0x3b: {  	v4 =	vmovc v8;
	v8 =	vmovc v3;
	v42 =	vmov s31;
	s31 =	simm.s32 $0xC;
	v43 =	vmov s12;
	v33 =	vshll.u32 v33, v1;
	s12 =	sshll.u32 s5, $0x7;
	[sflag:s17] =	ssyncset.done $0x0;
	v3 =	vld [tilespmem:$0x1FE10]  }
0x3c: {  	v39 =	vshrl.u32 v39, $0x3;
	v40 =	vshrl.u32 v40, $0x3;
	v45 =	vmov s31;
	s1 =	sand.u32 $0x3FFFFF80, s12;
	s31 =	sshra.s32 s15, $0x2;
	v0 =	vld [tilespmem:$0x1FE30];
	[sflag:s17] =	ssyncadd.s32 $0xFFFFE000  }
0x3d: {  	v41 =	vshrl.u32 v41, $0x3;
	v46 =	vshrl.u32 v46, $0x3;
	v37 =	vshrl.u32 v47, $0x3;
	v2 =	vld [tilespmem:$0x1FE00];
	[tilespmem:s18], [sflag:$0x4] =	stream.indirect.gather [hbm4b:s4+s9], $0x40, s1, s9, $0xb8  }
0x3e: {  	v51 =	vshll.u32 v34, v1;
	v48 =	vshll.u32 v48, v1;
	v62 =	vmov s11;
	v36 =	vld [tilespmem:s31+$0x6400]  }
0x3f: {  	v49 =	vshll.u32 v49, v1;
	v52 =	vshll.u32 v50, v1;
	v47 =	vshll.u32 v38, v1;
	v35 =	vld [tilespmem:s31+$0x6410]  }
0x40: {  	v42 =	vshrl.u32 v42, $0x3;
	v43 =	vshrl.u32 v43, $0x3;
	v63 =	vshrl.u32 v62, $0x3;
	v34 =	vld [tilespmem:s31+$0x6420]  }
0x41: {  	s8 =	simm.s32 $0x9800;
	v10 =	vbroadcast v33, $0x0;
	v53 =	vshll.u32 v39, v1;
	v50 =	vshll.u32 v63, v1;
	v33 =	vld [tilespmem:s31+$0x6430]  }
0x42: {  	v56 =	vshll.u32 v40, v1;
	v58 =	vshll.u32 v41, v1;
	v54 =	vbroadcast v50, $0x0;
	v41 =	vld [tilespmem:s8+$0x1C0]  }
0x43: {  	v7 =	vbroadcast v51, $0x0;
	v51 =	vbroadcast v48, $0x0;
	v45 =	vshrl.u32 v45, $0x3;
	v55 =	vld [tilespmem:s8+$0xFFFFFE00]  }
0x44: {  	v61 =	vshll.u32 v46, v1;
	v50 =	vshll.u32 v45, v1;
	v57 =	vld [tilespmem:s8+$0xFFFFFE40];
	v45 =	vadd.s32 v3, v54  }
0x45: {  	v49 =	vbroadcast v49, $0x0;
	v62 =	vshll.u32 v37, v1;
	v60 =	vld [tilespmem:s8+$0xFFFFFE80];
	v59 =	vadd.s32 v0, v10  }
0x46: {  	v29 =	vbroadcast v52, $0x0;
	v47 =	vbroadcast v47, $0x0;
	v48 =	vld [tilespmem:s8+$0xFFFFFEC0];
	v46 =	vadd.s32 v2, v7  }
0x47: {  	v42 =	vshll.u32 v42, v1;
	v63 =	vadd.s32 v14, v51;
	v39 =	vld [tilespmem:s8+$0xFFFFFF00];
	v52 =	vadd.f32 v41, v36  }
0x48: {  	v43 =	vshll.u32 v43, v1;
	v38 =	vld [tilespmem:s8+$0xFFFFFF40];
	v55 =	vadd.f32 v55, v36;
	v41 =	vadd.s32 v18, v49  }
0x49: {  	v53 =	vbroadcast v53, $0x0;
	v40 =	vld [tilespmem:s8+$0xFFFFFF80];
	v37 =	vadd.f32 v57, v36;
	v57 =	vadd.s32 v22, v29;
	[tilespmem:v45+s19+$0x0] =	vst.idx.msk $0xffff, v52  }
0x4a: {  	[tilespmem:v59+s19+$0x0] =	vst.idx.msk $0xffff, v55;
	v45 =	vadd.f32 v60, v36;
	v52 =	vadd.s32 v26, v47;
	v55 =	vld [tilespmem:s8+$0x1D0]  }
0x4b: {  	[tilespmem:v46+s19+$0x0] =	vst.idx.msk $0xffff, v37;
	v37 =	vadd.f32 v48, v36;
	v59 =	vadd.s32 v30, v53;
	v60 =	vld [tilespmem:s8+$0xFFFFFFC0];
	v48 =	vbroadcast v56, $0x0  }
0x4c: {  	v39 =	vadd.f32 v39, v36;
	v56 =	vld [tilespmem:s8+$0x0];
	[tilespmem:v63+s19+$0x0] =	vst.idx.msk $0xffff, v45;
	v45 =	vbroadcast v58, $0x0;
	v58 =	vadd.s32 v6, v54  }
0x4d: {  	v46 =	vbroadcast v42, $0x0;
	v63 =	vld [tilespmem:s8+$0x40];
	[tilespmem:v41+s19+$0x0] =	vst.idx.msk $0xffff, v37;
	v37 =	vadd.f32 v38, v36;
	v41 =	vadd.s32 v3, v48  }
0x4e: {  	[tilespmem:v57+s19+$0x0] =	vst.idx.msk $0xffff, v39;
	v38 =	vadd.f32 v40, v36;
	v57 =	vadd.s32 v0, v45  }
0x4f: {  	v42 =	vbroadcast v43, $0x0;
	[tilespmem:v52+s19+$0x0] =	vst.idx.msk $0xffff, v37;
	v52 =	vadd.s32 v2, v46;
	v43 =	vadd.f32 v55, v35  }
0x50: {  	[tilespmem:v59+s19+$0x0] =	vst.idx.msk $0xffff, v38;
	v40 =	vadd.f32 v60, v36  }
0x51: {  	v44 =	vshrl.u32 v44, $0x3;
	v3 =	vbroadcast v50, $0x0;
	v50 =	vadd.f32 v56, v36;
	[tilespmem:v58+s19+$0x0] =	vst.idx.msk $0xffff, v43  }
0x52: {  	v44 =	vshll.u32 v44, v1;
	v39 =	vld [tilespmem:s8+$0x80];
	[tilespmem:v41+s19+$0x0] =	vst.idx.msk $0xffff, v40;
	v41 =	vadd.f32 v63, v36  }
0x53: {  	v44 =	vbroadcast v44, $0x0;
	v37 =	vld [tilespmem:s8+$0xC0];
	[tilespmem:v57+s19+$0x0] =	vst.idx.msk $0xffff, v50  }
0x54: {  	v59 =	vadd.s32 v14, v42;
	v38 =	vld [tilespmem:s8+$0x140];
	[tilespmem:v52+s19+$0x0] =	vst.idx.msk $0xffff, v41  }
0x55: {  	v61 =	vbroadcast v61, $0x0;
	v56 =	vadd.s32 v18, v44;
	v2 =	vld [tilespmem:$0x1FE20]  }
0x56: {  	v60 =	vld [tilespmem:s8+$0x100]  }
0x57: {  	v39 =	vadd.f32 v39, v36;
	v43 =	vbroadcast v62, $0x0;
	v50 =	vadd.s32 v26, v61;
	v57 =	vld [tilespmem:s8+$0x180]  }
0x58: {  	v55 =	vadd.s32 v22, v3;
	v58 =	vld [tilespmem:s8+$0x1E0];
	v37 =	vadd.f32 v37, v36  }
0x59: {  	v62 =	vld [tilespmem:s8+$0xFFFFFE50];
	[tilespmem:v59+s19+$0x0] =	vst.idx.msk $0xffff, v39;
	v59 =	vadd.s32 v30, v43  }
0x5a: {  	v52 =	vld [tilespmem:s8+$0xFFFFFE90];
	[tilespmem:v56+s19+$0x0] =	vst.idx.msk $0xffff, v37;
	v37 =	vadd.f32 v38, v36;
	v41 =	vadd.s32 v2, v54  }
0x5b: {  	v63 =	vld [tilespmem:s8+$0xFFFFFED0];
	v39 =	vadd.f32 v60, v36;
	v60 =	vadd.s32 v11, v7  }
0x5c: {  	v38 =	vadd.s32 v15, v51;
	v56 =	vld [tilespmem:s8+$0xFFFFFF10];
	[tilespmem:v50+s19+$0x0] =	vst.idx.msk $0xffff, v37;
	v37 =	vadd.f32 v57, v36  }
0x5d: {  	[tilespmem:v55+s19+$0x0] =	vst.idx.msk $0xffff, v39;
	v39 =	vadd.f32 v58, v34;
	v58 =	vld [tilespmem:s8+$0xFFFFFF50]  }
0x5e: {  	v55 =	vadd.s32 v19, v49;
	v50 =	vadd.f32 v62, v35;
	v62 =	vld [tilespmem:s8+$0xFFFFFF90];
	[tilespmem:v59+s19+$0x0] =	vst.idx.msk $0xffff, v37  }
0x5f: {  	v57 =	vadd.s32 v23, v29;
	v59 =	vld [tilespmem:s8+$0xFFFFFFD0];
	[tilespmem:v41+s19+$0x0] =	vst.idx.msk $0xffff, v39;
	v39 =	vadd.f32 v52, v35  }
0x60: {  	[tilespmem:v60+s19+$0x0] =	vst.idx.msk $0xffff, v50;
	v60 =	vadd.f32 v63, v35;
	v63 =	vld [tilespmem:s8+$0x10];
	v41 =	vadd.s32 v27, v47  }
0x61: {  	v52 =	vadd.s32 v31, v53;
	v37 =	vld [tilespmem:s8+$0x1F0];
	[tilespmem:v38+s19+$0x0] =	vst.idx.msk $0xffff, v39  }
0x62: {  	v38 =	vadd.f32 v56, v35;
	v0 =	vld [tilespmem:$0x1FE40]  }
0x63: {  	v56 =	vld [tilespmem:s8+$0x50];
	[tilespmem:v55+s19+$0x0] =	vst.idx.msk $0xffff, v60;
	v60 =	vadd.f32 v58, v35;
	v55 =	vadd.s32 v6, v48  }
0x64: {  	v62 =	vadd.f32 v62, v35;
	v58 =	vld [tilespmem:s8+$0x90];
	[tilespmem:v57+s19+$0x0] =	vst.idx.msk $0xffff, v38;
	v57 =	vadd.s32 v4, v45  }
0x65: {  	v50 =	vld [tilespmem:s8+$0xD0];
	[tilespmem:v41+s19+$0x0] =	vst.idx.msk $0xffff, v60;
	v41 =	vadd.s32 v11, v46  }
0x66: {  	v38 =	vadd.f32 v59, v35;
	v59 =	vld [tilespmem:s8+$0x110];
	[tilespmem:v52+s19+$0x0] =	vst.idx.msk $0xffff, v62;
	v52 =	vadd.s32 v15, v42  }
0x67: {  	v39 =	vadd.f32 v63, v35;
	v60 =	vadd.s32 v19, v44;
	v62 =	vld [tilespmem:s8+$0x150];
	v54 =	vadd.s32 v0, v54  }
0x68: {  	v37 =	vadd.f32 v37, v33;
	v63 =	vadd.f32 v56, v35;
	[tilespmem:v55+s19+$0x0] =	vst.idx.msk $0xffff, v38;
	v55 =	vld [tilespmem:s8+$0xFFFFFE10]  }
0x69: {  	v38 =	vadd.s32 v23, v3;
	[tilespmem:v57+s19+$0x0] =	vst.idx.msk $0xffff, v39;
	v39 =	vadd.f32 v58, v35;
	v57 =	vld [tilespmem:s8+$0xFFFFFE60]  }
0x6a: {  	v56 =	vadd.s32 v27, v61;
	v58 =	vld [tilespmem:s8+$0xFFFFFEA0];
	[tilespmem:v41+s19+$0x0] =	vst.idx.msk $0xffff, v63;
	v63 =	vadd.f32 v50, v35  }
0x6b: {  	v50 =	vadd.s32 v4, v10;
	[tilespmem:v52+s19+$0x0] =	vst.idx.msk $0xffff, v39;
	v39 =	vadd.f32 v59, v35;
	v59 =	vld [tilespmem:s8+$0xFFFFFEE0]  }
0x6c: {  	v52 =	vadd.s32 v12, v7;
	[tilespmem:v54+s19+$0x0] =	vst.idx.msk $0xffff, v37;
	v54 =	vld [tilespmem:s8+$0x190]  }
0x6d: {  	[tilespmem:v60+s19+$0x0] =	vst.idx.msk $0xffff, v63;
	v60 =	vadd.s32 v16, v51;
	v37 =	vadd.f32 v62, v35;
	v62 =	vld [tilespmem:s8+$0xFFFFFF20]  }
0x6e: {  	v41 =	vadd.s32 v31, v43;
	[tilespmem:v38+s19+$0x0] =	vst.idx.msk $0xffff, v39;
	v39 =	vadd.f32 v55, v35;
	v55 =	vld [tilespmem:s8+$0xFFFFFF60]  }
0x6f: {  	v63 =	vadd.f32 v57, v34;
	[tilespmem:v56+s19+$0x0] =	vst.idx.msk $0xffff, v37;
	v56 =	vadd.s32 v24, v29  }
0x70: {  	v57 =	vld [tilespmem:s8+$0xFFFFFFA0];
	v58 =	vadd.f32 v58, v34;
	[tilespmem:v50+s19+$0x0] =	vst.idx.msk $0xffff, v39;
	v39 =	vadd.s32 v28, v47  }
0x71: {  	[tilespmem:v52+s19+$0x0] =	vst.idx.msk $0xffff, v63;
	v52 =	vld [tilespmem:s8+$0x20];
	v38 =	vadd.f32 v54, v35;
	v54 =	vadd.s32 v20, v49  }
0x72: {  	v63 =	vadd.f32 v59, v34;
	v59 =	vld [tilespmem:s8+$0x60];
	[tilespmem:v60+s19+$0x0] =	vst.idx.msk $0xffff, v58;
	v40 =	vadd.f32 v62, v34  }
0x73: {  	v50 =	vadd.s32 v32, v53;
	v60 =	vadd.f32 v55, v34;
	[tilespmem:v41+s19+$0x0] =	vst.idx.msk $0xffff, v38;
	v41 =	vld [tilespmem:s8+$0xFFFFFFE0]  }
0x74: {  	v55 =	vld [tilespmem:s8+$0xA0];
	[tilespmem:v56+s19+$0x0] =	vst.idx.msk $0xffff, v40;
	v56 =	vadd.s32 v12, v46  }
0x75: {  	v58 =	vadd.s32 v2, v48;
	[tilespmem:v39+s19+$0x0] =	vst.idx.msk $0xffff, v60;
	v39 =	vld [tilespmem:s8+$0x120]  }
0x76: {  	v62 =	vadd.f32 v57, v34;
	v57 =	vld [tilespmem:s8+$0xE0];
	[tilespmem:v54+s19+$0x0] =	vst.idx.msk $0xffff, v63;
	v54 =	vadd.s32 v8, v45  }
0x77: {  	v38 =	vadd.f32 v52, v34;
	v40 =	vadd.f32 v59, v34;
	v52 =	vld [tilespmem:s8+$0x1A0];
	v59 =	vadd.s32 v24, v3  }
0x78: {  	[tilespmem:v50+s19+$0x0] =	vst.idx.msk $0xffff, v62;
	v50 =	vadd.s32 v16, v42;
	v63 =	vadd.f32 v41, v34  }
0x79: {  	v41 =	vld [tilespmem:s8+$0x160];
	[tilespmem:v56+s19+$0x0] =	vst.idx.msk $0xffff, v40;
	v56 =	vadd.s32 v32, v43  }
0x7a: {  	v60 =	vld [tilespmem:s8+$0xFFFFFE20];
	v39 =	vadd.f32 v39, v34;
	[tilespmem:v58+s19+$0x0] =	vst.idx.msk $0xffff, v63;
	v58 =	vadd.s32 v20, v44  }
0x7b: {  	v62 =	vld [tilespmem:s8+$0xFFFFFEB0];
	[tilespmem:v54+s19+$0x0] =	vst.idx.msk $0xffff, v38;
	v38 =	vadd.f32 v55, v34;
	v54 =	vadd.s32 v28, v61  }
0x7c: {  	v37 =	vadd.f32 v57, v34;
	v52 =	vadd.f32 v52, v34;
	[tilespmem:v59+s19+$0x0] =	vst.idx.msk $0xffff, v39;
	v55 =	vld [tilespmem:s8+$0xFFFFFE70]  }
0x7d: {  	s12 =	simm.s32 $0x10;
	v57 =	vadd.s32 v8, v10;
	v40 =	vld [tilespmem:s8+$0xFFFFFEF0];
	v63 =	vadd.s32 v13, v7;
	[tilespmem:v50+s19+$0x0] =	vst.idx.msk $0xffff, v38  }
0x7e: {  	v41 =	vadd.f32 v41, v34;
	v38 =	vmov s12;
	v50 =	vadd.s32 v17, v51;
	v51 =	vld [tilespmem:s8+$0xFFFFFF30];
	[tilespmem:v56+s19+$0x0] =	vst.idx.msk $0xffff, v52  }
0x7f: {  	s11 =	simm.s32 $0x13;
	v2 =	vshrl.u32 v38, $0x3;
	v38 =	vadd.f32 v60, v34;
	v60 =	vld [tilespmem:s8+$0xFFFFFFB0];
	[tilespmem:v58+s19+$0x0] =	vst.idx.msk $0xffff, v37  }
0x80: {  	v56 =	vmov s11;
	v58 =	vld [tilespmem:s8+$0xFFFFFF70];
	[tilespmem:v54+s19+$0x0] =	vst.idx.msk $0xffff, v41  }
0x81: {  	v49 =	vadd.s32 v21, v49;
	v55 =	vadd.f32 v55, v33;
	v54 =	vadd.f32 v62, v33;
	v62 =	vld [tilespmem:s8+$0xFFFFFFF0];
	[tilespmem:$0x1FDF0] =	vst v56  }
0x82: {  	v47 =	vadd.s32 v9, v47;
	v59 =	vadd.s32 v25, v29;
	v56 =	vld [tilespmem:s8+$0x30];
	[tilespmem:v57+s19+$0x0] =	vst.idx.msk $0xffff, v38  }
0x83: {  	v53 =	vadd.s32 v5, v53;
	v48 =	vadd.s32 v0, v48;
	v57 =	vld [tilespmem:s8+$0x70];
	[tilespmem:v63+s19+$0x0] =	vst.idx.msk $0xffff, v55  }
0x84: {  	v46 =	vadd.s32 v13, v46;
	v42 =	vadd.s32 v17, v42;
	v40 =	vadd.f32 v40, v33;
	v0 =	vld [tilespmem:$0x1FE70]  }
0x85: {  	s15 =	simm.s32 $0x11;
	v43 =	vadd.s32 v5, v43;
	v51 =	vadd.f32 v51, v33;
	v63 =	vld [tilespmem:s8+$0xB0];
	[tilespmem:v50+s19+$0x0] =	vst.idx.msk $0xffff, v54  }
0x86: {  	s31 =	simm.s32 $0x12;
	v7 =	vmov s15;
	v61 =	vadd.s32 v9, v61;
	v38 =	vadd.f32 v60, v33;
	v60 =	vld [tilespmem:s8+$0xF0];
	[tilespmem:v49+s19+$0x0] =	vst.idx.msk $0xffff, v40  }
0x87: {  	v29 =	vmov s31;
	s12 =	simm.s32 $0x14;
	v58 =	vadd.f32 v58, v33;
	[tilespmem:v59+s19+$0x0] =	vst.idx.msk $0xffff, v51;
	v49 =	vadd.f32 v62, v33  }
0x88: {  	s11 =	simm.s32 $0x17;
	v52 =	vmov s12;
	[tilespmem:v53+s19+$0x0] =	vst.idx.msk $0xffff, v38;
	v51 =	vadd.f32 v56, v33;
	v56 =	vadd.s32 v21, v44  }
0x89: {  	s15 =	simm.s32 $0x15;
	s31 =	simm.s32 $0x16;
	v41 =	vmov s11;
	v62 =	vld [tilespmem:s8+$0x130];
	[tilespmem:v47+s19+$0x0] =	vst.idx.msk $0xffff, v58;
	v47 =	vadd.f32 v57, v33;
	v37 =	vadd.s32 v0, v45  }
0x8a: {  	s12 =	simm.s32 $0x18;
	v55 =	vmov s15;
	v54 =	vmov s31;
	s31 =	simm.s32 $0x1A;
	v44 =	vld [tilespmem:s8+$0x170];
	v50 =	vadd.f32 v63, v33;
	[tilespmem:v48+s19+$0x0] =	vst.idx.msk $0xffff, v49  }
0x8b: {  	s15 =	simm.s32 $0x19;
	v59 =	vmov s12;
	v53 =	vmov s31;
	v38 =	vld [tilespmem:s8+$0xFFFFFE30];
	s31 =	simm.s32 $0x1E;
	v48 =	vadd.f32 v60, v33;
	[tilespmem:v46+s19+$0x0] =	vst.idx.msk $0xffff, v47  }
0x8c: {  	s11 =	simm.s32 $0x1B;
	s12 =	simm.s32 $0x1C;
	v58 =	vmov s15;
	v40 =	vmov s31;
	v57 =	vadd.s32 v25, v3;
	v45 =	vld [tilespmem:s8+$0x1B0];
	[tilespmem:v42+s19+$0x0] =	vst.idx.msk $0xffff, v50  }
0x8d: {  	v63 =	vmov s11;
	v40 =	vshrl.u32 v40, $0x3;
	v60 =	vmov s12;
	[tilespmem:v56+s19+$0x0] =	vst.idx.msk $0xffff, v48  }
0x8e: {  	s15 =	simm.s32 $0x1D;
	v39 =	vadd.s32 v0, v10;
	v50 =	vshrl.u32 v29, $0x3;
	v47 =	vshrl.u32 v59, $0x3;
	[tilespmem:v37+s19+$0x0] =	vst.idx.msk $0xffff, v51  }
0x8f: {  	v49 =	vadd.f32 v62, v33;
	v62 =	vmov s15;
	v46 =	vadd.f32 v44, v33;
	v0 =	vld [tilespmem:$0x1FDF0]  }
0x90: {  	v44 =	vshrl.u32 v7, $0x3;
	v56 =	vadd.f32 v38, v33;
	v48 =	vshrl.u32 v55, $0x3  }
0x91: {  	v38 =	vshrl.u32 v58, $0x3;
	v37 =	vshll.u32 v2, v1;
	v42 =	vadd.f32 v45, v33;
	[tilespmem:v57+s19+$0x0] =	vst.idx.msk $0xffff, v49  }
0x92: {  	v51 =	vshrl.u32 v52, $0x3;
	v49 =	vshrl.u32 v54, $0x3;
	[tilespmem:v61+s19+$0x0] =	vst.idx.msk $0xffff, v46;
	v46 =	vshrl.u32 v41, $0x3  }
0x93: {  	v41 =	vshrl.u32 v60, $0x3;
	[tilespmem:v39+s19+$0x0] =	vst.idx.msk $0xffff, v56;
	v37 =	vbroadcast v37, $0x0;
	v39 =	vshrl.u32 v62, $0x3  }
0x94: {  	s30 =	simm.s32 $0x1F;
	s15 =	simm.s32 $0x20;
	v7 =	vmovc v4;
	[tilespmem:v43+s19+$0x0] =	vst.idx.msk $0xffff, v42;
	v42 =	vshrl.u32 v53, $0x3;
	v43 =	vshrl.u32 v63, $0x3;
	v45 =	vshrl.u32 v0, $0x3  }
.LBB2_3:
0x95: {  	v60 =	vmov s30;
	v10 =	vld [tilespmem:$0x1FE10]  }
0x96: {  	v53 =	vshll.u32 v50, v1;
	v50 =	vshrl.u32 v60, $0x3  }
0x97: {  	s8 =	sadd.s32 $0x400, s8;
	v29 =	vld [tilespmem:$0x1FE30];
	v61 =	vshll.u32 v50, v1  }
0x98: {  	v44 =	vshll.u32 v44, v1;
	v45 =	vshll.u32 v45, v1;
	v57 =	vld [tilespmem:s8+$0x1C0];
	v52 =	vbroadcast v61, $0x0  }
0x99: {  	v54 =	vshll.u32 v51, v1;
	v48 =	vshll.u32 v48, v1;
	v55 =	vshll.u32 v49, v1;
	v9 =	vld [tilespmem:$0x1FE00]  }
0x9a: {  	v62 =	vld [tilespmem:s8+$0xFFFFFE80];
	v51 =	vbroadcast v53, $0x0;
	v50 =	vbroadcast v44, $0x0;
	v44 =	vadd.s32 v10, v52  }
0x9b: {  	v46 =	vshll.u32 v46, v1;
	v56 =	vshll.u32 v47, v1;
	v2 =	vshll.u32 v40, v1;
	v58 =	vld [tilespmem:s8+$0xFFFFFE00]  }
0x9c: {  	v49 =	vbroadcast v45, $0x0;
	v45 =	vld [tilespmem:s8+$0xFFFFFF00];
	v47 =	vbroadcast v54, $0x0;
	v40 =	vadd.s32 v14, v51  }
0x9d: {  	v38 =	vshll.u32 v38, v1;
	v59 =	vshll.u32 v42, v1;
	v0 =	vld [tilespmem:s8+$0xFFFFFEC0];
	v54 =	vadd.f32 v57, v36  }
0x9e: {  	v60 =	vshll.u32 v43, v1;
	v53 =	vshll.u32 v39, v1;
	v5 =	vld [tilespmem:s8+$0xFFFFFF80];
	v4 =	vadd.s32 v22, v47  }
0x9f: {  	v43 =	vld [tilespmem:s8+$0xFFFFFE40];
	v42 =	vbroadcast v48, $0x0;
	v61 =	vadd.s32 v29, v37;
	[tilespmem:v44+s19+$0x0] =	vst.idx.msk $0xffff, v54;
	v44 =	vadd.f32 v62, v36  }
0xa0: {  	v3 =	vld [tilespmem:s8+$0xFFFFFF40];
	v48 =	vbroadcast v46, $0x0;
	v57 =	vadd.f32 v58, v36;
	v58 =	vadd.s32 v18, v49  }
0xa1: {  	v46 =	vld [tilespmem:s8+$0x0];
	v63 =	vadd.s32 v9, v50;
	v62 =	vadd.f32 v45, v36;
	[tilespmem:v40+s19+$0x0] =	vst.idx.msk $0xffff, v44;
	v44 =	vbroadcast v56, $0x0  }
0xa2: {  	v39 =	vbroadcast v55, $0x0;
	v0 =	vadd.f32 v0, v36;
	v54 =	vadd.s32 v26, v42;
	v55 =	vld [tilespmem:s8+$0x1D0]  }
0xa3: {  	[tilespmem:v4+s19+$0x0] =	vst.idx.msk $0xffff, v62;
	v4 =	vadd.f32 v5, v36;
	v62 =	vld [tilespmem:s8+$0x80];
	v5 =	vadd.s32 v29, v44  }
0xa4: {  	v43 =	vadd.f32 v43, v36;
	[tilespmem:v61+s19+$0x0] =	vst.idx.msk $0xffff, v57;
	v57 =	vadd.s32 v30, v39;
	v61 =	vld [tilespmem:s8+$0xFFFFFFC0]  }
0xa5: {  	v45 =	vbroadcast v38, $0x0;
	[tilespmem:v58+s19+$0x0] =	vst.idx.msk $0xffff, v0;
	v0 =	vadd.f32 v3, v36;
	v56 =	vadd.s32 v6, v52  }
0xa6: {  	v46 =	vadd.f32 v46, v36;
	[tilespmem:v63+s19+$0x0] =	vst.idx.msk $0xffff, v43;
	v3 =	vadd.s32 v10, v48;
	v58 =	vld [tilespmem:s8+$0x40]  }
0xa7: {  	v41 =	vshll.u32 v41, v1;
	v43 =	vbroadcast v59, $0x0;
	[tilespmem:v54+s19+$0x0] =	vst.idx.msk $0xffff, v0;
	v0 =	vadd.s32 v9, v45;
	v54 =	vld [tilespmem:s8+$0xC0]  }
0xa8: {  	v40 =	vbroadcast v60, $0x0;
	v55 =	vadd.f32 v55, v35;
	[tilespmem:v5+s19+$0x0] =	vst.idx.msk $0xffff, v46;
	v5 =	vadd.f32 v62, v36;
	v62 =	vld [tilespmem:$0x1FE20]  }
0xa9: {  	v41 =	vbroadcast v41, $0x0;
	v59 =	vld [tilespmem:s8+$0x100];
	[tilespmem:v57+s19+$0x0] =	vst.idx.msk $0xffff, v4;
	v4 =	vadd.f32 v61, v36;
	v57 =	vadd.s32 v14, v43  }
0xaa: {  	v38 =	vbroadcast v53, $0x0;
	v60 =	vadd.s32 v18, v40;
	v61 =	vld [tilespmem:s8+$0x140];
	[tilespmem:v56+s19+$0x0] =	vst.idx.msk $0xffff, v55  }
0xab: {  	[tilespmem:v3+s19+$0x0] =	vst.idx.msk $0xffff, v4;
	v3 =	vadd.f32 v58, v36;
	v4 =	vadd.s32 v22, v41;
	v53 =	vld [tilespmem:s8+$0x1E0]  }
0xac: {  	v55 =	vadd.s32 v26, v38;
	v56 =	vld [tilespmem:s8+$0x180];
	v46 =	vbroadcast v2, $0x0  }
0xad: {  	[tilespmem:v0+s19+$0x0] =	vst.idx.msk $0xffff, v3;
	v0 =	vadd.f32 v54, v36;
	v54 =	vld [tilespmem:s8+$0xFFFFFE90];
	v3 =	vadd.s32 v62, v52  }
0xae: {  	v2 =	vld [tilespmem:s8+$0xFFFFFE50];
	[tilespmem:v57+s19+$0x0] =	vst.idx.msk $0xffff, v5;
	v5 =	vadd.f32 v59, v36;
	v57 =	vadd.s32 v30, v46  }
0xaf: {  	[tilespmem:v60+s19+$0x0] =	vst.idx.msk $0xffff, v0;
	v0 =	vadd.f32 v61, v36;
	v60 =	vadd.s32 v15, v51;
	v61 =	vld [tilespmem:s8+$0xFFFFFF10]  }
0xb0: {  	v58 =	vadd.s32 v11, v50;
	v59 =	vld [tilespmem:s8+$0xFFFFFED0];
	[tilespmem:v4+s19+$0x0] =	vst.idx.msk $0xffff, v5;
	v4 =	vadd.f32 v53, v34  }
0xb1: {  	[tilespmem:v55+s19+$0x0] =	vst.idx.msk $0xffff, v0;
	v0 =	vadd.f32 v56, v36  }
0xb2: {  	v5 =	vadd.s32 v19, v49;
	v53 =	vld [tilespmem:s8+$0xFFFFFF50];
	[tilespmem:v3+s19+$0x0] =	vst.idx.msk $0xffff, v4;
	v3 =	vadd.f32 v54, v35  }
0xb3: {  	v2 =	vadd.f32 v2, v35;
	v55 =	vadd.s32 v23, v47;
	v56 =	vld [tilespmem:s8+$0xFFFFFF90];
	[tilespmem:v57+s19+$0x0] =	vst.idx.msk $0xffff, v0  }
0xb4: {  	[tilespmem:v60+s19+$0x0] =	vst.idx.msk $0xffff, v3;
	v3 =	vadd.f32 v61, v35;
	v61 =	vld [tilespmem:$0x1FE40]  }
0xb5: {  	[tilespmem:v58+s19+$0x0] =	vst.idx.msk $0xffff, v2;
	v2 =	vadd.f32 v59, v35;
	v57 =	vld [tilespmem:s8+$0xFFFFFFD0];
	v54 =	vadd.s32 v31, v39  }
0xb6: {  	v58 =	vld [tilespmem:s8+$0x10];
	v4 =	vadd.s32 v27, v42  }
0xb7: {  	[tilespmem:v5+s19+$0x0] =	vst.idx.msk $0xffff, v2;
	v5 =	vadd.s32 v6, v48;
	v0 =	vld [tilespmem:s8+$0x1F0]  }
0xb8: {  	[tilespmem:v55+s19+$0x0] =	vst.idx.msk $0xffff, v3;
	v3 =	vadd.f32 v56, v35;
	v55 =	vadd.s32 v7, v44;
	v56 =	vld [tilespmem:s8+$0x90]  }
0xb9: {  	v2 =	vadd.f32 v53, v35;
	v53 =	vld [tilespmem:s8+$0x50];
	v52 =	vadd.s32 v61, v52  }
0xba: {  	[tilespmem:v54+s19+$0x0] =	vst.idx.msk $0xffff, v3;
	v3 =	vadd.f32 v57, v35;
	v54 =	vadd.s32 v15, v43;
	v57 =	vld [tilespmem:s8+$0x110]  }
0xbb: {  	v58 =	vadd.f32 v58, v35;
	[tilespmem:v4+s19+$0x0] =	vst.idx.msk $0xffff, v2;
	v2 =	vadd.s32 v11, v45;
	v4 =	vld [tilespmem:s8+$0xD0]  }
0xbc: {  	v60 =	vld [tilespmem:s8+$0x150];
	v0 =	vadd.f32 v0, v33;
	[tilespmem:v5+s19+$0x0] =	vst.idx.msk $0xffff, v3;
	v3 =	vadd.s32 v23, v41  }
0xbd: {  	v59 =	vadd.s32 v19, v40;
	v5 =	vld [tilespmem:s8+$0x190];
	[tilespmem:v55+s19+$0x0] =	vst.idx.msk $0xffff, v58;
	v63 =	vadd.f32 v56, v35  }
0xbe: {  	[tilespmem:v52+s19+$0x0] =	vst.idx.msk $0xffff, v0;
	v0 =	vadd.f32 v53, v35;
	v52 =	vld [tilespmem:s8+$0xFFFFFE10]  }
0xbf: {  	v55 =	vadd.s32 v27, v38;
	v56 =	vld [tilespmem:s8+$0xFFFFFE60];
	[tilespmem:v54+s19+$0x0] =	vst.idx.msk $0xffff, v63;
	v53 =	vadd.f32 v57, v35  }
0xc0: {  	v10 =	vld [tilespmem:$0x1FFE0];
	[tilespmem:v2+s19+$0x0] =	vst.idx.msk $0xffff, v0;
	v0 =	vadd.f32 v4, v35;
	v2 =	vadd.s32 v31, v46  }
0xc1: {  	v58 =	vld [tilespmem:s8+$0xFFFFFEA0];
	v54 =	vadd.s32 v12, v50;
	v4 =	vadd.s32 v7, v37;
	[tilespmem:v3+s19+$0x0] =	vst.idx.msk $0xffff, v53  }
0xc2: {  	v29 =	vld [tilespmem:$0x1FFA0];
	v3 =	vadd.f32 v5, v35;
	[tilespmem:v59+s19+$0x0] =	vst.idx.msk $0xffff, v0;
	v0 =	vadd.f32 v60, v35  }
0xc3: {  	v57 =	vld [tilespmem:s8+$0xFFFFFEE0];
	v59 =	vadd.s32 v16, v51;
	v5 =	vadd.f32 v52, v35;
	v52 =	vadd.s32 v20, v49  }
0xc4: {  	v60 =	vld [tilespmem:s8+$0xFFFFFF20];
	v49 =	vadd.s32 v21, v49;
	[tilespmem:v55+s19+$0x0] =	vst.idx.msk $0xffff, v0;
	v0 =	vadd.f32 v56, v34  }
0xc5: {  	v63 =	vld [tilespmem:s8+$0xFFFFFF60];
	v55 =	vadd.s32 v24, v47;
	v47 =	vadd.s32 v25, v47;
	[tilespmem:v2+s19+$0x0] =	vst.idx.msk $0xffff, v3  }
0xc6: {  	v9 =	vld [tilespmem:$0x1FE70];
	[tilespmem:v4+s19+$0x0] =	vst.idx.msk $0xffff, v5;
	v2 =	vadd.f32 v58, v34;
	v3 =	vadd.s32 v28, v42  }
0xc7: {  	v56 =	vld [tilespmem:s8+$0xFFFFFFA0];
	v5 =	vadd.s32 v32, v39;
	v42 =	vadd.s32 v29, v42;
	[tilespmem:v54+s19+$0x0] =	vst.idx.msk $0xffff, v0  }
0xc8: {  	v4 =	vld [tilespmem:s8+$0xFFFFFFE0];
	v0 =	vadd.f32 v57, v34;
	v57 =	vadd.s32 v62, v48;
	v48 =	vadd.s32 v61, v48  }
0xc9: {  	v54 =	vld [tilespmem:s8+$0x20];
	[tilespmem:v59+s19+$0x0] =	vst.idx.msk $0xffff, v2;
	v2 =	vadd.f32 v60, v34;
	v60 =	vadd.s32 v12, v45  }
0xca: {  	v58 =	vld [tilespmem:s8+$0x60];
	v45 =	vadd.s32 v13, v45;
	[tilespmem:v52+s19+$0x0] =	vst.idx.msk $0xffff, v0;
	v0 =	vadd.f32 v63, v34  }
0xcb: {  	v52 =	vadd.s32 v8, v44;
	v63 =	vld [tilespmem:s8+$0xA0];
	v44 =	vadd.s32 v9, v44;
	[tilespmem:v55+s19+$0x0] =	vst.idx.msk $0xffff, v2  }
0xcc: {  	v59 =	vld [tilespmem:s8+$0xFFFFFE20];
	v2 =	vadd.f32 v56, v34;
	v55 =	vadd.s32 v32, v46;
	v56 =	vadd.s32 v8, v37  }
0xcd: {  	v62 =	vld [tilespmem:s8+$0xE0];
	[tilespmem:v3+s19+$0x0] =	vst.idx.msk $0xffff, v0;
	v0 =	vadd.f32 v4, v34;
	v3 =	vadd.s32 v16, v43  }
0xce: {  	v46 =	vadd.s32 v10, v46;
	v4 =	vld [tilespmem:s8+$0x120];
	[tilespmem:v5+s19+$0x0] =	vst.idx.msk $0xffff, v2;
	v2 =	vadd.f32 v54, v34  }
0xcf: {  	v5 =	vadd.s32 v20, v40;
	v54 =	vld [tilespmem:s8+$0x160];
	[tilespmem:v57+s19+$0x0] =	vst.idx.msk $0xffff, v0;
	v0 =	vadd.f32 v58, v34  }
0xd0: {  	v57 =	vadd.s32 v24, v41;
	v58 =	vld [tilespmem:s8+$0x1A0];
	[tilespmem:v52+s19+$0x0] =	vst.idx.msk $0xffff, v2;
	v2 =	vadd.f32 v63, v34  }
0xd1: {  	v53 =	vld [tilespmem:s8+$0xFFFFFE70];
	v52 =	vadd.s32 v28, v38;
	v63 =	vadd.f32 v59, v34;
	[tilespmem:v60+s19+$0x0] =	vst.idx.msk $0xffff, v0  }
0xd2: {  	v37 =	vadd.s32 v9, v37;
	v0 =	vadd.f32 v62, v34;
	v60 =	vld [tilespmem:s8+$0xFFFFFEB0];
	[tilespmem:v3+s19+$0x0] =	vst.idx.msk $0xffff, v2  }
0xd3: {  	v2 =	vadd.f32 v4, v34;
	v3 =	vadd.s32 v13, v50;
	v4 =	vld [tilespmem:s8+$0xFFFFFEF0];
	[tilespmem:v56+s19+$0x0] =	vst.idx.msk $0xffff, v63  }
0xd4: {  	v50 =	vadd.s32 v17, v51;
	v51 =	vld [tilespmem:s8+$0xFFFFFF30];
	[tilespmem:v5+s19+$0x0] =	vst.idx.msk $0xffff, v0;
	v0 =	vadd.f32 v54, v34  }
0xd5: {  	v41 =	vadd.s32 v25, v41;
	[tilespmem:v57+s19+$0x0] =	vst.idx.msk $0xffff, v2;
	v2 =	vadd.f32 v58, v34;
	v57 =	vld [tilespmem:s8+$0xFFFFFF70]  }
0xd6: {  	s12 =	sadd.s32 $0x3, s15;
	v38 =	vadd.s32 v29, v38;
	v62 =	vadd.f32 v53, v33;
	v53 =	vld [tilespmem:s8+$0xFFFFFFB0];
	v5 =	vmov s15;
	[tilespmem:v52+s19+$0x0] =	vst.idx.msk $0xffff, v0  }
0xd7: {  	s1 =	sadd.s32 $0x1, s15;
	v56 =	vmov s12;
	v5 =	vshrl.u32 v5, $0x3;
	[tilespmem:v55+s19+$0x0] =	vst.idx.msk $0xffff, v2;
	v63 =	vadd.f32 v60, v33;
	v55 =	vld [tilespmem:s8+$0xFFFFFFF0]  }
0xd8: {  	s11 =	sadd.s32 $0x2, s15;
	s31 =	sadd.s32 $0x4, s15;
	v0 =	vmov s1;
	[tilespmem:v3+s19+$0x0] =	vst.idx.msk $0xffff, v62;
	v3 =	vadd.f32 v4, v33;
	v4 =	vadd.s32 v10, v39;
	v39 =	vld [tilespmem:s8+$0x30]  }
0xd9: {  	v61 =	vld [tilespmem:s8+$0x70];
	v52 =	vmov s31;
	v2 =	vmov s11;
	s11 =	sadd.s32 $0x5, s15;
	v60 =	vadd.f32 v51, v33;
	[tilespmem:v50+s19+$0x0] =	vst.idx.msk $0xffff, v63  }
0xda: {  	s31 =	sadd.s32 $0x7, s15;
	v5 =	vshll.u32 v5, v1;
	v54 =	vmov s11;
	v62 =	vld [tilespmem:s8+$0xB0];
	[tilespmem:v49+s19+$0x0] =	vst.idx.msk $0xffff, v3;
	v3 =	vadd.f32 v57, v33  }
0xdb: {  	s12 =	sadd.s32 $0x6, s15;
	v51 =	vshrl.u32 v52, $0x3;
	v63 =	vadd.f32 v53, v33;
	v53 =	vmov s31;
	[tilespmem:v47+s19+$0x0] =	vst.idx.msk $0xffff, v60;
	v47 =	vld [tilespmem:s8+$0x1B0]  }
0xdc: {  	v50 =	vld [tilespmem:s8+$0xF0];
	s31 =	sadd.s32 $0xA, s15;
	v57 =	vmov s12;
	s12 =	sadd.s32 $0x9, s15;
	[tilespmem:v42+s19+$0x0] =	vst.idx.msk $0xffff, v3;
	v3 =	vadd.f32 v55, v33;
	v42 =	vadd.s32 v17, v43  }
0xdd: {  	s11 =	sadd.s32 $0x8, s15;
	v59 =	vmov s31;
	v58 =	vmov s12;
	v43 =	vld [tilespmem:s8+$0x130];
	[tilespmem:v4+s19+$0x0] =	vst.idx.msk $0xffff, v63;
	v4 =	vadd.f32 v39, v33  }
0xde: {  	v55 =	vmov s11;
	s11 =	sadd.s32 $0xB, s15;
	v39 =	vadd.s32 v21, v40;
	v40 =	vld [tilespmem:s8+$0x170];
	[tilespmem:v48+s19+$0x0] =	vst.idx.msk $0xffff, v3;
	v3 =	vadd.f32 v61, v33  }
0xdf: {  	s12 =	sadd.s32 $0xC, s15;
	v49 =	vshrl.u32 v57, $0x3;
	v60 =	vmov s11;
	v48 =	vld [tilespmem:s8+$0xFFFFFE30];
	[tilespmem:v44+s19+$0x0] =	vst.idx.msk $0xffff, v4;
	v4 =	vadd.f32 v62, v33  }
0xe0: {  	s31 =	sadd.s32 $0xD, s15;
	s11 =	sadd.s32 $0xE, s15;
	v61 =	vmov s12;
	v44 =	vshrl.u32 v0, $0x3;
	v0 =	vadd.f32 v47, v33;
	[tilespmem:v45+s19+$0x0] =	vst.idx.msk $0xffff, v3  }
0xe1: {  	p1 =	slt.u32 s15, $0x70;
	v63 =	vmov s11;
	v62 =	vmov s31;
	v3 =	vadd.f32 v50, v33;
	[tilespmem:v42+s19+$0x0] =	vst.idx.msk $0xffff, v4  }
.Ltmp0:
0xe2: {  	v47 =	vshrl.u32 v55, $0x3;
	v50 =	vshrl.u32 v2, $0x3;
	v4 =	vadd.f32 v43, v33;
	[tilespmem:v46+s19+$0x0] =	vst.idx.msk $0xffff, v0;
	(pc) =	sbr.rel @p1 .LBB2_3-.Ltmp0, $4  }
0xe3: {  	v45 =	vshrl.u32 v56, $0x3;
	v46 =	vshrl.u32 v53, $0x3;
	[tilespmem:v39+s19+$0x0] =	vst.idx.msk $0xffff, v3;
	v3 =	vadd.f32 v40, v33  }
0xe4: {  	v42 =	vshrl.u32 v59, $0x3;
	v43 =	vshrl.u32 v60, $0x3;
	[tilespmem:v41+s19+$0x0] =	vst.idx.msk $0xffff, v4;
	v2 =	vadd.f32 v48, v33  }
0xe5: {  	v39 =	vshrl.u32 v62, $0x3;
	v40 =	vshrl.u32 v63, $0x3;
	v48 =	vshrl.u32 v54, $0x3;
	[tilespmem:v38+s19+$0x0] =	vst.idx.msk $0xffff, v3  }
0xe6: {  	s30 =	sadd.s32 $0xF, s15;
	s15 =	sadd.s32 $0x10, s15;
	v41 =	vshrl.u32 v61, $0x3;
	v38 =	vshrl.u32 v58, $0x3;
	[tilespmem:v37+s19+$0x0] =	vst.idx.msk $0xffff, v2;
	v37 =	vbroadcast v5, $0x0  }
0xe7: {  	v10 =	vld [tilespmem:$0x1FE10]  }
0xe8: {  	v29 =	vld [tilespmem:$0x1FE30]  }
0xe9: {  	v0 =	vshll.u32 v44, v1;
	v2 =	vshll.u32 v50, v1;
	v3 =	vmov s30;
	s8 =	sadd.s32 $0x400, s8;
	v9 =	vld [tilespmem:$0x1FE00]  }
0xea: {  	v4 =	vshll.u32 v45, v1;
	v50 =	vshll.u32 v38, v1;
	v3 =	vshrl.u32 v3, $0x3;
	v60 =	vld [tilespmem:s8+$0x1C0]  }
0xeb: {  	v38 =	vbroadcast v0, $0x0;
	v0 =	vshll.u32 v41, v1;
	v55 =	vld [tilespmem:s8+$0xFFFFFE80];
	v41 =	vbroadcast v2, $0x0  }
0xec: {  	v2 =	vshll.u32 v39, v1;
	v57 =	vld [tilespmem:s8+$0xFFFFFEC0];
	v39 =	vbroadcast v4, $0x0;
	v3 =	vshll.u32 v3, v1  }
0xed: {  	v3 =	vbroadcast v3, $0x0  }
0xee: {  	v5 =	vshll.u32 v51, v1;
	v45 =	vshll.u32 v49, v1;
	v61 =	vld [tilespmem:s8+$0xFFFFFE00];
	v49 =	vadd.s32 v18, v39  }
0xef: {  	v52 =	vshll.u32 v43, v1;
	v43 =	vld [tilespmem:s8+$0xFFFFFE40];
	v4 =	vshll.u32 v40, v1;
	v53 =	vadd.s32 v10, v3  }
0xf0: {  	v40 =	vbroadcast v5, $0x0;
	v54 =	vadd.s32 v29, v37;
	v5 =	vadd.f32 v60, v36  }
0xf1: {  	v56 =	vadd.s32 v9, v38;
	v60 =	vld [tilespmem:s8+$0xFFFFFF40];
	v63 =	vadd.f32 v55, v36;
	v55 =	vadd.f32 v57, v36  }
0xf2: {  	v44 =	vshll.u32 v48, v1;
	v46 =	vshll.u32 v46, v1;
	v59 =	vld [tilespmem:s8+$0xFFFFFF00];
	v58 =	vadd.s32 v14, v41  }
0xf3: {  	v51 =	vshll.u32 v42, v1;
	v42 =	vbroadcast v44, $0x0;
	v48 =	vadd.f32 v61, v36;
	[tilespmem:v49+s19+$0x0] =	vst.idx.msk $0xffff, v55  }
0xf4: {  	v62 =	vadd.f32 v43, v36;
	v43 =	vbroadcast v45, $0x0;
	[tilespmem:v53+s19+$0x0] =	vst.idx.msk $0xffff, v5;
	v5 =	vadd.s32 v22, v40;
	v53 =	vld [tilespmem:s8+$0xFFFFFF80]  }
0xf5: {  	v47 =	vshll.u32 v47, v1;
	v44 =	vbroadcast v46, $0x0;
	[tilespmem:v54+s19+$0x0] =	vst.idx.msk $0xffff, v48;
	v48 =	vadd.s32 v26, v42;
	v54 =	vld [tilespmem:s8+$0x1D0]  }
0xf6: {  	v46 =	vbroadcast v50, $0x0;
	[tilespmem:v56+s19+$0x0] =	vst.idx.msk $0xffff, v62;
	v56 =	vadd.s32 v30, v43;
	v49 =	vadd.f32 v60, v36;
	v60 =	vld [tilespmem:s8+$0x40]  }
0xf7: {  	v57 =	vld [tilespmem:s8+$0xFFFFFFC0];
	v61 =	vadd.s32 v6, v3;
	[tilespmem:v58+s19+$0x0] =	vst.idx.msk $0xffff, v63;
	v58 =	vadd.f32 v59, v36  }
0xf8: {  	v45 =	vbroadcast v47, $0x0;
	v59 =	vld [tilespmem:s8+$0x0];
	v62 =	vadd.s32 v9, v46  }
0xf9: {  	v55 =	vadd.s32 v10, v44;
	[tilespmem:v5+s19+$0x0] =	vst.idx.msk $0xffff, v58;
	v10 =	vadd.f32 v53, v36  }
0xfa: {  	v53 =	vadd.s32 v29, v45;
	[tilespmem:v48+s19+$0x0] =	vst.idx.msk $0xffff, v49;
	v9 =	vadd.f32 v54, v35  }
0xfb: {  	v50 =	vbroadcast v2, $0x0;
	v47 =	vbroadcast v51, $0x0;
	v58 =	vld [tilespmem:s8+$0x80];
	v2 =	vadd.f32 v60, v36;
	[tilespmem:v56+s19+$0x0] =	vst.idx.msk $0xffff, v10  }
0xfc: {  	v63 =	vld [tilespmem:s8+$0xC0];
	v48 =	vbroadcast v52, $0x0;
	v10 =	vadd.f32 v57, v36;
	[tilespmem:v61+s19+$0x0] =	vst.idx.msk $0xffff, v9  }
0xfd: {  	v52 =	vadd.s32 v14, v47;
	v29 =	vld [tilespmem:s8+$0x100];
	v49 =	vbroadcast v0, $0x0;
	v0 =	vadd.f32 v59, v36;
	[tilespmem:v62+s19+$0x0] =	vst.idx.msk $0xffff, v2  }
0xfe: {  	v57 =	vld [tilespmem:s8+$0x140];
	[tilespmem:v55+s19+$0x0] =	vst.idx.msk $0xffff, v10  }
0xff: {  	v56 =	vadd.s32 v18, v48;
	v9 =	vld [tilespmem:s8+$0x180];
	[tilespmem:v53+s19+$0x0] =	vst.idx.msk $0xffff, v0  }
0x100: {  	v51 =	vbroadcast v4, $0x0;
	v61 =	vadd.s32 v22, v49;
	v0 =	vadd.f32 v58, v36;
	v18 =	vld [tilespmem:$0x1FE20]  }
0x101: {  	v2 =	vld [tilespmem:s8+$0xFFFFFE50];
	v10 =	vadd.f32 v63, v36;
	v53 =	vadd.s32 v26, v50  }
0x102: {  	v26 =	vadd.f32 v29, v36;
	v29 =	vadd.s32 v30, v51;
	[tilespmem:v52+s19+$0x0] =	vst.idx.msk $0xffff, v0;
	v0 =	vld [tilespmem:s8+$0xFFFFFE90]  }
0x103: {  	v55 =	vld [tilespmem:s8+$0x1E0];
	v30 =	vadd.s32 v11, v38  }
0x104: {  	v5 =	vadd.s32 v15, v41;
	[tilespmem:v56+s19+$0x0] =	vst.idx.msk $0xffff, v10;
	v57 =	vadd.f32 v57, v36  }
0x105: {  	[tilespmem:v61+s19+$0x0] =	vst.idx.msk $0xffff, v26;
	v63 =	vadd.f32 v9, v36;
	v22 =	vadd.s32 v18, v3  }
0x106: {  	v2 =	vadd.f32 v2, v35;
	[tilespmem:v53+s19+$0x0] =	vst.idx.msk $0xffff, v57  }
0x107: {  	[tilespmem:v29+s19+$0x0] =	vst.idx.msk $0xffff, v63;
	v0 =	vadd.f32 v0, v35  }
0x108: {  	v55 =	vadd.f32 v55, v34;
	[tilespmem:v30+s19+$0x0] =	vst.idx.msk $0xffff, v2  }
0x109: {  	v60 =	vld [tilespmem:s8+$0xFFFFFED0];
	[tilespmem:v5+s19+$0x0] =	vst.idx.msk $0xffff, v0  }
0x10a: {  	v61 =	vld [tilespmem:s8+$0xFFFFFF10];
	[tilespmem:v22+s19+$0x0] =	vst.idx.msk $0xffff, v55  }
0x10b: {  	v14 =	vld [tilespmem:$0x1FE40]  }
0x10c: {  	v62 =	vadd.s32 v19, v39;
	v9 =	vld [tilespmem:s8+$0xFFFFFF50]  }
0x10d: {  	v10 =	vadd.s32 v23, v40;
	v22 =	vld [tilespmem:s8+$0xFFFFFF90]  }
0x10e: {  	v26 =	vadd.s32 v27, v42;
	v29 =	vld [tilespmem:s8+$0x1F0]  }
0x10f: {  	v2 =	vadd.f32 v60, v35;
	v30 =	vadd.s32 v31, v43;
	v60 =	vld [tilespmem:s8+$0xFFFFFFD0]  }
0x110: {  	v0 =	vadd.f32 v61, v35;
	v61 =	vld [tilespmem:s8+$0x10];
	v3 =	vadd.s32 v14, v3  }
0x111: {  	v63 =	vld [tilespmem:s8+$0x50];
	[tilespmem:v62+s19+$0x0] =	vst.idx.msk $0xffff, v2;
	v2 =	vadd.f32 v9, v35;
	v62 =	vadd.s32 v6, v44  }
0x112: {  	[tilespmem:v10+s19+$0x0] =	vst.idx.msk $0xffff, v0;
	v9 =	vadd.s32 v7, v45;
	v10 =	vld [tilespmem:s8+$0x90];
	v0 =	vadd.f32 v22, v35  }
0x113: {  	[tilespmem:v26+s19+$0x0] =	vst.idx.msk $0xffff, v2;
	v2 =	vadd.s32 v11, v46;
	v11 =	vld [tilespmem:s8+$0xD0];
	v54 =	vadd.f32 v29, v33  }
0x114: {  	v26 =	vld [tilespmem:s8+$0x110];
	v22 =	vadd.s32 v15, v47;
	[tilespmem:v30+s19+$0x0] =	vst.idx.msk $0xffff, v0;
	v0 =	vadd.f32 v60, v35  }
0x115: {  	v5 =	vadd.f32 v61, v35;
	v29 =	vld [tilespmem:s8+$0x150];
	[tilespmem:v3+s19+$0x0] =	vst.idx.msk $0xffff, v54;
	v3 =	vadd.s32 v19, v48  }
0x116: {  	v30 =	vadd.s32 v23, v49;
	v60 =	vld [tilespmem:s8+$0x190];
	[tilespmem:v62+s19+$0x0] =	vst.idx.msk $0xffff, v0;
	v0 =	vadd.f32 v63, v35  }
0x117: {  	v61 =	vld [tilespmem:s8+$0xFFFFFE10];
	[tilespmem:v9+s19+$0x0] =	vst.idx.msk $0xffff, v5;
	v62 =	vadd.f32 v10, v35;
	v63 =	vadd.s32 v27, v50  }
0x118: {  	v9 =	vadd.s32 v31, v51;
	[tilespmem:v2+s19+$0x0] =	vst.idx.msk $0xffff, v0;
	v0 =	vld [tilespmem:s8+$0xFFFFFE60];
	v2 =	vadd.f32 v11, v35  }
0x119: {  	v56 =	vadd.f32 v26, v35;
	v10 =	vadd.s32 v7, v37;
	[tilespmem:v22+s19+$0x0] =	vst.idx.msk $0xffff, v62;
	v11 =	vld [tilespmem:s8+$0xFFFFFEA0]  }
0x11a: {  	v54 =	vadd.f32 v29, v35;
	[tilespmem:v3+s19+$0x0] =	vst.idx.msk $0xffff, v2;
	v2 =	vadd.s32 v12, v38;
	v3 =	vld [tilespmem:s8+$0xFFFFFEE0]  }
0x11b: {  	v19 =	vadd.s32 v16, v41;
	v22 =	vld [tilespmem:s8+$0xFFFFFF20];
	[tilespmem:v30+s19+$0x0] =	vst.idx.msk $0xffff, v56;
	v53 =	vadd.f32 v60, v35  }
0x11c: {  	v23 =	vadd.s32 v20, v39;
	v5 =	vadd.f32 v61, v35;
	v26 =	vld [tilespmem:s8+$0xFFFFFF60];
	[tilespmem:v63+s19+$0x0] =	vst.idx.msk $0xffff, v54  }
0x11d: {  	v27 =	vadd.s32 v24, v40;
	v29 =	vld [tilespmem:s8+$0xFFFFFFA0];
	[tilespmem:v9+s19+$0x0] =	vst.idx.msk $0xffff, v53;
	v0 =	vadd.f32 v0, v34  }
0x11e: {  	v31 =	vadd.s32 v28, v42;
	v60 =	vld [tilespmem:s8+$0xFFFFFFE0];
	[tilespmem:v10+s19+$0x0] =	vst.idx.msk $0xffff, v5;
	v30 =	vadd.f32 v11, v34  }
0x11f: {  	[tilespmem:v2+s19+$0x0] =	vst.idx.msk $0xffff, v0;
	v0 =	vadd.f32 v3, v34;
	v2 =	vadd.s32 v32, v43;
	v3 =	vld [tilespmem:s8+$0x20]  }
0x120: {  	v62 =	vadd.s32 v18, v44;
	v63 =	vld [tilespmem:s8+$0x60];
	v61 =	vadd.f32 v22, v34;
	[tilespmem:v19+s19+$0x0] =	vst.idx.msk $0xffff, v30  }
0x121: {  	v9 =	vadd.s32 v8, v45;
	v10 =	vld [tilespmem:s8+$0xA0];
	[tilespmem:v23+s19+$0x0] =	vst.idx.msk $0xffff, v0;
	v0 =	vadd.f32 v26, v34  }
0x122: {  	v18 =	vadd.s32 v12, v46;
	v11 =	vadd.f32 v29, v34;
	[tilespmem:v27+s19+$0x0] =	vst.idx.msk $0xffff, v61;
	v19 =	vld [tilespmem:s8+$0xE0]  }
0x123: {  	v22 =	vadd.s32 v16, v47;
	v29 =	vld [tilespmem:s8+$0x1A0];
	[tilespmem:v31+s19+$0x0] =	vst.idx.msk $0xffff, v0;
	v0 =	vadd.f32 v60, v34  }
0x124: {  	v23 =	vld [tilespmem:s8+$0x120];
	[tilespmem:v2+s19+$0x0] =	vst.idx.msk $0xffff, v11;
	v2 =	vadd.f32 v3, v34;
	v3 =	vadd.s32 v20, v48  }
0x125: {  	v58 =	vadd.s32 v32, v51;
	v26 =	vld [tilespmem:s8+$0x160];
	[tilespmem:v62+s19+$0x0] =	vst.idx.msk $0xffff, v0;
	v0 =	vadd.f32 v63, v34  }
0x126: {  	v27 =	vadd.s32 v24, v49;
	v30 =	vadd.f32 v10, v34;
	[tilespmem:v9+s19+$0x0] =	vst.idx.msk $0xffff, v2;
	v2 =	vld [tilespmem:s8+$0xFFFFFE20]  }
0x127: {  	v57 =	vadd.f32 v19, v34;
	v31 =	vadd.s32 v28, v50;
	[tilespmem:v18+s19+$0x0] =	vst.idx.msk $0xffff, v0;
	v0 =	vld [tilespmem:s8+$0xFFFFFE70]  }
0x128: {  	v59 =	vadd.s32 v8, v37;
	[tilespmem:v22+s19+$0x0] =	vst.idx.msk $0xffff, v30;
	v16 =	vadd.f32 v29, v34;
	v60 =	vld [tilespmem:s8+$0xFFFFFEB0]  }
0x129: {  	v61 =	vld [tilespmem:s8+$0xFFFFFEF0];
	v55 =	vadd.f32 v23, v34;
	[tilespmem:v3+s19+$0x0] =	vst.idx.msk $0xffff, v57;
	v3 =	vadd.s32 v13, v38  }
0x12a: {  	[tilespmem:v58+s19+$0x0] =	vst.idx.msk $0xffff, v16;
	v62 =	vadd.s32 v17, v41;
	v4 =	vadd.f32 v26, v34  }
0x12b: {  	v18 =	vadd.s32 v21, v39;
	[tilespmem:v27+s19+$0x0] =	vst.idx.msk $0xffff, v55;
	v2 =	vadd.f32 v2, v34  }
0x12c: {  	[tilespmem:v31+s19+$0x0] =	vst.idx.msk $0xffff, v4;
	v0 =	vadd.f32 v0, v33  }
0x12d: {  	v19 =	vld [tilespmem:s8+$0xFFFFFF70];
	[tilespmem:v59+s19+$0x0] =	vst.idx.msk $0xffff, v2;
	v2 =	vadd.f32 v60, v33  }
0x12e: {  	v23 =	vld [tilespmem:$0x1FFA0];
	[tilespmem:v3+s19+$0x0] =	vst.idx.msk $0xffff, v0;
	v0 =	vadd.f32 v61, v33  }
0x12f: {  	v27 =	vld [tilespmem:$0x1FFE0];
	[tilespmem:v62+s19+$0x0] =	vst.idx.msk $0xffff, v2  }
0x130: {  	v63 =	vld [tilespmem:s8+$0xFFFFFF30];
	[tilespmem:v18+s19+$0x0] =	vst.idx.msk $0xffff, v0  }
0x131: {  	v31 =	vld [tilespmem:$0x1FE70]  }
0x132: {  	v20 =	vadd.s32 v25, v40;
	v22 =	vld [tilespmem:s8+$0xFFFFFFB0]  }
0x133: {  	v26 =	vld [tilespmem:s8+$0xFFFFFFF0];
	v24 =	vadd.s32 v23, v42  }
0x134: {  	v28 =	vld [tilespmem:s8+$0x30];
	v3 =	vadd.s32 v27, v43  }
0x135: {  	v29 =	vadd.s32 v14, v44;
	v30 =	vld [tilespmem:s8+$0x70];
	v2 =	vadd.f32 v63, v33  }
0x136: {  	v55 =	vld [tilespmem:s8+$0x130];
	v0 =	vadd.f32 v19, v33;
	v44 =	vadd.s32 v31, v45  }
0x137: {  	v52 =	vadd.s32 v13, v46;
	v53 =	vld [tilespmem:s8+$0xF0];
	[tilespmem:v20+s19+$0x0] =	vst.idx.msk $0xffff, v2;
	v2 =	vadd.f32 v22, v33  }
0x138: {  	v57 =	vadd.s32 v25, v49;
	v45 =	vld [tilespmem:s8+$0xB0];
	[tilespmem:v24+s19+$0x0] =	vst.idx.msk $0xffff, v0;
	v0 =	vadd.f32 v26, v33  }
0x139: {  	v56 =	vld [tilespmem:s8+$0x170];
	[tilespmem:v3+s19+$0x0] =	vst.idx.msk $0xffff, v2;
	v2 =	vadd.f32 v28, v33;
	v3 =	vadd.s32 v21, v48  }
0x13a: {  	v54 =	vadd.s32 v17, v47;
	v58 =	vld [tilespmem:s8+$0x1B0];
	[tilespmem:v29+s19+$0x0] =	vst.idx.msk $0xffff, v0;
	v0 =	vadd.f32 v30, v33  }
0x13b: {  	v63 =	vadd.f32 v55, v33;
	v60 =	vadd.s32 v23, v50;
	[tilespmem:v44+s19+$0x0] =	vst.idx.msk $0xffff, v2;
	v2 =	vld [tilespmem:s8+$0xFFFFFE30]  }
0x13c: {  	v61 =	vadd.s32 v27, v51;
	[tilespmem:v52+s19+$0x0] =	vst.idx.msk $0xffff, v0;
	v0 =	vadd.f32 v53, v33  }
0x13d: {  	[tilespmem:v57+s19+$0x0] =	vst.idx.msk $0xffff, v63;
	v62 =	vadd.s32 v31, v37;
	v59 =	vadd.f32 v45, v33  }
0x13e: {  	s1 =	smul.u32 $0x140000, s13;
	[tilespmem:v3+s19+$0x0] =	vst.idx.msk $0xffff, v0;
	v0 =	vadd.f32 v56, v33  }
0x13f: {  	[tilespmem:v54+s19+$0x0] =	vst.idx.msk $0xffff, v59;
	v3 =	vadd.f32 v58, v33  }
0x140: {  	s1 =	sor.u32 s7, s1;
	[tilespmem:v60+s19+$0x0] =	vst.idx.msk $0xffff, v0;
	v0 =	vadd.f32 v2, v33  }
0x141: {  	s1 =	sshrl.u32 s1, $0x3;
	[tilespmem:v61+s19+$0x0] =	vst.idx.msk $0xffff, v3  }
0x142: {  	s11 =	sadd.s32 s2, s1;
	s8 =	simm.s32 $0x13600;
	[tilespmem:v62+s19+$0x0] =	vst.idx.msk $0xffff, v0  }
0x143: {  	[hbm4b:s11+s3] =	stream.linear.scatter [tilespmem:s8], [sflag:$0x6], $0x80, $0x38;
	[tilespmem:$0x1E000] =	vst v63  }
0x144: {  	s12 =	simm.s32 $0x13688;
	s15 =	sadd.s32 $0x10, s11  }
0x145: {  	[hbm4b:s15+s3] =	stream.linear.scatter [tilespmem:s12], [sflag:$0x6], $0x80, $0x38;
	[tilespmem:$0x1E000] =	vst v63  }
0x146: {  	s12 =	simm.s32 $0x13710;
	s15 =	sadd.s32 $0x20, s11  }
0x147: {  	[hbm4b:s15+s3] =	stream.linear.scatter [tilespmem:s12], [sflag:$0x6], $0x80, $0x38;
	[tilespmem:$0x1E000] =	vst v63  }
0x148: {  	s12 =	simm.s32 $0x13798;
	s15 =	sadd.s32 $0x30, s11  }
0x149: {  	[hbm4b:s15+s3] =	stream.linear.scatter [tilespmem:s12], [sflag:$0x6], $0x80, $0x38;
	[tilespmem:$0x1E000] =	vst v63  }
0x14a: {  	s12 =	simm.s32 $0x13820;
	s15 =	sadd.s32 $0x40, s11  }
0x14b: {  	[hbm4b:s15+s3] =	stream.linear.scatter [tilespmem:s12], [sflag:$0x6], $0x80, $0x38;
	[tilespmem:$0x1E000] =	vst v63  }
0x14c: {  	s30 =	simm.s32 $0x2200;
	s12 =	simm.s32 $0x138A8;
	s15 =	sadd.s32 $0x50, s11  }
0x14d: {  	[hbm4b:s15+s3] =	stream.linear.scatter [tilespmem:s12], [sflag:$0x6], $0x80, $0x38;
	[tilespmem:$0x1E000] =	vst v63  }
0x14e: {  	s1 =	simm.s32 $0x139B8;
	s12 =	simm.s32 $0x13930;
	s15 =	sadd.s32 $0x60, s11  }
0x14f: {  	[hbm4b:s15+s3] =	stream.linear.scatter [tilespmem:s12], [sflag:$0x6], $0x80, $0x38;
	[tilespmem:$0x1E000] =	vst v63  }
0x150: {  	s31 =	sadd.s32 $0x70, s11;
	s8 =	simm.s32 $0x440;
	s15 =	sadd.s32 $0x1000, s11  }
.LBB2_5:
0x151: {  	[hbm4b:s31+s3] =	stream.linear.scatter [tilespmem:s1], [sflag:$0x6], $0x80, $0x38;
	[tilespmem:$0x1E000] =	vst v63  }
0x152: {  	s1 =	smov.u32 s8;
	s8 =	smov.u32 s30  }
0x153: {  	s11 =	sadd.s32 $0x1100, s30;
	s8 =	sshra.s32 s8, $0x2;
	s31 =	sadd.s32 $0x13600, s1  }
0x154: {  	[hbm4b:s15+s3] =	stream.linear.scatter [tilespmem:s31], [sflag:$0x6], $0x80, $0x38;
	[tilespmem:$0x1E000] =	vst v63  }
0x155: {  	p1 =	sne.s32 s30, $0x7700;
	s30 =	sadd.s32 $0x13688, s1;
	s31 =	sadd.s32 $0x10, s15  }
0x156: {  	[hbm4b:s31+s3] =	stream.linear.scatter [tilespmem:s30], [sflag:$0x6], $0x80, $0x38;
	[tilespmem:$0x1E000] =	vst v63  }
0x157: {  	s30 =	sadd.s32 $0x13710, s1;
	s31 =	sadd.s32 $0x20, s15  }
0x158: {  	[hbm4b:s31+s3] =	stream.linear.scatter [tilespmem:s30], [sflag:$0x6], $0x80, $0x38;
	[tilespmem:$0x1E000] =	vst v63  }
0x159: {  	s30 =	sadd.s32 $0x13798, s1;
	s31 =	sadd.s32 $0x30, s15  }
0x15a: {  	[hbm4b:s31+s3] =	stream.linear.scatter [tilespmem:s30], [sflag:$0x6], $0x80, $0x38;
	[tilespmem:$0x1E000] =	vst v63  }
0x15b: {  	s30 =	sadd.s32 $0x13820, s1;
	s31 =	sadd.s32 $0x40, s15  }
0x15c: {  	[hbm4b:s31+s3] =	stream.linear.scatter [tilespmem:s30], [sflag:$0x6], $0x80, $0x38;
	[tilespmem:$0x1E000] =	vst v63  }
.Ltmp1:
0x15d: {  	s30 =	sadd.s32 $0x138A8, s1;
	s31 =	sadd.s32 $0x50, s15;
	(pc) =	sbr.rel @p1 .LBB2_5-.Ltmp1, $4  }
0x15e: {  	[hbm4b:s31+s3] =	stream.linear.scatter [tilespmem:s30], [sflag:$0x6], $0x80, $0x38;
	[tilespmem:$0x1E000] =	vst v63  }
0x15f: {  	s30 =	sadd.s32 $0x13930, s1;
	s31 =	sadd.s32 $0x60, s15;
	s1 =	sadd.s32 $0x139B8, s1  }
0x160: {  	[hbm4b:s31+s3] =	stream.linear.scatter [tilespmem:s30], [sflag:$0x6], $0x80, $0x38;
	[tilespmem:$0x1E000] =	vst v63  }
0x161: {  	s31 =	sadd.s32 $0x70, s15;
	s15 =	sadd.s32 $0x1000, s15;
	s30 =	smov.u32 s11  }
0x162: {  	[hbm4b:s31+s3] =	stream.linear.scatter [tilespmem:s1], [sflag:$0x6], $0x80, $0x38;
	[tilespmem:$0x1E000] =	vst v63  }
0x163: {  	s11 =	sadd.s32 $0x13600, s8  }
0x164: {  	[hbm4b:s15+s3] =	stream.linear.scatter [tilespmem:s11], [sflag:$0x6], $0x80, $0x38;
	[tilespmem:$0x1E000] =	vst v63  }
0x165: {  	s12 =	sadd.s32 $0x13688, s8;
	s11 =	sadd.s32 $0x10, s15  }
0x166: {  	[hbm4b:s11+s3] =	stream.linear.scatter [tilespmem:s12], [sflag:$0x6], $0x80, $0x38;
	[tilespmem:$0x1E000] =	vst v63  }
0x167: {  	s11 =	sadd.s32 $0x13710, s8;
	s12 =	sadd.s32 $0x20, s15  }
0x168: {  	[hbm4b:s12+s3] =	stream.linear.scatter [tilespmem:s11], [sflag:$0x6], $0x80, $0x38;
	[tilespmem:$0x1E000] =	vst v63  }
0x169: {  	s11 =	sadd.s32 $0x13798, s8;
	s12 =	sadd.s32 $0x30, s15  }
0x16a: {  	[hbm4b:s12+s3] =	stream.linear.scatter [tilespmem:s11], [sflag:$0x6], $0x80, $0x38;
	[tilespmem:$0x1E000] =	vst v63  }
0x16b: {  	s11 =	sadd.s32 $0x13820, s8;
	s12 =	sadd.s32 $0x40, s15  }
0x16c: {  	[hbm4b:s12+s3] =	stream.linear.scatter [tilespmem:s11], [sflag:$0x6], $0x80, $0x38;
	[tilespmem:$0x1E000] =	vst v63  }
0x16d: {  	s11 =	sadd.s32 $0x138A8, s8;
	s12 =	sadd.s32 $0x50, s15  }
0x16e: {  	[hbm4b:s12+s3] =	stream.linear.scatter [tilespmem:s11], [sflag:$0x6], $0x80, $0x38;
	[tilespmem:$0x1E000] =	vst v63  }
0x16f: {  	s1 =	simm.s32 @!p0 $0x7;
	s11 =	sadd.s32 $0x13930, s8;
	s12 =	sadd.s32 $0x60, s15  }
0x170: {  	[hbm4b:s12+s3] =	stream.linear.scatter [tilespmem:s11], [sflag:$0x6], $0x80, $0x38;
	[tilespmem:$0x1E000] =	vst v63  }
0x171: {  	s12 =	sadd.s32 $0x139B8, s8;
	s8 =	simm.s32 $0x0;
	s11 =	simm.s32 $0x1  }
0x172: {  	s15 =	sadd.s32 $0x70, s15;
	v0 =	vmov s8;
	v2 =	vmov s11;
	s11 =	simm.s32 $0x4;
	s8 =	simm.s32 $0xA  }
0x173: {  	[hbm4b:s15+s3] =	stream.linear.scatter [tilespmem:s12], [sflag:$0x6], $0x80, $0x38;
	[tilespmem:$0x1E000] =	vst v63  }
0x174: {  	s12 =	simm.s32 $0x2;
	s15 =	simm.s32 $0x3;
	_ =	swait.ge @!p0 [sflag:s1], $0x2000  }
0x175: {  	v5 =	vmov s11;
	s11 =	simm.s32 $0x7;
	v38 =	vmov s8;
	s8 =	simm.s32 $0xD;
	[sflag:s1] =	ssyncset.done @!p0 $0x0  }
0x176: {  	v3 =	vmov s12;
	v4 =	vmov s15;
	s12 =	simm.s32 $0x5;
	s15 =	simm.s32 $0x6;
	[sflag:s1] =	ssyncadd.s32 @!p0 $0xFFFFE000  }
0x177: {  	v33 =	vmov s12;
	v34 =	vmov s15;
	s12 =	simm.s32 $0x8;
	s15 =	simm.s32 $0x9;
	_ =	swait.ge [sflag:s20], $0x2000  }
0x178: {  	v35 =	vmov s11;
	s11 =	simm.s32 $0xB;
	v36 =	vmov s12;
	v37 =	vmov s15;
	s12 =	simm.s32 $0xC;
	s15 =	sadd.s32 $0x4, s6;
	v15 =	vld [tilespmem:$0x1FE10]  }
0x179: {  	v41 =	vmov s8;
	s8 =	sadd.s32 $0x1, s6;
	v40 =	vmov s12;
	s12 =	sshll.u32 s15, $0x7;
	[sflag:s20] =	ssyncset.done $0x0;
	v18 =	vld [tilespmem:$0x1FE30]  }
0x17a: {  	v0 =	vshrl.u32 v0, $0x3;
	v39 =	vmov s11;
	s11 =	simm.s32 $0xE;
	s12 =	sand.u32 $0x3FFFFF80, s12;
	v13 =	vld [tilespmem:$0x1FE00];
	[sflag:s20] =	ssyncadd.s32 $0xFFFFE000  }
0x17b: {  	v2 =	vshrl.u32 v2, $0x3;
	v0 =	vshll.u32 v0, v1;
	v10 =	vld [tilespmem:$0x1FEB0];
	[tilespmem:s21], [sflag:$0x5] =	stream.indirect.gather [hbm4b:s4+s9], $0x40, s12, s9, $0xb8  }
0x17c: {  	v5 =	vshrl.u32 v5, $0x3;
	v2 =	vshll.u32 v2, v1;
	v42 =	vmov s11;
	s11 =	sshll.u32 s8, $0x6;
	v11 =	vld [tilespmem:$0x1FEF0];
	s12 =	simm.s32 $0xF  }
0x17d: {  	v3 =	vshrl.u32 v3, $0x3;
	v46 =	vshrl.u32 v36, $0x3;
	s1 =	sand.u32 $0x3FFFFFC0, s11;
	v7 =	vld [tilespmem:$0x1FF30];
	v60 =	vmov s12  }
0x17e: {  	s30 =	simm.s32 $0xB800;
	v47 =	vshrl.u32 v37, $0x3;
	v37 =	vbroadcast v0, $0x0;
	v36 =	vld [tilespmem:s1+$0x6400];
	v61 =	vshrl.u32 v60, $0x3  }
0x17f: {  	v0 =	vshrl.u32 v41, $0x3;
	v41 =	vshrl.u32 v42, $0x3;
	v63 =	vld [tilespmem:s30+$0xFFFFFE00];
	v42 =	vshll.u32 v61, v1  }
0x180: {  	v45 =	vshrl.u32 v35, $0x3;
	v50 =	vbroadcast v2, $0x0;
	v62 =	vld [tilespmem:s30+$0x1C0];
	v52 =	vbroadcast v42, $0x0  }
0x181: {  	v3 =	vshll.u32 v3, v1;
	v40 =	vshrl.u32 v40, $0x3;
	v54 =	vld [tilespmem:s30+$0xFFFFFE40];
	v55 =	vadd.s32 v18, v37  }
0x182: {  	v51 =	vbroadcast v3, $0x0;
	v2 =	vshll.u32 v40, v1;
	v56 =	vld [tilespmem:s30+$0xFFFFFE80];
	v40 =	vadd.s32 v15, v52  }
0x183: {  	v5 =	vshll.u32 v5, v1;
	v43 =	vshrl.u32 v33, $0x3;
	v35 =	vld [tilespmem:s1+$0x6410];
	v3 =	vadd.s32 v13, v50  }
0x184: {  	v44 =	vshrl.u32 v34, $0x3;
	v34 =	vld [tilespmem:s1+$0x6420];
	v58 =	vadd.s32 v10, v51;
	v42 =	vadd.f32 v63, v36  }
0x185: {  	v53 =	vshll.u32 v47, v1;
	v47 =	vbroadcast v5, $0x0;
	v33 =	vld [tilespmem:s1+$0x6430];
	v5 =	vadd.f32 v62, v36  }
0x186: {  	v57 =	vld [tilespmem:s30+$0xFFFFFEC0];
	v32 =	vadd.f32 v54, v36;
	[tilespmem:v55+s22+$0x0] =	vst.idx.msk $0xffff, v42  }
0x187: {  	v4 =	vshrl.u32 v4, $0x3;
	v59 =	vld [tilespmem:s30+$0xFFFFFF00];
	[tilespmem:v40+s22+$0x0] =	vst.idx.msk $0xffff, v5;
	v5 =	vadd.f32 v56, v36  }
0x188: {  	v38 =	vshrl.u32 v38, $0x3;
	v4 =	vshll.u32 v4, v1;
	v12 =	vld [tilespmem:$0x1FF70];
	[tilespmem:v3+s22+$0x0] =	vst.idx.msk $0xffff, v32  }
0x189: {  	v38 =	vshll.u32 v38, v1;
	v39 =	vshrl.u32 v39, $0x3;
	v49 =	vbroadcast v4, $0x0;
	v8 =	vld [tilespmem:$0x1FFB0];
	[tilespmem:v58+s22+$0x0] =	vst.idx.msk $0xffff, v5  }
0x18a: {  	v45 =	vshll.u32 v45, v1;
	v43 =	vshll.u32 v43, v1;
	v48 =	vshll.u32 v44, v1;
	v9 =	vld [tilespmem:$0x1FFF0]  }
0x18b: {  	v39 =	vshll.u32 v39, v1;
	v44 =	vbroadcast v43, $0x0;
	v60 =	vadd.s32 v11, v49;
	v61 =	vld [tilespmem:s30+$0xFFFFFF40]  }
0x18c: {  	v4 =	vshll.u32 v41, v1;
	v41 =	vbroadcast v48, $0x0;
	v54 =	vadd.s32 v7, v47;
	v62 =	vld [tilespmem:s30+$0xFFFFFF80]  }
0x18d: {  	v46 =	vshll.u32 v46, v1;
	v48 =	vbroadcast v45, $0x0;
	v55 =	vld [tilespmem:s30+$0x1D0];
	v40 =	vadd.s32 v12, v44  }
0x18e: {  	v45 =	vbroadcast v46, $0x0;
	v3 =	vadd.f32 v57, v36;
	v57 =	vld [tilespmem:s30+$0x0];
	v43 =	vadd.s32 v8, v41  }
0x18f: {  	v0 =	vshll.u32 v0, v1;
	v32 =	vld [tilespmem:s30+$0xFFFFFFC0];
	v5 =	vadd.f32 v59, v36;
	v58 =	vadd.s32 v9, v52  }
0x190: {  	v46 =	vbroadcast v53, $0x0;
	v53 =	vadd.s32 v18, v45;
	[tilespmem:v60+s22+$0x0] =	vst.idx.msk $0xffff, v3;
	v3 =	vadd.f32 v61, v36;
	v60 =	vld [tilespmem:s30+$0x40]  }
0x191: {  	v59 =	vadd.s32 v15, v48;
	[tilespmem:v54+s22+$0x0] =	vst.idx.msk $0xffff, v5;
	v5 =	vadd.f32 v62, v36  }
0x192: {  	v42 =	vbroadcast v38, $0x0;
	v54 =	vld [tilespmem:s30+$0x80];
	v55 =	vadd.f32 v55, v35;
	[tilespmem:v40+s22+$0x0] =	vst.idx.msk $0xffff, v3;
	v3 =	vadd.s32 v13, v46  }
0x193: {  	v39 =	vbroadcast v39, $0x0;
	v61 =	vld [tilespmem:s30+$0xC0];
	v40 =	vbroadcast v2, $0x0;
	v2 =	vadd.f32 v57, v36;
	[tilespmem:v43+s22+$0x0] =	vst.idx.msk $0xffff, v5  }
0x194: {  	v56 =	vadd.s32 v10, v42;
	v5 =	vadd.f32 v32, v36;
	v32 =	vld [tilespmem:s30+$0x100];
	[tilespmem:v58+s22+$0x0] =	vst.idx.msk $0xffff, v55  }
0x195: {  	v63 =	vld [tilespmem:s30+$0x140];
	v38 =	vbroadcast v0, $0x0;
	v0 =	vadd.f32 v60, v36;
	v57 =	vadd.s32 v11, v39;
	[tilespmem:v53+s22+$0x0] =	vst.idx.msk $0xffff, v2  }
0x196: {  	v43 =	vbroadcast v4, $0x0;
	v4 =	vld [tilespmem:s30+$0xFFFFFE50];
	[tilespmem:v59+s22+$0x0] =	vst.idx.msk $0xffff, v5;
	v5 =	vadd.s32 v7, v40  }
0x197: {  	v2 =	vadd.f32 v54, v36;
	v53 =	vadd.s32 v12, v38;
	v54 =	vld [tilespmem:s30+$0x180];
	[tilespmem:v3+s22+$0x0] =	vst.idx.msk $0xffff, v0  }
0x198: {  	v0 =	vadd.f32 v61, v36;
	v7 =	vld [tilespmem:$0x1FE20]  }
0x199: {  	v55 =	vld [tilespmem:s30+$0x1E0];
	[tilespmem:v56+s22+$0x0] =	vst.idx.msk $0xffff, v2;
	v2 =	vadd.f32 v32, v36  }
0x19a: {  	v12 =	vld [tilespmem:$0x1FE80];
	[tilespmem:v57+s22+$0x0] =	vst.idx.msk $0xffff, v0;
	v0 =	vadd.f32 v63, v36  }
0x19b: {  	v11 =	vld [tilespmem:$0x1FEC0];
	[tilespmem:v5+s22+$0x0] =	vst.idx.msk $0xffff, v2  }
0x19c: {  	v6 =	vld [tilespmem:$0x1FF00];
	[tilespmem:v53+s22+$0x0] =	vst.idx.msk $0xffff, v0  }
0x19d: {  	v13 =	vld [tilespmem:$0x1FF40];
	v3 =	vadd.s32 v7, v52  }
0x19e: {  	v58 =	vld [tilespmem:s30+$0xFFFFFE90];
	v56 =	vadd.s32 v8, v43  }
0x19f: {  	v32 =	vld [tilespmem:s30+$0xFFFFFED0];
	v59 =	vadd.s32 v12, v50  }
0x1a0: {  	v61 =	vld [tilespmem:s30+$0xFFFFFF10];
	v2 =	vadd.f32 v55, v34;
	v57 =	vadd.s32 v11, v51  }
0x1a1: {  	v0 =	vadd.f32 v54, v36;
	v5 =	vadd.s32 v6, v49  }
0x1a2: {  	v4 =	vadd.f32 v4, v35;
	v63 =	vld [tilespmem:s30+$0x10];
	v53 =	vadd.s32 v13, v47;
	[tilespmem:v3+s22+$0x0] =	vst.idx.msk $0xffff, v2  }
0x1a3: {  	v2 =	vadd.f32 v58, v35;
	v10 =	vld [tilespmem:$0x1FF80];
	[tilespmem:v56+s22+$0x0] =	vst.idx.msk $0xffff, v0  }
0x1a4: {  	v54 =	vld [tilespmem:s30+$0xFFFFFF90];
	[tilespmem:v59+s22+$0x0] =	vst.idx.msk $0xffff, v4;
	v4 =	vadd.f32 v32, v35  }
0x1a5: {  	v31 =	vld [tilespmem:$0x1FFC0];
	[tilespmem:v57+s22+$0x0] =	vst.idx.msk $0xffff, v2;
	v2 =	vadd.f32 v61, v35  }
0x1a6: {  	v0 =	vld [tilespmem:s30+$0x1F0];
	[tilespmem:v5+s22+$0x0] =	vst.idx.msk $0xffff, v4  }
0x1a7: {  	v55 =	vld [tilespmem:s30+$0xFFFFFF50];
	[tilespmem:v53+s22+$0x0] =	vst.idx.msk $0xffff, v2  }
0x1a8: {  	v8 =	vmov v7;
	v52 =	vadd.s32 v14, v52;
	v7 =	vld [tilespmem:$0x1FE50]  }
0x1a9: {  	v2 =	vadd.f32 v54, v35;
	v54 =	vld [tilespmem:s30+$0x90];
	v3 =	vadd.s32 v10, v44  }
0x1aa: {  	v62 =	vld [tilespmem:s30+$0xFFFFFFD0];
	v60 =	vadd.s32 v31, v41  }
0x1ab: {  	v56 =	vadd.s32 v11, v42;
	v0 =	vadd.f32 v0, v33  }
0x1ac: {  	v4 =	vadd.f32 v55, v35;
	v5 =	vadd.s32 v9, v48;
	v55 =	vld [tilespmem:s30+$0x50]  }
0x1ad: {  	v57 =	vadd.f32 v63, v35;
	[tilespmem:v52+s22+$0x0] =	vst.idx.msk $0xffff, v0;
	v53 =	vadd.s32 v7, v45  }
0x1ae: {  	v63 =	vadd.f32 v54, v35;
	[tilespmem:v3+s22+$0x0] =	vst.idx.msk $0xffff, v4;
	v3 =	vadd.s32 v12, v46;
	v4 =	vld [tilespmem:s30+$0xD0]  }
0x1af: {  	v32 =	vld [tilespmem:s30+$0x110];
	[tilespmem:v60+s22+$0x0] =	vst.idx.msk $0xffff, v2;
	v2 =	vadd.f32 v62, v35  }
0x1b0: {  	v59 =	vadd.s32 v6, v39;
	[tilespmem:v56+s22+$0x0] =	vst.idx.msk $0xffff, v63  }
0x1b1: {  	v0 =	vadd.f32 v55, v35;
	v52 =	vld [tilespmem:s30+$0xFFFFFE10];
	[tilespmem:v5+s22+$0x0] =	vst.idx.msk $0xffff, v2;
	v2 =	vadd.s32 v13, v40  }
0x1b2: {  	v60 =	vld [tilespmem:s30+$0x150];
	[tilespmem:v53+s22+$0x0] =	vst.idx.msk $0xffff, v57  }
0x1b3: {  	v5 =	vld [tilespmem:s30+$0x190];
	[tilespmem:v3+s22+$0x0] =	vst.idx.msk $0xffff, v0;
	v0 =	vadd.f32 v4, v35  }
0x1b4: {  	v54 =	vadd.s32 v10, v38;
	v53 =	vadd.f32 v32, v35;
	v12 =	vld [tilespmem:$0x1FE90]  }
0x1b5: {  	v55 =	vld [tilespmem:s30+$0xFFFFFE60];
	v3 =	vadd.s32 v31, v43;
	[tilespmem:v59+s22+$0x0] =	vst.idx.msk $0xffff, v0  }
0x1b6: {  	v4 =	vadd.s32 v7, v37;
	v16 =	vld [tilespmem:$0x1FED0];
	[tilespmem:v2+s22+$0x0] =	vst.idx.msk $0xffff, v53  }
0x1b7: {  	v0 =	vadd.f32 v60, v35;
	v20 =	vld [tilespmem:$0x1FF10]  }
0x1b8: {  	v57 =	vld [tilespmem:s30+$0xFFFFFEA0];
	v2 =	vadd.f32 v5, v35  }
0x1b9: {  	v32 =	vld [tilespmem:s30+$0xFFFFFEE0];
	v5 =	vadd.f32 v52, v35;
	[tilespmem:v54+s22+$0x0] =	vst.idx.msk $0xffff, v0;
	v56 =	vadd.s32 v12, v50  }
0x1ba: {  	v24 =	vld [tilespmem:$0x1FF50];
	[tilespmem:v3+s22+$0x0] =	vst.idx.msk $0xffff, v2  }
0x1bb: {  	[tilespmem:v4+s22+$0x0] =	vst.idx.msk $0xffff, v5;
	v59 =	vadd.s32 v16, v51  }
0x1bc: {  	v0 =	vadd.f32 v55, v34;
	v28 =	vld [tilespmem:$0x1FF90];
	v62 =	vadd.s32 v20, v49  }
0x1bd: {  	v63 =	vld [tilespmem:s30+$0xFFFFFF60]  }
0x1be: {  	v61 =	vld [tilespmem:s30+$0xFFFFFFA0];
	v2 =	vadd.f32 v57, v34;
	[tilespmem:v56+s22+$0x0] =	vst.idx.msk $0xffff, v0  }
0x1bf: {  	v0 =	vadd.f32 v32, v34;
	v32 =	vld [tilespmem:$0x1FFD0]  }
0x1c0: {  	v60 =	vld [tilespmem:s30+$0xFFFFFF20];
	[tilespmem:v59+s22+$0x0] =	vst.idx.msk $0xffff, v2  }
0x1c1: {  	v4 =	vld [tilespmem:s30+$0xFFFFFFE0];
	v3 =	vadd.s32 v28, v44;
	[tilespmem:v62+s22+$0x0] =	vst.idx.msk $0xffff, v0  }
0x1c2: {  	v57 =	vadd.s32 v8, v48;
	v54 =	vadd.s32 v24, v47;
	v8 =	vld [tilespmem:$0x1FE60]  }
0x1c3: {  	v58 =	vld [tilespmem:s30+$0x60]  }
0x1c4: {  	v56 =	vld [tilespmem:s30+$0x20];
	v0 =	vadd.f32 v63, v34;
	v5 =	vadd.s32 v32, v41  }
0x1c5: {  	v53 =	vld [tilespmem:s30+$0xFFFFFE70];
	v2 =	vadd.f32 v60, v34  }
0x1c6: {  	v60 =	vadd.s32 v12, v46;
	v63 =	vld [tilespmem:s30+$0xA0];
	[tilespmem:v3+s22+$0x0] =	vst.idx.msk $0xffff, v0;
	v0 =	vadd.f32 v4, v34  }
0x1c7: {  	[tilespmem:v54+s22+$0x0] =	vst.idx.msk $0xffff, v2;
	v2 =	vadd.f32 v61, v34;
	v61 =	vld [tilespmem:s30+$0xE0];
	v62 =	vadd.s32 v8, v45  }
0x1c8: {  	v59 =	vld [tilespmem:s30+$0xFFFFFE20];
	[tilespmem:v57+s22+$0x0] =	vst.idx.msk $0xffff, v0  }
0x1c9: {  	v3 =	vld [tilespmem:s30+$0x120];
	v0 =	vadd.f32 v58, v34;
	[tilespmem:v5+s22+$0x0] =	vst.idx.msk $0xffff, v2;
	v5 =	vadd.s32 v16, v42  }
0x1ca: {  	v4 =	vld [tilespmem:s30+$0x160];
	v2 =	vadd.f32 v56, v34  }
0x1cb: {  	v57 =	vadd.s32 v20, v39;
	[tilespmem:v60+s22+$0x0] =	vst.idx.msk $0xffff, v0;
	v60 =	vld [tilespmem:s30+$0xFFFFFEB0]  }
0x1cc: {  	v0 =	vadd.f32 v61, v34;
	v61 =	vld [tilespmem:s30+$0xFFFFFEF0];
	[tilespmem:v62+s22+$0x0] =	vst.idx.msk $0xffff, v2;
	v2 =	vadd.f32 v63, v34  }
0x1cd: {  	v58 =	vadd.s32 v24, v40;
	v56 =	vld [tilespmem:s30+$0x1A0]  }
0x1ce: {  	v52 =	vadd.s32 v28, v38;
	v13 =	vld [tilespmem:$0x1FEA0];
	[tilespmem:v5+s22+$0x0] =	vst.idx.msk $0xffff, v2  }
0x1cf: {  	v54 =	vadd.s32 v32, v43;
	v17 =	vld [tilespmem:$0x1FEE0]  }
0x1d0: {  	v3 =	vadd.f32 v3, v34;
	[tilespmem:v57+s22+$0x0] =	vst.idx.msk $0xffff, v0;
	v57 =	vld [tilespmem:s30+$0xFFFFFF70]  }
0x1d1: {  	v55 =	vadd.s32 v8, v37;
	v4 =	vadd.f32 v4, v34;
	v21 =	vld [tilespmem:$0x1FF20]  }
0x1d2: {  	s12 =	simm.s32 $0x10;
	v56 =	vadd.f32 v56, v34;
	[tilespmem:v58+s22+$0x0] =	vst.idx.msk $0xffff, v3;
	v58 =	vld [tilespmem:s30+$0xFFFFFFB0]  }
0x1d3: {  	v2 =	vmov s12;
	v25 =	vld [tilespmem:$0x1FF60];
	[tilespmem:v52+s22+$0x0] =	vst.idx.msk $0xffff, v4  }
0x1d4: {  	v0 =	vshrl.u32 v2, $0x3;
	v2 =	vadd.f32 v59, v34;
	v29 =	vld [tilespmem:$0x1FFA0];
	[tilespmem:v54+s22+$0x0] =	vst.idx.msk $0xffff, v56  }
0x1d5: {  	s11 =	simm.s32 $0x11;
	v48 =	vadd.s32 v14, v48;
	v53 =	vadd.f32 v53, v33;
	v50 =	vadd.s32 v13, v50;
	v30 =	vld [tilespmem:$0x1FFE0]  }
0x1d6: {  	s12 =	simm.s32 $0x12;
	v3 =	vmov s11;
	v0 =	vshll.u32 v0, v1;
	[tilespmem:v55+s22+$0x0] =	vst.idx.msk $0xffff, v2;
	v55 =	vld [tilespmem:s30+$0x70];
	v5 =	vadd.s32 v17, v51  }
0x1d7: {  	v4 =	vmov s12;
	v52 =	vadd.f32 v60, v33;
	v51 =	vld [tilespmem:s30+$0xFFFFFF30];
	v49 =	vadd.s32 v21, v49  }
0x1d8: {  	v59 =	vld [tilespmem:s30+$0xFFFFFFF0];
	v56 =	vadd.f32 v61, v33;
	v46 =	vadd.s32 v13, v46;
	v42 =	vadd.s32 v17, v42  }
0x1d9: {  	s11 =	simm.s32 $0x13;
	v60 =	vld [tilespmem:s30+$0x30];
	v39 =	vadd.s32 v21, v39;
	v47 =	vadd.s32 v25, v47;
	v40 =	vadd.s32 v25, v40  }
0x1da: {  	s12 =	simm.s32 $0x14;
	v54 =	vmov s11;
	v44 =	vadd.s32 v29, v44;
	[tilespmem:v50+s22+$0x0] =	vst.idx.msk $0xffff, v53;
	v50 =	vadd.f32 v57, v33;
	v57 =	vld [tilespmem:s30+$0xB0]  }
0x1db: {  	s11 =	simm.s32 $0x15;
	v2 =	vmov s12;
	v41 =	vadd.s32 v30, v41;
	v9 =	vld [tilespmem:$0x1FE70];
	v62 =	vadd.f32 v55, v33;
	[tilespmem:v5+s22+$0x0] =	vst.idx.msk $0xffff, v52  }
0x1dc: {  	s12 =	simm.s32 $0x16;
	v53 =	vmov s11;
	v51 =	vadd.f32 v51, v33;
	v52 =	vadd.f32 v58, v33;
	v58 =	vld [tilespmem:s30+$0xF0];
	[tilespmem:v49+s22+$0x0] =	vst.idx.msk $0xffff, v56  }
0x1dd: {  	s11 =	simm.s32 $0x17;
	v38 =	vadd.s32 v29, v38;
	v5 =	vmov s12;
	s12 =	simm.s32 $0x18;
	v49 =	vadd.f32 v59, v33;
	v59 =	vld [tilespmem:s30+$0x130];
	[tilespmem:v46+s22+$0x0] =	vst.idx.msk $0xffff, v62  }
0x1de: {  	v43 =	vadd.s32 v30, v43;
	v56 =	vmov s11;
	s11 =	simm.s32 $0x19;
	[tilespmem:v47+s22+$0x0] =	vst.idx.msk $0xffff, v51;
	v47 =	vmov s12  }
0x1df: {  	v51 =	vadd.f32 v60, v33;
	v60 =	vld [tilespmem:s30+$0x170];
	v61 =	vmov s11;
	s11 =	simm.s32 $0x1B;
	v46 =	vshrl.u32 v56, $0x3;
	[tilespmem:v44+s22+$0x0] =	vst.idx.msk $0xffff, v50  }
0x1e0: {  	v50 =	vld [tilespmem:s30+$0x1B0];
	v55 =	vadd.f32 v57, v33;
	[tilespmem:v48+s22+$0x0] =	vst.idx.msk $0xffff, v49;
	v57 =	vmov s11;
	v45 =	vadd.s32 v9, v45  }
0x1e1: {  	s12 =	simm.s32 $0x1A;
	v44 =	vshrl.u32 v3, $0x3;
	v47 =	vshrl.u32 v47, $0x3;
	[tilespmem:v41+s22+$0x0] =	vst.idx.msk $0xffff, v52;
	v52 =	vld [tilespmem:s30+$0xFFFFFE30];
	v48 =	vadd.f32 v58, v33  }
0x1e2: {  	s11 =	simm.s32 $0x1D;
	v41 =	vmov s12;
	s12 =	simm.s32 $0x1C;
	v37 =	vadd.s32 v9, v37;
	[tilespmem:v42+s22+$0x0] =	vst.idx.msk $0xffff, v55;
	v49 =	vadd.f32 v59, v33  }
0x1e3: {  	v58 =	vmov s12;
	s12 =	simm.s32 $0x1E;
	v42 =	vshrl.u32 v41, $0x3;
	v59 =	vmov s11;
	[tilespmem:v39+s22+$0x0] =	vst.idx.msk $0xffff, v48  }
0x1e4: {  	v62 =	vmov s12;
	v41 =	vshrl.u32 v58, $0x3;
	v63 =	vadd.f32 v60, v33;
	[tilespmem:v40+s22+$0x0] =	vst.idx.msk $0xffff, v49  }
0x1e5: {  	v48 =	vshrl.u32 v53, $0x3;
	v39 =	vshrl.u32 v59, $0x3;
	v3 =	vadd.f32 v50, v33;
	[tilespmem:v45+s22+$0x0] =	vst.idx.msk $0xffff, v51  }
0x1e6: {  	v50 =	vshrl.u32 v4, $0x3;
	v49 =	vshrl.u32 v5, $0x3;
	v4 =	vadd.f32 v52, v33;
	[tilespmem:v38+s22+$0x0] =	vst.idx.msk $0xffff, v63  }
0x1e7: {  	v40 =	vshrl.u32 v62, $0x3;
	v45 =	vshrl.u32 v54, $0x3;
	v51 =	vshrl.u32 v2, $0x3;
	[tilespmem:v43+s22+$0x0] =	vst.idx.msk $0xffff, v3  }
0x1e8: {  	s31 =	simm.s32 $0x20;
	s1 =	simm.s32 $0x1F;
	v38 =	vshrl.u32 v61, $0x3;
	v43 =	vshrl.u32 v57, $0x3;
	[tilespmem:v37+s22+$0x0] =	vst.idx.msk $0xffff, v4;
	v37 =	vbroadcast v0, $0x0  }
.LBB2_7:
0x1e9: {  	v23 =	vld [tilespmem:$0x1FE10]  }
0x1ea: {  	v11 =	vld [tilespmem:$0x1FE00]  }
0x1eb: {  	v22 =	vld [tilespmem:$0x1FEB0]  }
0x1ec: {  	v27 =	vld [tilespmem:$0x1FEF0]  }
0x1ed: {  	v19 =	vld [tilespmem:$0x1FF30]  }
0x1ee: {  	v15 =	vld [tilespmem:$0x1FF70]  }
0x1ef: {  	v10 =	vld [tilespmem:$0x1FFB0]  }
0x1f0: {  	v3 =	vmov s1;
	s30 =	sadd.s32 $0x400, s30;
	v26 =	vld [tilespmem:$0x1FFF0]  }
0x1f1: {  	v0 =	vshll.u32 v44, v1;
	v44 =	vshll.u32 v48, v1;
	v3 =	vshrl.u32 v3, $0x3;
	v48 =	vld [tilespmem:s30+$0x1C0]  }
0x1f2: {  	v55 =	vshll.u32 v43, v1;
	v43 =	vld [tilespmem:s30+$0xFFFFFE40];
	v3 =	vshll.u32 v3, v1  }
0x1f3: {  	v2 =	vshll.u32 v50, v1;
	v57 =	vld [tilespmem:s30+$0xFFFFFE80];
	v52 =	vbroadcast v3, $0x0  }
0x1f4: {  	v4 =	vshll.u32 v45, v1;
	v5 =	vshll.u32 v51, v1;
	v45 =	vshll.u32 v49, v1;
	v3 =	vld [tilespmem:s30+$0xFFFFFE00]  }
0x1f5: {  	v50 =	vbroadcast v0, $0x0;
	v0 =	vshll.u32 v41, v1;
	v59 =	vld [tilespmem:s30+$0xFFFFFEC0];
	v41 =	vadd.s32 v23, v52  }
0x1f6: {  	v46 =	vshll.u32 v46, v1;
	v53 =	vshll.u32 v47, v1;
	v56 =	vadd.s32 v18, v37;
	v60 =	vld [tilespmem:s30+$0xFFFFFF00]  }
0x1f7: {  	v54 =	vshll.u32 v42, v1;
	v51 =	vbroadcast v2, $0x0;
	v62 =	vld [tilespmem:s30+$0xFFFFFF40];
	v58 =	vadd.s32 v11, v50  }
0x1f8: {  	v49 =	vbroadcast v4, $0x0;
	v47 =	vbroadcast v5, $0x0;
	v6 =	vld [tilespmem:s30+$0xFFFFFF80];
	v5 =	vadd.f32 v48, v36  }
0x1f9: {  	v4 =	vshll.u32 v40, v1;
	v18 =	vld [tilespmem:$0x1FE30];
	v40 =	vadd.s32 v22, v51;
	v3 =	vadd.f32 v3, v36  }
0x1fa: {  	v61 =	vadd.s32 v27, v49;
	v43 =	vadd.f32 v43, v36;
	v48 =	vbroadcast v46, $0x0;
	v46 =	vld [tilespmem:s30+$0x0];
	[tilespmem:v41+s22+$0x0] =	vst.idx.msk $0xffff, v5  }
0x1fb: {  	v2 =	vshll.u32 v39, v1;
	v42 =	vbroadcast v44, $0x0;
	[tilespmem:v56+s22+$0x0] =	vst.idx.msk $0xffff, v3;
	v3 =	vadd.f32 v57, v36;
	v57 =	vld [tilespmem:s30+$0xFFFFFFC0]  }
0x1fc: {  	v39 =	vbroadcast v45, $0x0;
	v63 =	vadd.s32 v19, v47;
	[tilespmem:v58+s22+$0x0] =	vst.idx.msk $0xffff, v43;
	v43 =	vadd.f32 v59, v36;
	v59 =	vld [tilespmem:s30+$0x40]  }
0x1fd: {  	v38 =	vshll.u32 v38, v1;
	v5 =	vadd.s32 v15, v42;
	v41 =	vld [tilespmem:s30+$0x1D0]  }
0x1fe: {  	v44 =	vbroadcast v53, $0x0;
	v56 =	vadd.s32 v10, v39;
	[tilespmem:v40+s22+$0x0] =	vst.idx.msk $0xffff, v3;
	v3 =	vadd.f32 v60, v36;
	v60 =	vld [tilespmem:s30+$0x80]  }
0x1ff: {  	v45 =	vbroadcast v38, $0x0;
	[tilespmem:v61+s22+$0x0] =	vst.idx.msk $0xffff, v43;
	v43 =	vbroadcast v54, $0x0;
	v54 =	vld [tilespmem:s30+$0xC0]  }
0x200: {  	v53 =	vadd.s32 v26, v52;
	v58 =	vadd.s32 v23, v48;
	v40 =	vadd.f32 v62, v36;
	v62 =	vld [tilespmem:s30+$0x140]  }
0x201: {  	[tilespmem:v63+s22+$0x0] =	vst.idx.msk $0xffff, v3;
	v63 =	vld [tilespmem:$0x1FE20];
	v3 =	vadd.f32 v6, v36;
	v6 =	vadd.s32 v18, v44  }
0x202: {  	[tilespmem:v5+s22+$0x0] =	vst.idx.msk $0xffff, v40;
	v5 =	vadd.s32 v11, v45;
	v40 =	vbroadcast v55, $0x0;
	v11 =	vld [tilespmem:$0x1FF80];
	v55 =	vadd.f32 v41, v35  }
0x203: {  	[tilespmem:v56+s22+$0x0] =	vst.idx.msk $0xffff, v3;
	v3 =	vadd.f32 v57, v36;
	v56 =	vadd.s32 v22, v43;
	v57 =	vld [tilespmem:s30+$0x100]  }
0x204: {  	v41 =	vbroadcast v0, $0x0;
	v0 =	vadd.f32 v46, v36;
	v46 =	vbroadcast v4, $0x0;
	v4 =	vld [tilespmem:s30+$0xFFFFFE50]  }
0x205: {  	[tilespmem:v53+s22+$0x0] =	vst.idx.msk $0xffff, v55;
	v55 =	vld [tilespmem:s30+$0x180]  }
0x206: {  	v38 =	vbroadcast v2, $0x0;
	[tilespmem:v58+s22+$0x0] =	vst.idx.msk $0xffff, v3;
	v3 =	vadd.s32 v19, v41;
	v19 =	vld [tilespmem:$0x1FE80]  }
0x207: {  	v61 =	vadd.s32 v27, v40;
	v53 =	vld [tilespmem:s30+$0x1E0];
	[tilespmem:v6+s22+$0x0] =	vst.idx.msk $0xffff, v0;
	v0 =	vadd.f32 v60, v36  }
0x208: {  	v2 =	vadd.f32 v59, v36;
	v6 =	vadd.s32 v15, v38;
	v15 =	vld [tilespmem:$0x1FEC0]  }
0x209: {  	[tilespmem:v56+s22+$0x0] =	vst.idx.msk $0xffff, v0;
	v56 =	vadd.s32 v10, v46;
	v10 =	vld [tilespmem:$0x1FF00]  }
0x20a: {  	v22 =	vld [tilespmem:$0x1FF40];
	[tilespmem:v5+s22+$0x0] =	vst.idx.msk $0xffff, v2;
	v2 =	vadd.f32 v54, v36;
	v5 =	vadd.s32 v63, v52  }
0x20b: {  	v54 =	vld [tilespmem:s30+$0xFFFFFE90];
	v0 =	vadd.f32 v57, v36  }
0x20c: {  	v58 =	vld [tilespmem:s30+$0xFFFFFED0];
	[tilespmem:v61+s22+$0x0] =	vst.idx.msk $0xffff, v2;
	v2 =	vadd.f32 v62, v36;
	v57 =	vadd.s32 v19, v50  }
0x20d: {  	v60 =	vld [tilespmem:s30+$0xFFFFFF10];
	[tilespmem:v3+s22+$0x0] =	vst.idx.msk $0xffff, v0;
	v59 =	vadd.s32 v15, v51;
	v0 =	vadd.f32 v53, v34  }
0x20e: {  	v53 =	vld [tilespmem:s30+$0xFFFFFF50];
	[tilespmem:v6+s22+$0x0] =	vst.idx.msk $0xffff, v2;
	v2 =	vadd.f32 v55, v36;
	v3 =	vadd.s32 v10, v49  }
0x20f: {  	v4 =	vadd.f32 v4, v35;
	v61 =	vld [tilespmem:s30+$0xFFFFFF90];
	v6 =	vadd.s32 v22, v47;
	[tilespmem:v5+s22+$0x0] =	vst.idx.msk $0xffff, v0  }
0x210: {  	v0 =	vadd.f32 v54, v35;
	v5 =	vadd.s32 v11, v42;
	[tilespmem:v56+s22+$0x0] =	vst.idx.msk $0xffff, v2;
	v2 =	vld [tilespmem:s30+$0x1F0]  }
0x211: {  	v62 =	vld [tilespmem:s30+$0xFFFFFFD0];
	v54 =	vadd.s32 v31, v39;
	[tilespmem:v57+s22+$0x0] =	vst.idx.msk $0xffff, v4;
	v4 =	vadd.f32 v58, v35  }
0x212: {  	v52 =	vadd.s32 v14, v52;
	[tilespmem:v59+s22+$0x0] =	vst.idx.msk $0xffff, v0;
	v0 =	vadd.f32 v60, v35;
	v60 =	vld [tilespmem:s30+$0x10]  }
0x213: {  	[tilespmem:v3+s22+$0x0] =	vst.idx.msk $0xffff, v4;
	v3 =	vadd.f32 v53, v35;
	v4 =	vadd.s32 v26, v48;
	v53 =	vld [tilespmem:s30+$0x50]  }
0x214: {  	[tilespmem:v6+s22+$0x0] =	vst.idx.msk $0xffff, v0;
	v0 =	vadd.f32 v61, v35;
	v6 =	vadd.s32 v7, v44  }
0x215: {  	v61 =	vld [tilespmem:s30+$0x90];
	v2 =	vadd.f32 v2, v33;
	[tilespmem:v5+s22+$0x0] =	vst.idx.msk $0xffff, v3;
	v3 =	vadd.s32 v19, v45  }
0x216: {  	v5 =	vld [tilespmem:s30+$0xD0];
	[tilespmem:v54+s22+$0x0] =	vst.idx.msk $0xffff, v0;
	v0 =	vadd.f32 v62, v35  }
0x217: {  	v56 =	vld [tilespmem:s30+$0x110];
	v54 =	vadd.s32 v15, v43;
	v57 =	vadd.f32 v60, v35;
	[tilespmem:v52+s22+$0x0] =	vst.idx.msk $0xffff, v2  }
0x218: {  	v62 =	vadd.s32 v10, v40;
	v60 =	vld [tilespmem:s30+$0x150];
	[tilespmem:v4+s22+$0x0] =	vst.idx.msk $0xffff, v0;
	v0 =	vadd.f32 v53, v35  }
0x219: {  	v55 =	vadd.s32 v8, v37;
	v2 =	vadd.s32 v22, v41;
	v4 =	vld [tilespmem:s30+$0x190];
	[tilespmem:v6+s22+$0x0] =	vst.idx.msk $0xffff, v57  }
0x21a: {  	v52 =	vld [tilespmem:s30+$0xFFFFFE10];
	v6 =	vadd.f32 v61, v35;
	v53 =	vadd.s32 v11, v38;
	[tilespmem:v3+s22+$0x0] =	vst.idx.msk $0xffff, v0  }
0x21b: {  	v61 =	vld [tilespmem:s30+$0xFFFFFE60];
	v0 =	vadd.f32 v5, v35;
	v3 =	vadd.s32 v31, v46;
	v5 =	vadd.s32 v7, v37  }
0x21c: {  	[tilespmem:v54+s22+$0x0] =	vst.idx.msk $0xffff, v6;
	v6 =	vadd.f32 v56, v35;
	v54 =	vadd.s32 v12, v50  }
0x21d: {  	v57 =	vld [tilespmem:s30+$0xFFFFFEA0];
	v37 =	vadd.s32 v9, v37;
	[tilespmem:v62+s22+$0x0] =	vst.idx.msk $0xffff, v0;
	v0 =	vadd.f32 v60, v35  }
0x21e: {  	v56 =	vld [tilespmem:s30+$0xFFFFFEE0];
	v62 =	vadd.s32 v16, v51;
	[tilespmem:v2+s22+$0x0] =	vst.idx.msk $0xffff, v6;
	v2 =	vadd.f32 v4, v35  }
0x21f: {  	v6 =	vadd.s32 v20, v49;
	v4 =	vadd.f32 v52, v35;
	[tilespmem:v53+s22+$0x0] =	vst.idx.msk $0xffff, v0  }
0x220: {  	v60 =	vld [tilespmem:s30+$0xFFFFFF20];
	v49 =	vadd.s32 v21, v49;
	v0 =	vadd.f32 v61, v34;
	[tilespmem:v3+s22+$0x0] =	vst.idx.msk $0xffff, v2  }
0x221: {  	v52 =	vld [tilespmem:s30+$0xFFFFFF60];
	v53 =	vadd.s32 v24, v47;
	v47 =	vadd.s32 v25, v47;
	[tilespmem:v5+s22+$0x0] =	vst.idx.msk $0xffff, v4  }
0x222: {  	v61 =	vld [tilespmem:s30+$0xFFFFFFA0];
	v2 =	vadd.f32 v57, v34;
	v3 =	vadd.s32 v28, v42;
	v5 =	vadd.s32 v32, v39  }
0x223: {  	v4 =	vld [tilespmem:s30+$0xFFFFFFE0];
	v42 =	vadd.s32 v29, v42;
	[tilespmem:v54+s22+$0x0] =	vst.idx.msk $0xffff, v0;
	v0 =	vadd.f32 v56, v34  }
0x224: {  	v54 =	vld [tilespmem:s30+$0x20];
	v56 =	vadd.s32 v24, v41;
	v41 =	vadd.s32 v25, v41;
	[tilespmem:v62+s22+$0x0] =	vst.idx.msk $0xffff, v2  }
0x225: {  	v2 =	vadd.f32 v60, v34;
	v62 =	vadd.s32 v63, v48;
	v60 =	vld [tilespmem:s30+$0x60];
	v48 =	vadd.s32 v14, v48  }
0x226: {  	[tilespmem:v6+s22+$0x0] =	vst.idx.msk $0xffff, v0;
	v0 =	vadd.f32 v52, v34;
	v6 =	vadd.s32 v8, v44;
	v52 =	vld [tilespmem:s30+$0xA0]  }
0x227: {  	[tilespmem:v53+s22+$0x0] =	vst.idx.msk $0xffff, v2;
	v2 =	vadd.f32 v61, v34;
	v53 =	vadd.s32 v12, v45;
	v61 =	vld [tilespmem:s30+$0xE0]  }
0x228: {  	[tilespmem:v3+s22+$0x0] =	vst.idx.msk $0xffff, v0;
	v0 =	vadd.f32 v4, v34;
	v3 =	vadd.s32 v16, v43;
	v4 =	vld [tilespmem:s30+$0x120]  }
0x229: {  	[tilespmem:v5+s22+$0x0] =	vst.idx.msk $0xffff, v2;
	v2 =	vadd.f32 v54, v34;
	v5 =	vadd.s32 v20, v40;
	v54 =	vld [tilespmem:s30+$0x160]  }
0x22a: {  	v44 =	vadd.s32 v9, v44;
	[tilespmem:v62+s22+$0x0] =	vst.idx.msk $0xffff, v0;
	v0 =	vadd.f32 v60, v34;
	v62 =	vld [tilespmem:s30+$0x1A0]  }
0x22b: {  	v60 =	vld [tilespmem:s30+$0xFFFFFE20];
	[tilespmem:v6+s22+$0x0] =	vst.idx.msk $0xffff, v2;
	v2 =	vadd.f32 v52, v34;
	v6 =	vadd.s32 v28, v38  }
0x22c: {  	v52 =	vld [tilespmem:s30+$0xFFFFFE70];
	[tilespmem:v53+s22+$0x0] =	vst.idx.msk $0xffff, v0;
	v0 =	vadd.f32 v61, v34;
	v53 =	vadd.s32 v32, v46  }
0x22d: {  	v45 =	vadd.s32 v13, v45;
	v61 =	vld [tilespmem:s30+$0xFFFFFEB0];
	[tilespmem:v3+s22+$0x0] =	vst.idx.msk $0xffff, v2;
	v2 =	vadd.f32 v4, v34  }
0x22e: {  	v3 =	vadd.s32 v13, v50;
	v4 =	vld [tilespmem:s30+$0xFFFFFEF0];
	[tilespmem:v5+s22+$0x0] =	vst.idx.msk $0xffff, v0;
	v0 =	vadd.f32 v54, v34  }
0x22f: {  	v50 =	vadd.s32 v17, v51;
	v51 =	vld [tilespmem:s30+$0xFFFFFF30];
	[tilespmem:v56+s22+$0x0] =	vst.idx.msk $0xffff, v2;
	v2 =	vadd.f32 v62, v34  }
0x230: {  	v38 =	vadd.s32 v29, v38;
	v5 =	vmov s31;
	v62 =	vadd.f32 v60, v34;
	v60 =	vld [tilespmem:s30+$0xFFFFFF70];
	[tilespmem:v6+s22+$0x0] =	vst.idx.msk $0xffff, v0  }
0x231: {  	v46 =	vadd.s32 v30, v46;
	v5 =	vshrl.u32 v5, $0x3;
	v6 =	vadd.f32 v52, v33;
	v52 =	vld [tilespmem:s30+$0xFFFFFFB0];
	[tilespmem:v53+s22+$0x0] =	vst.idx.msk $0xffff, v2  }
0x232: {  	s12 =	sadd.s32 $0x1, s31;
	v54 =	vld [tilespmem:s30+$0xFFFFFFF0];
	v5 =	vshll.u32 v5, v1;
	[tilespmem:v55+s22+$0x0] =	vst.idx.msk $0xffff, v62;
	v61 =	vadd.f32 v61, v33  }
0x233: {  	s11 =	sadd.s32 $0x2, s31;
	v0 =	vmov s12;
	s12 =	sadd.s32 $0x3, s31;
	[tilespmem:v3+s22+$0x0] =	vst.idx.msk $0xffff, v6;
	v3 =	vadd.f32 v4, v33;
	v4 =	vadd.s32 v30, v39;
	v6 =	vld [tilespmem:s30+$0x30]  }
0x234: {  	v2 =	vmov s11;
	v55 =	vmov s12;
	s11 =	sadd.s32 $0x4, s31;
	s12 =	sadd.s32 $0x5, s31;
	v62 =	vadd.f32 v51, v33;
	v51 =	vld [tilespmem:s30+$0x70];
	[tilespmem:v50+s22+$0x0] =	vst.idx.msk $0xffff, v61  }
0x235: {  	v39 =	vmov s11;
	v53 =	vmov s12;
	s11 =	sadd.s32 $0x6, s31;
	[tilespmem:v49+s22+$0x0] =	vst.idx.msk $0xffff, v3;
	v3 =	vadd.f32 v60, v33;
	v60 =	vld [tilespmem:s30+$0xB0]  }
0x236: {  	v56 =	vmov s11;
	v50 =	vshrl.u32 v2, $0x3;
	[tilespmem:v47+s22+$0x0] =	vst.idx.msk $0xffff, v62;
	v47 =	vld [tilespmem:s30+$0x1B0];
	v61 =	vadd.f32 v52, v33  }
0x237: {  	s12 =	sadd.s32 $0x7, s31;
	s11 =	sadd.s32 $0x8, s31;
	v62 =	vld [tilespmem:s30+$0xF0];
	v49 =	vshrl.u32 v56, $0x3;
	[tilespmem:v42+s22+$0x0] =	vst.idx.msk $0xffff, v3;
	v3 =	vadd.f32 v54, v33;
	v42 =	vadd.s32 v17, v43  }
0x238: {  	v52 =	vmov s12;
	s12 =	sadd.s32 $0x9, s31;
	v43 =	vld [tilespmem:s30+$0x130];
	v54 =	vmov s11;
	[tilespmem:v4+s22+$0x0] =	vst.idx.msk $0xffff, v61;
	v4 =	vadd.f32 v6, v33  }
0x239: {  	v57 =	vmov s12;
	s11 =	sadd.s32 $0xA, s31;
	s12 =	sadd.s32 $0xB, s31;
	v6 =	vadd.s32 v21, v40;
	v40 =	vld [tilespmem:s30+$0x170];
	[tilespmem:v48+s22+$0x0] =	vst.idx.msk $0xffff, v3;
	v3 =	vadd.f32 v51, v33  }
0x23a: {  	v58 =	vmov s11;
	v59 =	vmov s12;
	s12 =	sadd.s32 $0xD, s31;
	v48 =	vld [tilespmem:s30+$0xFFFFFE30];
	[tilespmem:v44+s22+$0x0] =	vst.idx.msk $0xffff, v4;
	v4 =	vadd.f32 v60, v33  }
0x23b: {  	s11 =	sadd.s32 $0xC, s31;
	v61 =	vmov s12;
	v44 =	vshrl.u32 v0, $0x3;
	v0 =	vadd.f32 v47, v33;
	[tilespmem:v45+s22+$0x0] =	vst.idx.msk $0xffff, v3  }
0x23c: {  	p1 =	slt.u32 s31, $0x70;
	v51 =	vshrl.u32 v39, $0x3;
	v60 =	vmov s11;
	v3 =	vadd.f32 v62, v33;
	[tilespmem:v42+s22+$0x0] =	vst.idx.msk $0xffff, v4  }
.Ltmp2:
0x23d: {  	s11 =	sadd.s32 $0xE, s31;
	v47 =	vshrl.u32 v54, $0x3;
	v39 =	vshrl.u32 v61, $0x3;
	v4 =	vadd.f32 v43, v33;
	[tilespmem:v46+s22+$0x0] =	vst.idx.msk $0xffff, v0;
	(pc) =	sbr.rel @p1 .LBB2_7-.Ltmp2, $4  }
0x23e: {  	v62 =	vmov s11;
	v45 =	vshrl.u32 v55, $0x3;
	[tilespmem:v6+s22+$0x0] =	vst.idx.msk $0xffff, v3;
	v3 =	vadd.f32 v40, v33  }
0x23f: {  	v46 =	vshrl.u32 v52, $0x3;
	v42 =	vshrl.u32 v58, $0x3;
	[tilespmem:v41+s22+$0x0] =	vst.idx.msk $0xffff, v4;
	v2 =	vadd.f32 v48, v33  }
0x240: {  	v43 =	vshrl.u32 v59, $0x3;
	v40 =	vshrl.u32 v62, $0x3;
	v48 =	vshrl.u32 v53, $0x3;
	[tilespmem:v38+s22+$0x0] =	vst.idx.msk $0xffff, v3  }
0x241: {  	s1 =	sadd.s32 $0xF, s31;
	s31 =	sadd.s32 $0x10, s31;
	v41 =	vshrl.u32 v60, $0x3;
	v38 =	vshrl.u32 v57, $0x3;
	[tilespmem:v37+s22+$0x0] =	vst.idx.msk $0xffff, v2;
	v37 =	vbroadcast v5, $0x0  }
0x242: {  	v3 =	vmov s1;
	v23 =	vld [tilespmem:$0x1FE10]  }
0x243: {  	v11 =	vld [tilespmem:$0x1FE00];
	v3 =	vshrl.u32 v3, $0x3  }
0x244: {  	s30 =	sadd.s32 $0x400, s30;
	v22 =	vld [tilespmem:$0x1FEB0];
	v3 =	vshll.u32 v3, v1  }
0x245: {  	v27 =	vld [tilespmem:s30+$0x1C0];
	v3 =	vbroadcast v3, $0x0  }
0x246: {  	v0 =	vshll.u32 v44, v1;
	v2 =	vshll.u32 v50, v1;
	v44 =	vshll.u32 v49, v1;
	v60 =	vld [tilespmem:s30+$0xFFFFFE00]  }
0x247: {  	v49 =	vshll.u32 v38, v1;
	v61 =	vld [tilespmem:s30+$0xFFFFFE40];
	v38 =	vbroadcast v0, $0x0;
	v52 =	vadd.s32 v23, v3  }
0x248: {  	v0 =	vshll.u32 v41, v1;
	v53 =	vadd.s32 v18, v37;
	v54 =	vld [tilespmem:s30+$0xFFFFFE80];
	v41 =	vbroadcast v2, $0x0  }
0x249: {  	v56 =	vld [tilespmem:s30+$0xFFFFFEC0];
	v55 =	vadd.s32 v11, v38  }
0x24a: {  	v58 =	vld [tilespmem:s30+$0xFFFFFF00];
	v57 =	vadd.s32 v22, v41;
	v62 =	vadd.f32 v27, v36  }
0x24b: {  	v10 =	vadd.f32 v60, v36;
	v27 =	vld [tilespmem:$0x1FEF0]  }
0x24c: {  	v59 =	vld [tilespmem:s30+$0xFFFFFF40];
	v60 =	vadd.f32 v61, v36;
	[tilespmem:v52+s22+$0x0] =	vst.idx.msk $0xffff, v62  }
0x24d: {  	v4 =	vshll.u32 v45, v1;
	v61 =	vadd.f32 v54, v36;
	v19 =	vld [tilespmem:$0x1FF30];
	[tilespmem:v53+s22+$0x0] =	vst.idx.msk $0xffff, v10  }
0x24e: {  	v5 =	vshll.u32 v51, v1;
	v2 =	vshll.u32 v39, v1;
	v39 =	vbroadcast v4, $0x0;
	v15 =	vld [tilespmem:$0x1FF70];
	[tilespmem:v55+s22+$0x0] =	vst.idx.msk $0xffff, v60  }
0x24f: {  	v6 =	vshll.u32 v48, v1;
	v45 =	vshll.u32 v46, v1;
	v10 =	vld [tilespmem:$0x1FFB0];
	[tilespmem:v57+s22+$0x0] =	vst.idx.msk $0xffff, v61  }
0x250: {  	v4 =	vshll.u32 v40, v1;
	v40 =	vbroadcast v5, $0x0;
	v48 =	vadd.s32 v27, v39;
	v26 =	vld [tilespmem:$0x1FFF0]  }
0x251: {  	v46 =	vshll.u32 v47, v1;
	v50 =	vshll.u32 v42, v1;
	v42 =	vbroadcast v6, $0x0;
	v52 =	vld [tilespmem:s30+$0xFFFFFF80]  }
0x252: {  	v51 =	vshll.u32 v43, v1;
	v43 =	vbroadcast v44, $0x0;
	v54 =	vld [tilespmem:s30+$0x1D0];
	v5 =	vadd.s32 v19, v40  }
0x253: {  	v44 =	vbroadcast v45, $0x0;
	v62 =	vadd.f32 v56, v36;
	v57 =	vld [tilespmem:s30+$0x0];
	v53 =	vadd.s32 v15, v42  }
0x254: {  	v45 =	vbroadcast v46, $0x0;
	v47 =	vadd.f32 v58, v36;
	v60 =	vld [tilespmem:s30+$0x40];
	v55 =	vadd.s32 v10, v43  }
0x255: {  	v46 =	vbroadcast v49, $0x0;
	v56 =	vld [tilespmem:s30+$0xFFFFFFC0];
	[tilespmem:v48+s22+$0x0] =	vst.idx.msk $0xffff, v62;
	v48 =	vadd.f32 v59, v36;
	v58 =	vadd.s32 v26, v3  }
0x256: {  	v59 =	vadd.s32 v23, v44;
	v23 =	vadd.f32 v52, v36;
	v52 =	vadd.s32 v18, v45  }
0x257: {  	v49 =	vbroadcast v0, $0x0;
	v6 =	vadd.s32 v11, v46;
	v61 =	vld [tilespmem:s30+$0x80];
	[tilespmem:v5+s22+$0x0] =	vst.idx.msk $0xffff, v47;
	v47 =	vbroadcast v50, $0x0  }
0x258: {  	v11 =	vadd.f32 v54, v35;
	v0 =	vadd.f32 v57, v36;
	[tilespmem:v53+s22+$0x0] =	vst.idx.msk $0xffff, v48;
	v53 =	vld [tilespmem:s30+$0xC0];
	v48 =	vbroadcast v51, $0x0  }
0x259: {  	v50 =	vbroadcast v2, $0x0;
	v2 =	vadd.f32 v60, v36;
	[tilespmem:v55+s22+$0x0] =	vst.idx.msk $0xffff, v23;
	v54 =	vadd.s32 v22, v47;
	v55 =	vld [tilespmem:s30+$0x100]  }
0x25a: {  	v57 =	vld [tilespmem:s30+$0x140];
	v23 =	vadd.f32 v56, v36;
	[tilespmem:v58+s22+$0x0] =	vst.idx.msk $0xffff, v11;
	v56 =	vadd.s32 v27, v48  }
0x25b: {  	v62 =	vadd.s32 v19, v49;
	[tilespmem:v52+s22+$0x0] =	vst.idx.msk $0xffff, v0;
	v58 =	vld [tilespmem:s30+$0x1E0]  }
0x25c: {  	v0 =	vadd.f32 v61, v36;
	[tilespmem:v6+s22+$0x0] =	vst.idx.msk $0xffff, v2;
	v11 =	vadd.s32 v15, v50  }
0x25d: {  	v51 =	vbroadcast v4, $0x0;
	[tilespmem:v59+s22+$0x0] =	vst.idx.msk $0xffff, v23;
	v59 =	vld [tilespmem:s30+$0x180];
	v23 =	vadd.s32 v63, v3;
	v22 =	vadd.f32 v53, v36  }
0x25e: {  	v2 =	vld [tilespmem:s30+$0xFFFFFE50];
	[tilespmem:v54+s22+$0x0] =	vst.idx.msk $0xffff, v0;
	v27 =	vadd.f32 v55, v36  }
0x25f: {  	v61 =	vadd.f32 v57, v36;
	v60 =	vadd.s32 v10, v51;
	v0 =	vld [tilespmem:s30+$0xFFFFFE90];
	[tilespmem:v56+s22+$0x0] =	vst.idx.msk $0xffff, v22  }
0x260: {  	v19 =	vld [tilespmem:$0x1FE80];
	[tilespmem:v62+s22+$0x0] =	vst.idx.msk $0xffff, v27;
	v62 =	vadd.f32 v58, v34  }
0x261: {  	v15 =	vld [tilespmem:$0x1FEC0];
	[tilespmem:v11+s22+$0x0] =	vst.idx.msk $0xffff, v61  }
0x262: {  	v11 =	vadd.f32 v59, v36;
	v10 =	vld [tilespmem:$0x1FF00];
	[tilespmem:v23+s22+$0x0] =	vst.idx.msk $0xffff, v62  }
0x263: {  	v22 =	vld [tilespmem:$0x1FF40]  }
0x264: {  	[tilespmem:v60+s22+$0x0] =	vst.idx.msk $0xffff, v11;
	v54 =	vld [tilespmem:s30+$0x1F0]  }
0x265: {  	v11 =	vld [tilespmem:$0x1FF80];
	v4 =	vadd.s32 v19, v38  }
0x266: {  	v3 =	vadd.s32 v14, v3;
	v55 =	vld [tilespmem:s30+$0xFFFFFED0]  }
0x267: {  	v53 =	vld [tilespmem:s30+$0xFFFFFF10];
	v5 =	vadd.s32 v15, v41  }
0x268: {  	v2 =	vadd.f32 v2, v35;
	v56 =	vld [tilespmem:s30+$0xFFFFFF50];
	v52 =	vadd.s32 v10, v39  }
0x269: {  	v27 =	vld [tilespmem:s30+$0xFFFFFF90];
	v6 =	vadd.s32 v22, v40;
	v54 =	vadd.f32 v54, v33  }
0x26a: {  	v62 =	vld [tilespmem:s30+$0xFFFFFFD0];
	v0 =	vadd.f32 v0, v35;
	v60 =	vadd.s32 v11, v42;
	[tilespmem:v4+s22+$0x0] =	vst.idx.msk $0xffff, v2  }
0x26b: {  	v61 =	vadd.s32 v31, v43;
	v23 =	vld [tilespmem:s30+$0x50];
	v2 =	vadd.f32 v55, v35;
	[tilespmem:v3+s22+$0x0] =	vst.idx.msk $0xffff, v54  }
0x26c: {  	v3 =	vadd.s32 v10, v48;
	[tilespmem:v5+s22+$0x0] =	vst.idx.msk $0xffff, v0;
	v0 =	vadd.f32 v53, v35;
	v5 =	vld [tilespmem:s30+$0x10]  }
0x26d: {  	v10 =	vld [tilespmem:s30+$0x150];
	[tilespmem:v52+s22+$0x0] =	vst.idx.msk $0xffff, v2;
	v2 =	vadd.f32 v56, v35;
	v52 =	vadd.s32 v26, v44  }
0x26e: {  	v26 =	vadd.s32 v7, v45;
	[tilespmem:v6+s22+$0x0] =	vst.idx.msk $0xffff, v0;
	v0 =	vadd.f32 v27, v35;
	v27 =	vld [tilespmem:s30+$0x90]  }
0x26f: {  	[tilespmem:v60+s22+$0x0] =	vst.idx.msk $0xffff, v2;
	v2 =	vadd.s32 v19, v46;
	v60 =	vld [tilespmem:s30+$0xD0];
	v19 =	vadd.s32 v22, v49  }
0x270: {  	v22 =	vld [tilespmem:s30+$0x190];
	[tilespmem:v61+s22+$0x0] =	vst.idx.msk $0xffff, v0;
	v0 =	vadd.f32 v62, v35;
	v61 =	vadd.s32 v15, v47  }
0x271: {  	v62 =	vld [tilespmem:s30+$0x110];
	v5 =	vadd.f32 v5, v35  }
0x272: {  	v59 =	vadd.s32 v31, v51;
	[tilespmem:v52+s22+$0x0] =	vst.idx.msk $0xffff, v0;
	v0 =	vadd.f32 v23, v35  }
0x273: {  	v54 =	vadd.f32 v10, v35;
	v23 =	vld [tilespmem:s30+$0xFFFFFE10];
	[tilespmem:v26+s22+$0x0] =	vst.idx.msk $0xffff, v5;
	v26 =	vadd.f32 v27, v35  }
0x274: {  	v27 =	vadd.s32 v11, v50;
	[tilespmem:v2+s22+$0x0] =	vst.idx.msk $0xffff, v0;
	v0 =	vld [tilespmem:s30+$0xFFFFFE60];
	v2 =	vadd.f32 v60, v35  }
0x275: {  	v10 =	vld [tilespmem:s30+$0xFFFFFF20];
	v60 =	vadd.s32 v7, v37;
	v53 =	vadd.f32 v22, v35;
	[tilespmem:v61+s22+$0x0] =	vst.idx.msk $0xffff, v26  }
0x276: {  	v55 =	vadd.f32 v62, v35;
	[tilespmem:v3+s22+$0x0] =	vst.idx.msk $0xffff, v2;
	v2 =	vadd.s32 v12, v38;
	v3 =	vld [tilespmem:s30+$0xFFFFFEE0]  }
0x277: {  	v22 =	vadd.s32 v24, v40;
	v61 =	vld [tilespmem:s30+$0xFFFFFEA0];
	[tilespmem:v59+s22+$0x0] =	vst.idx.msk $0xffff, v53  }
0x278: {  	v11 =	vadd.s32 v20, v39;
	[tilespmem:v19+s22+$0x0] =	vst.idx.msk $0xffff, v55;
	v5 =	vadd.f32 v23, v35;
	v19 =	vld [tilespmem:s30+$0xFFFFFF60]  }
0x279: {  	v62 =	vadd.s32 v16, v41;
	v23 =	vld [tilespmem:s30+$0xFFFFFFA0];
	[tilespmem:v27+s22+$0x0] =	vst.idx.msk $0xffff, v54;
	v0 =	vadd.f32 v0, v34  }
0x27a: {  	v31 =	vld [tilespmem:s30+$0xFFFFFFE0];
	v57 =	vadd.f32 v10, v34;
	v27 =	vadd.s32 v28, v42;
	[tilespmem:v60+s22+$0x0] =	vst.idx.msk $0xffff, v5  }
0x27b: {  	[tilespmem:v2+s22+$0x0] =	vst.idx.msk $0xffff, v0;
	v0 =	vadd.f32 v3, v34;
	v2 =	vadd.s32 v32, v43;
	v3 =	vld [tilespmem:s30+$0x20]  }
0x27c: {  	v58 =	vadd.s32 v63, v44;
	v59 =	vld [tilespmem:s30+$0x60];
	[tilespmem:v22+s22+$0x0] =	vst.idx.msk $0xffff, v57;
	v26 =	vadd.f32 v61, v34  }
0x27d: {  	v60 =	vadd.s32 v8, v45;
	v22 =	vld [tilespmem:s30+$0x120];
	[tilespmem:v11+s22+$0x0] =	vst.idx.msk $0xffff, v0;
	v0 =	vadd.f32 v19, v34  }
0x27e: {  	v10 =	vadd.s32 v12, v46;
	[tilespmem:v62+s22+$0x0] =	vst.idx.msk $0xffff, v26;
	v62 =	vadd.f32 v23, v34;
	v11 =	vld [tilespmem:s30+$0xE0]  }
0x27f: {  	v61 =	vld [tilespmem:s30+$0xA0];
	v26 =	vadd.s32 v24, v49;
	[tilespmem:v27+s22+$0x0] =	vst.idx.msk $0xffff, v0;
	v0 =	vadd.f32 v31, v34  }
0x280: {  	v23 =	vld [tilespmem:s30+$0x160];
	[tilespmem:v2+s22+$0x0] =	vst.idx.msk $0xffff, v62;
	v2 =	vadd.f32 v3, v34;
	v3 =	vadd.s32 v20, v48  }
0x281: {  	v19 =	vadd.s32 v16, v47;
	v27 =	vld [tilespmem:s30+$0x1A0];
	[tilespmem:v58+s22+$0x0] =	vst.idx.msk $0xffff, v0;
	v0 =	vadd.f32 v59, v34  }
0x282: {  	v57 =	vadd.s32 v28, v50;
	v6 =	vadd.f32 v22, v34;
	[tilespmem:v60+s22+$0x0] =	vst.idx.msk $0xffff, v2;
	v2 =	vld [tilespmem:s30+$0xFFFFFE20]  }
0x283: {  	v59 =	vadd.s32 v32, v51;
	v58 =	vadd.f32 v11, v34;
	[tilespmem:v10+s22+$0x0] =	vst.idx.msk $0xffff, v0;
	v0 =	vld [tilespmem:s30+$0xFFFFFE70]  }
0x284: {  	v31 =	vadd.f32 v61, v34;
	v61 =	vld [tilespmem:s30+$0xFFFFFEB0];
	[tilespmem:v26+s22+$0x0] =	vst.idx.msk $0xffff, v6;
	v60 =	vadd.s32 v8, v37  }
0x285: {  	v62 =	vld [tilespmem:s30+$0xFFFFFEF0];
	v4 =	vadd.f32 v23, v34;
	[tilespmem:v3+s22+$0x0] =	vst.idx.msk $0xffff, v58;
	v3 =	vadd.s32 v13, v38  }
0x286: {  	[tilespmem:v19+s22+$0x0] =	vst.idx.msk $0xffff, v31;
	v11 =	vld [tilespmem:s30+$0xFFFFFF30];
	v10 =	vadd.s32 v17, v41;
	v16 =	vadd.f32 v27, v34  }
0x287: {  	v20 =	vld [tilespmem:s30+$0xFFFFFF70];
	v19 =	vadd.s32 v21, v39;
	[tilespmem:v57+s22+$0x0] =	vst.idx.msk $0xffff, v4;
	v2 =	vadd.f32 v2, v34  }
0x288: {  	v22 =	vadd.s32 v25, v40;
	v23 =	vld [tilespmem:s30+$0xFFFFFFB0];
	[tilespmem:v59+s22+$0x0] =	vst.idx.msk $0xffff, v16;
	v0 =	vadd.f32 v0, v33  }
0x289: {  	v24 =	vadd.s32 v29, v42;
	v26 =	vld [tilespmem:s30+$0xFFFFFFF0];
	[tilespmem:v60+s22+$0x0] =	vst.idx.msk $0xffff, v2;
	v2 =	vadd.f32 v61, v33  }
0x28a: {  	v27 =	vld [tilespmem:s30+$0x30];
	[tilespmem:v3+s22+$0x0] =	vst.idx.msk $0xffff, v0;
	v0 =	vadd.f32 v62, v33;
	v3 =	vadd.s32 v30, v43  }
0x28b: {  	v28 =	vadd.s32 v14, v44;
	v31 =	vld [tilespmem:s30+$0x70];
	[tilespmem:v10+s22+$0x0] =	vst.idx.msk $0xffff, v2;
	v2 =	vadd.f32 v11, v33  }
0x28c: {  	v44 =	vadd.s32 v9, v45;
	v45 =	vld [tilespmem:s30+$0xB0];
	[tilespmem:v19+s22+$0x0] =	vst.idx.msk $0xffff, v0;
	v0 =	vadd.f32 v20, v33  }
0x28d: {  	v46 =	vadd.s32 v13, v46;
	v52 =	vld [tilespmem:s30+$0xF0];
	[tilespmem:v22+s22+$0x0] =	vst.idx.msk $0xffff, v2;
	v2 =	vadd.f32 v23, v33  }
0x28e: {  	v53 =	vadd.s32 v17, v47;
	v54 =	vld [tilespmem:s30+$0x130];
	[tilespmem:v24+s22+$0x0] =	vst.idx.msk $0xffff, v0;
	v0 =	vadd.f32 v26, v33  }
0x28f: {  	v55 =	vld [tilespmem:s30+$0x170];
	[tilespmem:v3+s22+$0x0] =	vst.idx.msk $0xffff, v2;
	v2 =	vadd.f32 v27, v33;
	v3 =	vadd.s32 v21, v48  }
0x290: {  	v56 =	vadd.s32 v25, v49;
	v57 =	vld [tilespmem:s30+$0x1B0];
	[tilespmem:v28+s22+$0x0] =	vst.idx.msk $0xffff, v0;
	v0 =	vadd.f32 v31, v33  }
0x291: {  	v59 =	vadd.s32 v29, v50;
	v58 =	vadd.f32 v45, v33;
	[tilespmem:v44+s22+$0x0] =	vst.idx.msk $0xffff, v2;
	v2 =	vld [tilespmem:s30+$0xFFFFFE30]  }
0x292: {  	v60 =	vadd.s32 v30, v51;
	[tilespmem:v46+s22+$0x0] =	vst.idx.msk $0xffff, v0;
	v0 =	vadd.f32 v52, v33  }
0x293: {  	v61 =	vadd.s32 v9, v37;
	[tilespmem:v53+s22+$0x0] =	vst.idx.msk $0xffff, v58;
	v62 =	vadd.f32 v54, v33  }
0x294: {  	[tilespmem:v3+s22+$0x0] =	vst.idx.msk $0xffff, v0;
	v0 =	vadd.f32 v55, v33  }
0x295: {  	s12 =	sshll.u32 s8, $0x12;
	[tilespmem:v56+s22+$0x0] =	vst.idx.msk $0xffff, v62;
	v3 =	vadd.f32 v57, v33  }
0x296: {  	s1 =	sor.u32 s7, s12;
	[tilespmem:v59+s22+$0x0] =	vst.idx.msk $0xffff, v0;
	v0 =	vadd.f32 v2, v33  }
0x297: {  	s1 =	sshrl.u32 s1, $0x3;
	[tilespmem:v60+s22+$0x0] =	vst.idx.msk $0xffff, v3  }
0x298: {  	s8 =	simm.s32 $0x15800;
	s30 =	sadd.s32 s2, s1;
	[tilespmem:v61+s22+$0x0] =	vst.idx.msk $0xffff, v0  }
0x299: {  	[hbm4b:s30+s3] =	stream.linear.scatter [tilespmem:s8], [sflag:$0x7], $0x80, $0x38;
	[tilespmem:$0x1E000] =	vst v63  }
0x29a: {  	s11 =	simm.s32 $0x15888;
	s12 =	sadd.s32 $0x10, s30  }
0x29b: {  	[hbm4b:s12+s3] =	stream.linear.scatter [tilespmem:s11], [sflag:$0x7], $0x80, $0x38;
	[tilespmem:$0x1E000] =	vst v63  }
0x29c: {  	s11 =	simm.s32 $0x15910;
	s12 =	sadd.s32 $0x20, s30  }
0x29d: {  	[hbm4b:s12+s3] =	stream.linear.scatter [tilespmem:s11], [sflag:$0x7], $0x80, $0x38;
	[tilespmem:$0x1E000] =	vst v63  }
0x29e: {  	s11 =	simm.s32 $0x15998;
	s12 =	sadd.s32 $0x30, s30  }
0x29f: {  	[hbm4b:s12+s3] =	stream.linear.scatter [tilespmem:s11], [sflag:$0x7], $0x80, $0x38;
	[tilespmem:$0x1E000] =	vst v63  }
0x2a0: {  	s11 =	simm.s32 $0x15A20;
	s12 =	sadd.s32 $0x40, s30  }
0x2a1: {  	[hbm4b:s12+s3] =	stream.linear.scatter [tilespmem:s11], [sflag:$0x7], $0x80, $0x38;
	[tilespmem:$0x1E000] =	vst v63  }
0x2a2: {  	s31 =	simm.s32 $0x2200;
	s11 =	simm.s32 $0x15AA8;
	s12 =	sadd.s32 $0x50, s30  }
0x2a3: {  	[hbm4b:s12+s3] =	stream.linear.scatter [tilespmem:s11], [sflag:$0x7], $0x80, $0x38;
	[tilespmem:$0x1E000] =	vst v63  }
0x2a4: {  	s1 =	simm.s32 $0x15BB8;
	s11 =	simm.s32 $0x15B30;
	s12 =	sadd.s32 $0x60, s30  }
0x2a5: {  	[hbm4b:s12+s3] =	stream.linear.scatter [tilespmem:s11], [sflag:$0x7], $0x80, $0x38;
	[tilespmem:$0x1E000] =	vst v63  }
0x2a6: {  	v14 =	vmov v18;
	s8 =	simm.s32 $0x440;
	s11 =	sadd.s32 $0x70, s30;
	s30 =	sadd.s32 $0x1000, s30  }
.LBB2_9:
0x2a7: {  	[hbm4b:s11+s3] =	stream.linear.scatter [tilespmem:s1], [sflag:$0x7], $0x80, $0x38;
	[tilespmem:$0x1E000] =	vst v63  }
0x2a8: {  	s1 =	smov.u32 s8;
	s8 =	smov.u32 s31  }
0x2a9: {  	s12 =	sadd.s32 $0x1100, s31;
	s8 =	sshra.s32 s8, $0x2;
	s11 =	sadd.s32 $0x15800, s1  }
0x2aa: {  	[hbm4b:s30+s3] =	stream.linear.scatter [tilespmem:s11], [sflag:$0x7], $0x80, $0x38;
	[tilespmem:$0x1E000] =	vst v63  }
0x2ab: {  	p1 =	sne.s32 s31, $0x7700;
	s31 =	sadd.s32 $0x10, s30;
	s11 =	sadd.s32 $0x15888, s1  }
0x2ac: {  	[hbm4b:s31+s3] =	stream.linear.scatter [tilespmem:s11], [sflag:$0x7], $0x80, $0x38;
	[tilespmem:$0x1E000] =	vst v63  }
0x2ad: {  	s11 =	sadd.s32 $0x15910, s1;
	s31 =	sadd.s32 $0x20, s30  }
0x2ae: {  	[hbm4b:s31+s3] =	stream.linear.scatter [tilespmem:s11], [sflag:$0x7], $0x80, $0x38;
	[tilespmem:$0x1E000] =	vst v63  }
0x2af: {  	s11 =	sadd.s32 $0x15998, s1;
	s31 =	sadd.s32 $0x30, s30  }
0x2b0: {  	[hbm4b:s31+s3] =	stream.linear.scatter [tilespmem:s11], [sflag:$0x7], $0x80, $0x38;
	[tilespmem:$0x1E000] =	vst v63  }
0x2b1: {  	s11 =	sadd.s32 $0x15A20, s1;
	s31 =	sadd.s32 $0x40, s30  }
0x2b2: {  	[hbm4b:s31+s3] =	stream.linear.scatter [tilespmem:s11], [sflag:$0x7], $0x80, $0x38;
	[tilespmem:$0x1E000] =	vst v63  }
.Ltmp3:
0x2b3: {  	s11 =	sadd.s32 $0x15AA8, s1;
	s31 =	sadd.s32 $0x50, s30;
	(pc) =	sbr.rel @p1 .LBB2_9-.Ltmp3, $4  }
0x2b4: {  	[hbm4b:s31+s3] =	stream.linear.scatter [tilespmem:s11], [sflag:$0x7], $0x80, $0x38;
	[tilespmem:$0x1E000] =	vst v63  }
0x2b5: {  	s11 =	sadd.s32 $0x15B30, s1;
	s31 =	sadd.s32 $0x60, s30;
	s1 =	sadd.s32 $0x15BB8, s1  }
0x2b6: {  	[hbm4b:s31+s3] =	stream.linear.scatter [tilespmem:s11], [sflag:$0x7], $0x80, $0x38;
	[tilespmem:$0x1E000] =	vst v63  }
0x2b7: {  	s11 =	sadd.s32 $0x70, s30;
	s30 =	sadd.s32 $0x1000, s30;
	s31 =	smov.u32 s12  }
0x2b8: {  	[hbm4b:s11+s3] =	stream.linear.scatter [tilespmem:s1], [sflag:$0x7], $0x80, $0x38;
	[tilespmem:$0x1E000] =	vst v63  }
0x2b9: {  	s11 =	sadd.s32 $0x15800, s8  }
0x2ba: {  	[hbm4b:s30+s3] =	stream.linear.scatter [tilespmem:s11], [sflag:$0x7], $0x80, $0x38;
	[tilespmem:$0x1E000] =	vst v63  }
0x2bb: {  	s12 =	sadd.s32 $0x15888, s8;
	s31 =	sadd.s32 $0x10, s30  }
0x2bc: {  	[hbm4b:s31+s3] =	stream.linear.scatter [tilespmem:s12], [sflag:$0x7], $0x80, $0x38;
	[tilespmem:$0x1E000] =	vst v63  }
0x2bd: {  	s12 =	sadd.s32 $0x15910, s8;
	s31 =	sadd.s32 $0x20, s30  }
0x2be: {  	[hbm4b:s31+s3] =	stream.linear.scatter [tilespmem:s12], [sflag:$0x7], $0x80, $0x38;
	[tilespmem:$0x1E000] =	vst v63  }
0x2bf: {  	s12 =	sadd.s32 $0x15998, s8;
	s31 =	sadd.s32 $0x30, s30  }
0x2c0: {  	[hbm4b:s31+s3] =	stream.linear.scatter [tilespmem:s12], [sflag:$0x7], $0x80, $0x38;
	[tilespmem:$0x1E000] =	vst v63  }
0x2c1: {  	s12 =	sadd.s32 $0x15A20, s8;
	s31 =	sadd.s32 $0x40, s30  }
0x2c2: {  	[hbm4b:s31+s3] =	stream.linear.scatter [tilespmem:s12], [sflag:$0x7], $0x80, $0x38;
	[tilespmem:$0x1E000] =	vst v63  }
0x2c3: {  	s12 =	sadd.s32 $0x15AA8, s8;
	s31 =	sadd.s32 $0x50, s30  }
0x2c4: {  	[hbm4b:s31+s3] =	stream.linear.scatter [tilespmem:s12], [sflag:$0x7], $0x80, $0x38;
	[tilespmem:$0x1E000] =	vst v63  }
0x2c5: {  	s12 =	sadd.s32 $0x15B30, s8;
	s31 =	sadd.s32 $0x60, s30  }
0x2c6: {  	[hbm4b:s31+s3] =	stream.linear.scatter [tilespmem:s12], [sflag:$0x7], $0x80, $0x38;
	[tilespmem:$0x1E000] =	vst v63  }
0x2c7: {  	s1 =	simm.s32 @!p0 $0x8;
	s6 =	sadd.s32 $0x2, s6;
	s31 =	simm.s32 $0x0  }
0x2c8: {  	s11 =	sadd.s32 $0x15BB8, s8;
	s12 =	sadd.s32 $0x70, s30;
	v0 =	vmov s31;
	s31 =	simm.s32 $0x2  }
0x2c9: {  	[hbm4b:s12+s3] =	stream.linear.scatter [tilespmem:s11], [sflag:$0x7], $0x80, $0x38;
	[tilespmem:$0x1E000] =	vst v63  }
0x2ca: {  	s11 =	simm.s32 $0x1;
	s12 =	simm.s32 $0x3;
	v3 =	vmov s31;
	s31 =	simm.s32 $0x6  }
0x2cb: {  	_ =	swait.ge @!p0 [sflag:s1], $0x2000;
	v2 =	vmov s11;
	v4 =	vmov s12;
	s11 =	simm.s32 $0x4;
	s12 =	simm.s32 $0x5  }
0x2cc: {  	v33 =	vmov s31;
	s31 =	simm.s32 $0x9;
	[sflag:s1] =	ssyncset.done @!p0 $0x0;
	v5 =	vmov s11;
	s11 =	simm.s32 $0x7  }
0x2cd: {  	v6 =	vmov s12;
	s12 =	simm.s32 $0x8;
	v36 =	vmov s31;
	s31 =	simm.s32 $0xC;
	[sflag:s1] =	ssyncadd.s32 @!p0 $0xFFFFE000  }
0x2ce: {  	v0 =	vshrl.u32 v0, $0x3;
	p0 =	seq.s32 s13, $0x27;
	v34 =	vmov s11;
	v35 =	vmov s12;
	s11 =	simm.s32 $0xA;
	s12 =	simm.s32 $0xB  }
0x2cf: {  	v0 =	vshll.u32 v0, v1;
	v3 =	vshrl.u32 v3, $0x3;
	v39 =	vmov s31;
	s31 =	simm.s32 $0xE;
	_ =	swait.ge [sflag:s23], $0x2000;
	s8 =	smul.u32 @!p0 $0xA00, s13  }
0x2d0: {  	v37 =	vmov s11;
	v38 =	vmov s12;
	s12 =	simm.s32 $0xD;
	v41 =	vmov s31;
	s11 =	simm.s32 @!p0 $0x9600;
	s31 =	simm.s32 $0xF;
	v15 =	vld [tilespmem:$0x1FE10]  }
0x2d1: {  	v2 =	vshrl.u32 v2, $0x3;
	v4 =	vshrl.u32 v4, $0x3;
	[sflag:s23] =	ssyncset.done $0x0;
	v40 =	vmov s12;
	s12 =	sshll.u32 s6, $0x6;
	v13 =	vld [tilespmem:$0x1FE00];
	s8 =	sshra.s32 @!p0 s8, $0x2  }
0x2d2: {  	v42 =	vshrl.u32 v33, $0x3;
	v3 =	vshll.u32 v3, v1;
	v5 =	vshrl.u32 v5, $0x3;
	v10 =	vld [tilespmem:$0x1FEB0];
	[sflag:s23] =	ssyncadd.s32 $0xFFFFE000;
	s1 =	sadd.s32 @!p0 $0x280, s8;
	s8 =	simm.s32 @!p0 $0x80  }
0x2d3: {  	v6 =	vshrl.u32 v6, $0x3;
	v45 =	vshrl.u32 v36, $0x3;
	v59 =	vmov s31;
	v11 =	vld [tilespmem:$0x1FEF0];
	[tilespmem:s11], [sflag:$0x1] =	stream.indirect.gather @!p0 [hbm4b:s4+s8], $0x40, s1, s8, $0xb8  }
0x2d4: {  	v46 =	vshrl.u32 v37, $0x3;
	v37 =	vbroadcast v0, $0x0;
	v9 =	vld [tilespmem:$0x1FF30];
	v60 =	vshrl.u32 v59, $0x3;
	s1 =	sand.u32 $0x3FFFFFC0, s12  }
0x2d5: {  	v0 =	vshrl.u32 v40, $0x3;
	v40 =	vshrl.u32 v41, $0x3;
	v41 =	vshll.u32 v60, v1;
	s8 =	simm.s32 $0xD800;
	v36 =	vld [tilespmem:s1+$0x6400]  }
0x2d6: {  	v2 =	vshll.u32 v2, v1;
	v4 =	vshll.u32 v4, v1;
	v53 =	vbroadcast v41, $0x0;
	v61 =	vld [tilespmem:s8+$0x1C0]  }
0x2d7: {  	v51 =	vbroadcast v3, $0x0;
	v39 =	vshrl.u32 v39, $0x3;
	v54 =	vshll.u32 v45, v1;
	v62 =	vld [tilespmem:s8+$0xFFFFFE00]  }
0x2d8: {  	v50 =	vbroadcast v2, $0x0;
	v2 =	vshll.u32 v39, v1;
	v45 =	vld [tilespmem:s8+$0xFFFFFE40];
	v39 =	vadd.s32 v15, v53  }
0x2d9: {  	v43 =	vshrl.u32 v34, $0x3;
	v44 =	vshrl.u32 v35, $0x3;
	v32 =	vadd.s32 v14, v37;
	v35 =	vld [tilespmem:s1+$0x6410]  }
0x2da: {  	v5 =	vshll.u32 v5, v1;
	v6 =	vshll.u32 v6, v1;
	v34 =	vld [tilespmem:s1+$0x6420];
	v3 =	vadd.s32 v13, v50  }
0x2db: {  	v49 =	vbroadcast v4, $0x0;
	v47 =	vbroadcast v5, $0x0;
	v48 =	vld [tilespmem:s8+$0xFFFFFE80];
	v5 =	vadd.f32 v61, v36  }
0x2dc: {  	v52 =	vshll.u32 v44, v1;
	v4 =	vshll.u32 v40, v1;
	v33 =	vld [tilespmem:s1+$0x6430];
	v58 =	vadd.f32 v62, v36  }
0x2dd: {  	v44 =	vbroadcast v6, $0x0;
	v56 =	vld [tilespmem:s8+$0xFFFFFEC0];
	v40 =	vadd.s32 v10, v51;
	v6 =	vadd.f32 v45, v36;
	[tilespmem:v39+s24+$0x0] =	vst.idx.msk $0xffff, v5  }
0x2de: {  	v57 =	vld [tilespmem:s8+$0xFFFFFF00];
	[tilespmem:v32+s24+$0x0] =	vst.idx.msk $0xffff, v58  }
0x2df: {  	v12 =	vld [tilespmem:$0x1FF70];
	[tilespmem:v3+s24+$0x0] =	vst.idx.msk $0xffff, v6  }
0x2e0: {  	v5 =	vadd.f32 v48, v36;
	v8 =	vld [tilespmem:$0x1FFB0]  }
0x2e1: {  	v42 =	vshll.u32 v42, v1;
	v43 =	vshll.u32 v43, v1;
	v60 =	vld [tilespmem:s8+$0xFFFFFF40]  }
0x2e2: {  	v38 =	vshrl.u32 v38, $0x3;
	v55 =	vshll.u32 v46, v1;
	v59 =	vadd.s32 v11, v49;
	v62 =	vld [tilespmem:s8+$0xFFFFFF80];
	[tilespmem:v40+s24+$0x0] =	vst.idx.msk $0xffff, v5  }
0x2e3: {  	v38 =	vshll.u32 v38, v1;
	v41 =	vbroadcast v42, $0x0;
	v61 =	vadd.s32 v9, v47;
	v7 =	vld [tilespmem:$0x1FFF0]  }
0x2e4: {  	v45 =	vbroadcast v52, $0x0;
	v48 =	vbroadcast v43, $0x0;
	v43 =	vld [tilespmem:s8+$0x0];
	v39 =	vadd.s32 v12, v44  }
0x2e5: {  	v46 =	vbroadcast v54, $0x0;
	v32 =	vld [tilespmem:s8+$0xFFFFFFC0];
	v3 =	vadd.f32 v56, v36;
	v6 =	vadd.s32 v8, v41  }
0x2e6: {  	v0 =	vshll.u32 v0, v1;
	v54 =	vadd.s32 v14, v45;
	v58 =	vld [tilespmem:s8+$0x1D0];
	v5 =	vadd.f32 v57, v36  }
0x2e7: {  	v42 =	vbroadcast v55, $0x0;
	v57 =	vadd.s32 v15, v48;
	[tilespmem:v59+s24+$0x0] =	vst.idx.msk $0xffff, v3;
	v3 =	vadd.f32 v60, v36;
	v59 =	vld [tilespmem:s8+$0x40]  }
0x2e8: {  	v40 =	vbroadcast v2, $0x0;
	v60 =	vld [tilespmem:s8+$0x80];
	[tilespmem:v61+s24+$0x0] =	vst.idx.msk $0xffff, v5;
	v5 =	vadd.f32 v62, v36;
	v52 =	vadd.s32 v7, v53  }
0x2e9: {  	v55 =	vld [tilespmem:s8+$0xC0];
	v2 =	vadd.f32 v43, v36;
	[tilespmem:v39+s24+$0x0] =	vst.idx.msk $0xffff, v3;
	v3 =	vadd.s32 v13, v46;
	v39 =	vbroadcast v38, $0x0  }
0x2ea: {  	[tilespmem:v6+s24+$0x0] =	vst.idx.msk $0xffff, v5;
	v5 =	vadd.f32 v32, v36;
	v6 =	vadd.s32 v10, v42;
	v32 =	vld [tilespmem:s8+$0x100]  }
0x2eb: {  	v62 =	vld [tilespmem:s8+$0x140];
	v58 =	vadd.f32 v58, v35;
	[tilespmem:v54+s24+$0x0] =	vst.idx.msk $0xffff, v2;
	v38 =	vbroadcast v0, $0x0;
	v61 =	vadd.s32 v11, v39  }
0x2ec: {  	v0 =	vadd.f32 v59, v36;
	[tilespmem:v57+s24+$0x0] =	vst.idx.msk $0xffff, v5;
	v5 =	vadd.s32 v9, v40  }
0x2ed: {  	v43 =	vbroadcast v4, $0x0;
	v4 =	vld [tilespmem:s8+$0xFFFFFE50];
	v2 =	vadd.f32 v60, v36;
	[tilespmem:v52+s24+$0x0] =	vst.idx.msk $0xffff, v58;
	v54 =	vadd.s32 v12, v38  }
0x2ee: {  	v52 =	vld [tilespmem:s8+$0x1E0];
	[tilespmem:v3+s24+$0x0] =	vst.idx.msk $0xffff, v0;
	v0 =	vadd.f32 v55, v36  }
0x2ef: {  	v57 =	vld [tilespmem:s8+$0x180];
	[tilespmem:v6+s24+$0x0] =	vst.idx.msk $0xffff, v2;
	v2 =	vadd.f32 v32, v36  }
0x2f0: {  	v11 =	vld [tilespmem:$0x1FE80];
	[tilespmem:v61+s24+$0x0] =	vst.idx.msk $0xffff, v0;
	v0 =	vadd.f32 v62, v36  }
0x2f1: {  	v6 =	vadd.s32 v8, v43;
	v8 =	vld [tilespmem:$0x1FEC0];
	[tilespmem:v5+s24+$0x0] =	vst.idx.msk $0xffff, v2  }
0x2f2: {  	v10 =	vld [tilespmem:$0x1FF00];
	[tilespmem:v54+s24+$0x0] =	vst.idx.msk $0xffff, v0  }
0x2f3: {  	v3 =	vadd.s32 v63, v53;
	v23 =	vld [tilespmem:$0x1FF40]  }
0x2f4: {  	v55 =	vld [tilespmem:s8+$0xFFFFFE90]  }
0x2f5: {  	v32 =	vld [tilespmem:s8+$0xFFFFFED0];
	v56 =	vadd.s32 v11, v50  }
0x2f6: {  	v60 =	vld [tilespmem:s8+$0xFFFFFF10];
	v2 =	vadd.f32 v52, v34;
	v59 =	vadd.s32 v8, v51  }
0x2f7: {  	v0 =	vadd.f32 v57, v36;
	v5 =	vadd.s32 v10, v49  }
0x2f8: {  	v4 =	vadd.f32 v4, v35;
	[tilespmem:v3+s24+$0x0] =	vst.idx.msk $0xffff, v2;
	v54 =	vadd.s32 v23, v47  }
0x2f9: {  	v2 =	vadd.f32 v55, v35;
	v12 =	vld [tilespmem:$0x1FF80];
	[tilespmem:v6+s24+$0x0] =	vst.idx.msk $0xffff, v0  }
0x2fa: {  	v62 =	vld [tilespmem:s8+$0xFFFFFF50];
	[tilespmem:v56+s24+$0x0] =	vst.idx.msk $0xffff, v4;
	v4 =	vadd.f32 v32, v35  }
0x2fb: {  	v31 =	vld [tilespmem:$0x1FFC0];
	[tilespmem:v59+s24+$0x0] =	vst.idx.msk $0xffff, v2;
	v2 =	vadd.f32 v60, v35  }
0x2fc: {  	v9 =	vld [tilespmem:$0x1FE40];
	[tilespmem:v5+s24+$0x0] =	vst.idx.msk $0xffff, v4  }
0x2fd: {  	v57 =	vld [tilespmem:s8+$0xFFFFFF90];
	[tilespmem:v54+s24+$0x0] =	vst.idx.msk $0xffff, v2  }
0x2fe: {  	v5 =	vadd.s32 v7, v48;
	v7 =	vld [tilespmem:$0x1FE50]  }
0x2ff: {  	v0 =	vld [tilespmem:s8+$0x1F0];
	v3 =	vadd.s32 v12, v44  }
0x300: {  	v55 =	vld [tilespmem:s8+$0xFFFFFFD0];
	v6 =	vadd.s32 v31, v41  }
0x301: {  	v61 =	vld [tilespmem:s8+$0x10];
	v53 =	vadd.s32 v9, v53  }
0x302: {  	v4 =	vadd.f32 v62, v35;
	v62 =	vld [tilespmem:s8+$0x50]  }
0x303: {  	v60 =	vld [tilespmem:s8+$0x90];
	v2 =	vadd.f32 v57, v35;
	v32 =	vadd.s32 v7, v45  }
0x304: {  	v0 =	vadd.f32 v0, v33;
	[tilespmem:v3+s24+$0x0] =	vst.idx.msk $0xffff, v4;
	v3 =	vadd.s32 v11, v46  }
0x305: {  	v4 =	vld [tilespmem:s8+$0xD0];
	[tilespmem:v6+s24+$0x0] =	vst.idx.msk $0xffff, v2;
	v2 =	vadd.f32 v55, v35;
	v6 =	vadd.s32 v8, v42  }
0x306: {  	v56 =	vadd.f32 v61, v35;
	v55 =	vld [tilespmem:s8+$0x110];
	[tilespmem:v53+s24+$0x0] =	vst.idx.msk $0xffff, v0  }
0x307: {  	v58 =	vadd.s32 v10, v39;
	v0 =	vadd.f32 v62, v35;
	[tilespmem:v5+s24+$0x0] =	vst.idx.msk $0xffff, v2  }
0x308: {  	v61 =	vld [tilespmem:s8+$0xFFFFFE10];
	v2 =	vadd.s32 v23, v40;
	[tilespmem:v32+s24+$0x0] =	vst.idx.msk $0xffff, v56;
	v32 =	vadd.f32 v60, v35  }
0x309: {  	v59 =	vld [tilespmem:s8+$0x150];
	[tilespmem:v3+s24+$0x0] =	vst.idx.msk $0xffff, v0  }
0x30a: {  	v5 =	vld [tilespmem:s8+$0x190];
	v0 =	vadd.f32 v4, v35;
	[tilespmem:v6+s24+$0x0] =	vst.idx.msk $0xffff, v32  }
0x30b: {  	v60 =	vadd.s32 v12, v38;
	v6 =	vadd.f32 v55, v35;
	v12 =	vld [tilespmem:$0x1FE90]  }
0x30c: {  	v62 =	vld [tilespmem:s8+$0xFFFFFE60];
	v3 =	vadd.s32 v31, v43;
	[tilespmem:v58+s24+$0x0] =	vst.idx.msk $0xffff, v0  }
0x30d: {  	v4 =	vadd.s32 v7, v37;
	v16 =	vld [tilespmem:$0x1FED0];
	[tilespmem:v2+s24+$0x0] =	vst.idx.msk $0xffff, v6  }
0x30e: {  	v0 =	vadd.f32 v59, v35;
	v20 =	vld [tilespmem:$0x1FF10]  }
0x30f: {  	v57 =	vld [tilespmem:s8+$0xFFFFFEA0];
	v2 =	vadd.f32 v5, v35  }
0x310: {  	v32 =	vld [tilespmem:s8+$0xFFFFFEE0];
	v5 =	vadd.f32 v61, v35;
	[tilespmem:v60+s24+$0x0] =	vst.idx.msk $0xffff, v0;
	v53 =	vadd.s32 v12, v50  }
0x311: {  	v24 =	vld [tilespmem:$0x1FF50];
	[tilespmem:v3+s24+$0x0] =	vst.idx.msk $0xffff, v2  }
0x312: {  	v59 =	vld [tilespmem:s8+$0xFFFFFF20];
	[tilespmem:v4+s24+$0x0] =	vst.idx.msk $0xffff, v5;
	v58 =	vadd.s32 v16, v51  }
0x313: {  	v0 =	vadd.f32 v62, v34;
	v28 =	vld [tilespmem:$0x1FF90];
	v6 =	vadd.s32 v20, v49  }
0x314: {  	v61 =	vld [tilespmem:s8+$0xFFFFFF60]  }
0x315: {  	v60 =	vld [tilespmem:s8+$0xFFFFFFA0];
	v2 =	vadd.f32 v57, v34;
	[tilespmem:v53+s24+$0x0] =	vst.idx.msk $0xffff, v0  }
0x316: {  	v0 =	vadd.f32 v32, v34;
	v32 =	vld [tilespmem:$0x1FFD0]  }
0x317: {  	v4 =	vld [tilespmem:s8+$0xFFFFFFE0];
	v62 =	vadd.s32 v24, v47;
	[tilespmem:v58+s24+$0x0] =	vst.idx.msk $0xffff, v2  }
0x318: {  	v57 =	vld [tilespmem:s8+$0x60];
	v3 =	vadd.s32 v28, v44;
	[tilespmem:v6+s24+$0x0] =	vst.idx.msk $0xffff, v0  }
0x319: {  	v8 =	vld [tilespmem:$0x1FE60]  }
0x31a: {  	v55 =	vadd.s32 v63, v48;
	v53 =	vld [tilespmem:s8+$0x20];
	v2 =	vadd.f32 v59, v34  }
0x31b: {  	v58 =	vld [tilespmem:s8+$0xFFFFFE20];
	v0 =	vadd.f32 v61, v34;
	v5 =	vadd.s32 v32, v41  }
0x31c: {  	v52 =	vld [tilespmem:s8+$0xFFFFFE70];
	[tilespmem:v62+s24+$0x0] =	vst.idx.msk $0xffff, v2;
	v2 =	vadd.f32 v60, v34  }
0x31d: {  	v62 =	vadd.s32 v12, v46;
	v60 =	vld [tilespmem:s8+$0xE0];
	[tilespmem:v3+s24+$0x0] =	vst.idx.msk $0xffff, v0;
	v0 =	vadd.f32 v4, v34  }
0x31e: {  	v61 =	vld [tilespmem:s8+$0xA0];
	v6 =	vadd.s32 v8, v45  }
0x31f: {  	v59 =	vld [tilespmem:s8+$0xFFFFFEB0];
	[tilespmem:v55+s24+$0x0] =	vst.idx.msk $0xffff, v0  }
0x320: {  	v3 =	vld [tilespmem:s8+$0x120];
	v0 =	vadd.f32 v57, v34;
	[tilespmem:v5+s24+$0x0] =	vst.idx.msk $0xffff, v2;
	v5 =	vadd.s32 v16, v42  }
0x321: {  	v4 =	vld [tilespmem:s8+$0x160];
	v2 =	vadd.f32 v53, v34  }
0x322: {  	v55 =	vadd.s32 v20, v39;
	[tilespmem:v62+s24+$0x0] =	vst.idx.msk $0xffff, v0;
	v0 =	vadd.f32 v60, v34;
	v60 =	vld [tilespmem:s8+$0xFFFFFEF0]  }
0x323: {  	v53 =	vld [tilespmem:s8+$0x1A0];
	[tilespmem:v6+s24+$0x0] =	vst.idx.msk $0xffff, v2;
	v2 =	vadd.f32 v61, v34  }
0x324: {  	v57 =	vadd.s32 v24, v40;
	v13 =	vld [tilespmem:$0x1FEA0]  }
0x325: {  	v6 =	vadd.s32 v28, v38;
	v62 =	vld [tilespmem:s8+$0x30];
	[tilespmem:v5+s24+$0x0] =	vst.idx.msk $0xffff, v2  }
0x326: {  	s11 =	simm.s32 $0x10;
	v54 =	vadd.s32 v32, v43;
	v17 =	vld [tilespmem:$0x1FEE0]  }
0x327: {  	v3 =	vadd.f32 v3, v34;
	v2 =	vmov s11;
	[tilespmem:v55+s24+$0x0] =	vst.idx.msk $0xffff, v0;
	v55 =	vld [tilespmem:s8+$0xFFFFFF70]  }
0x328: {  	v4 =	vadd.f32 v4, v34;
	v0 =	vshrl.u32 v2, $0x3;
	v2 =	vadd.f32 v58, v34;
	v58 =	vld [tilespmem:s8+$0xFFFFFFF0]  }
0x329: {  	v53 =	vadd.f32 v53, v34;
	v21 =	vld [tilespmem:$0x1FF20];
	[tilespmem:v57+s24+$0x0] =	vst.idx.msk $0xffff, v3  }
0x32a: {  	v25 =	vld [tilespmem:$0x1FF60];
	[tilespmem:v6+s24+$0x0] =	vst.idx.msk $0xffff, v4  }
0x32b: {  	v56 =	vadd.s32 v8, v37;
	v29 =	vld [tilespmem:$0x1FFA0];
	[tilespmem:v54+s24+$0x0] =	vst.idx.msk $0xffff, v53  }
0x32c: {  	s12 =	simm.s32 $0x11;
	v48 =	vadd.s32 v9, v48;
	v52 =	vadd.f32 v52, v33;
	v50 =	vadd.s32 v13, v50;
	v22 =	vld [tilespmem:$0x1FFE0]  }
0x32d: {  	v61 =	vadd.f32 v60, v33;
	v3 =	vmov s12;
	v5 =	vadd.s32 v17, v51;
	v51 =	vld [tilespmem:s8+$0xFFFFFF30]  }
0x32e: {  	v0 =	vshll.u32 v0, v1;
	v60 =	vadd.f32 v55, v33;
	v55 =	vld [tilespmem:s8+$0xB0];
	v49 =	vadd.s32 v21, v49  }
0x32f: {  	s31 =	simm.s32 $0x12;
	v57 =	vld [tilespmem:s8+$0xFFFFFFB0];
	v6 =	vadd.f32 v59, v33;
	v46 =	vadd.s32 v13, v46;
	v47 =	vadd.s32 v25, v47  }
0x330: {  	s11 =	simm.s32 $0x13;
	v4 =	vmov s31;
	[tilespmem:v56+s24+$0x0] =	vst.idx.msk $0xffff, v2;
	v56 =	vld [tilespmem:s8+$0x70];
	v42 =	vadd.s32 v17, v42;
	v39 =	vadd.s32 v21, v39  }
0x331: {  	s12 =	simm.s32 $0x14;
	v53 =	vmov s11;
	v59 =	vld [tilespmem:s8+$0x170];
	[tilespmem:v50+s24+$0x0] =	vst.idx.msk $0xffff, v52;
	v40 =	vadd.s32 v25, v40;
	v44 =	vadd.s32 v29, v44  }
0x332: {  	v2 =	vmov s12;
	s12 =	simm.s32 $0x17;
	v9 =	vld [tilespmem:$0x1FE70];
	v38 =	vadd.s32 v29, v38;
	v51 =	vadd.f32 v51, v33;
	[tilespmem:v5+s24+$0x0] =	vst.idx.msk $0xffff, v6  }
0x333: {  	s31 =	simm.s32 $0x15;
	v54 =	vmov s12;
	v50 =	vld [tilespmem:s8+$0x1B0];
	v41 =	vadd.s32 v22, v41;
	v55 =	vadd.f32 v55, v33;
	[tilespmem:v49+s24+$0x0] =	vst.idx.msk $0xffff, v61  }
0x334: {  	s11 =	simm.s32 $0x16;
	v52 =	vmov s31;
	v43 =	vadd.s32 v22, v43;
	v6 =	vadd.f32 v57, v33;
	[tilespmem:v47+s24+$0x0] =	vst.idx.msk $0xffff, v51  }
0x335: {  	s31 =	simm.s32 $0x18;
	v5 =	vmov s11;
	v57 =	vld [tilespmem:s8+$0xF0];
	v49 =	vadd.f32 v58, v33;
	v61 =	vadd.f32 v56, v33;
	[tilespmem:v42+s24+$0x0] =	vst.idx.msk $0xffff, v55  }
0x336: {  	s11 =	simm.s32 $0x19;
	v47 =	vmov s31;
	v51 =	vadd.f32 v62, v33;
	s31 =	simm.s32 $0x1B;
	v62 =	vadd.f32 v59, v33;
	[tilespmem:v44+s24+$0x0] =	vst.idx.msk $0xffff, v60  }
0x337: {  	v58 =	vld [tilespmem:s8+$0x130];
	v45 =	vadd.s32 v9, v45;
	v60 =	vmov s11;
	[tilespmem:v48+s24+$0x0] =	vst.idx.msk $0xffff, v49;
	v56 =	vmov s31  }
0x338: {  	v37 =	vadd.s32 v9, v37;
	v44 =	vshrl.u32 v3, $0x3;
	v3 =	vadd.f32 v50, v33;
	[tilespmem:v41+s24+$0x0] =	vst.idx.msk $0xffff, v6;
	v41 =	vld [tilespmem:s8+$0xFFFFFE30]  }
0x339: {  	s12 =	simm.s32 $0x1A;
	s31 =	simm.s32 $0x1E;
	[tilespmem:v46+s24+$0x0] =	vst.idx.msk $0xffff, v61;
	v50 =	vshrl.u32 v4, $0x3;
	v46 =	vshrl.u32 v54, $0x3;
	v47 =	vshrl.u32 v47, $0x3  }
0x33a: {  	s11 =	simm.s32 $0x1C;
	v6 =	vmov s12;
	v61 =	vmov s31;
	[tilespmem:v38+s24+$0x0] =	vst.idx.msk $0xffff, v62;
	v48 =	vadd.f32 v57, v33  }
0x33b: {  	s12 =	simm.s32 $0x1D;
	v38 =	vshrl.u32 v60, $0x3;
	v57 =	vmov s11;
	[tilespmem:v43+s24+$0x0] =	vst.idx.msk $0xffff, v3;
	v42 =	vshrl.u32 v6, $0x3  }
0x33c: {  	v43 =	vshrl.u32 v56, $0x3;
	v49 =	vadd.f32 v58, v33;
	v58 =	vmov s12;
	[tilespmem:v39+s24+$0x0] =	vst.idx.msk $0xffff, v48  }
0x33d: {  	v48 =	vshrl.u32 v52, $0x3;
	v39 =	vshrl.u32 v58, $0x3;
	[tilespmem:v45+s24+$0x0] =	vst.idx.msk $0xffff, v51;
	v4 =	vadd.f32 v41, v33  }
0x33e: {  	v45 =	vshrl.u32 v53, $0x3;
	[tilespmem:v40+s24+$0x0] =	vst.idx.msk $0xffff, v49;
	v51 =	vshrl.u32 v2, $0x3;
	v49 =	vshrl.u32 v5, $0x3  }
0x33f: {  	s30 =	simm.s32 $0x20;
	s1 =	simm.s32 $0x1F;
	v40 =	vshrl.u32 v61, $0x3;
	v41 =	vshrl.u32 v57, $0x3;
	[tilespmem:v37+s24+$0x0] =	vst.idx.msk $0xffff, v4;
	v37 =	vbroadcast v0, $0x0  }
.LBB2_11:
0x340: {  	v11 =	vld [tilespmem:$0x1FE10]  }
0x341: {  	v30 =	vld [tilespmem:$0x1FE00]  }
0x342: {  	v15 =	vld [tilespmem:$0x1FEB0]  }
0x343: {  	v19 =	vld [tilespmem:$0x1FEF0]  }
0x344: {  	v10 =	vld [tilespmem:$0x1FF30]  }
0x345: {  	v3 =	vmov s1;
	v27 =	vld [tilespmem:$0x1FF70]  }
0x346: {  	v26 =	vld [tilespmem:$0x1FFB0];
	v3 =	vshrl.u32 v3, $0x3  }
0x347: {  	v0 =	vshll.u32 v44, v1;
	s8 =	sadd.s32 $0x400, s8;
	v18 =	vld [tilespmem:$0x1FFF0];
	v3 =	vshll.u32 v3, v1  }
0x348: {  	v2 =	vshll.u32 v50, v1;
	v4 =	vshll.u32 v45, v1;
	v61 =	vld [tilespmem:s8+$0x1C0];
	v52 =	vbroadcast v3, $0x0  }
0x349: {  	v5 =	vshll.u32 v51, v1;
	v6 =	vshll.u32 v48, v1;
	v54 =	vshll.u32 v43, v1;
	v3 =	vld [tilespmem:s8+$0xFFFFFE00]  }
0x34a: {  	v43 =	vld [tilespmem:s8+$0xFFFFFE40];
	v50 =	vbroadcast v0, $0x0;
	v0 =	vshll.u32 v41, v1;
	v41 =	vadd.s32 v11, v52  }
0x34b: {  	v44 =	vshll.u32 v49, v1;
	v45 =	vshll.u32 v46, v1;
	v55 =	vadd.s32 v14, v37;
	v56 =	vld [tilespmem:s8+$0xFFFFFE80]  }
0x34c: {  	v46 =	vshll.u32 v47, v1;
	v53 =	vshll.u32 v42, v1;
	v58 =	vld [tilespmem:s8+$0xFFFFFEC0];
	v57 =	vadd.s32 v30, v50  }
0x34d: {  	v51 =	vbroadcast v2, $0x0;
	v59 =	vld [tilespmem:s8+$0xFFFFFF00];
	v47 =	vbroadcast v5, $0x0;
	v5 =	vadd.f32 v61, v36  }
0x34e: {  	v49 =	vbroadcast v4, $0x0;
	v4 =	vshll.u32 v40, v1;
	v62 =	vld [tilespmem:s8+$0xFFFFFF80];
	v3 =	vadd.f32 v3, v36  }
0x34f: {  	v42 =	vbroadcast v6, $0x0;
	v40 =	vadd.s32 v15, v51;
	v61 =	vld [tilespmem:s8+$0xFFFFFF40];
	v6 =	vadd.f32 v43, v36;
	[tilespmem:v41+s24+$0x0] =	vst.idx.msk $0xffff, v5  }
0x350: {  	v48 =	vbroadcast v45, $0x0;
	v60 =	vadd.s32 v19, v49;
	[tilespmem:v55+s24+$0x0] =	vst.idx.msk $0xffff, v3;
	v3 =	vadd.f32 v56, v36;
	v56 =	vld [tilespmem:s8+$0xFFFFFFC0]  }
0x351: {  	v43 =	vadd.s32 v10, v47;
	[tilespmem:v57+s24+$0x0] =	vst.idx.msk $0xffff, v6;
	v57 =	vld [tilespmem:s8+$0x0]  }
0x352: {  	v5 =	vadd.s32 v27, v42;
	v6 =	vadd.f32 v58, v36;
	v58 =	vadd.s32 v11, v48;
	v11 =	vld [tilespmem:$0x1FE80]  }
0x353: {  	v2 =	vshll.u32 v39, v1;
	v39 =	vbroadcast v44, $0x0;
	v41 =	vld [tilespmem:s8+$0x1D0]  }
0x354: {  	v38 =	vshll.u32 v38, v1;
	[tilespmem:v40+s24+$0x0] =	vst.idx.msk $0xffff, v3;
	v3 =	vadd.f32 v59, v36;
	v59 =	vld [tilespmem:s8+$0x40]  }
0x355: {  	v44 =	vbroadcast v46, $0x0;
	v55 =	vadd.s32 v26, v39;
	[tilespmem:v60+s24+$0x0] =	vst.idx.msk $0xffff, v6;
	v6 =	vadd.f32 v61, v36;
	v61 =	vld [tilespmem:s8+$0x80]  }
0x356: {  	v45 =	vbroadcast v38, $0x0;
	v46 =	vadd.s32 v18, v52;
	[tilespmem:v43+s24+$0x0] =	vst.idx.msk $0xffff, v3;
	v3 =	vadd.f32 v62, v36;
	v62 =	vld [tilespmem:s8+$0x100]  }
0x357: {  	v40 =	vbroadcast v54, $0x0;
	v43 =	vbroadcast v53, $0x0;
	[tilespmem:v5+s24+$0x0] =	vst.idx.msk $0xffff, v6;
	v6 =	vld [tilespmem:s8+$0xC0]  }
0x358: {  	v53 =	vadd.f32 v41, v35;
	v41 =	vbroadcast v0, $0x0;
	v0 =	vadd.f32 v57, v36;
	v57 =	vld [tilespmem:s8+$0x140]  }
0x359: {  	v60 =	vadd.s32 v14, v44;
	v5 =	vadd.s32 v30, v45;
	v54 =	vadd.s32 v15, v43;
	v15 =	vld [tilespmem:$0x1FF00]  }
0x35a: {  	[tilespmem:v55+s24+$0x0] =	vst.idx.msk $0xffff, v3;
	v3 =	vadd.f32 v56, v36;
	v56 =	vadd.s32 v19, v40;
	v19 =	vld [tilespmem:$0x1FF80]  }
0x35b: {  	[tilespmem:v46+s24+$0x0] =	vst.idx.msk $0xffff, v53;
	v46 =	vbroadcast v4, $0x0;
	v4 =	vld [tilespmem:s8+$0xFFFFFE50]  }
0x35c: {  	v38 =	vbroadcast v2, $0x0;
	[tilespmem:v58+s24+$0x0] =	vst.idx.msk $0xffff, v3;
	v3 =	vadd.s32 v10, v41;
	v10 =	vld [tilespmem:$0x1FEC0]  }
0x35d: {  	v55 =	vadd.s32 v11, v50;
	v2 =	vadd.f32 v59, v36;
	v53 =	vld [tilespmem:s8+$0x1E0]  }
0x35e: {  	v59 =	vld [tilespmem:s8+$0x180];
	[tilespmem:v60+s24+$0x0] =	vst.idx.msk $0xffff, v0;
	v0 =	vadd.f32 v61, v36;
	v58 =	vadd.s32 v27, v38  }
0x35f: {  	v60 =	vld [tilespmem:s8+$0xFFFFFED0];
	[tilespmem:v5+s24+$0x0] =	vst.idx.msk $0xffff, v2;
	v2 =	vadd.f32 v6, v36;
	v5 =	vadd.s32 v63, v52  }
0x360: {  	v6 =	vld [tilespmem:s8+$0xFFFFFE90];
	[tilespmem:v54+s24+$0x0] =	vst.idx.msk $0xffff, v0;
	v0 =	vadd.f32 v62, v36;
	v54 =	vadd.s32 v26, v46  }
0x361: {  	v62 =	vld [tilespmem:s8+$0xFFFFFF10];
	[tilespmem:v56+s24+$0x0] =	vst.idx.msk $0xffff, v2;
	v2 =	vadd.f32 v57, v36;
	v61 =	vadd.s32 v10, v51  }
0x362: {  	[tilespmem:v3+s24+$0x0] =	vst.idx.msk $0xffff, v0;
	v4 =	vadd.f32 v4, v35;
	v0 =	vadd.f32 v53, v34;
	v53 =	vld [tilespmem:s8+$0xFFFFFF50]  }
0x363: {  	v3 =	vadd.s32 v15, v49;
	[tilespmem:v58+s24+$0x0] =	vst.idx.msk $0xffff, v2;
	v2 =	vadd.f32 v59, v36;
	v59 =	vld [tilespmem:s8+$0xFFFFFF90]  }
0x364: {  	v58 =	vadd.s32 v23, v47;
	[tilespmem:v55+s24+$0x0] =	vst.idx.msk $0xffff, v4;
	v4 =	vadd.f32 v60, v35;
	v60 =	vld [tilespmem:$0x1FE40]  }
0x365: {  	v55 =	vld [tilespmem:s8+$0x10];
	[tilespmem:v5+s24+$0x0] =	vst.idx.msk $0xffff, v0;
	v0 =	vadd.f32 v6, v35;
	v5 =	vadd.s32 v19, v42  }
0x366: {  	[tilespmem:v54+s24+$0x0] =	vst.idx.msk $0xffff, v2;
	v6 =	vadd.s32 v31, v39;
	v54 =	vld [tilespmem:s8+$0xFFFFFFD0]  }
0x367: {  	v2 =	vld [tilespmem:s8+$0x1F0];
	[tilespmem:v61+s24+$0x0] =	vst.idx.msk $0xffff, v0;
	v0 =	vadd.f32 v62, v35;
	v61 =	vadd.s32 v7, v44  }
0x368: {  	[tilespmem:v3+s24+$0x0] =	vst.idx.msk $0xffff, v4;
	v4 =	vadd.s32 v18, v48;
	v3 =	vadd.f32 v53, v35  }
0x369: {  	v53 =	vld [tilespmem:s8+$0x50];
	v52 =	vadd.s32 v60, v52;
	[tilespmem:v58+s24+$0x0] =	vst.idx.msk $0xffff, v0;
	v0 =	vadd.f32 v59, v35  }
0x36a: {  	v62 =	vld [tilespmem:s8+$0x90];
	v55 =	vadd.f32 v55, v35;
	[tilespmem:v5+s24+$0x0] =	vst.idx.msk $0xffff, v3  }
0x36b: {  	v3 =	vadd.s32 v11, v45;
	v5 =	vld [tilespmem:s8+$0xD0];
	[tilespmem:v6+s24+$0x0] =	vst.idx.msk $0xffff, v0;
	v0 =	vadd.f32 v54, v35  }
0x36c: {  	v2 =	vadd.f32 v2, v33;
	v6 =	vadd.s32 v10, v43;
	v54 =	vld [tilespmem:s8+$0x110];
	[tilespmem:v61+s24+$0x0] =	vst.idx.msk $0xffff, v55  }
0x36d: {  	v56 =	vadd.s32 v8, v37;
	v58 =	vadd.s32 v15, v40;
	v59 =	vld [tilespmem:s8+$0x150];
	[tilespmem:v4+s24+$0x0] =	vst.idx.msk $0xffff, v0  }
0x36e: {  	v0 =	vadd.f32 v53, v35;
	v4 =	vld [tilespmem:s8+$0x190];
	[tilespmem:v52+s24+$0x0] =	vst.idx.msk $0xffff, v2;
	v2 =	vadd.s32 v23, v41  }
0x36f: {  	v61 =	vadd.f32 v62, v35;
	v55 =	vadd.s32 v19, v38;
	v53 =	vadd.s32 v12, v50;
	v52 =	vld [tilespmem:s8+$0xFFFFFE10]  }
0x370: {  	v62 =	vld [tilespmem:s8+$0xFFFFFE60];
	[tilespmem:v3+s24+$0x0] =	vst.idx.msk $0xffff, v0;
	v0 =	vadd.f32 v5, v35;
	v3 =	vadd.s32 v31, v46  }
0x371: {  	v5 =	vadd.s32 v7, v37;
	[tilespmem:v6+s24+$0x0] =	vst.idx.msk $0xffff, v61;
	v6 =	vadd.f32 v54, v35  }
0x372: {  	v57 =	vld [tilespmem:s8+$0xFFFFFEA0];
	v37 =	vadd.s32 v9, v37;
	[tilespmem:v58+s24+$0x0] =	vst.idx.msk $0xffff, v0;
	v0 =	vadd.f32 v59, v35  }
0x373: {  	v54 =	vld [tilespmem:s8+$0xFFFFFEE0];
	v58 =	vadd.s32 v16, v51;
	[tilespmem:v2+s24+$0x0] =	vst.idx.msk $0xffff, v6;
	v2 =	vadd.f32 v4, v35  }
0x374: {  	v59 =	vld [tilespmem:s8+$0xFFFFFF20];
	v4 =	vadd.f32 v52, v35;
	v6 =	vadd.s32 v20, v49;
	[tilespmem:v55+s24+$0x0] =	vst.idx.msk $0xffff, v0  }
0x375: {  	v61 =	vld [tilespmem:s8+$0xFFFFFF60];
	v0 =	vadd.f32 v62, v34;
	v55 =	vadd.s32 v24, v47;
	[tilespmem:v3+s24+$0x0] =	vst.idx.msk $0xffff, v2  }
0x376: {  	v49 =	vadd.s32 v21, v49;
	v47 =	vadd.s32 v25, v47;
	[tilespmem:v5+s24+$0x0] =	vst.idx.msk $0xffff, v4  }
0x377: {  	v62 =	vld [tilespmem:s8+$0xFFFFFFA0];
	v2 =	vadd.f32 v57, v34;
	v3 =	vadd.s32 v28, v42;
	[tilespmem:v53+s24+$0x0] =	vst.idx.msk $0xffff, v0  }
0x378: {  	v4 =	vld [tilespmem:s8+$0xFFFFFFE0];
	v0 =	vadd.f32 v54, v34;
	v5 =	vadd.s32 v32, v39;
	v54 =	vadd.s32 v63, v48  }
0x379: {  	v53 =	vld [tilespmem:s8+$0x20];
	v42 =	vadd.s32 v29, v42;
	[tilespmem:v58+s24+$0x0] =	vst.idx.msk $0xffff, v2;
	v2 =	vadd.f32 v59, v34  }
0x37a: {  	v57 =	vld [tilespmem:s8+$0x60];
	v48 =	vadd.s32 v60, v48;
	[tilespmem:v6+s24+$0x0] =	vst.idx.msk $0xffff, v0;
	v0 =	vadd.f32 v61, v34  }
0x37b: {  	v58 =	vld [tilespmem:s8+$0xFFFFFE20];
	v6 =	vadd.s32 v8, v44;
	v44 =	vadd.s32 v9, v44;
	[tilespmem:v55+s24+$0x0] =	vst.idx.msk $0xffff, v2  }
0x37c: {  	v61 =	vld [tilespmem:s8+$0xA0];
	v2 =	vadd.f32 v62, v34;
	v55 =	vadd.s32 v12, v45;
	v45 =	vadd.s32 v13, v45  }
0x37d: {  	v62 =	vld [tilespmem:s8+$0xE0];
	[tilespmem:v3+s24+$0x0] =	vst.idx.msk $0xffff, v0;
	v0 =	vadd.f32 v4, v34;
	v3 =	vadd.s32 v16, v43  }
0x37e: {  	v4 =	vld [tilespmem:s8+$0x120];
	[tilespmem:v5+s24+$0x0] =	vst.idx.msk $0xffff, v2;
	v2 =	vadd.f32 v53, v34;
	v5 =	vadd.s32 v20, v40  }
0x37f: {  	v53 =	vld [tilespmem:s8+$0x160];
	[tilespmem:v54+s24+$0x0] =	vst.idx.msk $0xffff, v0;
	v0 =	vadd.f32 v57, v34;
	v54 =	vadd.s32 v24, v41  }
0x380: {  	v57 =	vld [tilespmem:s8+$0x1A0];
	v58 =	vadd.f32 v58, v34;
	v41 =	vadd.s32 v25, v41;
	[tilespmem:v6+s24+$0x0] =	vst.idx.msk $0xffff, v2  }
0x381: {  	v2 =	vadd.f32 v61, v34;
	v6 =	vadd.s32 v28, v38;
	v61 =	vld [tilespmem:s8+$0xFFFFFE70];
	[tilespmem:v55+s24+$0x0] =	vst.idx.msk $0xffff, v0  }
0x382: {  	v0 =	vadd.f32 v62, v34;
	v55 =	vadd.s32 v32, v46;
	v62 =	vld [tilespmem:s8+$0xFFFFFEB0];
	[tilespmem:v56+s24+$0x0] =	vst.idx.msk $0xffff, v58  }
0x383: {  	[tilespmem:v3+s24+$0x0] =	vst.idx.msk $0xffff, v2;
	v2 =	vadd.f32 v4, v34;
	v3 =	vadd.s32 v13, v50;
	v4 =	vld [tilespmem:s8+$0xFFFFFEF0]  }
0x384: {  	v50 =	vadd.s32 v17, v51;
	v51 =	vld [tilespmem:s8+$0xFFFFFF30];
	[tilespmem:v5+s24+$0x0] =	vst.idx.msk $0xffff, v0;
	v0 =	vadd.f32 v53, v34  }
0x385: {  	s12 =	sadd.s32 $0x3, s30;
	v38 =	vadd.s32 v29, v38;
	[tilespmem:v54+s24+$0x0] =	vst.idx.msk $0xffff, v2;
	v2 =	vadd.f32 v57, v34;
	v54 =	vld [tilespmem:s8+$0xFFFFFF70]  }
0x386: {  	v56 =	vmov s12;
	v5 =	vmov s30;
	[tilespmem:v6+s24+$0x0] =	vst.idx.msk $0xffff, v0;
	v6 =	vadd.f32 v61, v33;
	v61 =	vld [tilespmem:s8+$0xFFFFFFB0]  }
0x387: {  	s31 =	sadd.s32 $0x1, s30;
	v46 =	vadd.s32 v22, v46;
	v5 =	vshrl.u32 v5, $0x3;
	[tilespmem:v55+s24+$0x0] =	vst.idx.msk $0xffff, v2;
	v62 =	vadd.f32 v62, v33;
	v55 =	vld [tilespmem:s8+$0xFFFFFFF0]  }
0x388: {  	s11 =	sadd.s32 $0x2, s30;
	v0 =	vmov s31;
	[tilespmem:v3+s24+$0x0] =	vst.idx.msk $0xffff, v6;
	v3 =	vadd.f32 v4, v33;
	v4 =	vadd.s32 v22, v39;
	v6 =	vld [tilespmem:s8+$0x30]  }
0x389: {  	s31 =	sadd.s32 $0x4, s30;
	v5 =	vshll.u32 v5, v1;
	v2 =	vmov s11;
	s11 =	sadd.s32 $0x5, s30;
	v59 =	vadd.f32 v51, v33;
	v51 =	vld [tilespmem:s8+$0x70];
	[tilespmem:v50+s24+$0x0] =	vst.idx.msk $0xffff, v62  }
0x38a: {  	v60 =	vld [tilespmem:s8+$0xB0];
	v39 =	vmov s31;
	v53 =	vmov s11;
	s31 =	sadd.s32 $0x7, s30;
	[tilespmem:v49+s24+$0x0] =	vst.idx.msk $0xffff, v3;
	v3 =	vadd.f32 v54, v33  }
0x38b: {  	s12 =	sadd.s32 $0x6, s30;
	v52 =	vmov s31;
	v50 =	vshrl.u32 v2, $0x3;
	[tilespmem:v47+s24+$0x0] =	vst.idx.msk $0xffff, v59;
	v47 =	vld [tilespmem:s8+$0x1B0];
	v61 =	vadd.f32 v61, v33  }
0x38c: {  	v62 =	vld [tilespmem:s8+$0xF0];
	s31 =	sadd.s32 $0xA, s30;
	v54 =	vmov s12;
	s12 =	sadd.s32 $0x9, s30;
	[tilespmem:v42+s24+$0x0] =	vst.idx.msk $0xffff, v3;
	v3 =	vadd.f32 v55, v33;
	v42 =	vadd.s32 v17, v43  }
0x38d: {  	s11 =	sadd.s32 $0x8, s30;
	v58 =	vmov s31;
	v57 =	vmov s12;
	v43 =	vld [tilespmem:s8+$0x130];
	[tilespmem:v4+s24+$0x0] =	vst.idx.msk $0xffff, v61;
	v4 =	vadd.f32 v6, v33  }
0x38e: {  	v55 =	vmov s11;
	s11 =	sadd.s32 $0xB, s30;
	v6 =	vadd.s32 v21, v40;
	v40 =	vld [tilespmem:s8+$0x170];
	[tilespmem:v48+s24+$0x0] =	vst.idx.msk $0xffff, v3;
	v3 =	vadd.f32 v51, v33  }
0x38f: {  	s31 =	sadd.s32 $0xD, s30;
	v49 =	vshrl.u32 v54, $0x3;
	v59 =	vmov s11;
	v48 =	vld [tilespmem:s8+$0xFFFFFE30];
	[tilespmem:v44+s24+$0x0] =	vst.idx.msk $0xffff, v4;
	v4 =	vadd.f32 v60, v33  }
0x390: {  	v61 =	vmov s31;
	v44 =	vshrl.u32 v0, $0x3;
	v0 =	vadd.f32 v47, v33;
	[tilespmem:v45+s24+$0x0] =	vst.idx.msk $0xffff, v3  }
0x391: {  	p1 =	slt.u32 s30, $0x70;
	s12 =	sadd.s32 $0xC, s30;
	v51 =	vshrl.u32 v39, $0x3;
	v39 =	vshrl.u32 v61, $0x3;
	v3 =	vadd.f32 v62, v33;
	[tilespmem:v42+s24+$0x0] =	vst.idx.msk $0xffff, v4  }
.Ltmp4:
0x392: {  	s11 =	sadd.s32 $0xE, s30;
	v60 =	vmov s12;
	v47 =	vshrl.u32 v55, $0x3;
	v4 =	vadd.f32 v43, v33;
	[tilespmem:v46+s24+$0x0] =	vst.idx.msk $0xffff, v0;
	(pc) =	sbr.rel @p1 .LBB2_11-.Ltmp4, $4  }
0x393: {  	v62 =	vmov s11;
	v45 =	vshrl.u32 v56, $0x3;
	[tilespmem:v6+s24+$0x0] =	vst.idx.msk $0xffff, v3;
	v3 =	vadd.f32 v40, v33  }
0x394: {  	v46 =	vshrl.u32 v52, $0x3;
	v42 =	vshrl.u32 v58, $0x3;
	[tilespmem:v41+s24+$0x0] =	vst.idx.msk $0xffff, v4;
	v2 =	vadd.f32 v48, v33  }
0x395: {  	v43 =	vshrl.u32 v59, $0x3;
	v40 =	vshrl.u32 v62, $0x3;
	v48 =	vshrl.u32 v53, $0x3;
	[tilespmem:v38+s24+$0x0] =	vst.idx.msk $0xffff, v3  }
0x396: {  	s1 =	sadd.s32 $0xF, s30;
	s30 =	sadd.s32 $0x10, s30;
	v41 =	vshrl.u32 v60, $0x3;
	v38 =	vshrl.u32 v57, $0x3;
	[tilespmem:v37+s24+$0x0] =	vst.idx.msk $0xffff, v2;
	v37 =	vbroadcast v5, $0x0  }
0x397: {  	v3 =	vmov s1;
	v11 =	vld [tilespmem:$0x1FE10]  }
0x398: {  	v30 =	vld [tilespmem:$0x1FE00];
	v3 =	vshrl.u32 v3, $0x3  }
0x399: {  	s8 =	sadd.s32 $0x400, s8;
	v15 =	vld [tilespmem:$0x1FEB0];
	v3 =	vshll.u32 v3, v1  }
0x39a: {  	v60 =	vld [tilespmem:s8+$0x1C0];
	v3 =	vbroadcast v3, $0x0  }
0x39b: {  	v61 =	vld [tilespmem:s8+$0xFFFFFE00]  }
0x39c: {  	v0 =	vshll.u32 v44, v1;
	v44 =	vshll.u32 v49, v1;
	v19 =	vld [tilespmem:$0x1FEF0];
	v52 =	vadd.s32 v11, v3  }
0x39d: {  	v49 =	vshll.u32 v38, v1;
	v62 =	vld [tilespmem:s8+$0xFFFFFE40];
	v38 =	vbroadcast v0, $0x0;
	v53 =	vadd.s32 v14, v37  }
0x39e: {  	v2 =	vshll.u32 v50, v1;
	v0 =	vshll.u32 v41, v1;
	v54 =	vld [tilespmem:s8+$0xFFFFFE80]  }
0x39f: {  	v41 =	vbroadcast v2, $0x0;
	v56 =	vld [tilespmem:s8+$0xFFFFFEC0];
	v55 =	vadd.s32 v30, v38;
	v26 =	vadd.f32 v60, v36  }
0x3a0: {  	v4 =	vshll.u32 v45, v1;
	v5 =	vshll.u32 v51, v1;
	v58 =	vld [tilespmem:s8+$0xFFFFFF00];
	v27 =	vadd.f32 v61, v36  }
0x3a1: {  	v2 =	vshll.u32 v39, v1;
	v39 =	vbroadcast v4, $0x0;
	v59 =	vld [tilespmem:s8+$0xFFFFFF40];
	v57 =	vadd.s32 v15, v41;
	[tilespmem:v52+s24+$0x0] =	vst.idx.msk $0xffff, v26  }
0x3a2: {  	v6 =	vshll.u32 v48, v1;
	v60 =	vadd.f32 v62, v36;
	v10 =	vld [tilespmem:$0x1FF30];
	[tilespmem:v53+s24+$0x0] =	vst.idx.msk $0xffff, v27  }
0x3a3: {  	v45 =	vshll.u32 v46, v1;
	v46 =	vshll.u32 v47, v1;
	v48 =	vadd.s32 v19, v39;
	v27 =	vld [tilespmem:$0x1FF70]  }
0x3a4: {  	v50 =	vshll.u32 v42, v1;
	v61 =	vadd.f32 v54, v36;
	v52 =	vld [tilespmem:s8+$0xFFFFFF80];
	[tilespmem:v55+s24+$0x0] =	vst.idx.msk $0xffff, v60  }
0x3a5: {  	v51 =	vshll.u32 v43, v1;
	v4 =	vshll.u32 v40, v1;
	v40 =	vbroadcast v5, $0x0;
	v26 =	vld [tilespmem:$0x1FFB0]  }
0x3a6: {  	v42 =	vbroadcast v6, $0x0;
	v43 =	vbroadcast v44, $0x0;
	v62 =	vadd.f32 v56, v36;
	[tilespmem:v57+s24+$0x0] =	vst.idx.msk $0xffff, v61;
	v57 =	vld [tilespmem:s8+$0x0]  }
0x3a7: {  	v44 =	vbroadcast v45, $0x0;
	v45 =	vbroadcast v46, $0x0;
	v18 =	vld [tilespmem:$0x1FFF0];
	v5 =	vadd.s32 v10, v40  }
0x3a8: {  	[tilespmem:v48+s24+$0x0] =	vst.idx.msk $0xffff, v62;
	v48 =	vadd.f32 v59, v36;
	v53 =	vadd.s32 v27, v42  }
0x3a9: {  	v56 =	vld [tilespmem:s8+$0xFFFFFFC0];
	v59 =	vadd.s32 v11, v44;
	v11 =	vadd.f32 v52, v36;
	v52 =	vadd.s32 v14, v45  }
0x3aa: {  	v47 =	vadd.f32 v58, v36;
	v54 =	vld [tilespmem:s8+$0x1D0];
	v55 =	vadd.s32 v26, v43  }
0x3ab: {  	v46 =	vbroadcast v49, $0x0;
	v49 =	vbroadcast v0, $0x0;
	v60 =	vld [tilespmem:s8+$0x40]  }
0x3ac: {  	v61 =	vld [tilespmem:s8+$0x80];
	v0 =	vadd.f32 v57, v36;
	v58 =	vadd.s32 v18, v3;
	[tilespmem:v5+s24+$0x0] =	vst.idx.msk $0xffff, v47;
	v47 =	vbroadcast v50, $0x0  }
0x3ad: {  	v6 =	vadd.s32 v30, v46;
	[tilespmem:v53+s24+$0x0] =	vst.idx.msk $0xffff, v48;
	v53 =	vld [tilespmem:s8+$0xC0];
	v48 =	vbroadcast v51, $0x0  }
0x3ae: {  	v62 =	vld [tilespmem:s8+$0x100];
	[tilespmem:v52+s24+$0x0] =	vst.idx.msk $0xffff, v0;
	v5 =	vadd.f32 v56, v36;
	v30 =	vadd.s32 v15, v47  }
0x3af: {  	v14 =	vadd.f32 v54, v35;
	[tilespmem:v55+s24+$0x0] =	vst.idx.msk $0xffff, v11;
	v11 =	vadd.s32 v19, v48  }
0x3b0: {  	v50 =	vbroadcast v2, $0x0;
	v2 =	vadd.f32 v60, v36;
	v60 =	vadd.s32 v10, v49;
	[tilespmem:v59+s24+$0x0] =	vst.idx.msk $0xffff, v5  }
0x3b1: {  	v0 =	vadd.f32 v61, v36;
	[tilespmem:v58+s24+$0x0] =	vst.idx.msk $0xffff, v14;
	v14 =	vld [tilespmem:s8+$0x140]  }
0x3b2: {  	[tilespmem:v6+s24+$0x0] =	vst.idx.msk $0xffff, v2;
	v15 =	vadd.f32 v53, v36  }
0x3b3: {  	v19 =	vadd.f32 v62, v36;
	[tilespmem:v30+s24+$0x0] =	vst.idx.msk $0xffff, v0  }
0x3b4: {  	v58 =	vld [tilespmem:s8+$0x1E0];
	[tilespmem:v11+s24+$0x0] =	vst.idx.msk $0xffff, v15  }
0x3b5: {  	v52 =	vadd.s32 v27, v50;
	v11 =	vld [tilespmem:$0x1FE80];
	[tilespmem:v60+s24+$0x0] =	vst.idx.msk $0xffff, v19  }
0x3b6: {  	v62 =	vadd.f32 v14, v36;
	v14 =	vld [tilespmem:$0x1FEC0]  }
0x3b7: {  	v61 =	vld [tilespmem:s8+$0x180];
	v51 =	vbroadcast v4, $0x0  }
0x3b8: {  	v2 =	vld [tilespmem:s8+$0xFFFFFE50];
	v6 =	vadd.s32 v63, v3  }
0x3b9: {  	v27 =	vadd.s32 v26, v51;
	v0 =	vld [tilespmem:s8+$0xFFFFFE90]  }
0x3ba: {  	[tilespmem:v52+s24+$0x0] =	vst.idx.msk $0xffff, v62;
	v4 =	vadd.s32 v11, v38  }
0x3bb: {  	v60 =	vadd.f32 v58, v34;
	v15 =	vld [tilespmem:$0x1FF00];
	v5 =	vadd.s32 v14, v41  }
0x3bc: {  	v10 =	vld [tilespmem:s8+$0xFFFFFF10];
	v61 =	vadd.f32 v61, v36  }
0x3bd: {  	v26 =	vld [tilespmem:s8+$0xFFFFFF90];
	v2 =	vadd.f32 v2, v35;
	[tilespmem:v6+s24+$0x0] =	vst.idx.msk $0xffff, v60  }
0x3be: {  	v30 =	vld [tilespmem:s8+$0xFFFFFED0];
	[tilespmem:v27+s24+$0x0] =	vst.idx.msk $0xffff, v61;
	v0 =	vadd.f32 v0, v35  }
0x3bf: {  	v19 =	vld [tilespmem:$0x1FF80];
	[tilespmem:v4+s24+$0x0] =	vst.idx.msk $0xffff, v2  }
0x3c0: {  	v62 =	vld [tilespmem:s8+$0xFFFFFF50];
	v52 =	vadd.s32 v15, v39;
	[tilespmem:v5+s24+$0x0] =	vst.idx.msk $0xffff, v0  }
0x3c1: {  	v6 =	vadd.s32 v23, v40;
	v0 =	vadd.f32 v10, v35;
	v10 =	vld [tilespmem:$0x1FE40]  }
0x3c2: {  	v60 =	vld [tilespmem:s8+$0xFFFFFFD0]  }
0x3c3: {  	v54 =	vld [tilespmem:s8+$0x1F0];
	v2 =	vadd.f32 v30, v35;
	v30 =	vadd.s32 v31, v43  }
0x3c4: {  	v61 =	vld [tilespmem:s8+$0x10];
	v27 =	vadd.s32 v19, v42  }
0x3c5: {  	[tilespmem:v52+s24+$0x0] =	vst.idx.msk $0xffff, v2;
	v2 =	vadd.f32 v62, v35;
	v52 =	vadd.s32 v18, v44;
	v62 =	vld [tilespmem:s8+$0x50]  }
0x3c6: {  	[tilespmem:v6+s24+$0x0] =	vst.idx.msk $0xffff, v0;
	v0 =	vadd.f32 v26, v35;
	v3 =	vadd.s32 v10, v3  }
0x3c7: {  	v18 =	vadd.s32 v7, v45  }
0x3c8: {  	v54 =	vadd.f32 v54, v33;
	[tilespmem:v30+s24+$0x0] =	vst.idx.msk $0xffff, v0;
	v0 =	vadd.f32 v60, v35;
	v60 =	vld [tilespmem:s8+$0x110]  }
0x3c9: {  	v5 =	vadd.f32 v61, v35;
	[tilespmem:v27+s24+$0x0] =	vst.idx.msk $0xffff, v2;
	v2 =	vadd.s32 v11, v46;
	v27 =	vld [tilespmem:s8+$0xD0]  }
0x3ca: {  	v26 =	vld [tilespmem:s8+$0x90];
	[tilespmem:v52+s24+$0x0] =	vst.idx.msk $0xffff, v0;
	v0 =	vadd.f32 v62, v35;
	v62 =	vadd.s32 v23, v49  }
0x3cb: {  	v11 =	vld [tilespmem:s8+$0x190];
	[tilespmem:v3+s24+$0x0] =	vst.idx.msk $0xffff, v54;
	v3 =	vadd.s32 v15, v48  }
0x3cc: {  	v30 =	vadd.s32 v14, v47;
	v14 =	vld [tilespmem:s8+$0xFFFFFE10];
	[tilespmem:v18+s24+$0x0] =	vst.idx.msk $0xffff, v5  }
0x3cd: {  	v61 =	vld [tilespmem:s8+$0x150];
	v18 =	vadd.s32 v19, v50;
	v19 =	vadd.s32 v31, v51;
	v55 =	vadd.f32 v60, v35  }
0x3ce: {  	v23 =	vadd.s32 v7, v37;
	[tilespmem:v2+s24+$0x0] =	vst.idx.msk $0xffff, v0;
	v0 =	vld [tilespmem:s8+$0xFFFFFE60];
	v2 =	vadd.f32 v27, v35  }
0x3cf: {  	v15 =	vadd.f32 v26, v35;
	v26 =	vld [tilespmem:s8+$0xFFFFFEA0];
	[tilespmem:v62+s24+$0x0] =	vst.idx.msk $0xffff, v55  }
0x3d0: {  	v53 =	vadd.f32 v11, v35;
	[tilespmem:v3+s24+$0x0] =	vst.idx.msk $0xffff, v2;
	v2 =	vadd.s32 v12, v38;
	v3 =	vld [tilespmem:s8+$0xFFFFFEE0]  }
0x3d1: {  	v27 =	vadd.s32 v16, v41;
	v5 =	vadd.f32 v14, v35;
	[tilespmem:v30+s24+$0x0] =	vst.idx.msk $0xffff, v15;
	v30 =	vld [tilespmem:s8+$0xFFFFFF20]  }
0x3d2: {  	v57 =	vld [tilespmem:s8+$0xFFFFFF60];
	v31 =	vadd.s32 v20, v39;
	v54 =	vadd.f32 v61, v35;
	[tilespmem:v19+s24+$0x0] =	vst.idx.msk $0xffff, v53  }
0x3d3: {  	v58 =	vadd.s32 v24, v40;
	v59 =	vld [tilespmem:s8+$0xFFFFFFA0];
	[tilespmem:v23+s24+$0x0] =	vst.idx.msk $0xffff, v5;
	v0 =	vadd.f32 v0, v34  }
0x3d4: {  	v61 =	vadd.s32 v28, v42;
	v62 =	vld [tilespmem:s8+$0xFFFFFFE0];
	[tilespmem:v18+s24+$0x0] =	vst.idx.msk $0xffff, v54;
	v60 =	vadd.f32 v26, v34  }
0x3d5: {  	[tilespmem:v2+s24+$0x0] =	vst.idx.msk $0xffff, v0;
	v0 =	vadd.f32 v3, v34;
	v2 =	vadd.s32 v32, v43;
	v3 =	vld [tilespmem:s8+$0x20]  }
0x3d6: {  	v14 =	vadd.s32 v63, v44;
	v15 =	vld [tilespmem:s8+$0x60];
	[tilespmem:v27+s24+$0x0] =	vst.idx.msk $0xffff, v60;
	v11 =	vadd.f32 v30, v34  }
0x3d7: {  	v18 =	vadd.s32 v8, v45;
	v19 =	vld [tilespmem:s8+$0xA0];
	[tilespmem:v31+s24+$0x0] =	vst.idx.msk $0xffff, v0;
	v0 =	vadd.f32 v57, v34  }
0x3d8: {  	v23 =	vadd.f32 v59, v34;
	v26 =	vadd.s32 v12, v46;
	v27 =	vld [tilespmem:s8+$0xE0];
	[tilespmem:v58+s24+$0x0] =	vst.idx.msk $0xffff, v11  }
0x3d9: {  	v30 =	vadd.s32 v16, v47;
	v31 =	vld [tilespmem:s8+$0x120];
	[tilespmem:v61+s24+$0x0] =	vst.idx.msk $0xffff, v0;
	v0 =	vadd.f32 v62, v34  }
0x3da: {  	v57 =	vld [tilespmem:s8+$0x160];
	[tilespmem:v2+s24+$0x0] =	vst.idx.msk $0xffff, v23;
	v2 =	vadd.f32 v3, v34;
	v3 =	vadd.s32 v20, v48  }
0x3db: {  	v59 =	vld [tilespmem:s8+$0x1A0];
	v58 =	vadd.s32 v24, v49;
	[tilespmem:v14+s24+$0x0] =	vst.idx.msk $0xffff, v0;
	v0 =	vadd.f32 v15, v34  }
0x3dc: {  	v60 =	vadd.f32 v19, v34;
	v61 =	vadd.s32 v28, v50;
	[tilespmem:v18+s24+$0x0] =	vst.idx.msk $0xffff, v2;
	v2 =	vld [tilespmem:s8+$0xFFFFFE20]  }
0x3dd: {  	v63 =	vadd.s32 v32, v51;
	v62 =	vadd.f32 v27, v34;
	[tilespmem:v26+s24+$0x0] =	vst.idx.msk $0xffff, v0;
	v0 =	vld [tilespmem:s8+$0xFFFFFE70]  }
0x3de: {  	v12 =	vld [tilespmem:s8+$0xFFFFFEB0];
	v11 =	vadd.s32 v8, v37;
	[tilespmem:v30+s24+$0x0] =	vst.idx.msk $0xffff, v60;
	v6 =	vadd.f32 v31, v34  }
0x3df: {  	v14 =	vld [tilespmem:s8+$0xFFFFFEF0];
	v4 =	vadd.f32 v57, v34;
	[tilespmem:v3+s24+$0x0] =	vst.idx.msk $0xffff, v62;
	v3 =	vadd.s32 v13, v38  }
0x3e0: {  	v16 =	vld [tilespmem:s8+$0xFFFFFF30];
	v15 =	vadd.s32 v17, v41;
	v18 =	vadd.f32 v59, v34;
	[tilespmem:v58+s24+$0x0] =	vst.idx.msk $0xffff, v6  }
0x3e1: {  	v19 =	vadd.s32 v21, v39;
	v20 =	vld [tilespmem:s8+$0xFFFFFF70];
	[tilespmem:v61+s24+$0x0] =	vst.idx.msk $0xffff, v4;
	v2 =	vadd.f32 v2, v34  }
0x3e2: {  	v23 =	vadd.s32 v25, v40;
	v24 =	vld [tilespmem:s8+$0xFFFFFFB0];
	[tilespmem:v63+s24+$0x0] =	vst.idx.msk $0xffff, v18;
	v0 =	vadd.f32 v0, v33  }
0x3e3: {  	v27 =	vld [tilespmem:s8+$0xFFFFFFF0];
	v26 =	vadd.s32 v29, v42;
	[tilespmem:v11+s24+$0x0] =	vst.idx.msk $0xffff, v2;
	v2 =	vadd.f32 v12, v33  }
0x3e4: {  	v28 =	vld [tilespmem:s8+$0x30];
	[tilespmem:v3+s24+$0x0] =	vst.idx.msk $0xffff, v0;
	v0 =	vadd.f32 v14, v33;
	v3 =	vadd.s32 v22, v43  }
0x3e5: {  	v30 =	vadd.s32 v10, v44;
	v31 =	vld [tilespmem:s8+$0x70];
	[tilespmem:v15+s24+$0x0] =	vst.idx.msk $0xffff, v2;
	v2 =	vadd.f32 v16, v33  }
0x3e6: {  	v44 =	vadd.s32 v9, v45;
	v45 =	vld [tilespmem:s8+$0xB0];
	[tilespmem:v19+s24+$0x0] =	vst.idx.msk $0xffff, v0;
	v0 =	vadd.f32 v20, v33  }
0x3e7: {  	v52 =	vadd.s32 v13, v46;
	v53 =	vld [tilespmem:s8+$0xF0];
	[tilespmem:v23+s24+$0x0] =	vst.idx.msk $0xffff, v2;
	v2 =	vadd.f32 v24, v33  }
0x3e8: {  	v54 =	vadd.s32 v17, v47;
	v55 =	vld [tilespmem:s8+$0x130];
	[tilespmem:v26+s24+$0x0] =	vst.idx.msk $0xffff, v0;
	v0 =	vadd.f32 v27, v33  }
0x3e9: {  	v56 =	vld [tilespmem:s8+$0x170];
	[tilespmem:v3+s24+$0x0] =	vst.idx.msk $0xffff, v2;
	v2 =	vadd.f32 v28, v33;
	v3 =	vadd.s32 v21, v48  }
0x3ea: {  	v57 =	vadd.s32 v25, v49;
	v58 =	vld [tilespmem:s8+$0x1B0];
	[tilespmem:v30+s24+$0x0] =	vst.idx.msk $0xffff, v0;
	v0 =	vadd.f32 v31, v33  }
0x3eb: {  	v60 =	vadd.s32 v29, v50;
	v59 =	vadd.f32 v45, v33;
	[tilespmem:v44+s24+$0x0] =	vst.idx.msk $0xffff, v2;
	v2 =	vld [tilespmem:s8+$0xFFFFFE30]  }
0x3ec: {  	v61 =	vadd.s32 v22, v51;
	[tilespmem:v52+s24+$0x0] =	vst.idx.msk $0xffff, v0;
	v0 =	vadd.f32 v53, v33  }
0x3ed: {  	[tilespmem:v54+s24+$0x0] =	vst.idx.msk $0xffff, v59;
	v62 =	vadd.s32 v9, v37;
	v63 =	vadd.f32 v55, v33  }
0x3ee: {  	[tilespmem:v3+s24+$0x0] =	vst.idx.msk $0xffff, v0;
	v0 =	vadd.f32 v56, v33  }
0x3ef: {  	s12 =	sshll.u32 s6, $0x12;
	[tilespmem:v57+s24+$0x0] =	vst.idx.msk $0xffff, v63;
	v3 =	vadd.f32 v58, v33  }
0x3f0: {  	s1 =	sor.u32 s7, s12;
	[tilespmem:v60+s24+$0x0] =	vst.idx.msk $0xffff, v0;
	v0 =	vadd.f32 v2, v33  }
0x3f1: {  	s1 =	sshrl.u32 s1, $0x3;
	[tilespmem:v61+s24+$0x0] =	vst.idx.msk $0xffff, v3  }
0x3f2: {  	s31 =	simm.s32 $0x17A00;
	s8 =	sadd.s32 s2, s1;
	[tilespmem:v62+s24+$0x0] =	vst.idx.msk $0xffff, v0  }
0x3f3: {  	[hbm4b:s8+s3] =	stream.linear.scatter [tilespmem:s31], [sflag:$0x8], $0x80, $0x38;
	[tilespmem:$0x1E000] =	vst v63  }
0x3f4: {  	s6 =	simm.s32 $0x17A88;
	s11 =	sadd.s32 $0x10, s8  }
0x3f5: {  	[hbm4b:s11+s3] =	stream.linear.scatter [tilespmem:s6], [sflag:$0x8], $0x80, $0x38;
	[tilespmem:$0x1E000] =	vst v63  }
0x3f6: {  	s30 =	simm.s32 $0x2200;
	s12 =	simm.s32 $0x17B10;
	s31 =	sadd.s32 $0x20, s8  }
0x3f7: {  	[hbm4b:s31+s3] =	stream.linear.scatter [tilespmem:s12], [sflag:$0x8], $0x80, $0x38;
	[tilespmem:$0x1E000] =	vst v63  }
0x3f8: {  	s1 =	simm.s32 $0x17DB8;
	s6 =	simm.s32 $0x17B98;
	s11 =	sadd.s32 $0x30, s8  }
0x3f9: {  	[hbm4b:s11+s3] =	stream.linear.scatter [tilespmem:s6], [sflag:$0x8], $0x80, $0x38;
	[tilespmem:$0x1E000] =	vst v63  }
0x3fa: {  	s12 =	simm.s32 $0x17C20;
	s31 =	sadd.s32 $0x40, s8;
	s6 =	simm.s32 $0x17CA8  }
0x3fb: {  	[hbm4b:s31+s3] =	stream.linear.scatter [tilespmem:s12], [sflag:$0x8], $0x80, $0x38;
	[tilespmem:$0x1E000] =	vst v63  }
0x3fc: {  	s11 =	sadd.s32 $0x50, s8;
	s12 =	simm.s32 $0x17D30;
	s31 =	sadd.s32 $0x60, s8  }
0x3fd: {  	[hbm4b:s11+s3] =	stream.linear.scatter [tilespmem:s6], [sflag:$0x8], $0x80, $0x38;
	[tilespmem:$0x1E000] =	vst v63  }
0x3fe: {  	s6 =	simm.s32 $0x440;
	s11 =	sadd.s32 $0x70, s8;
	s8 =	sadd.s32 $0x1000, s8  }
0x3ff: {  	[hbm4b:s31+s3] =	stream.linear.scatter [tilespmem:s12], [sflag:$0x8], $0x80, $0x38;
	[tilespmem:$0x1E000] =	vst v63  }
.LBB2_13:
0x400: {  	[hbm4b:s11+s3] =	stream.linear.scatter [tilespmem:s1], [sflag:$0x8], $0x80, $0x38;
	[tilespmem:$0x1E000] =	vst v63  }
0x401: {  	s1 =	smov.u32 s6;
	s6 =	smov.u32 s30  }
0x402: {  	s12 =	sadd.s32 $0x1100, s30;
	s6 =	sshra.s32 s6, $0x2;
	s11 =	sadd.s32 $0x17A00, s1  }
0x403: {  	[hbm4b:s8+s3] =	stream.linear.scatter [tilespmem:s11], [sflag:$0x8], $0x80, $0x38;
	[tilespmem:$0x1E000] =	vst v63  }
0x404: {  	p1 =	sne.s32 s30, $0x7700;
	s30 =	sadd.s32 $0x10, s8;
	s11 =	sadd.s32 $0x17A88, s1  }
0x405: {  	[hbm4b:s30+s3] =	stream.linear.scatter [tilespmem:s11], [sflag:$0x8], $0x80, $0x38;
	[tilespmem:$0x1E000] =	vst v63  }
0x406: {  	s11 =	sadd.s32 $0x17B10, s1;
	s30 =	sadd.s32 $0x20, s8  }
0x407: {  	[hbm4b:s30+s3] =	stream.linear.scatter [tilespmem:s11], [sflag:$0x8], $0x80, $0x38;
	[tilespmem:$0x1E000] =	vst v63  }
0x408: {  	s11 =	sadd.s32 $0x17B98, s1;
	s30 =	sadd.s32 $0x30, s8  }
0x409: {  	[hbm4b:s30+s3] =	stream.linear.scatter [tilespmem:s11], [sflag:$0x8], $0x80, $0x38;
	[tilespmem:$0x1E000] =	vst v63  }
0x40a: {  	s11 =	sadd.s32 $0x17C20, s1;
	s30 =	sadd.s32 $0x40, s8  }
0x40b: {  	[hbm4b:s30+s3] =	stream.linear.scatter [tilespmem:s11], [sflag:$0x8], $0x80, $0x38;
	[tilespmem:$0x1E000] =	vst v63  }
.Ltmp5:
0x40c: {  	s11 =	sadd.s32 $0x17CA8, s1;
	s30 =	sadd.s32 $0x50, s8;
	(pc) =	sbr.rel @p1 .LBB2_13-.Ltmp5, $4  }
0x40d: {  	[hbm4b:s30+s3] =	stream.linear.scatter [tilespmem:s11], [sflag:$0x8], $0x80, $0x38;
	[tilespmem:$0x1E000] =	vst v63  }
0x40e: {  	s11 =	sadd.s32 $0x17D30, s1;
	s30 =	sadd.s32 $0x60, s8;
	s1 =	sadd.s32 $0x17DB8, s1  }
0x40f: {  	[hbm4b:s30+s3] =	stream.linear.scatter [tilespmem:s11], [sflag:$0x8], $0x80, $0x38;
	[tilespmem:$0x1E000] =	vst v63  }
0x410: {  	s11 =	sadd.s32 $0x70, s8;
	s8 =	sadd.s32 $0x1000, s8;
	s30 =	smov.u32 s12  }
0x411: {  	[hbm4b:s11+s3] =	stream.linear.scatter [tilespmem:s1], [sflag:$0x8], $0x80, $0x38;
	[tilespmem:$0x1E000] =	vst v63  }
0x412: {  	s12 =	sadd.s32 $0x17A00, s6  }
0x413: {  	[hbm4b:s8+s3] =	stream.linear.scatter [tilespmem:s12], [sflag:$0x8], $0x80, $0x38;
	[tilespmem:$0x1E000] =	vst v63  }
0x414: {  	s30 =	sadd.s32 $0x17A88, s6;
	s31 =	sadd.s32 $0x10, s8  }
0x415: {  	[hbm4b:s31+s3] =	stream.linear.scatter [tilespmem:s30], [sflag:$0x8], $0x80, $0x38;
	[tilespmem:$0x1E000] =	vst v63  }
0x416: {  	s11 =	sadd.s32 $0x17B10, s6;
	s12 =	sadd.s32 $0x20, s8  }
0x417: {  	[hbm4b:s12+s3] =	stream.linear.scatter [tilespmem:s11], [sflag:$0x8], $0x80, $0x38;
	[tilespmem:$0x1E000] =	vst v63  }
0x418: {  	s30 =	sadd.s32 $0x17B98, s6;
	s31 =	sadd.s32 $0x30, s8  }
0x419: {  	[hbm4b:s31+s3] =	stream.linear.scatter [tilespmem:s30], [sflag:$0x8], $0x80, $0x38;
	[tilespmem:$0x1E000] =	vst v63  }
0x41a: {  	s11 =	sadd.s32 $0x17C20, s6;
	s12 =	sadd.s32 $0x40, s8  }
0x41b: {  	[hbm4b:s12+s3] =	stream.linear.scatter [tilespmem:s11], [sflag:$0x8], $0x80, $0x38;
	[tilespmem:$0x1E000] =	vst v63  }
0x41c: {  	p1 =	sne.s32 s13, $0x0;
	s30 =	sadd.s32 $0x17CA8, s6;
	s31 =	sadd.s32 $0x50, s8  }
0x41d: {  	[hbm4b:s31+s3] =	stream.linear.scatter [tilespmem:s30], [sflag:$0x8], $0x80, $0x38;
	[tilespmem:$0x1E000] =	vst v63  }
.Ltmp6:
0x41e: {  	_ = 	snop;
	(pc) =	sbr.rel @!p1 .LBB2_15-.Ltmp6, $4  }
0x41f: {  	s11 =	sadd.s32 $0x17D30, s6;
	s12 =	sadd.s32 $0x60, s8  }
0x420: {  	[hbm4b:s12+s3] =	stream.linear.scatter [tilespmem:s11], [sflag:$0x8], $0x80, $0x38;
	[tilespmem:$0x1E000] =	vst v63  }
0x421: {  	s30 =	sadd.s32 $0x17DB8, s6;
	s31 =	sadd.s32 $0x70, s8  }
0x422: {  	[hbm4b:s31+s3] =	stream.linear.scatter [tilespmem:s30], [sflag:$0x8], $0x80, $0x38;
	[tilespmem:$0x1E000] =	vst v63  }
0x423: {  	_ =	swait.ge [sflag:s0], $0x2000  }
0x424: {  	[sflag:s0] =	ssyncset.done $0x0  }
.Ltmp7:
0x425: {  	[sflag:s0] =	ssyncadd.s32 $0xFFFFE000;
	(pc) =	sbr.rel @p0 .LBB2_18-.Ltmp7, $4  }
.Ltmp8:
0x426: {  	_ =	swait.ge [sflag:s25], $0x2000;
	(pc) =	sbr.rel @!p0 .LBB2_17-.Ltmp8, $4  }
0x427: {  	v10 =	vld [tilespmem:$0x1FE00]  }
0x428: {  	[sflag:s25] =	ssyncset.done $0x0;
	v30 =	vld [tilespmem:$0x1FE10]  }
0x429: {  	v22 =	vld [tilespmem:$0x1FE20];
	[sflag:s25] =	ssyncadd.s32 $0xFFFFE000  }
0x42a: {  	_ = 	snop  }
.LBB2_15:
0x42b: {  	_ =	swait.ge [sflag:s25], $0x2000  }
0x42c: {  	v10 =	vld [tilespmem:$0x1FE00]  }
0x42d: {  	[sflag:s25] =	ssyncset.done $0x0;
	v30 =	vld [tilespmem:$0x1FE10]  }
0x42e: {  	v22 =	vld [tilespmem:$0x1FE20];
	[sflag:s25] =	ssyncadd.s32 $0xFFFFE000  }
.LBB2_17:
0x42f: {  	s1 =	smul.u32 $0xA00, s13;
	_ =	sdelay $0x1  }
0x430: {  	s1 =	sshra.s32 s1, $0x2  }
0x431: {  	s1 =	sadd.s32 $0x300, s1  }
0x432: {  	[tilespmem:s14], [sflag:$0x2] =	stream.indirect.gather [hbm4b:s4+s9], $0x40, s1, s9, $0xb8;
	[tilespmem:$0x1E000] =	vst v63  }
.LBB2_18:
0x433: {  	s1 =	simm.s32 $0x0;
	s11 =	simm.s32 $0x1  }
0x434: {  	s6 =	simm.s32 $0x2;
	s8 =	simm.s32 $0x3;
	s12 =	simm.s32 $0x4;
	v0 =	vmov s1;
	v2 =	vmov s11  }
0x435: {  	s30 =	simm.s32 $0x5;
	s31 =	simm.s32 $0x6;
	v3 =	vmov s6;
	v4 =	vmov s8;
	v5 =	vmov s12  }
0x436: {  	v6 =	vmov s30;
	v33 =	vmov s31;
	s6 =	simm.s32 $0x7;
	s8 =	simm.s32 $0x8;
	s11 =	simm.s32 $0x9;
	v0 =	vshrl.u32 v0, $0x3  }
0x437: {  	s12 =	simm.s32 $0xA;
	s30 =	simm.s32 $0xB;
	s31 =	simm.s32 $0xC;
	v34 =	vmov s6;
	v35 =	vmov s8;
	v36 =	vmov s11  }
0x438: {  	v37 =	vmov s12;
	v38 =	vmov s30;
	v39 =	vmov s31  }
0x439: {  	v2 =	vshrl.u32 v2, $0x3;
	v3 =	vshrl.u32 v3, $0x3;
	v4 =	vshrl.u32 v4, $0x3  }
0x43a: {  	v14 =	vld [tilespmem:$0x1FE30];
	s11 =	simm.s32 $0xD;
	s12 =	simm.s32 $0xE;
	v5 =	vshrl.u32 v5, $0x3;
	v6 =	vshrl.u32 v6, $0x3;
	v42 =	vshrl.u32 v33, $0x3  }
0x43b: {  	v11 =	vld [tilespmem:$0x1FEB0];
	v40 =	vmov s11;
	v41 =	vmov s12;
	v0 =	vshll.u32 v0, v1  }
0x43c: {  	v12 =	vld [tilespmem:$0x1FEF0];
	s31 =	simm.s32 $0xF;
	v43 =	vshrl.u32 v34, $0x3;
	v44 =	vshrl.u32 v35, $0x3;
	v45 =	vshrl.u32 v36, $0x3  }
0x43d: {  	v9 =	vld [tilespmem:$0x1FF30];
	s30 =	sshll.u32 s5, $0x6;
	s6 =	simm.s32 $0xF800;
	v46 =	vshrl.u32 v37, $0x3;
	v39 =	vshrl.u32 v39, $0x3;
	v60 =	vmov s31  }
0x43e: {  	s1 =	sand.u32 $0x3FFFFFC0, s30;
	v2 =	vshll.u32 v2, v1;
	v63 =	vld [tilespmem:s6+$0xFFFFFE00];
	v37 =	vbroadcast v0, $0x0;
	v61 =	vshrl.u32 v60, $0x3  }
0x43f: {  	v36 =	vld [tilespmem:s1+$0x6400];
	v0 =	vshrl.u32 v40, $0x3;
	v40 =	vshrl.u32 v41, $0x3;
	v41 =	vshll.u32 v61, v1  }
0x440: {  	v3 =	vshll.u32 v3, v1;
	v4 =	vshll.u32 v4, v1;
	v62 =	vld [tilespmem:s6+$0x1C0];
	v53 =	vbroadcast v41, $0x0  }
0x441: {  	v54 =	vshll.u32 v45, v1;
	v45 =	vld [tilespmem:s6+$0xFFFFFE40];
	v50 =	vbroadcast v2, $0x0;
	v32 =	vadd.s32 v14, v37  }
0x442: {  	v5 =	vshll.u32 v5, v1;
	v48 =	vld [tilespmem:s6+$0xFFFFFE80];
	v2 =	vshll.u32 v39, v1;
	v39 =	vadd.s32 v30, v53  }
0x443: {  	v6 =	vshll.u32 v6, v1;
	v56 =	vld [tilespmem:s6+$0xFFFFFEC0];
	v51 =	vbroadcast v3, $0x0;
	v3 =	vadd.s32 v10, v50  }
0x444: {  	v35 =	vld [tilespmem:s1+$0x6410];
	v52 =	vshll.u32 v44, v1;
	v49 =	vbroadcast v4, $0x0;
	v58 =	vadd.f32 v63, v36  }
0x445: {  	v34 =	vld [tilespmem:s1+$0x6420];
	v47 =	vbroadcast v5, $0x0;
	v4 =	vshll.u32 v40, v1;
	v5 =	vadd.f32 v62, v36  }
0x446: {  	v33 =	vld [tilespmem:s1+$0x6430];
	v44 =	vbroadcast v6, $0x0;
	v40 =	vadd.s32 v11, v51;
	v6 =	vadd.f32 v45, v36;
	[tilespmem:v32+s26+$0x0] =	vst.idx.msk $0xffff, v58  }
0x447: {  	v57 =	vld [tilespmem:s6+$0xFFFFFF00];
	[tilespmem:v39+s26+$0x0] =	vst.idx.msk $0xffff, v5  }
0x448: {  	v13 =	vld [tilespmem:$0x1FF70];
	[tilespmem:v3+s26+$0x0] =	vst.idx.msk $0xffff, v6  }
0x449: {  	v5 =	vadd.f32 v48, v36;
	v8 =	vld [tilespmem:$0x1FFB0]  }
0x44a: {  	v42 =	vshll.u32 v42, v1;
	v43 =	vshll.u32 v43, v1;
	v60 =	vld [tilespmem:s6+$0xFFFFFF40]  }
0x44b: {  	v38 =	vshrl.u32 v38, $0x3;
	v55 =	vshll.u32 v46, v1;
	v59 =	vadd.s32 v12, v49;
	v62 =	vld [tilespmem:s6+$0xFFFFFF80];
	[tilespmem:v40+s26+$0x0] =	vst.idx.msk $0xffff, v5  }
0x44c: {  	v38 =	vshll.u32 v38, v1;
	v61 =	vadd.s32 v9, v47;
	v41 =	vbroadcast v42, $0x0;
	v7 =	vld [tilespmem:$0x1FFF0]  }
0x44d: {  	v45 =	vbroadcast v52, $0x0;
	v48 =	vbroadcast v43, $0x0;
	v43 =	vld [tilespmem:s6+$0x0];
	v39 =	vadd.s32 v13, v44  }
0x44e: {  	v0 =	vshll.u32 v0, v1;
	v32 =	vld [tilespmem:s6+$0xFFFFFFC0];
	v3 =	vadd.f32 v56, v36;
	v6 =	vadd.s32 v8, v41  }
0x44f: {  	v46 =	vbroadcast v54, $0x0;
	v54 =	vadd.s32 v14, v45;
	v58 =	vld [tilespmem:s6+$0x1D0];
	v5 =	vadd.f32 v57, v36  }
0x450: {  	v42 =	vbroadcast v55, $0x0;
	v57 =	vadd.s32 v30, v48;
	[tilespmem:v59+s26+$0x0] =	vst.idx.msk $0xffff, v3;
	v3 =	vadd.f32 v60, v36;
	v59 =	vld [tilespmem:s6+$0x40]  }
0x451: {  	v40 =	vbroadcast v2, $0x0;
	v60 =	vld [tilespmem:s6+$0x80];
	[tilespmem:v61+s26+$0x0] =	vst.idx.msk $0xffff, v5;
	v5 =	vadd.f32 v62, v36;
	v52 =	vadd.s32 v7, v53  }
0x452: {  	v55 =	vld [tilespmem:s6+$0xC0];
	v2 =	vadd.f32 v43, v36;
	[tilespmem:v39+s26+$0x0] =	vst.idx.msk $0xffff, v3;
	v3 =	vadd.s32 v10, v46;
	v39 =	vbroadcast v38, $0x0  }
0x453: {  	[tilespmem:v6+s26+$0x0] =	vst.idx.msk $0xffff, v5;
	v5 =	vadd.f32 v32, v36;
	v6 =	vadd.s32 v11, v42;
	v32 =	vld [tilespmem:s6+$0x100]  }
0x454: {  	v62 =	vld [tilespmem:s6+$0x140];
	v58 =	vadd.f32 v58, v35;
	[tilespmem:v54+s26+$0x0] =	vst.idx.msk $0xffff, v2;
	v38 =	vbroadcast v0, $0x0;
	v61 =	vadd.s32 v12, v39  }
0x455: {  	v0 =	vadd.f32 v59, v36;
	[tilespmem:v57+s26+$0x0] =	vst.idx.msk $0xffff, v5;
	v5 =	vadd.s32 v9, v40  }
0x456: {  	v43 =	vbroadcast v4, $0x0;
	v4 =	vld [tilespmem:s6+$0xFFFFFE50];
	v2 =	vadd.f32 v60, v36;
	[tilespmem:v52+s26+$0x0] =	vst.idx.msk $0xffff, v58;
	v54 =	vadd.s32 v13, v38  }
0x457: {  	v52 =	vld [tilespmem:s6+$0x1E0];
	[tilespmem:v3+s26+$0x0] =	vst.idx.msk $0xffff, v0;
	v0 =	vadd.f32 v55, v36  }
0x458: {  	v57 =	vld [tilespmem:s6+$0x180];
	[tilespmem:v6+s26+$0x0] =	vst.idx.msk $0xffff, v2;
	v2 =	vadd.f32 v32, v36  }
0x459: {  	v13 =	vld [tilespmem:$0x1FE80];
	[tilespmem:v61+s26+$0x0] =	vst.idx.msk $0xffff, v0;
	v0 =	vadd.f32 v62, v36  }
0x45a: {  	v6 =	vadd.s32 v8, v43;
	v8 =	vld [tilespmem:$0x1FEC0];
	[tilespmem:v5+s26+$0x0] =	vst.idx.msk $0xffff, v2  }
0x45b: {  	v11 =	vld [tilespmem:$0x1FF00];
	[tilespmem:v54+s26+$0x0] =	vst.idx.msk $0xffff, v0  }
0x45c: {  	v3 =	vadd.s32 v22, v53;
	v23 =	vld [tilespmem:$0x1FF40]  }
0x45d: {  	v55 =	vld [tilespmem:s6+$0xFFFFFE90]  }
0x45e: {  	v32 =	vld [tilespmem:s6+$0xFFFFFED0];
	v56 =	vadd.s32 v13, v50  }
0x45f: {  	v60 =	vld [tilespmem:s6+$0xFFFFFF10];
	v2 =	vadd.f32 v52, v34;
	v59 =	vadd.s32 v8, v51  }
0x460: {  	v0 =	vadd.f32 v57, v36;
	v5 =	vadd.s32 v11, v49  }
0x461: {  	v4 =	vadd.f32 v4, v35;
	[tilespmem:v3+s26+$0x0] =	vst.idx.msk $0xffff, v2;
	v54 =	vadd.s32 v23, v47  }
0x462: {  	v2 =	vadd.f32 v55, v35;
	v12 =	vld [tilespmem:$0x1FF80];
	[tilespmem:v6+s26+$0x0] =	vst.idx.msk $0xffff, v0  }
0x463: {  	v61 =	vld [tilespmem:s6+$0xFFFFFF90];
	[tilespmem:v56+s26+$0x0] =	vst.idx.msk $0xffff, v4;
	v4 =	vadd.f32 v32, v35  }
0x464: {  	v31 =	vld [tilespmem:$0x1FFC0];
	[tilespmem:v59+s26+$0x0] =	vst.idx.msk $0xffff, v2;
	v2 =	vadd.f32 v60, v35  }
0x465: {  	v9 =	vld [tilespmem:$0x1FE40];
	[tilespmem:v5+s26+$0x0] =	vst.idx.msk $0xffff, v4  }
0x466: {  	v52 =	vld [tilespmem:s6+$0xFFFFFF50];
	[tilespmem:v54+s26+$0x0] =	vst.idx.msk $0xffff, v2  }
0x467: {  	v5 =	vadd.s32 v7, v48;
	v7 =	vld [tilespmem:$0x1FE50]  }
0x468: {  	v0 =	vld [tilespmem:s6+$0x1F0];
	v3 =	vadd.s32 v12, v44  }
0x469: {  	v62 =	vld [tilespmem:s6+$0xFFFFFFD0];
	v6 =	vadd.s32 v31, v41  }
0x46a: {  	v63 =	vld [tilespmem:s6+$0x10];
	v53 =	vadd.s32 v9, v53  }
0x46b: {  	v32 =	vld [tilespmem:s6+$0x50];
	v4 =	vadd.f32 v52, v35  }
0x46c: {  	v2 =	vadd.f32 v61, v35;
	v61 =	vld [tilespmem:s6+$0x90];
	v60 =	vadd.s32 v7, v45  }
0x46d: {  	v0 =	vadd.f32 v0, v33;
	[tilespmem:v3+s26+$0x0] =	vst.idx.msk $0xffff, v4;
	v3 =	vadd.s32 v13, v46  }
0x46e: {  	v4 =	vld [tilespmem:s6+$0xD0];
	[tilespmem:v6+s26+$0x0] =	vst.idx.msk $0xffff, v2;
	v2 =	vadd.f32 v62, v35;
	v6 =	vadd.s32 v8, v42  }
0x46f: {  	v55 =	vld [tilespmem:s6+$0x110];
	v56 =	vadd.f32 v63, v35;
	[tilespmem:v53+s26+$0x0] =	vst.idx.msk $0xffff, v0  }
0x470: {  	v58 =	vadd.s32 v11, v39;
	v0 =	vadd.f32 v32, v35;
	[tilespmem:v5+s26+$0x0] =	vst.idx.msk $0xffff, v2  }
0x471: {  	v63 =	vld [tilespmem:s6+$0xFFFFFE10];
	v32 =	vadd.f32 v61, v35;
	v2 =	vadd.s32 v23, v40;
	[tilespmem:v60+s26+$0x0] =	vst.idx.msk $0xffff, v56  }
0x472: {  	v62 =	vld [tilespmem:s6+$0x150];
	[tilespmem:v3+s26+$0x0] =	vst.idx.msk $0xffff, v0  }
0x473: {  	v5 =	vld [tilespmem:s6+$0x190];
	v0 =	vadd.f32 v4, v35;
	[tilespmem:v6+s26+$0x0] =	vst.idx.msk $0xffff, v32  }
0x474: {  	v60 =	vadd.s32 v12, v38;
	v6 =	vadd.f32 v55, v35;
	v12 =	vld [tilespmem:$0x1FE90]  }
0x475: {  	v61 =	vld [tilespmem:s6+$0xFFFFFE60];
	v3 =	vadd.s32 v31, v43;
	[tilespmem:v58+s26+$0x0] =	vst.idx.msk $0xffff, v0  }
0x476: {  	v4 =	vadd.s32 v7, v37;
	v16 =	vld [tilespmem:$0x1FED0];
	[tilespmem:v2+s26+$0x0] =	vst.idx.msk $0xffff, v6  }
0x477: {  	v0 =	vadd.f32 v62, v35;
	v20 =	vld [tilespmem:$0x1FF10]  }
0x478: {  	v57 =	vld [tilespmem:s6+$0xFFFFFEA0];
	v2 =	vadd.f32 v5, v35  }
0x479: {  	v32 =	vld [tilespmem:s6+$0xFFFFFEE0];
	v5 =	vadd.f32 v63, v35;
	[tilespmem:v60+s26+$0x0] =	vst.idx.msk $0xffff, v0;
	v53 =	vadd.s32 v12, v50  }
0x47a: {  	v24 =	vld [tilespmem:$0x1FF50];
	[tilespmem:v3+s26+$0x0] =	vst.idx.msk $0xffff, v2  }
0x47b: {  	v62 =	vld [tilespmem:s6+$0xFFFFFF20];
	[tilespmem:v4+s26+$0x0] =	vst.idx.msk $0xffff, v5;
	v58 =	vadd.s32 v16, v51  }
0x47c: {  	v0 =	vadd.f32 v61, v34;
	v28 =	vld [tilespmem:$0x1FF90];
	v6 =	vadd.s32 v20, v49  }
0x47d: {  	v63 =	vld [tilespmem:s6+$0xFFFFFF60]  }
0x47e: {  	v61 =	vld [tilespmem:s6+$0xFFFFFFA0];
	v2 =	vadd.f32 v57, v34;
	[tilespmem:v53+s26+$0x0] =	vst.idx.msk $0xffff, v0  }
0x47f: {  	v0 =	vadd.f32 v32, v34;
	v32 =	vld [tilespmem:$0x1FFD0]  }
0x480: {  	v4 =	vld [tilespmem:s6+$0xFFFFFFE0];
	v60 =	vadd.s32 v24, v47;
	[tilespmem:v58+s26+$0x0] =	vst.idx.msk $0xffff, v2  }
0x481: {  	v3 =	vadd.s32 v28, v44;
	v53 =	vld [tilespmem:s6+$0x20];
	[tilespmem:v6+s26+$0x0] =	vst.idx.msk $0xffff, v0  }
0x482: {  	v8 =	vld [tilespmem:$0x1FE60]  }
0x483: {  	v55 =	vadd.s32 v22, v48;
	v2 =	vadd.f32 v62, v34;
	v62 =	vld [tilespmem:s6+$0x60]  }
0x484: {  	v58 =	vld [tilespmem:s6+$0xFFFFFE20];
	v0 =	vadd.f32 v63, v34;
	v5 =	vadd.s32 v32, v41  }
0x485: {  	v52 =	vld [tilespmem:s6+$0xFFFFFE70];
	[tilespmem:v60+s26+$0x0] =	vst.idx.msk $0xffff, v2  }
0x486: {  	v63 =	vld [tilespmem:s6+$0xA0];
	v60 =	vadd.s32 v12, v46;
	[tilespmem:v3+s26+$0x0] =	vst.idx.msk $0xffff, v0;
	v0 =	vadd.f32 v4, v34  }
0x487: {  	v59 =	vld [tilespmem:s6+$0xFFFFFEB0];
	v2 =	vadd.f32 v61, v34;
	v6 =	vadd.s32 v8, v45  }
0x488: {  	v61 =	vld [tilespmem:s6+$0xE0];
	[tilespmem:v55+s26+$0x0] =	vst.idx.msk $0xffff, v0  }
0x489: {  	v3 =	vld [tilespmem:s6+$0x120];
	v0 =	vadd.f32 v62, v34;
	[tilespmem:v5+s26+$0x0] =	vst.idx.msk $0xffff, v2;
	v5 =	vadd.s32 v16, v42  }
0x48a: {  	v4 =	vld [tilespmem:s6+$0x160];
	v2 =	vadd.f32 v53, v34  }
0x48b: {  	v55 =	vadd.s32 v20, v39;
	[tilespmem:v60+s26+$0x0] =	vst.idx.msk $0xffff, v0;
	v60 =	vld [tilespmem:s6+$0xFFFFFEF0]  }
0x48c: {  	v53 =	vld [tilespmem:s6+$0x1A0];
	[tilespmem:v6+s26+$0x0] =	vst.idx.msk $0xffff, v2;
	v2 =	vadd.f32 v63, v34  }
0x48d: {  	v57 =	vadd.s32 v24, v40;
	v13 =	vld [tilespmem:$0x1FEA0]  }
0x48e: {  	v0 =	vadd.f32 v61, v34;
	v6 =	vadd.s32 v28, v38;
	v62 =	vld [tilespmem:s6+$0x30];
	[tilespmem:v5+s26+$0x0] =	vst.idx.msk $0xffff, v2  }
0x48f: {  	s8 =	simm.s32 $0x10;
	v54 =	vadd.s32 v32, v43;
	v17 =	vld [tilespmem:$0x1FEE0]  }
0x490: {  	v56 =	vadd.s32 v8, v37;
	v3 =	vadd.f32 v3, v34;
	v2 =	vmov s8;
	[tilespmem:v55+s26+$0x0] =	vst.idx.msk $0xffff, v0;
	v55 =	vld [tilespmem:s6+$0xFFFFFF70]  }
0x491: {  	v4 =	vadd.f32 v4, v34;
	v0 =	vshrl.u32 v2, $0x3;
	v2 =	vadd.f32 v58, v34;
	v58 =	vld [tilespmem:s6+$0xFFFFFFF0]  }
0x492: {  	v53 =	vadd.f32 v53, v34;
	v21 =	vld [tilespmem:$0x1FF20];
	[tilespmem:v57+s26+$0x0] =	vst.idx.msk $0xffff, v3  }
0x493: {  	v25 =	vld [tilespmem:$0x1FF60];
	[tilespmem:v6+s26+$0x0] =	vst.idx.msk $0xffff, v4  }
0x494: {  	v29 =	vld [tilespmem:$0x1FFA0];
	[tilespmem:v54+s26+$0x0] =	vst.idx.msk $0xffff, v53  }
0x495: {  	s11 =	simm.s32 $0x11;
	v48 =	vadd.s32 v9, v48;
	v52 =	vadd.f32 v52, v33;
	v50 =	vadd.s32 v13, v50;
	v63 =	vld [tilespmem:$0x1FFE0]  }
0x496: {  	s12 =	simm.s32 $0x12;
	v3 =	vmov s11;
	v0 =	vshll.u32 v0, v1;
	[tilespmem:v56+s26+$0x0] =	vst.idx.msk $0xffff, v2;
	v56 =	vld [tilespmem:s6+$0x70];
	v5 =	vadd.s32 v17, v51  }
0x497: {  	v4 =	vmov s12;
	v6 =	vadd.f32 v59, v33;
	v51 =	vld [tilespmem:s6+$0xFFFFFF30];
	v49 =	vadd.s32 v21, v49  }
0x498: {  	v46 =	vadd.s32 v13, v46;
	v54 =	vadd.f32 v60, v33;
	v60 =	vadd.f32 v55, v33;
	v55 =	vld [tilespmem:s6+$0xB0]  }
0x499: {  	s30 =	simm.s32 $0x13;
	v57 =	vld [tilespmem:s6+$0xFFFFFFB0];
	v42 =	vadd.s32 v17, v42;
	v39 =	vadd.s32 v21, v39;
	v47 =	vadd.s32 v25, v47  }
0x49a: {  	s31 =	simm.s32 $0x14;
	v53 =	vmov s30;
	v59 =	vld [tilespmem:s6+$0x170];
	[tilespmem:v50+s26+$0x0] =	vst.idx.msk $0xffff, v52;
	v40 =	vadd.s32 v25, v40;
	v44 =	vadd.s32 v29, v44  }
0x49b: {  	s8 =	simm.s32 $0x15;
	v2 =	vmov s31;
	v9 =	vld [tilespmem:$0x1FE70];
	v38 =	vadd.s32 v29, v38;
	v61 =	vadd.f32 v56, v33;
	[tilespmem:v5+s26+$0x0] =	vst.idx.msk $0xffff, v6  }
0x49c: {  	s11 =	simm.s32 $0x16;
	v52 =	vmov s8;
	v41 =	vadd.s32 v63, v41;
	v51 =	vadd.f32 v51, v33;
	[tilespmem:v49+s26+$0x0] =	vst.idx.msk $0xffff, v54  }
0x49d: {  	s12 =	simm.s32 $0x17;
	v50 =	vld [tilespmem:s6+$0x1B0];
	v43 =	vadd.s32 v63, v43;
	v5 =	vmov s11;
	v55 =	vadd.f32 v55, v33;
	[tilespmem:v46+s26+$0x0] =	vst.idx.msk $0xffff, v61  }
0x49e: {  	s30 =	simm.s32 $0x18;
	v6 =	vadd.f32 v57, v33;
	v57 =	vld [tilespmem:s6+$0xF0];
	s11 =	simm.s32 $0x1B;
	v54 =	vmov s12;
	v49 =	vadd.f32 v58, v33;
	[tilespmem:v47+s26+$0x0] =	vst.idx.msk $0xffff, v51  }
0x49f: {  	v56 =	vmov s11;
	v47 =	vmov s30;
	v51 =	vadd.f32 v62, v33;
	[tilespmem:v42+s26+$0x0] =	vst.idx.msk $0xffff, v55  }
0x4a0: {  	s31 =	simm.s32 $0x19;
	v58 =	vld [tilespmem:s6+$0x130];
	v62 =	vadd.f32 v59, v33;
	v46 =	vshrl.u32 v54, $0x3;
	v45 =	vadd.s32 v9, v45;
	[tilespmem:v44+s26+$0x0] =	vst.idx.msk $0xffff, v60  }
0x4a1: {  	v60 =	vmov s31;
	v37 =	vadd.s32 v9, v37;
	v44 =	vshrl.u32 v3, $0x3;
	[tilespmem:v41+s26+$0x0] =	vst.idx.msk $0xffff, v6;
	v41 =	vld [tilespmem:s6+$0xFFFFFE30]  }
0x4a2: {  	s8 =	simm.s32 $0x1A;
	[tilespmem:v48+s26+$0x0] =	vst.idx.msk $0xffff, v49;
	s31 =	simm.s32 $0x1E;
	v3 =	vadd.f32 v50, v33;
	v50 =	vshrl.u32 v4, $0x3;
	v47 =	vshrl.u32 v47, $0x3  }
0x4a3: {  	s12 =	simm.s32 $0x1C;
	v6 =	vmov s8;
	v61 =	vmov s31;
	[tilespmem:v38+s26+$0x0] =	vst.idx.msk $0xffff, v62;
	v48 =	vadd.f32 v57, v33  }
0x4a4: {  	s30 =	simm.s32 $0x1D;
	v38 =	vshrl.u32 v60, $0x3;
	v57 =	vmov s12;
	[tilespmem:v43+s26+$0x0] =	vst.idx.msk $0xffff, v3;
	v42 =	vshrl.u32 v6, $0x3  }
0x4a5: {  	v43 =	vshrl.u32 v56, $0x3;
	v49 =	vadd.f32 v58, v33;
	v58 =	vmov s30;
	[tilespmem:v39+s26+$0x0] =	vst.idx.msk $0xffff, v48  }
0x4a6: {  	v48 =	vshrl.u32 v52, $0x3;
	v39 =	vshrl.u32 v58, $0x3;
	[tilespmem:v45+s26+$0x0] =	vst.idx.msk $0xffff, v51;
	v4 =	vadd.f32 v41, v33  }
0x4a7: {  	v45 =	vshrl.u32 v53, $0x3;
	[tilespmem:v40+s26+$0x0] =	vst.idx.msk $0xffff, v49;
	v51 =	vshrl.u32 v2, $0x3;
	v49 =	vshrl.u32 v5, $0x3  }
0x4a8: {  	s1 =	simm.s32 $0x1F;
	s8 =	simm.s32 $0x20;
	v40 =	vshrl.u32 v61, $0x3;
	v41 =	vshrl.u32 v57, $0x3;
	[tilespmem:v37+s26+$0x0] =	vst.idx.msk $0xffff, v4;
	v37 =	vbroadcast v0, $0x0  }
.LBB2_19:
0x4a9: {  	v11 =	vld [tilespmem:$0x1FE30]  }
0x4aa: {  	v15 =	vld [tilespmem:$0x1FEB0]  }
0x4ab: {  	v19 =	vld [tilespmem:$0x1FEF0]  }
0x4ac: {  	v14 =	vld [tilespmem:$0x1FF30]  }
0x4ad: {  	v0 =	vshll.u32 v44, v1;
	v27 =	vld [tilespmem:$0x1FF70]  }
0x4ae: {  	v2 =	vshll.u32 v50, v1;
	v3 =	vmov s1;
	v4 =	vshll.u32 v45, v1;
	v26 =	vld [tilespmem:$0x1FFB0]  }
0x4af: {  	v5 =	vshll.u32 v51, v1;
	v6 =	vshll.u32 v48, v1;
	s6 =	sadd.s32 $0x400, s6;
	v18 =	vld [tilespmem:$0x1FFF0];
	v3 =	vshrl.u32 v3, $0x3  }
0x4b0: {  	v54 =	vshll.u32 v43, v1;
	v43 =	vld [tilespmem:s6+$0xFFFFFE40];
	v50 =	vbroadcast v0, $0x0;
	v3 =	vshll.u32 v3, v1  }
0x4b1: {  	v44 =	vshll.u32 v49, v1;
	v45 =	vshll.u32 v46, v1;
	v61 =	vld [tilespmem:s6+$0x1C0];
	v52 =	vbroadcast v3, $0x0  }
0x4b2: {  	v46 =	vshll.u32 v47, v1;
	v53 =	vshll.u32 v42, v1;
	v3 =	vld [tilespmem:s6+$0xFFFFFE00];
	v57 =	vadd.s32 v10, v50  }
0x4b3: {  	v0 =	vshll.u32 v41, v1;
	v58 =	vld [tilespmem:s6+$0xFFFFFEC0];
	v49 =	vbroadcast v4, $0x0;
	v41 =	vadd.s32 v30, v52  }
0x4b4: {  	v56 =	vld [tilespmem:s6+$0xFFFFFE80];
	v51 =	vbroadcast v2, $0x0;
	v2 =	vshll.u32 v39, v1;
	v55 =	vadd.s32 v11, v37  }
0x4b5: {  	v59 =	vld [tilespmem:s6+$0xFFFFFF00];
	v42 =	vbroadcast v6, $0x0;
	v60 =	vadd.s32 v19, v49;
	v6 =	vadd.f32 v43, v36  }
0x4b6: {  	v4 =	vshll.u32 v40, v1;
	v47 =	vbroadcast v5, $0x0;
	v62 =	vld [tilespmem:s6+$0xFFFFFF80];
	v5 =	vadd.f32 v61, v36  }
0x4b7: {  	v40 =	vadd.s32 v15, v51;
	v61 =	vld [tilespmem:s6+$0xFFFFFF40];
	v3 =	vadd.f32 v3, v36;
	[tilespmem:v57+s26+$0x0] =	vst.idx.msk $0xffff, v6  }
0x4b8: {  	v39 =	vbroadcast v44, $0x0;
	v44 =	vbroadcast v46, $0x0;
	v6 =	vadd.f32 v58, v36;
	v57 =	vld [tilespmem:s6+$0x0];
	[tilespmem:v41+s26+$0x0] =	vst.idx.msk $0xffff, v5  }
0x4b9: {  	v43 =	vadd.s32 v14, v47;
	[tilespmem:v55+s26+$0x0] =	vst.idx.msk $0xffff, v3;
	v3 =	vadd.f32 v56, v36;
	v56 =	vld [tilespmem:s6+$0xFFFFFFC0]  }
0x4ba: {  	v5 =	vadd.s32 v27, v42;
	[tilespmem:v60+s26+$0x0] =	vst.idx.msk $0xffff, v6;
	v60 =	vadd.s32 v11, v44;
	v11 =	vld [tilespmem:$0x1FEC0]  }
0x4bb: {  	v55 =	vadd.s32 v26, v39;
	v41 =	vld [tilespmem:s6+$0x1D0]  }
0x4bc: {  	v6 =	vadd.f32 v61, v36;
	v61 =	vld [tilespmem:s6+$0x80];
	[tilespmem:v40+s26+$0x0] =	vst.idx.msk $0xffff, v3;
	v3 =	vadd.f32 v59, v36  }
0x4bd: {  	v38 =	vshll.u32 v38, v1;
	v48 =	vbroadcast v45, $0x0;
	v59 =	vld [tilespmem:s6+$0x40]  }
0x4be: {  	v45 =	vbroadcast v38, $0x0;
	v46 =	vadd.s32 v18, v52;
	[tilespmem:v43+s26+$0x0] =	vst.idx.msk $0xffff, v3;
	v3 =	vadd.f32 v62, v36;
	v62 =	vld [tilespmem:s6+$0x100]  }
0x4bf: {  	v58 =	vadd.s32 v30, v48;
	v40 =	vbroadcast v54, $0x0;
	v43 =	vbroadcast v53, $0x0;
	[tilespmem:v5+s26+$0x0] =	vst.idx.msk $0xffff, v6;
	v6 =	vld [tilespmem:s6+$0xC0]  }
0x4c0: {  	v53 =	vadd.f32 v41, v35;
	v41 =	vbroadcast v0, $0x0;
	v0 =	vadd.f32 v57, v36;
	v57 =	vld [tilespmem:s6+$0x140]  }
0x4c1: {  	[tilespmem:v55+s26+$0x0] =	vst.idx.msk $0xffff, v3;
	v3 =	vadd.f32 v56, v36;
	v56 =	vadd.s32 v19, v40;
	v19 =	vld [tilespmem:$0x1FE80]  }
0x4c2: {  	v5 =	vadd.s32 v10, v45;
	v54 =	vadd.s32 v15, v43;
	v15 =	vld [tilespmem:$0x1FF80]  }
0x4c3: {  	v38 =	vbroadcast v2, $0x0;
	v2 =	vadd.f32 v59, v36;
	v59 =	vld [tilespmem:s6+$0x180];
	[tilespmem:v46+s26+$0x0] =	vst.idx.msk $0xffff, v53  }
0x4c4: {  	[tilespmem:v58+s26+$0x0] =	vst.idx.msk $0xffff, v3;
	v46 =	vbroadcast v4, $0x0;
	v4 =	vld [tilespmem:s6+$0xFFFFFE50]  }
0x4c5: {  	v3 =	vadd.s32 v14, v41;
	[tilespmem:v60+s26+$0x0] =	vst.idx.msk $0xffff, v0;
	v53 =	vld [tilespmem:s6+$0x1E0]  }
0x4c6: {  	v0 =	vadd.f32 v61, v36;
	v58 =	vadd.s32 v27, v38;
	v61 =	vadd.s32 v11, v51;
	v14 =	vld [tilespmem:$0x1FF00]  }
0x4c7: {  	v60 =	vld [tilespmem:s6+$0xFFFFFED0];
	[tilespmem:v5+s26+$0x0] =	vst.idx.msk $0xffff, v2;
	v2 =	vadd.f32 v6, v36;
	v55 =	vadd.s32 v19, v50  }
0x4c8: {  	v5 =	vadd.s32 v22, v52;
	v6 =	vld [tilespmem:s6+$0xFFFFFE90];
	[tilespmem:v54+s26+$0x0] =	vst.idx.msk $0xffff, v0;
	v0 =	vadd.f32 v62, v36  }
0x4c9: {  	v54 =	vadd.s32 v26, v46;
	v62 =	vld [tilespmem:s6+$0xFFFFFF10];
	[tilespmem:v56+s26+$0x0] =	vst.idx.msk $0xffff, v2;
	v2 =	vadd.f32 v57, v36  }
0x4ca: {  	[tilespmem:v3+s26+$0x0] =	vst.idx.msk $0xffff, v0;
	v4 =	vadd.f32 v4, v35;
	v0 =	vadd.f32 v53, v34;
	v53 =	vld [tilespmem:s6+$0xFFFFFF50]  }
0x4cb: {  	v3 =	vadd.s32 v14, v49;
	[tilespmem:v58+s26+$0x0] =	vst.idx.msk $0xffff, v2;
	v2 =	vadd.f32 v59, v36;
	v59 =	vld [tilespmem:s6+$0xFFFFFF90]  }
0x4cc: {  	v58 =	vadd.s32 v23, v47;
	[tilespmem:v55+s26+$0x0] =	vst.idx.msk $0xffff, v4;
	v4 =	vadd.f32 v60, v35;
	v60 =	vld [tilespmem:$0x1FE40]  }
0x4cd: {  	[tilespmem:v5+s26+$0x0] =	vst.idx.msk $0xffff, v0;
	v0 =	vadd.f32 v6, v35;
	v5 =	vadd.s32 v15, v42;
	v55 =	vld [tilespmem:s6+$0x10]  }
0x4ce: {  	[tilespmem:v54+s26+$0x0] =	vst.idx.msk $0xffff, v2;
	v6 =	vadd.s32 v31, v39;
	v54 =	vld [tilespmem:s6+$0xFFFFFFD0]  }
0x4cf: {  	v2 =	vld [tilespmem:s6+$0x1F0];
	[tilespmem:v61+s26+$0x0] =	vst.idx.msk $0xffff, v0;
	v0 =	vadd.f32 v62, v35;
	v61 =	vadd.s32 v7, v44  }
0x4d0: {  	[tilespmem:v3+s26+$0x0] =	vst.idx.msk $0xffff, v4;
	v4 =	vadd.s32 v18, v48;
	v3 =	vadd.f32 v53, v35;
	v53 =	vld [tilespmem:s6+$0x50]  }
0x4d1: {  	v62 =	vld [tilespmem:s6+$0x90];
	[tilespmem:v58+s26+$0x0] =	vst.idx.msk $0xffff, v0;
	v0 =	vadd.f32 v59, v35;
	v52 =	vadd.s32 v60, v52  }
0x4d2: {  	[tilespmem:v5+s26+$0x0] =	vst.idx.msk $0xffff, v3;
	v3 =	vadd.s32 v19, v45;
	v5 =	vld [tilespmem:s6+$0xD0];
	v55 =	vadd.f32 v55, v35  }
0x4d3: {  	v59 =	vld [tilespmem:s6+$0x150];
	[tilespmem:v6+s26+$0x0] =	vst.idx.msk $0xffff, v0;
	v0 =	vadd.f32 v54, v35;
	v6 =	vadd.s32 v11, v43  }
0x4d4: {  	v58 =	vadd.s32 v14, v40;
	v2 =	vadd.f32 v2, v33;
	v54 =	vld [tilespmem:s6+$0x110];
	[tilespmem:v61+s26+$0x0] =	vst.idx.msk $0xffff, v55  }
0x4d5: {  	[tilespmem:v4+s26+$0x0] =	vst.idx.msk $0xffff, v0;
	v0 =	vadd.f32 v53, v35  }
0x4d6: {  	v61 =	vadd.f32 v62, v35;
	v55 =	vadd.s32 v15, v38;
	v62 =	vld [tilespmem:s6+$0xFFFFFE60];
	[tilespmem:v52+s26+$0x0] =	vst.idx.msk $0xffff, v2  }
0x4d7: {  	v4 =	vld [tilespmem:s6+$0x190];
	v2 =	vadd.s32 v23, v41;
	[tilespmem:v3+s26+$0x0] =	vst.idx.msk $0xffff, v0;
	v0 =	vadd.f32 v5, v35  }
0x4d8: {  	v56 =	vadd.s32 v8, v37;
	v53 =	vadd.s32 v12, v50;
	v52 =	vld [tilespmem:s6+$0xFFFFFE10];
	[tilespmem:v6+s26+$0x0] =	vst.idx.msk $0xffff, v61  }
0x4d9: {  	v6 =	vadd.f32 v54, v35;
	v54 =	vld [tilespmem:s6+$0xFFFFFEE0];
	[tilespmem:v58+s26+$0x0] =	vst.idx.msk $0xffff, v0;
	v0 =	vadd.f32 v59, v35  }
0x4da: {  	v57 =	vld [tilespmem:s6+$0xFFFFFEA0];
	v3 =	vadd.s32 v31, v46;
	v5 =	vadd.s32 v7, v37;
	v37 =	vadd.s32 v9, v37  }
0x4db: {  	v58 =	vadd.s32 v16, v51;
	[tilespmem:v55+s26+$0x0] =	vst.idx.msk $0xffff, v0;
	v0 =	vadd.f32 v62, v34  }
0x4dc: {  	v59 =	vld [tilespmem:s6+$0xFFFFFF20];
	v55 =	vadd.s32 v24, v47;
	v47 =	vadd.s32 v25, v47;
	[tilespmem:v2+s26+$0x0] =	vst.idx.msk $0xffff, v6  }
0x4dd: {  	v61 =	vld [tilespmem:s6+$0xFFFFFF60];
	v2 =	vadd.f32 v4, v35;
	v4 =	vadd.f32 v52, v35;
	v6 =	vadd.s32 v20, v49  }
0x4de: {  	v49 =	vadd.s32 v21, v49;
	[tilespmem:v53+s26+$0x0] =	vst.idx.msk $0xffff, v0;
	v0 =	vadd.f32 v54, v34  }
0x4df: {  	v62 =	vld [tilespmem:s6+$0xFFFFFFA0];
	v54 =	vadd.s32 v22, v48;
	[tilespmem:v3+s26+$0x0] =	vst.idx.msk $0xffff, v2;
	v2 =	vadd.f32 v57, v34  }
0x4e0: {  	v48 =	vadd.s32 v60, v48;
	[tilespmem:v5+s26+$0x0] =	vst.idx.msk $0xffff, v4;
	v3 =	vadd.s32 v28, v42;
	v4 =	vld [tilespmem:s6+$0xFFFFFFE0]  }
0x4e1: {  	v53 =	vld [tilespmem:s6+$0x20];
	v5 =	vadd.s32 v32, v39;
	[tilespmem:v58+s26+$0x0] =	vst.idx.msk $0xffff, v2;
	v2 =	vadd.f32 v59, v34  }
0x4e2: {  	v57 =	vld [tilespmem:s6+$0x60];
	v42 =	vadd.s32 v29, v42;
	[tilespmem:v6+s26+$0x0] =	vst.idx.msk $0xffff, v0;
	v0 =	vadd.f32 v61, v34  }
0x4e3: {  	v58 =	vld [tilespmem:s6+$0xFFFFFE20];
	v6 =	vadd.s32 v8, v44;
	v44 =	vadd.s32 v9, v44;
	[tilespmem:v55+s26+$0x0] =	vst.idx.msk $0xffff, v2  }
0x4e4: {  	v61 =	vld [tilespmem:s6+$0xA0];
	v2 =	vadd.f32 v62, v34;
	v55 =	vadd.s32 v12, v45;
	v45 =	vadd.s32 v13, v45  }
0x4e5: {  	v62 =	vld [tilespmem:s6+$0xE0];
	[tilespmem:v3+s26+$0x0] =	vst.idx.msk $0xffff, v0;
	v0 =	vadd.f32 v4, v34;
	v3 =	vadd.s32 v16, v43  }
0x4e6: {  	v4 =	vld [tilespmem:s6+$0x120];
	[tilespmem:v5+s26+$0x0] =	vst.idx.msk $0xffff, v2;
	v2 =	vadd.f32 v53, v34;
	v5 =	vadd.s32 v20, v40  }
0x4e7: {  	v53 =	vld [tilespmem:s6+$0x160];
	[tilespmem:v54+s26+$0x0] =	vst.idx.msk $0xffff, v0;
	v0 =	vadd.f32 v57, v34;
	v54 =	vadd.s32 v24, v41  }
0x4e8: {  	v57 =	vld [tilespmem:s6+$0x1A0];
	v58 =	vadd.f32 v58, v34;
	v41 =	vadd.s32 v25, v41;
	[tilespmem:v6+s26+$0x0] =	vst.idx.msk $0xffff, v2  }
0x4e9: {  	v2 =	vadd.f32 v61, v34;
	v6 =	vadd.s32 v28, v38;
	v61 =	vld [tilespmem:s6+$0xFFFFFE70];
	[tilespmem:v55+s26+$0x0] =	vst.idx.msk $0xffff, v0  }
0x4ea: {  	v0 =	vadd.f32 v62, v34;
	v55 =	vadd.s32 v32, v46;
	v62 =	vld [tilespmem:s6+$0xFFFFFEB0];
	[tilespmem:v56+s26+$0x0] =	vst.idx.msk $0xffff, v58  }
0x4eb: {  	[tilespmem:v3+s26+$0x0] =	vst.idx.msk $0xffff, v2;
	v2 =	vadd.f32 v4, v34;
	v3 =	vadd.s32 v13, v50;
	v4 =	vld [tilespmem:s6+$0xFFFFFEF0]  }
0x4ec: {  	v50 =	vadd.s32 v17, v51;
	v51 =	vld [tilespmem:s6+$0xFFFFFF30];
	[tilespmem:v5+s26+$0x0] =	vst.idx.msk $0xffff, v0;
	v0 =	vadd.f32 v53, v34  }
0x4ed: {  	s12 =	sadd.s32 $0x3, s8;
	v38 =	vadd.s32 v29, v38;
	[tilespmem:v54+s26+$0x0] =	vst.idx.msk $0xffff, v2;
	v2 =	vadd.f32 v57, v34;
	v54 =	vld [tilespmem:s6+$0xFFFFFF70]  }
0x4ee: {  	v56 =	vmov s12;
	s12 =	sadd.s32 $0x7, s8;
	v46 =	vadd.s32 v63, v46;
	[tilespmem:v6+s26+$0x0] =	vst.idx.msk $0xffff, v0;
	v6 =	vadd.f32 v61, v33;
	v61 =	vld [tilespmem:s6+$0xFFFFFFB0]  }
0x4ef: {  	v52 =	vmov s12;
	v5 =	vmov s8;
	[tilespmem:v55+s26+$0x0] =	vst.idx.msk $0xffff, v2;
	v62 =	vadd.f32 v62, v33;
	v55 =	vld [tilespmem:s6+$0xFFFFFFF0]  }
0x4f0: {  	s31 =	sadd.s32 $0x1, s8;
	v5 =	vshrl.u32 v5, $0x3;
	[tilespmem:v3+s26+$0x0] =	vst.idx.msk $0xffff, v6;
	v3 =	vadd.f32 v4, v33;
	v4 =	vadd.s32 v63, v39;
	v6 =	vld [tilespmem:s6+$0x30]  }
0x4f1: {  	s11 =	sadd.s32 $0x2, s8;
	v0 =	vmov s31;
	s31 =	sadd.s32 $0x5, s8;
	v5 =	vshll.u32 v5, v1;
	v59 =	vadd.f32 v51, v33;
	v51 =	vld [tilespmem:s6+$0x70];
	[tilespmem:v50+s26+$0x0] =	vst.idx.msk $0xffff, v62  }
0x4f2: {  	s30 =	sadd.s32 $0x4, s8;
	v60 =	vld [tilespmem:s6+$0xB0];
	v2 =	vmov s11;
	v53 =	vmov s31;
	s31 =	sadd.s32 $0x9, s8;
	[tilespmem:v49+s26+$0x0] =	vst.idx.msk $0xffff, v3;
	v3 =	vadd.f32 v54, v33  }
0x4f3: {  	v39 =	vmov s30;
	v57 =	vmov s31;
	[tilespmem:v47+s26+$0x0] =	vst.idx.msk $0xffff, v59;
	v47 =	vld [tilespmem:s6+$0x1B0];
	v61 =	vadd.f32 v61, v33  }
0x4f4: {  	s12 =	sadd.s32 $0xB, s8;
	s11 =	sadd.s32 $0x6, s8;
	v62 =	vld [tilespmem:s6+$0xF0];
	v50 =	vshrl.u32 v2, $0x3;
	[tilespmem:v42+s26+$0x0] =	vst.idx.msk $0xffff, v3;
	v3 =	vadd.f32 v55, v33;
	v42 =	vadd.s32 v17, v43  }
0x4f5: {  	v54 =	vmov s11;
	s11 =	sadd.s32 $0xA, s8;
	v59 =	vmov s12;
	v43 =	vld [tilespmem:s6+$0x130];
	[tilespmem:v4+s26+$0x0] =	vst.idx.msk $0xffff, v61;
	v4 =	vadd.f32 v6, v33  }
0x4f6: {  	s30 =	sadd.s32 $0x8, s8;
	v58 =	vmov s11;
	v6 =	vadd.s32 v21, v40;
	v40 =	vld [tilespmem:s6+$0x170];
	[tilespmem:v48+s26+$0x0] =	vst.idx.msk $0xffff, v3;
	v3 =	vadd.f32 v51, v33  }
0x4f7: {  	s31 =	sadd.s32 $0xD, s8;
	v49 =	vshrl.u32 v54, $0x3;
	v55 =	vmov s30;
	v48 =	vld [tilespmem:s6+$0xFFFFFE30];
	[tilespmem:v44+s26+$0x0] =	vst.idx.msk $0xffff, v4;
	v4 =	vadd.f32 v60, v33  }
0x4f8: {  	v61 =	vmov s31;
	v44 =	vshrl.u32 v0, $0x3;
	v0 =	vadd.f32 v47, v33;
	[tilespmem:v45+s26+$0x0] =	vst.idx.msk $0xffff, v3  }
0x4f9: {  	p2 =	slt.u32 s8, $0x70;
	s30 =	sadd.s32 $0xC, s8;
	v51 =	vshrl.u32 v39, $0x3;
	v39 =	vshrl.u32 v61, $0x3;
	v3 =	vadd.f32 v62, v33;
	[tilespmem:v42+s26+$0x0] =	vst.idx.msk $0xffff, v4  }
.Ltmp9:
0x4fa: {  	s11 =	sadd.s32 $0xE, s8;
	v60 =	vmov s30;
	v47 =	vshrl.u32 v55, $0x3;
	v4 =	vadd.f32 v43, v33;
	[tilespmem:v46+s26+$0x0] =	vst.idx.msk $0xffff, v0;
	(pc) =	sbr.rel @p2 .LBB2_19-.Ltmp9, $4  }
0x4fb: {  	v62 =	vmov s11;
	v45 =	vshrl.u32 v56, $0x3;
	[tilespmem:v6+s26+$0x0] =	vst.idx.msk $0xffff, v3;
	v3 =	vadd.f32 v40, v33  }
0x4fc: {  	v46 =	vshrl.u32 v52, $0x3;
	v42 =	vshrl.u32 v58, $0x3;
	[tilespmem:v41+s26+$0x0] =	vst.idx.msk $0xffff, v4;
	v2 =	vadd.f32 v48, v33  }
0x4fd: {  	v43 =	vshrl.u32 v59, $0x3;
	v40 =	vshrl.u32 v62, $0x3;
	v48 =	vshrl.u32 v53, $0x3;
	[tilespmem:v38+s26+$0x0] =	vst.idx.msk $0xffff, v3  }
0x4fe: {  	s1 =	sadd.s32 $0xF, s8;
	s8 =	sadd.s32 $0x10, s8;
	v41 =	vshrl.u32 v60, $0x3;
	v38 =	vshrl.u32 v57, $0x3;
	[tilespmem:v37+s26+$0x0] =	vst.idx.msk $0xffff, v2;
	v37 =	vbroadcast v5, $0x0  }
0x4ff: {  	v3 =	vmov s1  }
0x500: {  	v11 =	vld [tilespmem:$0x1FE30];
	v3 =	vshrl.u32 v3, $0x3  }
0x501: {  	s6 =	sadd.s32 $0x400, s6;
	v15 =	vld [tilespmem:$0x1FEB0];
	v3 =	vshll.u32 v3, v1  }
0x502: {  	v60 =	vld [tilespmem:s6+$0x1C0];
	v3 =	vbroadcast v3, $0x0  }
0x503: {  	v0 =	vshll.u32 v44, v1;
	v44 =	vshll.u32 v49, v1;
	v61 =	vld [tilespmem:s6+$0xFFFFFE00]  }
0x504: {  	v49 =	vshll.u32 v38, v1;
	v62 =	vld [tilespmem:s6+$0xFFFFFE40];
	v38 =	vbroadcast v0, $0x0;
	v52 =	vadd.s32 v30, v3  }
0x505: {  	v19 =	vld [tilespmem:$0x1FEF0];
	v53 =	vadd.s32 v11, v37  }
0x506: {  	v2 =	vshll.u32 v50, v1;
	v54 =	vld [tilespmem:s6+$0xFFFFFE80];
	v55 =	vadd.s32 v10, v38  }
0x507: {  	v0 =	vshll.u32 v41, v1;
	v41 =	vbroadcast v2, $0x0;
	v56 =	vld [tilespmem:s6+$0xFFFFFEC0];
	v26 =	vadd.f32 v60, v36  }
0x508: {  	v4 =	vshll.u32 v45, v1;
	v58 =	vld [tilespmem:s6+$0xFFFFFF00];
	v27 =	vadd.f32 v61, v36  }
0x509: {  	v59 =	vld [tilespmem:s6+$0xFFFFFF40];
	v57 =	vadd.s32 v15, v41;
	v60 =	vadd.f32 v62, v36;
	[tilespmem:v52+s26+$0x0] =	vst.idx.msk $0xffff, v26  }
0x50a: {  	v5 =	vshll.u32 v51, v1;
	v2 =	vshll.u32 v39, v1;
	v39 =	vbroadcast v4, $0x0;
	v14 =	vld [tilespmem:$0x1FF30];
	[tilespmem:v53+s26+$0x0] =	vst.idx.msk $0xffff, v27  }
0x50b: {  	v6 =	vshll.u32 v48, v1;
	v45 =	vshll.u32 v46, v1;
	v27 =	vld [tilespmem:$0x1FF70];
	[tilespmem:v55+s26+$0x0] =	vst.idx.msk $0xffff, v60  }
0x50c: {  	v46 =	vshll.u32 v47, v1;
	v48 =	vadd.s32 v19, v39;
	v61 =	vadd.f32 v54, v36;
	v26 =	vld [tilespmem:$0x1FFB0]  }
0x50d: {  	v50 =	vshll.u32 v42, v1;
	v4 =	vshll.u32 v40, v1;
	v40 =	vbroadcast v5, $0x0;
	v52 =	vld [tilespmem:s6+$0xFFFFFF80]  }
0x50e: {  	v51 =	vshll.u32 v43, v1;
	v42 =	vbroadcast v6, $0x0;
	v43 =	vbroadcast v44, $0x0;
	[tilespmem:v57+s26+$0x0] =	vst.idx.msk $0xffff, v61  }
0x50f: {  	v44 =	vbroadcast v45, $0x0;
	v62 =	vadd.f32 v56, v36;
	v18 =	vld [tilespmem:$0x1FFF0];
	v5 =	vadd.s32 v14, v40  }
0x510: {  	v45 =	vbroadcast v46, $0x0;
	v47 =	vadd.f32 v58, v36;
	v57 =	vld [tilespmem:s6+$0x0];
	v53 =	vadd.s32 v27, v42  }
0x511: {  	v56 =	vld [tilespmem:s6+$0xFFFFFFC0];
	[tilespmem:v48+s26+$0x0] =	vst.idx.msk $0xffff, v62;
	v48 =	vadd.f32 v59, v36;
	v55 =	vadd.s32 v26, v43  }
0x512: {  	v54 =	vld [tilespmem:s6+$0x1D0];
	v59 =	vadd.s32 v30, v44;
	v30 =	vadd.f32 v52, v36;
	v52 =	vadd.s32 v11, v45  }
0x513: {  	v46 =	vbroadcast v49, $0x0;
	v60 =	vld [tilespmem:s6+$0x40]  }
0x514: {  	v49 =	vbroadcast v0, $0x0;
	v61 =	vld [tilespmem:s6+$0x80];
	v58 =	vadd.s32 v18, v3;
	[tilespmem:v5+s26+$0x0] =	vst.idx.msk $0xffff, v47;
	v47 =	vbroadcast v50, $0x0  }
0x515: {  	v6 =	vadd.s32 v10, v46;
	v0 =	vadd.f32 v57, v36;
	[tilespmem:v53+s26+$0x0] =	vst.idx.msk $0xffff, v48;
	v53 =	vld [tilespmem:s6+$0xC0];
	v48 =	vbroadcast v51, $0x0  }
0x516: {  	v62 =	vld [tilespmem:s6+$0x100];
	v5 =	vadd.f32 v56, v36;
	[tilespmem:v55+s26+$0x0] =	vst.idx.msk $0xffff, v30;
	v30 =	vadd.s32 v15, v47  }
0x517: {  	v11 =	vadd.f32 v54, v35;
	[tilespmem:v52+s26+$0x0] =	vst.idx.msk $0xffff, v0;
	v10 =	vadd.s32 v19, v48  }
0x518: {  	v50 =	vbroadcast v2, $0x0;
	v2 =	vadd.f32 v60, v36;
	v60 =	vadd.s32 v14, v49;
	[tilespmem:v59+s26+$0x0] =	vst.idx.msk $0xffff, v5  }
0x519: {  	v0 =	vadd.f32 v61, v36;
	[tilespmem:v58+s26+$0x0] =	vst.idx.msk $0xffff, v11;
	v11 =	vld [tilespmem:s6+$0x140]  }
0x51a: {  	[tilespmem:v6+s26+$0x0] =	vst.idx.msk $0xffff, v2;
	v14 =	vadd.f32 v53, v36  }
0x51b: {  	v61 =	vld [tilespmem:s6+$0x180];
	v15 =	vadd.f32 v62, v36;
	[tilespmem:v30+s26+$0x0] =	vst.idx.msk $0xffff, v0  }
0x51c: {  	v58 =	vld [tilespmem:s6+$0x1E0];
	[tilespmem:v10+s26+$0x0] =	vst.idx.msk $0xffff, v14  }
0x51d: {  	v51 =	vbroadcast v4, $0x0;
	v52 =	vadd.s32 v27, v50;
	v19 =	vld [tilespmem:$0x1FE80];
	[tilespmem:v60+s26+$0x0] =	vst.idx.msk $0xffff, v15  }
0x51e: {  	v6 =	vadd.s32 v22, v3;
	v62 =	vadd.f32 v11, v36;
	v11 =	vld [tilespmem:$0x1FEC0]  }
0x51f: {  	v27 =	vadd.s32 v26, v51  }
0x520: {  	v2 =	vld [tilespmem:s6+$0xFFFFFE50]  }
0x521: {  	v0 =	vld [tilespmem:s6+$0xFFFFFE90];
	v60 =	vadd.f32 v58, v34  }
0x522: {  	v61 =	vadd.f32 v61, v36;
	[tilespmem:v52+s26+$0x0] =	vst.idx.msk $0xffff, v62;
	v4 =	vadd.s32 v19, v38  }
0x523: {  	v14 =	vld [tilespmem:$0x1FF00];
	[tilespmem:v6+s26+$0x0] =	vst.idx.msk $0xffff, v60;
	v5 =	vadd.s32 v11, v41  }
0x524: {  	v10 =	vld [tilespmem:s6+$0xFFFFFF10];
	[tilespmem:v27+s26+$0x0] =	vst.idx.msk $0xffff, v61  }
0x525: {  	v2 =	vadd.f32 v2, v35;
	v15 =	vld [tilespmem:$0x1FF80]  }
0x526: {  	v30 =	vld [tilespmem:s6+$0xFFFFFED0];
	v0 =	vadd.f32 v0, v35  }
0x527: {  	v26 =	vld [tilespmem:s6+$0xFFFFFF90];
	[tilespmem:v4+s26+$0x0] =	vst.idx.msk $0xffff, v2  }
0x528: {  	v62 =	vld [tilespmem:s6+$0xFFFFFF50];
	v52 =	vadd.s32 v14, v39;
	[tilespmem:v5+s26+$0x0] =	vst.idx.msk $0xffff, v0  }
0x529: {  	v6 =	vadd.s32 v23, v40;
	v0 =	vadd.f32 v10, v35;
	v10 =	vld [tilespmem:$0x1FE40]  }
0x52a: {  	v27 =	vadd.s32 v15, v42  }
0x52b: {  	v60 =	vld [tilespmem:s6+$0xFFFFFFD0];
	v2 =	vadd.f32 v30, v35;
	v30 =	vadd.s32 v31, v43  }
0x52c: {  	v54 =	vld [tilespmem:s6+$0x1F0]  }
0x52d: {  	v61 =	vld [tilespmem:s6+$0x10];
	[tilespmem:v52+s26+$0x0] =	vst.idx.msk $0xffff, v2;
	v2 =	vadd.f32 v62, v35;
	v52 =	vadd.s32 v18, v44  }
0x52e: {  	v62 =	vld [tilespmem:s6+$0x50];
	[tilespmem:v6+s26+$0x0] =	vst.idx.msk $0xffff, v0;
	v0 =	vadd.f32 v26, v35;
	v3 =	vadd.s32 v10, v3  }
0x52f: {  	v18 =	vadd.s32 v7, v45;
	v26 =	vld [tilespmem:s6+$0x90];
	[tilespmem:v27+s26+$0x0] =	vst.idx.msk $0xffff, v2  }
0x530: {  	v2 =	vadd.s32 v19, v46;
	v27 =	vld [tilespmem:s6+$0xD0];
	[tilespmem:v30+s26+$0x0] =	vst.idx.msk $0xffff, v0;
	v0 =	vadd.f32 v60, v35  }
0x531: {  	v54 =	vadd.f32 v54, v33  }
0x532: {  	v5 =	vadd.f32 v61, v35;
	v30 =	vadd.s32 v11, v47;
	v60 =	vld [tilespmem:s6+$0x110];
	[tilespmem:v52+s26+$0x0] =	vst.idx.msk $0xffff, v0  }
0x533: {  	v11 =	vld [tilespmem:s6+$0x190];
	v0 =	vadd.f32 v62, v35;
	[tilespmem:v3+s26+$0x0] =	vst.idx.msk $0xffff, v54;
	v3 =	vadd.s32 v14, v48  }
0x534: {  	v61 =	vld [tilespmem:s6+$0x150];
	v62 =	vadd.s32 v23, v49;
	[tilespmem:v18+s26+$0x0] =	vst.idx.msk $0xffff, v5;
	v23 =	vadd.s32 v31, v51  }
0x535: {  	v18 =	vadd.f32 v26, v35;
	[tilespmem:v2+s26+$0x0] =	vst.idx.msk $0xffff, v0;
	v2 =	vadd.f32 v27, v35;
	v27 =	vld [tilespmem:s6+$0xFFFFFEA0]  }
0x536: {  	v19 =	vadd.s32 v15, v50;
	v0 =	vld [tilespmem:s6+$0xFFFFFE60]  }
0x537: {  	[tilespmem:v30+s26+$0x0] =	vst.idx.msk $0xffff, v18;
	v55 =	vadd.f32 v60, v35;
	v30 =	vadd.s32 v16, v41;
	v14 =	vld [tilespmem:s6+$0xFFFFFE10]  }
0x538: {  	v53 =	vadd.f32 v11, v35;
	[tilespmem:v3+s26+$0x0] =	vst.idx.msk $0xffff, v2;
	v2 =	vadd.s32 v12, v38;
	v3 =	vld [tilespmem:s6+$0xFFFFFEE0]  }
0x539: {  	v31 =	vld [tilespmem:s6+$0xFFFFFF20];
	v26 =	vadd.s32 v7, v37;
	v54 =	vadd.f32 v61, v35;
	[tilespmem:v62+s26+$0x0] =	vst.idx.msk $0xffff, v55  }
0x53a: {  	v57 =	vadd.s32 v20, v39;
	v58 =	vld [tilespmem:s6+$0xFFFFFF60];
	[tilespmem:v23+s26+$0x0] =	vst.idx.msk $0xffff, v53;
	v61 =	vadd.f32 v27, v34  }
0x53b: {  	v59 =	vadd.s32 v24, v40;
	v60 =	vld [tilespmem:s6+$0xFFFFFFA0];
	[tilespmem:v19+s26+$0x0] =	vst.idx.msk $0xffff, v54;
	v0 =	vadd.f32 v0, v34  }
0x53c: {  	v11 =	vld [tilespmem:s6+$0xFFFFFFE0];
	v62 =	vadd.s32 v28, v42;
	[tilespmem:v30+s26+$0x0] =	vst.idx.msk $0xffff, v61;
	v5 =	vadd.f32 v14, v35  }
0x53d: {  	[tilespmem:v2+s26+$0x0] =	vst.idx.msk $0xffff, v0;
	v0 =	vadd.f32 v3, v34;
	v2 =	vadd.s32 v32, v43;
	v3 =	vld [tilespmem:s6+$0x20]  }
0x53e: {  	v15 =	vadd.s32 v22, v44;
	v18 =	vld [tilespmem:s6+$0x60];
	v14 =	vadd.f32 v31, v34;
	[tilespmem:v26+s26+$0x0] =	vst.idx.msk $0xffff, v5  }
0x53f: {  	v22 =	vld [tilespmem:s6+$0xA0];
	v19 =	vadd.s32 v8, v45;
	[tilespmem:v57+s26+$0x0] =	vst.idx.msk $0xffff, v0;
	v0 =	vadd.f32 v58, v34  }
0x540: {  	v23 =	vadd.f32 v60, v34;
	v27 =	vld [tilespmem:s6+$0xE0];
	[tilespmem:v59+s26+$0x0] =	vst.idx.msk $0xffff, v14;
	v26 =	vadd.s32 v12, v46  }
0x541: {  	v30 =	vadd.s32 v16, v47;
	v31 =	vld [tilespmem:s6+$0x120];
	[tilespmem:v62+s26+$0x0] =	vst.idx.msk $0xffff, v0;
	v0 =	vadd.f32 v11, v34  }
0x542: {  	v57 =	vld [tilespmem:s6+$0x160];
	[tilespmem:v2+s26+$0x0] =	vst.idx.msk $0xffff, v23;
	v2 =	vadd.f32 v3, v34;
	v3 =	vadd.s32 v20, v48  }
0x543: {  	v59 =	vld [tilespmem:s6+$0x1A0];
	v58 =	vadd.s32 v24, v49;
	[tilespmem:v15+s26+$0x0] =	vst.idx.msk $0xffff, v0;
	v0 =	vadd.f32 v18, v34  }
0x544: {  	v60 =	vadd.f32 v22, v34;
	v61 =	vadd.s32 v28, v50;
	[tilespmem:v19+s26+$0x0] =	vst.idx.msk $0xffff, v2;
	v2 =	vld [tilespmem:s6+$0xFFFFFE20]  }
0x545: {  	v62 =	vadd.f32 v27, v34;
	v11 =	vadd.s32 v32, v51;
	[tilespmem:v26+s26+$0x0] =	vst.idx.msk $0xffff, v0;
	v0 =	vld [tilespmem:s6+$0xFFFFFE70]  }
0x546: {  	v12 =	vadd.s32 v8, v37;
	v14 =	vld [tilespmem:s6+$0xFFFFFEB0];
	[tilespmem:v30+s26+$0x0] =	vst.idx.msk $0xffff, v60;
	v6 =	vadd.f32 v31, v34  }
0x547: {  	v15 =	vld [tilespmem:s6+$0xFFFFFEF0];
	v4 =	vadd.f32 v57, v34;
	[tilespmem:v3+s26+$0x0] =	vst.idx.msk $0xffff, v62;
	v3 =	vadd.s32 v13, v38  }
0x548: {  	v16 =	vadd.s32 v17, v41;
	v18 =	vld [tilespmem:s6+$0xFFFFFF30];
	[tilespmem:v58+s26+$0x0] =	vst.idx.msk $0xffff, v6;
	v19 =	vadd.f32 v59, v34  }
0x549: {  	v20 =	vadd.s32 v21, v39;
	v22 =	vld [tilespmem:s6+$0xFFFFFF70];
	[tilespmem:v61+s26+$0x0] =	vst.idx.msk $0xffff, v4;
	v2 =	vadd.f32 v2, v34  }
0x54a: {  	v23 =	vadd.s32 v25, v40;
	v24 =	vld [tilespmem:s6+$0xFFFFFFB0];
	[tilespmem:v11+s26+$0x0] =	vst.idx.msk $0xffff, v19;
	v0 =	vadd.f32 v0, v33  }
0x54b: {  	v27 =	vld [tilespmem:s6+$0xFFFFFFF0];
	v26 =	vadd.s32 v29, v42;
	[tilespmem:v12+s26+$0x0] =	vst.idx.msk $0xffff, v2;
	v2 =	vadd.f32 v14, v33  }
0x54c: {  	v28 =	vld [tilespmem:s6+$0x30];
	[tilespmem:v3+s26+$0x0] =	vst.idx.msk $0xffff, v0;
	v0 =	vadd.f32 v15, v33;
	v3 =	vadd.s32 v63, v43  }
0x54d: {  	v30 =	vadd.s32 v10, v44;
	v31 =	vld [tilespmem:s6+$0x70];
	[tilespmem:v16+s26+$0x0] =	vst.idx.msk $0xffff, v2;
	v2 =	vadd.f32 v18, v33  }
0x54e: {  	v44 =	vadd.s32 v9, v45;
	v45 =	vld [tilespmem:s6+$0xB0];
	[tilespmem:v20+s26+$0x0] =	vst.idx.msk $0xffff, v0;
	v0 =	vadd.f32 v22, v33  }
0x54f: {  	v52 =	vadd.s32 v13, v46;
	v53 =	vld [tilespmem:s6+$0xF0];
	[tilespmem:v23+s26+$0x0] =	vst.idx.msk $0xffff, v2;
	v2 =	vadd.f32 v24, v33  }
0x550: {  	v54 =	vadd.s32 v17, v47;
	v55 =	vld [tilespmem:s6+$0x130];
	[tilespmem:v26+s26+$0x0] =	vst.idx.msk $0xffff, v0;
	v0 =	vadd.f32 v27, v33  }
0x551: {  	v56 =	vld [tilespmem:s6+$0x170];
	[tilespmem:v3+s26+$0x0] =	vst.idx.msk $0xffff, v2;
	v2 =	vadd.f32 v28, v33;
	v3 =	vadd.s32 v21, v48  }
0x552: {  	v57 =	vadd.s32 v25, v49;
	v58 =	vld [tilespmem:s6+$0x1B0];
	[tilespmem:v30+s26+$0x0] =	vst.idx.msk $0xffff, v0;
	v0 =	vadd.f32 v31, v33  }
0x553: {  	v60 =	vadd.s32 v29, v50;
	v59 =	vadd.f32 v45, v33;
	[tilespmem:v44+s26+$0x0] =	vst.idx.msk $0xffff, v2;
	v2 =	vld [tilespmem:s6+$0xFFFFFE30]  }
0x554: {  	v61 =	vadd.s32 v63, v51;
	[tilespmem:v52+s26+$0x0] =	vst.idx.msk $0xffff, v0;
	v0 =	vadd.f32 v53, v33  }
0x555: {  	[tilespmem:v54+s26+$0x0] =	vst.idx.msk $0xffff, v59;
	v62 =	vadd.s32 v9, v37;
	v63 =	vadd.f32 v55, v33  }
0x556: {  	[tilespmem:v3+s26+$0x0] =	vst.idx.msk $0xffff, v0;
	v0 =	vadd.f32 v56, v33  }
0x557: {  	s30 =	sshll.u32 s5, $0x12;
	[tilespmem:v57+s26+$0x0] =	vst.idx.msk $0xffff, v63;
	v3 =	vadd.f32 v58, v33  }
0x558: {  	s1 =	sor.u32 s7, s30;
	[tilespmem:v60+s26+$0x0] =	vst.idx.msk $0xffff, v0;
	v0 =	vadd.f32 v2, v33  }
0x559: {  	s1 =	sshrl.u32 s1, $0x3;
	[tilespmem:v61+s26+$0x0] =	vst.idx.msk $0xffff, v3  }
0x55a: {  	s31 =	simm.s32 $0x19C00;
	s6 =	sadd.s32 s2, s1;
	[tilespmem:v62+s26+$0x0] =	vst.idx.msk $0xffff, v0  }
0x55b: {  	[hbm4b:s6+s3] =	stream.linear.scatter [tilespmem:s31], [sflag:$0x9], $0x80, $0x38;
	[tilespmem:$0x1E000] =	vst v63  }
0x55c: {  	s5 =	simm.s32 $0x19C88;
	s8 =	sadd.s32 $0x10, s6  }
0x55d: {  	[hbm4b:s8+s3] =	stream.linear.scatter [tilespmem:s5], [sflag:$0x9], $0x80, $0x38;
	[tilespmem:$0x1E000] =	vst v63  }
0x55e: {  	s11 =	simm.s32 $0x19D10;
	s30 =	simm.s32 $0x19D98;
	s12 =	sadd.s32 $0x20, s6  }
0x55f: {  	[hbm4b:s12+s3] =	stream.linear.scatter [tilespmem:s11], [sflag:$0x9], $0x80, $0x38;
	[tilespmem:$0x1E000] =	vst v63  }
0x560: {  	s1 =	simm.s32 $0x19FB8;
	s31 =	sadd.s32 $0x30, s6;
	s5 =	simm.s32 $0x19E20  }
0x561: {  	[hbm4b:s31+s3] =	stream.linear.scatter [tilespmem:s30], [sflag:$0x9], $0x80, $0x38;
	[tilespmem:$0x1E000] =	vst v63  }
0x562: {  	s8 =	sadd.s32 $0x40, s6;
	s11 =	simm.s32 $0x19EA8;
	s12 =	sadd.s32 $0x50, s6  }
0x563: {  	[hbm4b:s8+s3] =	stream.linear.scatter [tilespmem:s5], [sflag:$0x9], $0x80, $0x38;
	[tilespmem:$0x1E000] =	vst v63  }
0x564: {  	s30 =	simm.s32 $0x19F30;
	s31 =	sadd.s32 $0x60, s6;
	s5 =	simm.s32 $0x440  }
0x565: {  	[hbm4b:s12+s3] =	stream.linear.scatter [tilespmem:s11], [sflag:$0x9], $0x80, $0x38;
	[tilespmem:$0x1E000] =	vst v63  }
0x566: {  	s8 =	simm.s32 $0x2200;
	s11 =	sadd.s32 $0x70, s6;
	s6 =	sadd.s32 $0x1000, s6  }
0x567: {  	[hbm4b:s31+s3] =	stream.linear.scatter [tilespmem:s30], [sflag:$0x9], $0x80, $0x38;
	[tilespmem:$0x1E000] =	vst v63  }
.LBB2_21:
0x568: {  	[hbm4b:s11+s3] =	stream.linear.scatter [tilespmem:s1], [sflag:$0x9], $0x80, $0x38;
	[tilespmem:$0x1E000] =	vst v63  }
0x569: {  	s1 =	smov.u32 s5;
	s5 =	smov.u32 s8  }
0x56a: {  	s12 =	sadd.s32 $0x1100, s8;
	s5 =	sshra.s32 s5, $0x2;
	s11 =	sadd.s32 $0x19C00, s1  }
0x56b: {  	[hbm4b:s6+s3] =	stream.linear.scatter [tilespmem:s11], [sflag:$0x9], $0x80, $0x38;
	[tilespmem:$0x1E000] =	vst v63  }
0x56c: {  	p2 =	sne.s32 s8, $0x7700;
	s8 =	sadd.s32 $0x19C88, s1;
	s11 =	sadd.s32 $0x10, s6  }
0x56d: {  	[hbm4b:s11+s3] =	stream.linear.scatter [tilespmem:s8], [sflag:$0x9], $0x80, $0x38;
	[tilespmem:$0x1E000] =	vst v63  }
0x56e: {  	s8 =	sadd.s32 $0x19D10, s1;
	s11 =	sadd.s32 $0x20, s6  }
0x56f: {  	[hbm4b:s11+s3] =	stream.linear.scatter [tilespmem:s8], [sflag:$0x9], $0x80, $0x38;
	[tilespmem:$0x1E000] =	vst v63  }
0x570: {  	s8 =	sadd.s32 $0x19D98, s1;
	s11 =	sadd.s32 $0x30, s6  }
0x571: {  	[hbm4b:s11+s3] =	stream.linear.scatter [tilespmem:s8], [sflag:$0x9], $0x80, $0x38;
	[tilespmem:$0x1E000] =	vst v63  }
0x572: {  	s8 =	sadd.s32 $0x19E20, s1;
	s11 =	sadd.s32 $0x40, s6  }
0x573: {  	[hbm4b:s11+s3] =	stream.linear.scatter [tilespmem:s8], [sflag:$0x9], $0x80, $0x38;
	[tilespmem:$0x1E000] =	vst v63  }
.Ltmp10:
0x574: {  	s8 =	sadd.s32 $0x19EA8, s1;
	s11 =	sadd.s32 $0x50, s6;
	(pc) =	sbr.rel @p2 .LBB2_21-.Ltmp10, $4  }
0x575: {  	[hbm4b:s11+s3] =	stream.linear.scatter [tilespmem:s8], [sflag:$0x9], $0x80, $0x38;
	[tilespmem:$0x1E000] =	vst v63  }
0x576: {  	s8 =	sadd.s32 $0x19F30, s1;
	s11 =	sadd.s32 $0x60, s6;
	s1 =	sadd.s32 $0x19FB8, s1  }
0x577: {  	[hbm4b:s11+s3] =	stream.linear.scatter [tilespmem:s8], [sflag:$0x9], $0x80, $0x38;
	[tilespmem:$0x1E000] =	vst v63  }
0x578: {  	s11 =	sadd.s32 $0x70, s6;
	s6 =	sadd.s32 $0x1000, s6;
	s8 =	smov.u32 s12  }
0x579: {  	[hbm4b:s11+s3] =	stream.linear.scatter [tilespmem:s1], [sflag:$0x9], $0x80, $0x38;
	[tilespmem:$0x1E000] =	vst v63  }
0x57a: {  	s30 =	sadd.s32 $0x19C00, s5  }
0x57b: {  	[hbm4b:s6+s3] =	stream.linear.scatter [tilespmem:s30], [sflag:$0x9], $0x80, $0x38;
	[tilespmem:$0x1E000] =	vst v63  }
0x57c: {  	s31 =	sadd.s32 $0x19C88, s5;
	s8 =	sadd.s32 $0x10, s6  }
0x57d: {  	[hbm4b:s8+s3] =	stream.linear.scatter [tilespmem:s31], [sflag:$0x9], $0x80, $0x38;
	[tilespmem:$0x1E000] =	vst v63  }
0x57e: {  	s11 =	sadd.s32 $0x19D10, s5;
	s12 =	sadd.s32 $0x20, s6  }
0x57f: {  	[hbm4b:s12+s3] =	stream.linear.scatter [tilespmem:s11], [sflag:$0x9], $0x80, $0x38;
	[tilespmem:$0x1E000] =	vst v63  }
0x580: {  	s30 =	sadd.s32 $0x19D98, s5;
	s31 =	sadd.s32 $0x30, s6  }
0x581: {  	[hbm4b:s31+s3] =	stream.linear.scatter [tilespmem:s30], [sflag:$0x9], $0x80, $0x38;
	[tilespmem:$0x1E000] =	vst v63  }
0x582: {  	s11 =	sadd.s32 $0x19E20, s5;
	s12 =	sadd.s32 $0x40, s6  }
0x583: {  	[hbm4b:s12+s3] =	stream.linear.scatter [tilespmem:s11], [sflag:$0x9], $0x80, $0x38;
	[tilespmem:$0x1E000] =	vst v63  }
0x584: {  	s30 =	sadd.s32 $0x19EA8, s5;
	s31 =	sadd.s32 $0x50, s6  }
0x585: {  	[hbm4b:s31+s3] =	stream.linear.scatter [tilespmem:s30], [sflag:$0x9], $0x80, $0x38;
	[tilespmem:$0x1E000] =	vst v63  }
.Ltmp11:
0x586: {  	_ = 	snop;
	(pc) =	sbr.rel @!p1 .LBB2_23-.Ltmp11, $4  }
0x587: {  	s11 =	sadd.s32 $0x19F30, s5;
	s12 =	sadd.s32 $0x60, s6  }
0x588: {  	[hbm4b:s12+s3] =	stream.linear.scatter [tilespmem:s11], [sflag:$0x9], $0x80, $0x38;
	[tilespmem:$0x1E000] =	vst v63  }
0x589: {  	s30 =	sadd.s32 $0x19FB8, s5;
	s31 =	sadd.s32 $0x70, s6  }
0x58a: {  	[hbm4b:s31+s3] =	stream.linear.scatter [tilespmem:s30], [sflag:$0x9], $0x80, $0x38;
	[tilespmem:$0x1E000] =	vst v63  }
0x58b: {  	_ =	swait.ge [sflag:s10], $0x2000  }
0x58c: {  	[sflag:s10] =	ssyncset.done $0x0  }
.Ltmp12:
0x58d: {  	[sflag:s10] =	ssyncadd.s32 $0xFFFFE000;
	(pc) =	sbr.rel @p0 .LBB2_26-.Ltmp12, $4  }
.Ltmp13:
0x58e: {  	_ =	swait.ge [sflag:s28], $0x2000;
	(pc) =	sbr.rel @!p0 .LBB2_25-.Ltmp13, $4  }
0x58f: {  	v10 =	vld [tilespmem:$0x1FE00]  }
0x590: {  	[sflag:s28] =	ssyncset.done $0x0;
	v30 =	vld [tilespmem:$0x1FE10]  }
0x591: {  	v22 =	vld [tilespmem:$0x1FE20];
	[sflag:s28] =	ssyncadd.s32 $0xFFFFE000  }
0x592: {  	_ = 	snop  }
.LBB2_23:
0x593: {  	_ =	swait.ge [sflag:s28], $0x2000  }
0x594: {  	v10 =	vld [tilespmem:$0x1FE00]  }
0x595: {  	[sflag:s28] =	ssyncset.done $0x0;
	v30 =	vld [tilespmem:$0x1FE10]  }
0x596: {  	v22 =	vld [tilespmem:$0x1FE20];
	[sflag:s28] =	ssyncadd.s32 $0xFFFFE000  }
.LBB2_25:
0x597: {  	s1 =	smul.u32 $0xA00, s13;
	_ =	sdelay $0x1  }
0x598: {  	s1 =	sshra.s32 s1, $0x2  }
0x599: {  	s1 =	sadd.s32 $0x380, s1  }
0x59a: {  	[tilespmem:s16], [sflag:$0x3] =	stream.indirect.gather [hbm4b:s4+s9], $0x40, s1, s9, $0xb8;
	[tilespmem:$0x1E000] =	vst v63  }
.LBB2_26:
0x59b: {  	s1 =	simm.s32 $0x0  }
0x59c: {  	s11 =	simm.s32 $0x1;
	s5 =	simm.s32 $0x2;
	s6 =	simm.s32 $0x3;
	v0 =	vmov s1  }
0x59d: {  	s12 =	simm.s32 $0x4;
	s30 =	simm.s32 $0x5;
	s31 =	simm.s32 $0x6;
	v2 =	vmov s11;
	v3 =	vmov s5;
	v4 =	vmov s6  }
0x59e: {  	s8 =	simm.s32 $0x8;
	v5 =	vmov s12;
	v6 =	vmov s30;
	v33 =	vmov s31;
	s6 =	simm.s32 $0x7  }
0x59f: {  	s11 =	simm.s32 $0x9;
	v35 =	vmov s8;
	s12 =	simm.s32 $0xA;
	s31 =	simm.s32 $0xC;
	v0 =	vshrl.u32 v0, $0x3;
	v34 =	vmov s6  }
0x5a0: {  	s5 =	simm.s32 $0xD;
	v36 =	vmov s11;
	v37 =	vmov s12;
	v39 =	vmov s31  }
0x5a1: {  	v40 =	vmov s5;
	v2 =	vshrl.u32 v2, $0x3;
	v3 =	vshrl.u32 v3, $0x3  }
0x5a2: {  	v14 =	vld [tilespmem:$0x1FE30];
	s6 =	simm.s32 $0xE;
	v4 =	vshrl.u32 v4, $0x3;
	v5 =	vshrl.u32 v5, $0x3;
	v6 =	vshrl.u32 v6, $0x3  }
0x5a3: {  	v11 =	vld [tilespmem:$0x1FEB0];
	v42 =	vshrl.u32 v33, $0x3;
	v44 =	vshrl.u32 v35, $0x3;
	v41 =	vmov s6  }
0x5a4: {  	v12 =	vld [tilespmem:$0x1FEF0];
	s8 =	sshll.u32 s15, $0x6;
	s11 =	simm.s32 $0xF;
	v0 =	vshll.u32 v0, v1;
	v43 =	vshrl.u32 v34, $0x3;
	v45 =	vshrl.u32 v36, $0x3  }
0x5a5: {  	v9 =	vld [tilespmem:$0x1FF30];
	s1 =	sand.u32 $0x3FFFFFC0, s8;
	v46 =	vshrl.u32 v37, $0x3;
	v39 =	vshrl.u32 v39, $0x3;
	v60 =	vmov s11  }
0x5a6: {  	s5 =	simm.s32 $0x11800;
	v36 =	vld [tilespmem:s1+$0x6400];
	v2 =	vshll.u32 v2, v1;
	v37 =	vbroadcast v0, $0x0;
	v61 =	vshrl.u32 v60, $0x3  }
0x5a7: {  	v63 =	vld [tilespmem:s5+$0xFFFFFE00];
	v0 =	vshrl.u32 v40, $0x3;
	v40 =	vshrl.u32 v41, $0x3;
	v41 =	vshll.u32 v61, v1  }
0x5a8: {  	v3 =	vshll.u32 v3, v1;
	v4 =	vshll.u32 v4, v1;
	v62 =	vld [tilespmem:s5+$0x1C0];
	v53 =	vbroadcast v41, $0x0  }
0x5a9: {  	v54 =	vshll.u32 v45, v1;
	v45 =	vld [tilespmem:s5+$0xFFFFFE40];
	v50 =	vbroadcast v2, $0x0;
	v32 =	vadd.s32 v14, v37  }
0x5aa: {  	v35 =	vld [tilespmem:s1+$0x6410];
	v5 =	vshll.u32 v5, v1;
	v2 =	vshll.u32 v39, v1;
	v39 =	vadd.s32 v30, v53  }
0x5ab: {  	v34 =	vld [tilespmem:s1+$0x6420];
	v6 =	vshll.u32 v6, v1;
	v51 =	vbroadcast v3, $0x0;
	v3 =	vadd.s32 v10, v50  }
0x5ac: {  	v52 =	vshll.u32 v44, v1;
	v48 =	vld [tilespmem:s5+$0xFFFFFE80];
	v49 =	vbroadcast v4, $0x0;
	v58 =	vadd.f32 v63, v36  }
0x5ad: {  	v33 =	vld [tilespmem:s1+$0x6430];
	v47 =	vbroadcast v5, $0x0;
	v4 =	vshll.u32 v40, v1;
	v5 =	vadd.f32 v62, v36  }
0x5ae: {  	v56 =	vld [tilespmem:s5+$0xFFFFFEC0];
	v44 =	vbroadcast v6, $0x0;
	v40 =	vadd.s32 v11, v51;
	v6 =	vadd.f32 v45, v36;
	[tilespmem:v32+s29+$0x0] =	vst.idx.msk $0xffff, v58  }
0x5af: {  	v57 =	vld [tilespmem:s5+$0xFFFFFF00];
	[tilespmem:v39+s29+$0x0] =	vst.idx.msk $0xffff, v5  }
0x5b0: {  	v13 =	vld [tilespmem:$0x1FF70];
	[tilespmem:v3+s29+$0x0] =	vst.idx.msk $0xffff, v6  }
0x5b1: {  	s30 =	simm.s32 $0xB;
	v5 =	vadd.f32 v48, v36;
	v8 =	vld [tilespmem:$0x1FFB0]  }
0x5b2: {  	v38 =	vmov s30;
	v42 =	vshll.u32 v42, v1;
	v43 =	vshll.u32 v43, v1;
	v60 =	vld [tilespmem:s5+$0xFFFFFF40]  }
0x5b3: {  	v38 =	vshrl.u32 v38, $0x3;
	v55 =	vshll.u32 v46, v1;
	v59 =	vadd.s32 v12, v49;
	v62 =	vld [tilespmem:s5+$0xFFFFFF80];
	[tilespmem:v40+s29+$0x0] =	vst.idx.msk $0xffff, v5  }
0x5b4: {  	v38 =	vshll.u32 v38, v1;
	v61 =	vadd.s32 v9, v47;
	v41 =	vbroadcast v42, $0x0;
	v7 =	vld [tilespmem:$0x1FFF0]  }
0x5b5: {  	v45 =	vbroadcast v52, $0x0;
	v48 =	vbroadcast v43, $0x0;
	v43 =	vld [tilespmem:s5+$0x0];
	v39 =	vadd.s32 v13, v44  }
0x5b6: {  	v0 =	vshll.u32 v0, v1;
	v32 =	vld [tilespmem:s5+$0xFFFFFFC0];
	v3 =	vadd.f32 v56, v36;
	v6 =	vadd.s32 v8, v41  }
0x5b7: {  	v46 =	vbroadcast v54, $0x0;
	v54 =	vadd.s32 v14, v45;
	v58 =	vld [tilespmem:s5+$0x1D0];
	v5 =	vadd.f32 v57, v36  }
0x5b8: {  	v42 =	vbroadcast v55, $0x0;
	v57 =	vadd.s32 v30, v48;
	[tilespmem:v59+s29+$0x0] =	vst.idx.msk $0xffff, v3;
	v3 =	vadd.f32 v60, v36;
	v59 =	vld [tilespmem:s5+$0x40]  }
0x5b9: {  	v40 =	vbroadcast v2, $0x0;
	v60 =	vld [tilespmem:s5+$0x80];
	[tilespmem:v61+s29+$0x0] =	vst.idx.msk $0xffff, v5;
	v5 =	vadd.f32 v62, v36;
	v52 =	vadd.s32 v7, v53  }
0x5ba: {  	v55 =	vld [tilespmem:s5+$0xC0];
	v2 =	vadd.f32 v43, v36;
	[tilespmem:v39+s29+$0x0] =	vst.idx.msk $0xffff, v3;
	v3 =	vadd.s32 v10, v46;
	v39 =	vbroadcast v38, $0x0  }
0x5bb: {  	[tilespmem:v6+s29+$0x0] =	vst.idx.msk $0xffff, v5;
	v5 =	vadd.f32 v32, v36;
	v6 =	vadd.s32 v11, v42;
	v32 =	vld [tilespmem:s5+$0x100]  }
0x5bc: {  	v62 =	vld [tilespmem:s5+$0x140];
	v58 =	vadd.f32 v58, v35;
	[tilespmem:v54+s29+$0x0] =	vst.idx.msk $0xffff, v2;
	v38 =	vbroadcast v0, $0x0;
	v61 =	vadd.s32 v12, v39  }
0x5bd: {  	v0 =	vadd.f32 v59, v36;
	[tilespmem:v57+s29+$0x0] =	vst.idx.msk $0xffff, v5;
	v5 =	vadd.s32 v9, v40  }
0x5be: {  	v43 =	vbroadcast v4, $0x0;
	v4 =	vld [tilespmem:s5+$0xFFFFFE50];
	v2 =	vadd.f32 v60, v36;
	[tilespmem:v52+s29+$0x0] =	vst.idx.msk $0xffff, v58;
	v54 =	vadd.s32 v13, v38  }
0x5bf: {  	v52 =	vld [tilespmem:s5+$0x1E0];
	[tilespmem:v3+s29+$0x0] =	vst.idx.msk $0xffff, v0;
	v0 =	vadd.f32 v55, v36  }
0x5c0: {  	v57 =	vld [tilespmem:s5+$0x180];
	[tilespmem:v6+s29+$0x0] =	vst.idx.msk $0xffff, v2;
	v2 =	vadd.f32 v32, v36  }
0x5c1: {  	v13 =	vld [tilespmem:$0x1FE80];
	[tilespmem:v61+s29+$0x0] =	vst.idx.msk $0xffff, v0;
	v0 =	vadd.f32 v62, v36  }
0x5c2: {  	v6 =	vadd.s32 v8, v43;
	v8 =	vld [tilespmem:$0x1FEC0];
	[tilespmem:v5+s29+$0x0] =	vst.idx.msk $0xffff, v2  }
0x5c3: {  	v11 =	vld [tilespmem:$0x1FF00];
	[tilespmem:v54+s29+$0x0] =	vst.idx.msk $0xffff, v0  }
0x5c4: {  	v3 =	vadd.s32 v22, v53;
	v23 =	vld [tilespmem:$0x1FF40]  }
0x5c5: {  	v55 =	vld [tilespmem:s5+$0xFFFFFE90]  }
0x5c6: {  	v32 =	vld [tilespmem:s5+$0xFFFFFED0];
	v56 =	vadd.s32 v13, v50  }
0x5c7: {  	v60 =	vld [tilespmem:s5+$0xFFFFFF10];
	v2 =	vadd.f32 v52, v34;
	v59 =	vadd.s32 v8, v51  }
0x5c8: {  	v0 =	vadd.f32 v57, v36;
	v5 =	vadd.s32 v11, v49  }
0x5c9: {  	v4 =	vadd.f32 v4, v35;
	[tilespmem:v3+s29+$0x0] =	vst.idx.msk $0xffff, v2;
	v54 =	vadd.s32 v23, v47  }
0x5ca: {  	v2 =	vadd.f32 v55, v35;
	v12 =	vld [tilespmem:$0x1FF80];
	[tilespmem:v6+s29+$0x0] =	vst.idx.msk $0xffff, v0  }
0x5cb: {  	v61 =	vld [tilespmem:s5+$0xFFFFFF90];
	[tilespmem:v56+s29+$0x0] =	vst.idx.msk $0xffff, v4;
	v4 =	vadd.f32 v32, v35  }
0x5cc: {  	v31 =	vld [tilespmem:$0x1FFC0];
	[tilespmem:v59+s29+$0x0] =	vst.idx.msk $0xffff, v2;
	v2 =	vadd.f32 v60, v35  }
0x5cd: {  	v9 =	vld [tilespmem:$0x1FE40];
	[tilespmem:v5+s29+$0x0] =	vst.idx.msk $0xffff, v4  }
0x5ce: {  	v52 =	vld [tilespmem:s5+$0xFFFFFF50];
	[tilespmem:v54+s29+$0x0] =	vst.idx.msk $0xffff, v2  }
0x5cf: {  	v5 =	vadd.s32 v7, v48;
	v7 =	vld [tilespmem:$0x1FE50]  }
0x5d0: {  	v0 =	vld [tilespmem:s5+$0x1F0];
	v3 =	vadd.s32 v12, v44  }
0x5d1: {  	v62 =	vld [tilespmem:s5+$0xFFFFFFD0];
	v6 =	vadd.s32 v31, v41  }
0x5d2: {  	v63 =	vld [tilespmem:s5+$0x10];
	v53 =	vadd.s32 v9, v53  }
0x5d3: {  	v32 =	vld [tilespmem:s5+$0x50];
	v4 =	vadd.f32 v52, v35  }
0x5d4: {  	v2 =	vadd.f32 v61, v35;
	v61 =	vld [tilespmem:s5+$0x90];
	v60 =	vadd.s32 v7, v45  }
0x5d5: {  	v0 =	vadd.f32 v0, v33;
	[tilespmem:v3+s29+$0x0] =	vst.idx.msk $0xffff, v4;
	v3 =	vadd.s32 v13, v46  }
0x5d6: {  	v4 =	vld [tilespmem:s5+$0xD0];
	[tilespmem:v6+s29+$0x0] =	vst.idx.msk $0xffff, v2;
	v2 =	vadd.f32 v62, v35;
	v6 =	vadd.s32 v8, v42  }
0x5d7: {  	v55 =	vld [tilespmem:s5+$0x110];
	v56 =	vadd.f32 v63, v35;
	[tilespmem:v53+s29+$0x0] =	vst.idx.msk $0xffff, v0  }
0x5d8: {  	v58 =	vadd.s32 v11, v39;
	v0 =	vadd.f32 v32, v35;
	[tilespmem:v5+s29+$0x0] =	vst.idx.msk $0xffff, v2  }
0x5d9: {  	v63 =	vld [tilespmem:s5+$0xFFFFFE10];
	v32 =	vadd.f32 v61, v35;
	v2 =	vadd.s32 v23, v40;
	[tilespmem:v60+s29+$0x0] =	vst.idx.msk $0xffff, v56  }
0x5da: {  	v62 =	vld [tilespmem:s5+$0x150];
	[tilespmem:v3+s29+$0x0] =	vst.idx.msk $0xffff, v0  }
0x5db: {  	v5 =	vld [tilespmem:s5+$0x190];
	v0 =	vadd.f32 v4, v35;
	[tilespmem:v6+s29+$0x0] =	vst.idx.msk $0xffff, v32  }
0x5dc: {  	v60 =	vadd.s32 v12, v38;
	v6 =	vadd.f32 v55, v35;
	v12 =	vld [tilespmem:$0x1FE90]  }
0x5dd: {  	v61 =	vld [tilespmem:s5+$0xFFFFFE60];
	v3 =	vadd.s32 v31, v43;
	[tilespmem:v58+s29+$0x0] =	vst.idx.msk $0xffff, v0  }
0x5de: {  	v4 =	vadd.s32 v7, v37;
	v16 =	vld [tilespmem:$0x1FED0];
	[tilespmem:v2+s29+$0x0] =	vst.idx.msk $0xffff, v6  }
0x5df: {  	v0 =	vadd.f32 v62, v35;
	v20 =	vld [tilespmem:$0x1FF10]  }
0x5e0: {  	v57 =	vld [tilespmem:s5+$0xFFFFFEA0];
	v2 =	vadd.f32 v5, v35  }
0x5e1: {  	v32 =	vld [tilespmem:s5+$0xFFFFFEE0];
	v5 =	vadd.f32 v63, v35;
	[tilespmem:v60+s29+$0x0] =	vst.idx.msk $0xffff, v0;
	v53 =	vadd.s32 v12, v50  }
0x5e2: {  	v24 =	vld [tilespmem:$0x1FF50];
	[tilespmem:v3+s29+$0x0] =	vst.idx.msk $0xffff, v2  }
0x5e3: {  	v62 =	vld [tilespmem:s5+$0xFFFFFF20];
	[tilespmem:v4+s29+$0x0] =	vst.idx.msk $0xffff, v5;
	v58 =	vadd.s32 v16, v51  }
0x5e4: {  	v0 =	vadd.f32 v61, v34;
	v28 =	vld [tilespmem:$0x1FF90];
	v6 =	vadd.s32 v20, v49  }
0x5e5: {  	v63 =	vld [tilespmem:s5+$0xFFFFFF60]  }
0x5e6: {  	v61 =	vld [tilespmem:s5+$0xFFFFFFA0];
	v2 =	vadd.f32 v57, v34;
	[tilespmem:v53+s29+$0x0] =	vst.idx.msk $0xffff, v0  }
0x5e7: {  	v0 =	vadd.f32 v32, v34;
	v32 =	vld [tilespmem:$0x1FFD0]  }
0x5e8: {  	v4 =	vld [tilespmem:s5+$0xFFFFFFE0];
	v60 =	vadd.s32 v24, v47;
	[tilespmem:v58+s29+$0x0] =	vst.idx.msk $0xffff, v2  }
0x5e9: {  	v3 =	vadd.s32 v28, v44;
	v53 =	vld [tilespmem:s5+$0x20];
	[tilespmem:v6+s29+$0x0] =	vst.idx.msk $0xffff, v0  }
0x5ea: {  	v8 =	vld [tilespmem:$0x1FE60]  }
0x5eb: {  	v55 =	vadd.s32 v22, v48;
	v2 =	vadd.f32 v62, v34;
	v62 =	vld [tilespmem:s5+$0x60]  }
0x5ec: {  	v58 =	vld [tilespmem:s5+$0xFFFFFE20];
	v0 =	vadd.f32 v63, v34;
	v5 =	vadd.s32 v32, v41  }
0x5ed: {  	v52 =	vld [tilespmem:s5+$0xFFFFFE70];
	[tilespmem:v60+s29+$0x0] =	vst.idx.msk $0xffff, v2  }
0x5ee: {  	v63 =	vld [tilespmem:s5+$0xA0];
	v60 =	vadd.s32 v12, v46;
	[tilespmem:v3+s29+$0x0] =	vst.idx.msk $0xffff, v0;
	v0 =	vadd.f32 v4, v34  }
0x5ef: {  	v59 =	vld [tilespmem:s5+$0xFFFFFEB0];
	v2 =	vadd.f32 v61, v34;
	v6 =	vadd.s32 v8, v45  }
0x5f0: {  	v61 =	vld [tilespmem:s5+$0xE0];
	[tilespmem:v55+s29+$0x0] =	vst.idx.msk $0xffff, v0  }
0x5f1: {  	v3 =	vld [tilespmem:s5+$0x120];
	v0 =	vadd.f32 v62, v34;
	[tilespmem:v5+s29+$0x0] =	vst.idx.msk $0xffff, v2;
	v5 =	vadd.s32 v16, v42  }
0x5f2: {  	v4 =	vld [tilespmem:s5+$0x160];
	v2 =	vadd.f32 v53, v34  }
0x5f3: {  	v55 =	vadd.s32 v20, v39;
	[tilespmem:v60+s29+$0x0] =	vst.idx.msk $0xffff, v0;
	v60 =	vld [tilespmem:s5+$0xFFFFFEF0]  }
0x5f4: {  	v53 =	vld [tilespmem:s5+$0x1A0];
	[tilespmem:v6+s29+$0x0] =	vst.idx.msk $0xffff, v2;
	v2 =	vadd.f32 v63, v34  }
0x5f5: {  	v57 =	vadd.s32 v24, v40;
	v13 =	vld [tilespmem:$0x1FEA0]  }
0x5f6: {  	v0 =	vadd.f32 v61, v34;
	v6 =	vadd.s32 v28, v38;
	v62 =	vld [tilespmem:s5+$0x30];
	[tilespmem:v5+s29+$0x0] =	vst.idx.msk $0xffff, v2  }
0x5f7: {  	s12 =	simm.s32 $0x10;
	v54 =	vadd.s32 v32, v43;
	v17 =	vld [tilespmem:$0x1FEE0]  }
0x5f8: {  	v56 =	vadd.s32 v8, v37;
	v3 =	vadd.f32 v3, v34;
	v2 =	vmov s12;
	[tilespmem:v55+s29+$0x0] =	vst.idx.msk $0xffff, v0;
	v55 =	vld [tilespmem:s5+$0xFFFFFF70]  }
0x5f9: {  	v4 =	vadd.f32 v4, v34;
	v0 =	vshrl.u32 v2, $0x3;
	v2 =	vadd.f32 v58, v34;
	v58 =	vld [tilespmem:s5+$0xFFFFFFF0]  }
0x5fa: {  	v53 =	vadd.f32 v53, v34;
	v21 =	vld [tilespmem:$0x1FF20];
	[tilespmem:v57+s29+$0x0] =	vst.idx.msk $0xffff, v3  }
0x5fb: {  	v25 =	vld [tilespmem:$0x1FF60];
	[tilespmem:v6+s29+$0x0] =	vst.idx.msk $0xffff, v4  }
0x5fc: {  	v29 =	vld [tilespmem:$0x1FFA0];
	[tilespmem:v54+s29+$0x0] =	vst.idx.msk $0xffff, v53  }
0x5fd: {  	s30 =	simm.s32 $0x11;
	v48 =	vadd.s32 v9, v48;
	v52 =	vadd.f32 v52, v33;
	v50 =	vadd.s32 v13, v50;
	v63 =	vld [tilespmem:$0x1FFE0]  }
0x5fe: {  	s31 =	simm.s32 $0x12;
	v3 =	vmov s30;
	v0 =	vshll.u32 v0, v1;
	[tilespmem:v56+s29+$0x0] =	vst.idx.msk $0xffff, v2;
	v56 =	vld [tilespmem:s5+$0x70];
	v5 =	vadd.s32 v17, v51  }
0x5ff: {  	v4 =	vmov s31;
	v6 =	vadd.f32 v59, v33;
	v51 =	vld [tilespmem:s5+$0xFFFFFF30];
	v49 =	vadd.s32 v21, v49  }
0x600: {  	v46 =	vadd.s32 v13, v46;
	v54 =	vadd.f32 v60, v33;
	v60 =	vadd.f32 v55, v33;
	v55 =	vld [tilespmem:s5+$0xB0]  }
0x601: {  	s6 =	simm.s32 $0x13;
	v57 =	vld [tilespmem:s5+$0xFFFFFFB0];
	v42 =	vadd.s32 v17, v42;
	v39 =	vadd.s32 v21, v39;
	v47 =	vadd.s32 v25, v47  }
0x602: {  	s8 =	simm.s32 $0x14;
	v53 =	vmov s6;
	v59 =	vld [tilespmem:s5+$0x170];
	[tilespmem:v50+s29+$0x0] =	vst.idx.msk $0xffff, v52;
	v40 =	vadd.s32 v25, v40;
	v44 =	vadd.s32 v29, v44  }
0x603: {  	s11 =	simm.s32 $0x15;
	v2 =	vmov s8;
	v9 =	vld [tilespmem:$0x1FE70];
	v38 =	vadd.s32 v29, v38;
	v61 =	vadd.f32 v56, v33;
	[tilespmem:v5+s29+$0x0] =	vst.idx.msk $0xffff, v6  }
0x604: {  	v52 =	vmov s11;
	s11 =	simm.s32 $0x1B;
	v41 =	vadd.s32 v63, v41;
	v51 =	vadd.f32 v51, v33;
	[tilespmem:v49+s29+$0x0] =	vst.idx.msk $0xffff, v54  }
0x605: {  	s12 =	simm.s32 $0x16;
	s30 =	simm.s32 $0x17;
	v50 =	vld [tilespmem:s5+$0x1B0];
	v56 =	vmov s11;
	v43 =	vadd.s32 v63, v43;
	v55 =	vadd.f32 v55, v33;
	[tilespmem:v46+s29+$0x0] =	vst.idx.msk $0xffff, v61  }
0x606: {  	s31 =	simm.s32 $0x18;
	v5 =	vmov s12;
	v6 =	vadd.f32 v57, v33;
	v57 =	vld [tilespmem:s5+$0xF0];
	v54 =	vmov s30;
	[tilespmem:v47+s29+$0x0] =	vst.idx.msk $0xffff, v51  }
0x607: {  	v49 =	vadd.f32 v58, v33;
	v47 =	vmov s31;
	v51 =	vadd.f32 v62, v33;
	[tilespmem:v42+s29+$0x0] =	vst.idx.msk $0xffff, v55  }
0x608: {  	s6 =	simm.s32 $0x19;
	v58 =	vld [tilespmem:s5+$0x130];
	s31 =	simm.s32 $0x1E;
	v62 =	vadd.f32 v59, v33;
	v46 =	vshrl.u32 v54, $0x3;
	v45 =	vadd.s32 v9, v45;
	[tilespmem:v44+s29+$0x0] =	vst.idx.msk $0xffff, v60  }
0x609: {  	v60 =	vmov s6;
	v37 =	vadd.s32 v9, v37;
	v61 =	vmov s31;
	[tilespmem:v41+s29+$0x0] =	vst.idx.msk $0xffff, v6;
	v41 =	vld [tilespmem:s5+$0xFFFFFE30]  }
0x60a: {  	s8 =	simm.s32 $0x1A;
	[tilespmem:v48+s29+$0x0] =	vst.idx.msk $0xffff, v49;
	v44 =	vshrl.u32 v3, $0x3;
	v3 =	vadd.f32 v50, v33;
	v50 =	vshrl.u32 v4, $0x3  }
0x60b: {  	s12 =	simm.s32 $0x1C;
	v47 =	vshrl.u32 v47, $0x3;
	v6 =	vmov s8;
	[tilespmem:v38+s29+$0x0] =	vst.idx.msk $0xffff, v62;
	v48 =	vadd.f32 v57, v33  }
0x60c: {  	s30 =	simm.s32 $0x1D;
	v38 =	vshrl.u32 v60, $0x3;
	v57 =	vmov s12;
	[tilespmem:v43+s29+$0x0] =	vst.idx.msk $0xffff, v3;
	v42 =	vshrl.u32 v6, $0x3  }
0x60d: {  	v43 =	vshrl.u32 v56, $0x3;
	v49 =	vadd.f32 v58, v33;
	v58 =	vmov s30;
	[tilespmem:v39+s29+$0x0] =	vst.idx.msk $0xffff, v48  }
0x60e: {  	v48 =	vshrl.u32 v52, $0x3;
	v39 =	vshrl.u32 v58, $0x3;
	[tilespmem:v45+s29+$0x0] =	vst.idx.msk $0xffff, v51;
	v4 =	vadd.f32 v41, v33  }
0x60f: {  	v45 =	vshrl.u32 v53, $0x3;
	[tilespmem:v40+s29+$0x0] =	vst.idx.msk $0xffff, v49;
	v51 =	vshrl.u32 v2, $0x3;
	v49 =	vshrl.u32 v5, $0x3  }
0x610: {  	s1 =	simm.s32 $0x1F;
	s6 =	simm.s32 $0x20;
	v40 =	vshrl.u32 v61, $0x3;
	v41 =	vshrl.u32 v57, $0x3;
	[tilespmem:v37+s29+$0x0] =	vst.idx.msk $0xffff, v4;
	v37 =	vbroadcast v0, $0x0  }
.LBB2_27:
0x611: {  	v11 =	vld [tilespmem:$0x1FE30]  }
0x612: {  	v15 =	vld [tilespmem:$0x1FEB0]  }
0x613: {  	v19 =	vld [tilespmem:$0x1FEF0]  }
0x614: {  	v14 =	vld [tilespmem:$0x1FF30]  }
0x615: {  	v0 =	vshll.u32 v44, v1;
	v27 =	vld [tilespmem:$0x1FF70]  }
0x616: {  	v2 =	vshll.u32 v50, v1;
	v3 =	vmov s1;
	v4 =	vshll.u32 v45, v1;
	v26 =	vld [tilespmem:$0x1FFB0]  }
0x617: {  	v5 =	vshll.u32 v51, v1;
	v6 =	vshll.u32 v48, v1;
	s5 =	sadd.s32 $0x400, s5;
	v18 =	vld [tilespmem:$0x1FFF0];
	v3 =	vshrl.u32 v3, $0x3  }
0x618: {  	v54 =	vshll.u32 v43, v1;
	v43 =	vld [tilespmem:s5+$0xFFFFFE40];
	v50 =	vbroadcast v0, $0x0;
	v3 =	vshll.u32 v3, v1  }
0x619: {  	v44 =	vshll.u32 v49, v1;
	v45 =	vshll.u32 v46, v1;
	v61 =	vld [tilespmem:s5+$0x1C0];
	v52 =	vbroadcast v3, $0x0  }
0x61a: {  	v46 =	vshll.u32 v47, v1;
	v53 =	vshll.u32 v42, v1;
	v3 =	vld [tilespmem:s5+$0xFFFFFE00];
	v57 =	vadd.s32 v10, v50  }
0x61b: {  	v0 =	vshll.u32 v41, v1;
	v58 =	vld [tilespmem:s5+$0xFFFFFEC0];
	v49 =	vbroadcast v4, $0x0;
	v41 =	vadd.s32 v30, v52  }
0x61c: {  	v56 =	vld [tilespmem:s5+$0xFFFFFE80];
	v51 =	vbroadcast v2, $0x0;
	v2 =	vshll.u32 v39, v1;
	v55 =	vadd.s32 v11, v37  }
0x61d: {  	v59 =	vld [tilespmem:s5+$0xFFFFFF00];
	v42 =	vbroadcast v6, $0x0;
	v60 =	vadd.s32 v19, v49;
	v6 =	vadd.f32 v43, v36  }
0x61e: {  	v4 =	vshll.u32 v40, v1;
	v47 =	vbroadcast v5, $0x0;
	v62 =	vld [tilespmem:s5+$0xFFFFFF80];
	v5 =	vadd.f32 v61, v36  }
0x61f: {  	v40 =	vadd.s32 v15, v51;
	v61 =	vld [tilespmem:s5+$0xFFFFFF40];
	v3 =	vadd.f32 v3, v36;
	[tilespmem:v57+s29+$0x0] =	vst.idx.msk $0xffff, v6  }
0x620: {  	v39 =	vbroadcast v44, $0x0;
	v44 =	vbroadcast v46, $0x0;
	v6 =	vadd.f32 v58, v36;
	v57 =	vld [tilespmem:s5+$0x0];
	[tilespmem:v41+s29+$0x0] =	vst.idx.msk $0xffff, v5  }
0x621: {  	v43 =	vadd.s32 v14, v47;
	[tilespmem:v55+s29+$0x0] =	vst.idx.msk $0xffff, v3;
	v3 =	vadd.f32 v56, v36;
	v56 =	vld [tilespmem:s5+$0xFFFFFFC0]  }
0x622: {  	v5 =	vadd.s32 v27, v42;
	[tilespmem:v60+s29+$0x0] =	vst.idx.msk $0xffff, v6;
	v60 =	vadd.s32 v11, v44;
	v11 =	vld [tilespmem:$0x1FEC0]  }
0x623: {  	v55 =	vadd.s32 v26, v39;
	v41 =	vld [tilespmem:s5+$0x1D0]  }
0x624: {  	v6 =	vadd.f32 v61, v36;
	v61 =	vld [tilespmem:s5+$0x80];
	[tilespmem:v40+s29+$0x0] =	vst.idx.msk $0xffff, v3;
	v3 =	vadd.f32 v59, v36  }
0x625: {  	v38 =	vshll.u32 v38, v1;
	v48 =	vbroadcast v45, $0x0;
	v59 =	vld [tilespmem:s5+$0x40]  }
0x626: {  	v45 =	vbroadcast v38, $0x0;
	v46 =	vadd.s32 v18, v52;
	[tilespmem:v43+s29+$0x0] =	vst.idx.msk $0xffff, v3;
	v3 =	vadd.f32 v62, v36;
	v62 =	vld [tilespmem:s5+$0x100]  }
0x627: {  	v58 =	vadd.s32 v30, v48;
	v40 =	vbroadcast v54, $0x0;
	v43 =	vbroadcast v53, $0x0;
	[tilespmem:v5+s29+$0x0] =	vst.idx.msk $0xffff, v6;
	v6 =	vld [tilespmem:s5+$0xC0]  }
0x628: {  	v53 =	vadd.f32 v41, v35;
	v41 =	vbroadcast v0, $0x0;
	v0 =	vadd.f32 v57, v36;
	v57 =	vld [tilespmem:s5+$0x140]  }
0x629: {  	[tilespmem:v55+s29+$0x0] =	vst.idx.msk $0xffff, v3;
	v3 =	vadd.f32 v56, v36;
	v56 =	vadd.s32 v19, v40;
	v19 =	vld [tilespmem:$0x1FE80]  }
0x62a: {  	v5 =	vadd.s32 v10, v45;
	v54 =	vadd.s32 v15, v43;
	v15 =	vld [tilespmem:$0x1FF80]  }
0x62b: {  	v38 =	vbroadcast v2, $0x0;
	v2 =	vadd.f32 v59, v36;
	v59 =	vld [tilespmem:s5+$0x180];
	[tilespmem:v46+s29+$0x0] =	vst.idx.msk $0xffff, v53  }
0x62c: {  	[tilespmem:v58+s29+$0x0] =	vst.idx.msk $0xffff, v3;
	v46 =	vbroadcast v4, $0x0;
	v4 =	vld [tilespmem:s5+$0xFFFFFE50]  }
0x62d: {  	v3 =	vadd.s32 v14, v41;
	[tilespmem:v60+s29+$0x0] =	vst.idx.msk $0xffff, v0;
	v53 =	vld [tilespmem:s5+$0x1E0]  }
0x62e: {  	v0 =	vadd.f32 v61, v36;
	v58 =	vadd.s32 v27, v38;
	v61 =	vadd.s32 v11, v51;
	v14 =	vld [tilespmem:$0x1FF00]  }
0x62f: {  	v60 =	vld [tilespmem:s5+$0xFFFFFED0];
	[tilespmem:v5+s29+$0x0] =	vst.idx.msk $0xffff, v2;
	v2 =	vadd.f32 v6, v36;
	v55 =	vadd.s32 v19, v50  }
0x630: {  	v5 =	vadd.s32 v22, v52;
	v6 =	vld [tilespmem:s5+$0xFFFFFE90];
	[tilespmem:v54+s29+$0x0] =	vst.idx.msk $0xffff, v0;
	v0 =	vadd.f32 v62, v36  }
0x631: {  	v54 =	vadd.s32 v26, v46;
	v62 =	vld [tilespmem:s5+$0xFFFFFF10];
	[tilespmem:v56+s29+$0x0] =	vst.idx.msk $0xffff, v2;
	v2 =	vadd.f32 v57, v36  }
0x632: {  	[tilespmem:v3+s29+$0x0] =	vst.idx.msk $0xffff, v0;
	v4 =	vadd.f32 v4, v35;
	v0 =	vadd.f32 v53, v34;
	v53 =	vld [tilespmem:s5+$0xFFFFFF50]  }
0x633: {  	v3 =	vadd.s32 v14, v49;
	[tilespmem:v58+s29+$0x0] =	vst.idx.msk $0xffff, v2;
	v2 =	vadd.f32 v59, v36;
	v59 =	vld [tilespmem:s5+$0xFFFFFF90]  }
0x634: {  	v58 =	vadd.s32 v23, v47;
	[tilespmem:v55+s29+$0x0] =	vst.idx.msk $0xffff, v4;
	v4 =	vadd.f32 v60, v35;
	v60 =	vld [tilespmem:$0x1FE40]  }
0x635: {  	[tilespmem:v5+s29+$0x0] =	vst.idx.msk $0xffff, v0;
	v0 =	vadd.f32 v6, v35;
	v5 =	vadd.s32 v15, v42;
	v55 =	vld [tilespmem:s5+$0x10]  }
0x636: {  	[tilespmem:v54+s29+$0x0] =	vst.idx.msk $0xffff, v2;
	v6 =	vadd.s32 v31, v39;
	v54 =	vld [tilespmem:s5+$0xFFFFFFD0]  }
0x637: {  	v2 =	vld [tilespmem:s5+$0x1F0];
	[tilespmem:v61+s29+$0x0] =	vst.idx.msk $0xffff, v0;
	v0 =	vadd.f32 v62, v35;
	v61 =	vadd.s32 v7, v44  }
0x638: {  	[tilespmem:v3+s29+$0x0] =	vst.idx.msk $0xffff, v4;
	v4 =	vadd.s32 v18, v48;
	v3 =	vadd.f32 v53, v35;
	v53 =	vld [tilespmem:s5+$0x50]  }
0x639: {  	v62 =	vld [tilespmem:s5+$0x90];
	[tilespmem:v58+s29+$0x0] =	vst.idx.msk $0xffff, v0;
	v0 =	vadd.f32 v59, v35;
	v52 =	vadd.s32 v60, v52  }
0x63a: {  	[tilespmem:v5+s29+$0x0] =	vst.idx.msk $0xffff, v3;
	v3 =	vadd.s32 v19, v45;
	v5 =	vld [tilespmem:s5+$0xD0];
	v55 =	vadd.f32 v55, v35  }
0x63b: {  	v59 =	vld [tilespmem:s5+$0x150];
	[tilespmem:v6+s29+$0x0] =	vst.idx.msk $0xffff, v0;
	v0 =	vadd.f32 v54, v35;
	v6 =	vadd.s32 v11, v43  }
0x63c: {  	v58 =	vadd.s32 v14, v40;
	v2 =	vadd.f32 v2, v33;
	v54 =	vld [tilespmem:s5+$0x110];
	[tilespmem:v61+s29+$0x0] =	vst.idx.msk $0xffff, v55  }
0x63d: {  	[tilespmem:v4+s29+$0x0] =	vst.idx.msk $0xffff, v0;
	v0 =	vadd.f32 v53, v35  }
0x63e: {  	v61 =	vadd.f32 v62, v35;
	v55 =	vadd.s32 v15, v38;
	v62 =	vld [tilespmem:s5+$0xFFFFFE60];
	[tilespmem:v52+s29+$0x0] =	vst.idx.msk $0xffff, v2  }
0x63f: {  	v4 =	vld [tilespmem:s5+$0x190];
	v2 =	vadd.s32 v23, v41;
	[tilespmem:v3+s29+$0x0] =	vst.idx.msk $0xffff, v0;
	v0 =	vadd.f32 v5, v35  }
0x640: {  	v56 =	vadd.s32 v8, v37;
	v53 =	vadd.s32 v12, v50;
	v52 =	vld [tilespmem:s5+$0xFFFFFE10];
	[tilespmem:v6+s29+$0x0] =	vst.idx.msk $0xffff, v61  }
0x641: {  	v6 =	vadd.f32 v54, v35;
	v54 =	vld [tilespmem:s5+$0xFFFFFEE0];
	[tilespmem:v58+s29+$0x0] =	vst.idx.msk $0xffff, v0;
	v0 =	vadd.f32 v59, v35  }
0x642: {  	v57 =	vld [tilespmem:s5+$0xFFFFFEA0];
	v3 =	vadd.s32 v31, v46;
	v5 =	vadd.s32 v7, v37;
	v37 =	vadd.s32 v9, v37  }
0x643: {  	v58 =	vadd.s32 v16, v51;
	[tilespmem:v55+s29+$0x0] =	vst.idx.msk $0xffff, v0;
	v0 =	vadd.f32 v62, v34  }
0x644: {  	v59 =	vld [tilespmem:s5+$0xFFFFFF20];
	v55 =	vadd.s32 v24, v47;
	v47 =	vadd.s32 v25, v47;
	[tilespmem:v2+s29+$0x0] =	vst.idx.msk $0xffff, v6  }
0x645: {  	v61 =	vld [tilespmem:s5+$0xFFFFFF60];
	v2 =	vadd.f32 v4, v35;
	v4 =	vadd.f32 v52, v35;
	v6 =	vadd.s32 v20, v49  }
0x646: {  	v49 =	vadd.s32 v21, v49;
	[tilespmem:v53+s29+$0x0] =	vst.idx.msk $0xffff, v0;
	v0 =	vadd.f32 v54, v34  }
0x647: {  	v62 =	vld [tilespmem:s5+$0xFFFFFFA0];
	v54 =	vadd.s32 v22, v48;
	[tilespmem:v3+s29+$0x0] =	vst.idx.msk $0xffff, v2;
	v2 =	vadd.f32 v57, v34  }
0x648: {  	v48 =	vadd.s32 v60, v48;
	[tilespmem:v5+s29+$0x0] =	vst.idx.msk $0xffff, v4;
	v3 =	vadd.s32 v28, v42;
	v4 =	vld [tilespmem:s5+$0xFFFFFFE0]  }
0x649: {  	v53 =	vld [tilespmem:s5+$0x20];
	v5 =	vadd.s32 v32, v39;
	[tilespmem:v58+s29+$0x0] =	vst.idx.msk $0xffff, v2;
	v2 =	vadd.f32 v59, v34  }
0x64a: {  	v57 =	vld [tilespmem:s5+$0x60];
	v42 =	vadd.s32 v29, v42;
	[tilespmem:v6+s29+$0x0] =	vst.idx.msk $0xffff, v0;
	v0 =	vadd.f32 v61, v34  }
0x64b: {  	v58 =	vld [tilespmem:s5+$0xFFFFFE20];
	v6 =	vadd.s32 v8, v44;
	v44 =	vadd.s32 v9, v44;
	[tilespmem:v55+s29+$0x0] =	vst.idx.msk $0xffff, v2  }
0x64c: {  	v61 =	vld [tilespmem:s5+$0xA0];
	v2 =	vadd.f32 v62, v34;
	v55 =	vadd.s32 v12, v45;
	v45 =	vadd.s32 v13, v45  }
0x64d: {  	v62 =	vld [tilespmem:s5+$0xE0];
	[tilespmem:v3+s29+$0x0] =	vst.idx.msk $0xffff, v0;
	v0 =	vadd.f32 v4, v34;
	v3 =	vadd.s32 v16, v43  }
0x64e: {  	v4 =	vld [tilespmem:s5+$0x120];
	[tilespmem:v5+s29+$0x0] =	vst.idx.msk $0xffff, v2;
	v2 =	vadd.f32 v53, v34;
	v5 =	vadd.s32 v20, v40  }
0x64f: {  	v53 =	vld [tilespmem:s5+$0x160];
	[tilespmem:v54+s29+$0x0] =	vst.idx.msk $0xffff, v0;
	v0 =	vadd.f32 v57, v34;
	v54 =	vadd.s32 v24, v41  }
0x650: {  	v57 =	vld [tilespmem:s5+$0x1A0];
	v58 =	vadd.f32 v58, v34;
	v41 =	vadd.s32 v25, v41;
	[tilespmem:v6+s29+$0x0] =	vst.idx.msk $0xffff, v2  }
0x651: {  	v2 =	vadd.f32 v61, v34;
	v6 =	vadd.s32 v28, v38;
	v61 =	vld [tilespmem:s5+$0xFFFFFE70];
	[tilespmem:v55+s29+$0x0] =	vst.idx.msk $0xffff, v0  }
0x652: {  	v0 =	vadd.f32 v62, v34;
	v55 =	vadd.s32 v32, v46;
	v62 =	vld [tilespmem:s5+$0xFFFFFEB0];
	[tilespmem:v56+s29+$0x0] =	vst.idx.msk $0xffff, v58  }
0x653: {  	[tilespmem:v3+s29+$0x0] =	vst.idx.msk $0xffff, v2;
	v2 =	vadd.f32 v4, v34;
	v3 =	vadd.s32 v13, v50;
	v4 =	vld [tilespmem:s5+$0xFFFFFEF0]  }
0x654: {  	v50 =	vadd.s32 v17, v51;
	v51 =	vld [tilespmem:s5+$0xFFFFFF30];
	[tilespmem:v5+s29+$0x0] =	vst.idx.msk $0xffff, v0;
	v0 =	vadd.f32 v53, v34  }
0x655: {  	s31 =	sadd.s32 $0x3, s6;
	v38 =	vadd.s32 v29, v38;
	[tilespmem:v54+s29+$0x0] =	vst.idx.msk $0xffff, v2;
	v2 =	vadd.f32 v57, v34;
	v54 =	vld [tilespmem:s5+$0xFFFFFF70]  }
0x656: {  	s11 =	sadd.s32 $0x5, s6;
	v56 =	vmov s31;
	v46 =	vadd.s32 v63, v46;
	[tilespmem:v6+s29+$0x0] =	vst.idx.msk $0xffff, v0;
	v6 =	vadd.f32 v61, v33;
	v61 =	vld [tilespmem:s5+$0xFFFFFFB0]  }
0x657: {  	v5 =	vmov s6;
	v53 =	vmov s11;
	[tilespmem:v55+s29+$0x0] =	vst.idx.msk $0xffff, v2;
	v62 =	vadd.f32 v62, v33;
	v55 =	vld [tilespmem:s5+$0xFFFFFFF0]  }
0x658: {  	s12 =	sadd.s32 $0x1, s6;
	s11 =	sadd.s32 $0xA, s6;
	v5 =	vshrl.u32 v5, $0x3;
	[tilespmem:v3+s29+$0x0] =	vst.idx.msk $0xffff, v6;
	v3 =	vadd.f32 v4, v33;
	v4 =	vadd.s32 v63, v39;
	v6 =	vld [tilespmem:s5+$0x30]  }
0x659: {  	s30 =	sadd.s32 $0x2, s6;
	v58 =	vmov s11;
	v0 =	vmov s12;
	v59 =	vadd.f32 v51, v33;
	v51 =	vld [tilespmem:s5+$0x70];
	[tilespmem:v50+s29+$0x0] =	vst.idx.msk $0xffff, v62  }
0x65a: {  	s8 =	sadd.s32 $0x4, s6;
	v60 =	vld [tilespmem:s5+$0xB0];
	v5 =	vshll.u32 v5, v1;
	v2 =	vmov s30;
	s30 =	sadd.s32 $0x7, s6;
	[tilespmem:v49+s29+$0x0] =	vst.idx.msk $0xffff, v3;
	v3 =	vadd.f32 v54, v33  }
0x65b: {  	v39 =	vmov s8;
	v52 =	vmov s30;
	s8 =	sadd.s32 $0x9, s6;
	[tilespmem:v47+s29+$0x0] =	vst.idx.msk $0xffff, v59;
	v47 =	vld [tilespmem:s5+$0x1B0];
	v61 =	vadd.f32 v61, v33  }
0x65c: {  	s12 =	sadd.s32 $0x6, s6;
	v62 =	vld [tilespmem:s5+$0xF0];
	v57 =	vmov s8;
	[tilespmem:v42+s29+$0x0] =	vst.idx.msk $0xffff, v3;
	v3 =	vadd.f32 v55, v33;
	v42 =	vadd.s32 v17, v43  }
0x65d: {  	v50 =	vshrl.u32 v2, $0x3;
	v54 =	vmov s12;
	s12 =	sadd.s32 $0xB, s6;
	v43 =	vld [tilespmem:s5+$0x130];
	[tilespmem:v4+s29+$0x0] =	vst.idx.msk $0xffff, v61;
	v4 =	vadd.f32 v6, v33  }
0x65e: {  	s31 =	sadd.s32 $0x8, s6;
	v59 =	vmov s12;
	v6 =	vadd.s32 v21, v40;
	v40 =	vld [tilespmem:s5+$0x170];
	[tilespmem:v48+s29+$0x0] =	vst.idx.msk $0xffff, v3;
	v3 =	vadd.f32 v51, v33  }
0x65f: {  	v49 =	vshrl.u32 v54, $0x3;
	v55 =	vmov s31;
	s31 =	sadd.s32 $0xD, s6;
	v48 =	vld [tilespmem:s5+$0xFFFFFE30];
	[tilespmem:v44+s29+$0x0] =	vst.idx.msk $0xffff, v4;
	v4 =	vadd.f32 v60, v33  }
0x660: {  	v61 =	vmov s31;
	v44 =	vshrl.u32 v0, $0x3;
	v0 =	vadd.f32 v47, v33;
	[tilespmem:v45+s29+$0x0] =	vst.idx.msk $0xffff, v3  }
0x661: {  	p0 =	slt.u32 s6, $0x70;
	s30 =	sadd.s32 $0xC, s6;
	v51 =	vshrl.u32 v39, $0x3;
	v39 =	vshrl.u32 v61, $0x3;
	v3 =	vadd.f32 v62, v33;
	[tilespmem:v42+s29+$0x0] =	vst.idx.msk $0xffff, v4  }
.Ltmp14:
0x662: {  	s8 =	sadd.s32 $0xE, s6;
	v60 =	vmov s30;
	v47 =	vshrl.u32 v55, $0x3;
	v4 =	vadd.f32 v43, v33;
	[tilespmem:v46+s29+$0x0] =	vst.idx.msk $0xffff, v0;
	(pc) =	sbr.rel @p0 .LBB2_27-.Ltmp14, $4  }
0x663: {  	v62 =	vmov s8;
	v45 =	vshrl.u32 v56, $0x3;
	[tilespmem:v6+s29+$0x0] =	vst.idx.msk $0xffff, v3;
	v3 =	vadd.f32 v40, v33  }
0x664: {  	v46 =	vshrl.u32 v52, $0x3;
	v42 =	vshrl.u32 v58, $0x3;
	[tilespmem:v41+s29+$0x0] =	vst.idx.msk $0xffff, v4;
	v2 =	vadd.f32 v48, v33  }
0x665: {  	v43 =	vshrl.u32 v59, $0x3;
	v40 =	vshrl.u32 v62, $0x3;
	v48 =	vshrl.u32 v53, $0x3;
	[tilespmem:v38+s29+$0x0] =	vst.idx.msk $0xffff, v3  }
0x666: {  	s1 =	sadd.s32 $0xF, s6;
	s6 =	sadd.s32 $0x10, s6;
	v41 =	vshrl.u32 v60, $0x3;
	v38 =	vshrl.u32 v57, $0x3;
	[tilespmem:v37+s29+$0x0] =	vst.idx.msk $0xffff, v2;
	v37 =	vbroadcast v5, $0x0  }
0x667: {  	v3 =	vmov s1  }
0x668: {  	v11 =	vld [tilespmem:$0x1FE30];
	v3 =	vshrl.u32 v3, $0x3  }
0x669: {  	s5 =	sadd.s32 $0x400, s5;
	v15 =	vld [tilespmem:$0x1FEB0];
	v3 =	vshll.u32 v3, v1  }
0x66a: {  	v60 =	vld [tilespmem:s5+$0x1C0];
	v3 =	vbroadcast v3, $0x0  }
0x66b: {  	v0 =	vshll.u32 v44, v1;
	v44 =	vshll.u32 v49, v1;
	v61 =	vld [tilespmem:s5+$0xFFFFFE00]  }
0x66c: {  	v49 =	vshll.u32 v38, v1;
	v62 =	vld [tilespmem:s5+$0xFFFFFE40];
	v38 =	vbroadcast v0, $0x0;
	v52 =	vadd.s32 v30, v3  }
0x66d: {  	v19 =	vld [tilespmem:$0x1FEF0];
	v53 =	vadd.s32 v11, v37  }
0x66e: {  	v2 =	vshll.u32 v50, v1;
	v54 =	vld [tilespmem:s5+$0xFFFFFE80];
	v55 =	vadd.s32 v10, v38  }
0x66f: {  	v0 =	vshll.u32 v41, v1;
	v41 =	vbroadcast v2, $0x0;
	v56 =	vld [tilespmem:s5+$0xFFFFFEC0];
	v26 =	vadd.f32 v60, v36  }
0x670: {  	v4 =	vshll.u32 v45, v1;
	v58 =	vld [tilespmem:s5+$0xFFFFFF00];
	v27 =	vadd.f32 v61, v36  }
0x671: {  	v59 =	vld [tilespmem:s5+$0xFFFFFF40];
	v57 =	vadd.s32 v15, v41;
	v60 =	vadd.f32 v62, v36;
	[tilespmem:v52+s29+$0x0] =	vst.idx.msk $0xffff, v26  }
0x672: {  	v5 =	vshll.u32 v51, v1;
	v2 =	vshll.u32 v39, v1;
	v39 =	vbroadcast v4, $0x0;
	v14 =	vld [tilespmem:$0x1FF30];
	[tilespmem:v53+s29+$0x0] =	vst.idx.msk $0xffff, v27  }
0x673: {  	v6 =	vshll.u32 v48, v1;
	v45 =	vshll.u32 v46, v1;
	v27 =	vld [tilespmem:$0x1FF70];
	[tilespmem:v55+s29+$0x0] =	vst.idx.msk $0xffff, v60  }
0x674: {  	v46 =	vshll.u32 v47, v1;
	v48 =	vadd.s32 v19, v39;
	v61 =	vadd.f32 v54, v36;
	v26 =	vld [tilespmem:$0x1FFB0]  }
0x675: {  	v50 =	vshll.u32 v42, v1;
	v4 =	vshll.u32 v40, v1;
	v40 =	vbroadcast v5, $0x0;
	v52 =	vld [tilespmem:s5+$0xFFFFFF80]  }
0x676: {  	v51 =	vshll.u32 v43, v1;
	v42 =	vbroadcast v6, $0x0;
	v43 =	vbroadcast v44, $0x0;
	[tilespmem:v57+s29+$0x0] =	vst.idx.msk $0xffff, v61  }
0x677: {  	v44 =	vbroadcast v45, $0x0;
	v62 =	vadd.f32 v56, v36;
	v18 =	vld [tilespmem:$0x1FFF0];
	v5 =	vadd.s32 v14, v40  }
0x678: {  	v45 =	vbroadcast v46, $0x0;
	v47 =	vadd.f32 v58, v36;
	v57 =	vld [tilespmem:s5+$0x0];
	v53 =	vadd.s32 v27, v42  }
0x679: {  	v56 =	vld [tilespmem:s5+$0xFFFFFFC0];
	[tilespmem:v48+s29+$0x0] =	vst.idx.msk $0xffff, v62;
	v48 =	vadd.f32 v59, v36;
	v55 =	vadd.s32 v26, v43  }
0x67a: {  	v54 =	vld [tilespmem:s5+$0x1D0];
	v59 =	vadd.s32 v30, v44;
	v30 =	vadd.f32 v52, v36;
	v52 =	vadd.s32 v11, v45  }
0x67b: {  	v46 =	vbroadcast v49, $0x0;
	v60 =	vld [tilespmem:s5+$0x40]  }
0x67c: {  	v49 =	vbroadcast v0, $0x0;
	v61 =	vld [tilespmem:s5+$0x80];
	v58 =	vadd.s32 v18, v3;
	[tilespmem:v5+s29+$0x0] =	vst.idx.msk $0xffff, v47;
	v47 =	vbroadcast v50, $0x0  }
0x67d: {  	v6 =	vadd.s32 v10, v46;
	v0 =	vadd.f32 v57, v36;
	[tilespmem:v53+s29+$0x0] =	vst.idx.msk $0xffff, v48;
	v53 =	vld [tilespmem:s5+$0xC0];
	v48 =	vbroadcast v51, $0x0  }
0x67e: {  	v62 =	vld [tilespmem:s5+$0x100];
	v5 =	vadd.f32 v56, v36;
	[tilespmem:v55+s29+$0x0] =	vst.idx.msk $0xffff, v30;
	v30 =	vadd.s32 v15, v47  }
0x67f: {  	v11 =	vadd.f32 v54, v35;
	[tilespmem:v52+s29+$0x0] =	vst.idx.msk $0xffff, v0;
	v10 =	vadd.s32 v19, v48  }
0x680: {  	v50 =	vbroadcast v2, $0x0;
	v2 =	vadd.f32 v60, v36;
	v60 =	vadd.s32 v14, v49;
	[tilespmem:v59+s29+$0x0] =	vst.idx.msk $0xffff, v5  }
0x681: {  	v0 =	vadd.f32 v61, v36;
	[tilespmem:v58+s29+$0x0] =	vst.idx.msk $0xffff, v11;
	v11 =	vld [tilespmem:s5+$0x140]  }
0x682: {  	[tilespmem:v6+s29+$0x0] =	vst.idx.msk $0xffff, v2;
	v14 =	vadd.f32 v53, v36  }
0x683: {  	v61 =	vld [tilespmem:s5+$0x180];
	v15 =	vadd.f32 v62, v36;
	[tilespmem:v30+s29+$0x0] =	vst.idx.msk $0xffff, v0  }
0x684: {  	v58 =	vld [tilespmem:s5+$0x1E0];
	[tilespmem:v10+s29+$0x0] =	vst.idx.msk $0xffff, v14  }
0x685: {  	v51 =	vbroadcast v4, $0x0;
	v52 =	vadd.s32 v27, v50;
	v19 =	vld [tilespmem:$0x1FE80];
	[tilespmem:v60+s29+$0x0] =	vst.idx.msk $0xffff, v15  }
0x686: {  	v6 =	vadd.s32 v22, v3;
	v62 =	vadd.f32 v11, v36;
	v11 =	vld [tilespmem:$0x1FEC0]  }
0x687: {  	v27 =	vadd.s32 v26, v51  }
0x688: {  	v2 =	vld [tilespmem:s5+$0xFFFFFE50]  }
0x689: {  	v0 =	vld [tilespmem:s5+$0xFFFFFE90];
	v60 =	vadd.f32 v58, v34  }
0x68a: {  	v61 =	vadd.f32 v61, v36;
	[tilespmem:v52+s29+$0x0] =	vst.idx.msk $0xffff, v62;
	v4 =	vadd.s32 v19, v38  }
0x68b: {  	v14 =	vld [tilespmem:$0x1FF00];
	[tilespmem:v6+s29+$0x0] =	vst.idx.msk $0xffff, v60;
	v5 =	vadd.s32 v11, v41  }
0x68c: {  	v10 =	vld [tilespmem:s5+$0xFFFFFF10];
	[tilespmem:v27+s29+$0x0] =	vst.idx.msk $0xffff, v61  }
0x68d: {  	v2 =	vadd.f32 v2, v35;
	v15 =	vld [tilespmem:$0x1FF80]  }
0x68e: {  	v30 =	vld [tilespmem:s5+$0xFFFFFED0];
	v0 =	vadd.f32 v0, v35  }
0x68f: {  	v26 =	vld [tilespmem:s5+$0xFFFFFF90];
	[tilespmem:v4+s29+$0x0] =	vst.idx.msk $0xffff, v2  }
0x690: {  	v62 =	vld [tilespmem:s5+$0xFFFFFF50];
	v52 =	vadd.s32 v14, v39;
	[tilespmem:v5+s29+$0x0] =	vst.idx.msk $0xffff, v0  }
0x691: {  	v6 =	vadd.s32 v23, v40;
	v0 =	vadd.f32 v10, v35;
	v10 =	vld [tilespmem:$0x1FE40]  }
0x692: {  	v27 =	vadd.s32 v15, v42  }
0x693: {  	v60 =	vld [tilespmem:s5+$0xFFFFFFD0];
	v2 =	vadd.f32 v30, v35;
	v30 =	vadd.s32 v31, v43  }
0x694: {  	v54 =	vld [tilespmem:s5+$0x1F0]  }
0x695: {  	v61 =	vld [tilespmem:s5+$0x10];
	[tilespmem:v52+s29+$0x0] =	vst.idx.msk $0xffff, v2;
	v2 =	vadd.f32 v62, v35;
	v52 =	vadd.s32 v18, v44  }
0x696: {  	v62 =	vld [tilespmem:s5+$0x50];
	[tilespmem:v6+s29+$0x0] =	vst.idx.msk $0xffff, v0;
	v0 =	vadd.f32 v26, v35;
	v3 =	vadd.s32 v10, v3  }
0x697: {  	v18 =	vadd.s32 v7, v45;
	v26 =	vld [tilespmem:s5+$0x90];
	[tilespmem:v27+s29+$0x0] =	vst.idx.msk $0xffff, v2  }
0x698: {  	v2 =	vadd.s32 v19, v46;
	v27 =	vld [tilespmem:s5+$0xD0];
	[tilespmem:v30+s29+$0x0] =	vst.idx.msk $0xffff, v0;
	v0 =	vadd.f32 v60, v35  }
0x699: {  	v54 =	vadd.f32 v54, v33  }
0x69a: {  	v5 =	vadd.f32 v61, v35;
	v30 =	vadd.s32 v11, v47;
	v60 =	vld [tilespmem:s5+$0x110];
	[tilespmem:v52+s29+$0x0] =	vst.idx.msk $0xffff, v0  }
0x69b: {  	v11 =	vld [tilespmem:s5+$0x190];
	v0 =	vadd.f32 v62, v35;
	[tilespmem:v3+s29+$0x0] =	vst.idx.msk $0xffff, v54;
	v3 =	vadd.s32 v14, v48  }
0x69c: {  	v61 =	vld [tilespmem:s5+$0x150];
	v62 =	vadd.s32 v23, v49;
	[tilespmem:v18+s29+$0x0] =	vst.idx.msk $0xffff, v5;
	v23 =	vadd.s32 v31, v51  }
0x69d: {  	v18 =	vadd.f32 v26, v35;
	[tilespmem:v2+s29+$0x0] =	vst.idx.msk $0xffff, v0;
	v2 =	vadd.f32 v27, v35;
	v27 =	vld [tilespmem:s5+$0xFFFFFEA0]  }
0x69e: {  	v19 =	vadd.s32 v15, v50;
	v0 =	vld [tilespmem:s5+$0xFFFFFE60]  }
0x69f: {  	[tilespmem:v30+s29+$0x0] =	vst.idx.msk $0xffff, v18;
	v55 =	vadd.f32 v60, v35;
	v30 =	vadd.s32 v16, v41;
	v14 =	vld [tilespmem:s5+$0xFFFFFE10]  }
0x6a0: {  	v53 =	vadd.f32 v11, v35;
	[tilespmem:v3+s29+$0x0] =	vst.idx.msk $0xffff, v2;
	v2 =	vadd.s32 v12, v38;
	v3 =	vld [tilespmem:s5+$0xFFFFFEE0]  }
0x6a1: {  	v31 =	vld [tilespmem:s5+$0xFFFFFF20];
	v26 =	vadd.s32 v7, v37;
	v54 =	vadd.f32 v61, v35;
	[tilespmem:v62+s29+$0x0] =	vst.idx.msk $0xffff, v55  }
0x6a2: {  	v57 =	vadd.s32 v20, v39;
	v58 =	vld [tilespmem:s5+$0xFFFFFF60];
	[tilespmem:v23+s29+$0x0] =	vst.idx.msk $0xffff, v53;
	v61 =	vadd.f32 v27, v34  }
0x6a3: {  	v59 =	vadd.s32 v24, v40;
	v60 =	vld [tilespmem:s5+$0xFFFFFFA0];
	[tilespmem:v19+s29+$0x0] =	vst.idx.msk $0xffff, v54;
	v0 =	vadd.f32 v0, v34  }
0x6a4: {  	v11 =	vld [tilespmem:s5+$0xFFFFFFE0];
	v62 =	vadd.s32 v28, v42;
	[tilespmem:v30+s29+$0x0] =	vst.idx.msk $0xffff, v61;
	v5 =	vadd.f32 v14, v35  }
0x6a5: {  	[tilespmem:v2+s29+$0x0] =	vst.idx.msk $0xffff, v0;
	v0 =	vadd.f32 v3, v34;
	v2 =	vadd.s32 v32, v43;
	v3 =	vld [tilespmem:s5+$0x20]  }
0x6a6: {  	v15 =	vadd.s32 v22, v44;
	v18 =	vld [tilespmem:s5+$0x60];
	v14 =	vadd.f32 v31, v34;
	[tilespmem:v26+s29+$0x0] =	vst.idx.msk $0xffff, v5  }
0x6a7: {  	v22 =	vld [tilespmem:s5+$0xA0];
	v19 =	vadd.s32 v8, v45;
	[tilespmem:v57+s29+$0x0] =	vst.idx.msk $0xffff, v0;
	v0 =	vadd.f32 v58, v34  }
0x6a8: {  	v23 =	vadd.f32 v60, v34;
	v27 =	vld [tilespmem:s5+$0xE0];
	[tilespmem:v59+s29+$0x0] =	vst.idx.msk $0xffff, v14;
	v26 =	vadd.s32 v12, v46  }
0x6a9: {  	v30 =	vadd.s32 v16, v47;
	v31 =	vld [tilespmem:s5+$0x120];
	[tilespmem:v62+s29+$0x0] =	vst.idx.msk $0xffff, v0;
	v0 =	vadd.f32 v11, v34  }
0x6aa: {  	v57 =	vld [tilespmem:s5+$0x160];
	[tilespmem:v2+s29+$0x0] =	vst.idx.msk $0xffff, v23;
	v2 =	vadd.f32 v3, v34;
	v3 =	vadd.s32 v20, v48  }
0x6ab: {  	v59 =	vld [tilespmem:s5+$0x1A0];
	v58 =	vadd.s32 v24, v49;
	[tilespmem:v15+s29+$0x0] =	vst.idx.msk $0xffff, v0;
	v0 =	vadd.f32 v18, v34  }
0x6ac: {  	v60 =	vadd.f32 v22, v34;
	v61 =	vadd.s32 v28, v50;
	[tilespmem:v19+s29+$0x0] =	vst.idx.msk $0xffff, v2;
	v2 =	vld [tilespmem:s5+$0xFFFFFE20]  }
0x6ad: {  	v62 =	vadd.f32 v27, v34;
	v11 =	vadd.s32 v32, v51;
	[tilespmem:v26+s29+$0x0] =	vst.idx.msk $0xffff, v0;
	v0 =	vld [tilespmem:s5+$0xFFFFFE70]  }
0x6ae: {  	v12 =	vadd.s32 v8, v37;
	v14 =	vld [tilespmem:s5+$0xFFFFFEB0];
	[tilespmem:v30+s29+$0x0] =	vst.idx.msk $0xffff, v60;
	v6 =	vadd.f32 v31, v34  }
0x6af: {  	v15 =	vld [tilespmem:s5+$0xFFFFFEF0];
	v4 =	vadd.f32 v57, v34;
	[tilespmem:v3+s29+$0x0] =	vst.idx.msk $0xffff, v62;
	v3 =	vadd.s32 v13, v38  }
0x6b0: {  	v16 =	vadd.s32 v17, v41;
	v18 =	vld [tilespmem:s5+$0xFFFFFF30];
	[tilespmem:v58+s29+$0x0] =	vst.idx.msk $0xffff, v6;
	v19 =	vadd.f32 v59, v34  }
0x6b1: {  	v20 =	vadd.s32 v21, v39;
	v22 =	vld [tilespmem:s5+$0xFFFFFF70];
	[tilespmem:v61+s29+$0x0] =	vst.idx.msk $0xffff, v4;
	v2 =	vadd.f32 v2, v34  }
0x6b2: {  	v23 =	vadd.s32 v25, v40;
	v24 =	vld [tilespmem:s5+$0xFFFFFFB0];
	[tilespmem:v11+s29+$0x0] =	vst.idx.msk $0xffff, v19;
	v0 =	vadd.f32 v0, v33  }
0x6b3: {  	v27 =	vld [tilespmem:s5+$0xFFFFFFF0];
	v26 =	vadd.s32 v29, v42;
	[tilespmem:v12+s29+$0x0] =	vst.idx.msk $0xffff, v2;
	v2 =	vadd.f32 v14, v33  }
0x6b4: {  	v28 =	vld [tilespmem:s5+$0x30];
	[tilespmem:v3+s29+$0x0] =	vst.idx.msk $0xffff, v0;
	v0 =	vadd.f32 v15, v33;
	v3 =	vadd.s32 v63, v43  }
0x6b5: {  	v30 =	vadd.s32 v10, v44;
	v31 =	vld [tilespmem:s5+$0x70];
	[tilespmem:v16+s29+$0x0] =	vst.idx.msk $0xffff, v2;
	v2 =	vadd.f32 v18, v33  }
0x6b6: {  	v44 =	vadd.s32 v9, v45;
	v45 =	vld [tilespmem:s5+$0xB0];
	[tilespmem:v20+s29+$0x0] =	vst.idx.msk $0xffff, v0;
	v0 =	vadd.f32 v22, v33  }
0x6b7: {  	v52 =	vadd.s32 v13, v46;
	v53 =	vld [tilespmem:s5+$0xF0];
	[tilespmem:v23+s29+$0x0] =	vst.idx.msk $0xffff, v2;
	v2 =	vadd.f32 v24, v33  }
0x6b8: {  	v54 =	vadd.s32 v17, v47;
	v55 =	vld [tilespmem:s5+$0x130];
	[tilespmem:v26+s29+$0x0] =	vst.idx.msk $0xffff, v0;
	v0 =	vadd.f32 v27, v33  }
0x6b9: {  	v56 =	vld [tilespmem:s5+$0x170];
	[tilespmem:v3+s29+$0x0] =	vst.idx.msk $0xffff, v2;
	v2 =	vadd.f32 v28, v33;
	v3 =	vadd.s32 v21, v48  }
0x6ba: {  	v57 =	vadd.s32 v25, v49;
	v58 =	vld [tilespmem:s5+$0x1B0];
	[tilespmem:v30+s29+$0x0] =	vst.idx.msk $0xffff, v0;
	v0 =	vadd.f32 v31, v33  }
0x6bb: {  	v60 =	vadd.s32 v29, v50;
	v59 =	vadd.f32 v45, v33;
	[tilespmem:v44+s29+$0x0] =	vst.idx.msk $0xffff, v2;
	v2 =	vld [tilespmem:s5+$0xFFFFFE30]  }
0x6bc: {  	v61 =	vadd.s32 v63, v51;
	[tilespmem:v52+s29+$0x0] =	vst.idx.msk $0xffff, v0;
	v0 =	vadd.f32 v53, v33  }
0x6bd: {  	[tilespmem:v54+s29+$0x0] =	vst.idx.msk $0xffff, v59;
	v62 =	vadd.s32 v9, v37;
	v63 =	vadd.f32 v55, v33  }
0x6be: {  	[tilespmem:v3+s29+$0x0] =	vst.idx.msk $0xffff, v0;
	v0 =	vadd.f32 v56, v33  }
0x6bf: {  	s31 =	sshll.u32 s15, $0x12;
	[tilespmem:v57+s29+$0x0] =	vst.idx.msk $0xffff, v63;
	v3 =	vadd.f32 v58, v33  }
0x6c0: {  	s1 =	sor.u32 s7, s31;
	[tilespmem:v60+s29+$0x0] =	vst.idx.msk $0xffff, v0;
	v0 =	vadd.f32 v2, v33  }
0x6c1: {  	s1 =	sshrl.u32 s1, $0x3;
	[tilespmem:v61+s29+$0x0] =	vst.idx.msk $0xffff, v3  }
0x6c2: {  	s6 =	sadd.s32 s2, s1;
	s5 =	simm.s32 $0x1BE00;
	[tilespmem:v62+s29+$0x0] =	vst.idx.msk $0xffff, v0  }
0x6c3: {  	[hbm4b:s6+s3] =	stream.linear.scatter [tilespmem:s5], [sflag:$0xA], $0x80, $0x38;
	[tilespmem:$0x1E000] =	vst v63  }
0x6c4: {  	s8 =	simm.s32 $0x1BE88;
	s11 =	sadd.s32 $0x10, s6  }
0x6c5: {  	[hbm4b:s11+s3] =	stream.linear.scatter [tilespmem:s8], [sflag:$0xA], $0x80, $0x38;
	[tilespmem:$0x1E000] =	vst v63  }
0x6c6: {  	s12 =	simm.s32 $0x1BF10;
	s30 =	simm.s32 $0x1BF98;
	s15 =	sadd.s32 $0x20, s6  }
0x6c7: {  	[hbm4b:s15+s3] =	stream.linear.scatter [tilespmem:s12], [sflag:$0xA], $0x80, $0x38;
	[tilespmem:$0x1E000] =	vst v63  }
0x6c8: {  	s1 =	simm.s32 $0x1C1B8;
	s31 =	sadd.s32 $0x30, s6;
	s5 =	simm.s32 $0x440  }
0x6c9: {  	[hbm4b:s31+s3] =	stream.linear.scatter [tilespmem:s30], [sflag:$0xA], $0x80, $0x38;
	[tilespmem:$0x1E000] =	vst v63  }
0x6ca: {  	s8 =	simm.s32 $0x1C020;
	s11 =	sadd.s32 $0x40, s6;
	s12 =	simm.s32 $0x1C0A8  }
0x6cb: {  	[hbm4b:s11+s3] =	stream.linear.scatter [tilespmem:s8], [sflag:$0xA], $0x80, $0x38;
	[tilespmem:$0x1E000] =	vst v63  }
0x6cc: {  	s15 =	sadd.s32 $0x50, s6;
	s30 =	simm.s32 $0x1C130;
	s31 =	sadd.s32 $0x60, s6  }
0x6cd: {  	[hbm4b:s15+s3] =	stream.linear.scatter [tilespmem:s12], [sflag:$0xA], $0x80, $0x38;
	[tilespmem:$0x1E000] =	vst v63  }
0x6ce: {  	s8 =	simm.s32 $0x2200;
	s11 =	sadd.s32 $0x70, s6;
	s6 =	sadd.s32 $0x1000, s6  }
0x6cf: {  	[hbm4b:s31+s3] =	stream.linear.scatter [tilespmem:s30], [sflag:$0xA], $0x80, $0x38;
	[tilespmem:$0x1E000] =	vst v63  }
.LBB2_29:
0x6d0: {  	[hbm4b:s11+s3] =	stream.linear.scatter [tilespmem:s1], [sflag:$0xA], $0x80, $0x38;
	[tilespmem:$0x1E000] =	vst v63  }
0x6d1: {  	s1 =	smov.u32 s5;
	s5 =	smov.u32 s8  }
0x6d2: {  	s12 =	sadd.s32 $0x1100, s8;
	s5 =	sshra.s32 s5, $0x2;
	s11 =	sadd.s32 $0x1BE00, s1  }
0x6d3: {  	[hbm4b:s6+s3] =	stream.linear.scatter [tilespmem:s11], [sflag:$0xA], $0x80, $0x38;
	[tilespmem:$0x1E000] =	vst v63  }
0x6d4: {  	p0 =	sne.s32 s8, $0x7700;
	s8 =	sadd.s32 $0x1BE88, s1;
	s11 =	sadd.s32 $0x10, s6  }
0x6d5: {  	[hbm4b:s11+s3] =	stream.linear.scatter [tilespmem:s8], [sflag:$0xA], $0x80, $0x38;
	[tilespmem:$0x1E000] =	vst v63  }
0x6d6: {  	s8 =	sadd.s32 $0x1BF10, s1;
	s11 =	sadd.s32 $0x20, s6  }
0x6d7: {  	[hbm4b:s11+s3] =	stream.linear.scatter [tilespmem:s8], [sflag:$0xA], $0x80, $0x38;
	[tilespmem:$0x1E000] =	vst v63  }
0x6d8: {  	s8 =	sadd.s32 $0x1BF98, s1;
	s11 =	sadd.s32 $0x30, s6  }
0x6d9: {  	[hbm4b:s11+s3] =	stream.linear.scatter [tilespmem:s8], [sflag:$0xA], $0x80, $0x38;
	[tilespmem:$0x1E000] =	vst v63  }
0x6da: {  	s8 =	sadd.s32 $0x1C020, s1;
	s11 =	sadd.s32 $0x40, s6  }
0x6db: {  	[hbm4b:s11+s3] =	stream.linear.scatter [tilespmem:s8], [sflag:$0xA], $0x80, $0x38;
	[tilespmem:$0x1E000] =	vst v63  }
.Ltmp15:
0x6dc: {  	s8 =	sadd.s32 $0x1C0A8, s1;
	s11 =	sadd.s32 $0x50, s6;
	(pc) =	sbr.rel @p0 .LBB2_29-.Ltmp15, $4  }
0x6dd: {  	[hbm4b:s11+s3] =	stream.linear.scatter [tilespmem:s8], [sflag:$0xA], $0x80, $0x38;
	[tilespmem:$0x1E000] =	vst v63  }
0x6de: {  	s8 =	sadd.s32 $0x1C130, s1;
	s11 =	sadd.s32 $0x60, s6;
	s1 =	sadd.s32 $0x1C1B8, s1  }
0x6df: {  	[hbm4b:s11+s3] =	stream.linear.scatter [tilespmem:s8], [sflag:$0xA], $0x80, $0x38;
	[tilespmem:$0x1E000] =	vst v63  }
0x6e0: {  	s11 =	sadd.s32 $0x70, s6;
	s6 =	sadd.s32 $0x1000, s6;
	s8 =	smov.u32 s12  }
0x6e1: {  	v8 =	vld [tilespmem:$0x1FE50]  }
0x6e2: {  	v3 =	vld [tilespmem:$0x1FE60]  }
0x6e3: {  	v11 =	vld [tilespmem:$0x1FE80]  }
0x6e4: {  	v12 =	vld [tilespmem:$0x1FE90]  }
0x6e5: {  	v13 =	vld [tilespmem:$0x1FEA0]  }
0x6e6: {  	v14 =	vld [tilespmem:$0x1FEB0]  }
0x6e7: {  	v15 =	vld [tilespmem:$0x1FEC0]  }
0x6e8: {  	v16 =	vld [tilespmem:$0x1FED0]  }
0x6e9: {  	[hbm4b:s11+s3] =	stream.linear.scatter [tilespmem:s1], [sflag:$0xA], $0x80, $0x38;
	v17 =	vld [tilespmem:$0x1FEE0]  }
0x6ea: {  	s30 =	sadd.s32 $0x1BE00, s5;
	v18 =	vld [tilespmem:$0x1FEF0]  }
0x6eb: {  	v19 =	vld [tilespmem:$0x1FF00];
	[hbm4b:s6+s3] =	stream.linear.scatter [tilespmem:s30], [sflag:$0xA], $0x80, $0x38  }
0x6ec: {  	s31 =	sadd.s32 $0x1BE88, s5;
	s8 =	sadd.s32 $0x10, s6;
	v20 =	vld [tilespmem:$0x1FF10]  }
0x6ed: {  	v21 =	vld [tilespmem:$0x1FF20];
	[hbm4b:s8+s3] =	stream.linear.scatter [tilespmem:s31], [sflag:$0xA], $0x80, $0x38  }
0x6ee: {  	s11 =	sadd.s32 $0x20, s6;
	v22 =	vld [tilespmem:$0x1FF30];
	s8 =	sadd.s32 $0x1BF10, s5  }
0x6ef: {  	v23 =	vld [tilespmem:$0x1FF40];
	[hbm4b:s11+s3] =	stream.linear.scatter [tilespmem:s8], [sflag:$0xA], $0x80, $0x38  }
0x6f0: {  	s12 =	sadd.s32 $0x1BF98, s5;
	s15 =	sadd.s32 $0x30, s6;
	v24 =	vld [tilespmem:$0x1FF50]  }
0x6f1: {  	v25 =	vld [tilespmem:$0x1FF60];
	[hbm4b:s15+s3] =	stream.linear.scatter [tilespmem:s12], [sflag:$0xA], $0x80, $0x38  }
0x6f2: {  	s13 =	sadd.s32 $0x1, s13;
	v26 =	vld [tilespmem:$0x1FF70];
	s30 =	sadd.s32 $0x1C020, s5;
	s31 =	sadd.s32 $0x40, s6  }
0x6f3: {  	v27 =	vld [tilespmem:$0x1FF80];
	[hbm4b:s31+s3] =	stream.linear.scatter [tilespmem:s30], [sflag:$0xA], $0x80, $0x38  }
0x6f4: {  	v28 =	vld [tilespmem:$0x1FF90];
	p0 =	sne.s32 s13, $0x28;
	s8 =	sadd.s32 $0x1C0A8, s5;
	s11 =	sadd.s32 $0x50, s6  }
0x6f5: {  	v9 =	vld [tilespmem:$0x1FFA0];
	[hbm4b:s11+s3] =	stream.linear.scatter [tilespmem:s8], [sflag:$0xA], $0x80, $0x38  }
.Ltmp16:
0x6f6: {  	v30 =	vld [tilespmem:$0x1FFB0];
	(pc) =	sbr.rel @p0 .LBB2_2-.Ltmp16, $4  }
0x6f7: {  	v31 =	vld [tilespmem:$0x1FFC0];
	s12 =	sadd.s32 $0x1C130, s5;
	s15 =	sadd.s32 $0x60, s6  }
0x6f8: {  	v32 =	vld [tilespmem:$0x1FFD0];
	[hbm4b:s15+s3] =	stream.linear.scatter [tilespmem:s12], [sflag:$0xA], $0x80, $0x38  }
0x6f9: {  	v5 =	vld [tilespmem:$0x1FFE0];
	s30 =	sadd.s32 $0x1C1B8, s5;
	s31 =	sadd.s32 $0x70, s6  }
0x6fa: {  	v6 =	vld [tilespmem:$0x1FFF0];
	[hbm4b:s31+s3] =	stream.linear.scatter [tilespmem:s30], [sflag:$0xA], $0x80, $0x38  }
0x6fb: {  	s1 =	simm.s32 $0x6  }
0x6fc: {  	_ =	swait.ge [sflag:s1], $0x2000  }
0x6fd: {  	[sflag:s1] =	ssyncset.done $0x0  }
0x6fe: {  	s15 =	simm.s32 $0x7;
	[sflag:s1] =	ssyncadd.s32 $0xFFFFE000  }
0x6ff: {  	_ =	swait.ge [sflag:s15], $0x2000  }
0x700: {  	[sflag:s15] =	ssyncset.done $0x0  }
0x701: {  	s30 =	simm.s32 $0x8;
	[sflag:s15] =	ssyncadd.s32 $0xFFFFE000  }
0x702: {  	_ =	swait.ge [sflag:s30], $0x2000  }
0x703: {  	[sflag:s30] =	ssyncset.done $0x0  }
0x704: {  	[sflag:s30] =	ssyncadd.s32 $0xFFFFE000  }
0x705: {  	_ =	swait.ge [sflag:s0], $0x2000  }
0x706: {  	[sflag:s0] =	ssyncset.done $0x0  }
0x707: {  	[sflag:s0] =	ssyncadd.s32 $0xFFFFE000  }
0x708: {  	_ =	swait.ge [sflag:s10], $0x2000  }
0x709: {  	s5 =	rddreg [dreg:$0x6]  }
0x70a: {  	s31 =	rddreg [dreg:$0x5];
	s5 =	sadd.s32 $0x1, s5  }
0x70b: {  	p0 =	sne.s32 s5, s31  }
.Ltmp17:
0x70c: {  	_ = 	snop;
	(pc) =	sbr.rel @p0 .LBB2_1-.Ltmp17, $3  }
0x70d: {  	_ =	sdelay $0x1  }
0x70e: {  	[sflag:s10] =	ssyncset.done $0x0  }
0x70f: {  	[sflag:s10] =	ssyncadd.s32 $0xFFFFE000  }
0x710: {  	_ =	sfence.sel $0x180000  }
0x711: {  	[bflag:$0x0] =	sbarrier.arrive $0xFFFF  }
0x712: {  	_ =	strace $0x90000047  }
0x713: {  	s0 =	stileid.u32;
	[bflag:$0x2] =	sbarrier.arrive $0xFFFF  }
0x714: {  	p0 =	sne.s32 s0, $0x0;
	s0 =	rddreg [dreg:$0x2]  }
0x715: {  	s0 =	sadd.s32 @!p0 $0x100000, s0  }
0x716: {  	[sflag:s0] =	ssyncadd.tile.s32 @!p0 $0x1;
	_ =	shalt  }
.Lfunc_end2:
_tile_overlayer_lowered:
.L_overlay_start_2:
0x717: {  	(tag) =	ssettag $0x2  }
0x718: {  	s0 =	rddreg [dreg:$0x0];
	s2 =	stileid.u32  }
0x719: {  	s1 =	rddreg [dreg:$0x1];
	p0 =	sne.s32 s2, $0x0  }
0x71a: {  	s3 =	rddreg [dreg:$0x2];
	[bflag:$0x3] =	sbarrier.arrive $0xFFFF;
	s2 =	simm.s32 @!p0 $0x1C0B  }
0x71b: {  	[timem:s3], [sflag:s2] =	dma.local @!p0 [hbm:s0], s1  }
0x71c: {  	s0 =	simm.s32 @!p0 $0xB  }
0x71d: {  	_ =	swait.ge @!p0 [sflag:s0], s1  }
0x71e: {  	s1 =	ssub.s32 @!p0 $0x0, s1;
	[sflag:s0] =	ssyncset.done @!p0 $0x0  }
0x71f: {  	[sflag:s0] =	ssyncadd.s32 @!p0 s1  }
0x720: {  	[bflag:$0x3] =	sbarrier.arrive $0xFFFF  }
0x721: {  	_ =	shalt  }

</sc_bundles>
